<compile_context>
chip_gen: v7x
topology: tpu7x:2x2x1
jax: 0.10.2.dev20260603
libtpu: 0.0.44.dev20260713+nightly
codegen_flags: <defaults>
</compile_context>

<pallas_src>
import functools

import jax
import jax.numpy as jnp
from jax import lax
from jax.experimental import pallas as pl
from jax.experimental.pallas import tpu as pltpu
import jax.experimental.pallas.tpu_sc as plsc

N = 10000
E = 320000
H = 16

NC = 2
NS = 16
NW = NC * NS
BE = 128
NCH = 78
XW = E // BE - NCH * NW
D = 6
LAG = 3
ZR = 624
TAIL = N - ZR * NS
NPR = 1280
NN = NPR * 128 // H

_mesh = plsc.VectorSubcoreMesh(core_axis_name="c", subcore_axis_name="s")
_sc_params = pltpu.CompilerParams(use_tc_tiling_on_sc=False)


def _zero_rows(buf, nrows):
    zv = jnp.zeros((H,), jnp.float32)

    def body(i, _):
        buf[i] = zv
        return 0

    lax.fori_loop(0, nrows, body, 0)


def _zero_acc(acc, zbuf, sid):
    _zero_rows(zbuf, ZR)
    pltpu.sync_copy(zbuf, acc.at[pl.ds(sid * ZR, ZR)])

    @pl.when(sid == 0)
    def _():
        pltpu.sync_copy(zbuf.at[pl.ds(0, TAIL)], acc.at[pl.ds(ZR * NS, TAIL)])


def _copy_out(acc, out_hbm, cid, sid):
    pltpu.sync_copy(acc.at[pl.ds(sid * ZR, ZR)],
                    out_hbm.at[cid, pl.ds(sid * ZR, ZR)])

    @pl.when(sid == 0)
    def _():
        pltpu.sync_copy(acc.at[pl.ds(ZR * NS, TAIL)],
                        out_hbm.at[cid, pl.ds(ZR * NS, TAIL)])


def _load_chunk_indices(e_hbm, idx_v, wid):
    c0 = NCH * wid + jnp.minimum(wid, XW)
    pltpu.sync_copy(e_hbm.at[pl.ds(c0, NCH)], idx_v.at[pl.ds(0, NCH)])

    @pl.when(wid < XW)
    def _():
        pltpu.sync_copy(e_hbm.at[pl.ds(c0 + NCH, 1)], idx_v.at[pl.ds(NCH, 1)])


@functools.partial(
    pl.kernel,
    out_type=jax.ShapeDtypeStruct((NC, NN, H), jnp.float32),
    mesh=_mesh,
    compiler_params=_sc_params,
    scratch_types=[
        pltpu.VMEM((NCH + 1, BE), jnp.int32),
        pltpu.VMEM((BE, H), jnp.float32),
        pltpu.VMEM((ZR, H), jnp.float32),
        pltpu.VMEM_SHARED((N, H), jnp.float32),
        pltpu.SemaphoreType.DMA,
    ],
)
def _sc_degree(ed_hbm, out_hbm, didx, ones_v, zbuf, acc, sem):
    cid = lax.axis_index("c")
    sid = lax.axis_index("s")
    wid = cid * NS + sid

    ov = jnp.ones((H,), jnp.float32)

    def fill_ones(i, _):
        ones_v[i] = ov
        return 0

    lax.fori_loop(0, BE, fill_ones, 0)
    _zero_acc(acc, zbuf, sid)
    _load_chunk_indices(ed_hbm, didx, wid)
    plsc.subcore_barrier()

    def step(j, _):
        pltpu.async_copy(ones_v, acc.at[didx.at[j]], sem, add=True)

        @pl.when(j >= 16)
        def _():
            pltpu.make_async_copy(ones_v, acc.at[didx.at[0]], sem).wait()

        return 0

    lax.fori_loop(0, NCH, step, 0)

    def drain(j, _):
        pltpu.make_async_copy(ones_v, acc.at[didx.at[0]], sem).wait()
        return 0

    lax.fori_loop(0, 16, drain, 0)

    @pl.when(wid < XW)
    def _():
        pltpu.sync_copy(ones_v, acc.at[didx.at[NCH]], add=True)

    plsc.subcore_barrier()
    _copy_out(acc, out_hbm, cid, sid)


@functools.partial(
    pl.kernel,
    out_type=jax.ShapeDtypeStruct((NC, NN, H), jnp.float32),
    mesh=_mesh,
    compiler_params=_sc_params,
    scratch_types=[
        pltpu.VMEM((NCH + 1, BE), jnp.int32),
        pltpu.VMEM((NCH + 1, BE), jnp.int32),
        pltpu.VMEM((D, BE, H), jnp.float32),
        pltpu.VMEM((ZR, H), jnp.float32),
        pltpu.VMEM_SHARED((N, H), jnp.float32),
        pltpu.VMEM_SHARED((N, H), jnp.float32),
    ] + [pltpu.SemaphoreType.DMA] * (2 * D),
)
def _sc_aggregate(g_hbm, es_hbm, ed_hbm, out_hbm,
                  sidx, didx, gbuf, zbuf, acc, g_s, *sems):
    semg = sems[:D]
    sems_ = sems[D:]
    cid = lax.axis_index("c")
    sid = lax.axis_index("s")
    wid = cid * NS + sid

    _zero_acc(acc, zbuf, sid)
    pltpu.sync_copy(g_hbm.at[pl.ds(sid * ZR, ZR)], g_s.at[pl.ds(sid * ZR, ZR)])

    @pl.when(sid == 0)
    def _():
        pltpu.sync_copy(g_hbm.at[pl.ds(ZR * NS, TAIL)],
                        g_s.at[pl.ds(ZR * NS, TAIL)])

    _load_chunk_indices(es_hbm, sidx, wid)
    _load_chunk_indices(ed_hbm, didx, wid)
    plsc.subcore_barrier()

    for b in range(LAG):
        pltpu.async_copy(g_s.at[sidx.at[b]], gbuf.at[b], semg[b])

    def group(m, _):
        for b in range(D):
            j = m * D + b
            bg = (b + LAG) % D

            @pl.when(j >= LAG)
            def _():
                pltpu.make_async_copy(gbuf.at[bg], acc.at[didx.at[0]],
                                      sems_[bg]).wait()

            @pl.when(j + LAG < NCH)
            def _():
                pltpu.async_copy(g_s.at[sidx.at[j + LAG]], gbuf.at[bg],
                                 semg[bg])

            pltpu.make_async_copy(g_s.at[sidx.at[0]], gbuf.at[b],
                                  semg[b]).wait()
            pltpu.async_copy(gbuf.at[b], acc.at[didx.at[j]], sems_[b],
                             add=True)
        return 0

    lax.fori_loop(0, NCH // D, group, 0)
    for b in range(LAG, D):
        pltpu.make_async_copy(gbuf.at[b], acc.at[didx.at[0]], sems_[b]).wait()

    @pl.when(wid < XW)
    def _():
        pltpu.async_copy(g_s.at[sidx.at[NCH]], gbuf.at[0], semg[0])
        pltpu.make_async_copy(g_s.at[sidx.at[NCH]], gbuf.at[0],
                              semg[0]).wait()
        pltpu.sync_copy(gbuf.at[0], acc.at[didx.at[NCH]], add=True)

    plsc.subcore_barrier()
    _copy_out(acc, out_hbm, cid, sid)


NPK = N * H // 128


def _tc_h1(x_ref, w1_ref, h1_ref):
    w1 = w1_ref[...]
    cols = [
        jnp.dot(x_ref[:, i, :], w1, preferred_element_type=jnp.float32)
        for i in range(8)
    ]
    h1_ref[...] = jnp.concatenate(
        [jnp.concatenate(cols, axis=1),
         jnp.zeros((NPR - NPK, 128), jnp.float32)], axis=0)


def _tc_scale(degp_ref, h1_ref, dinv_ref, g1_ref):
    deg = degp_ref[0] + degp_ref[1] + 1.0
    dinv = lax.rsqrt(deg)
    dinv_ref[...] = dinv
    g1_ref[...] = dinv * h1_ref[...]


def _tc_mid(sp_ref, dinv_ref, h1_ref, b1_ref, w2k_ref, h2_ref, g2_ref):
    dinv = dinv_ref[...]
    s = sp_ref[0] + sp_ref[1]
    c1 = jnp.maximum(dinv * s + dinv * dinv * h1_ref[...] + b1_ref[...], 0.0)
    h2 = jnp.dot(c1, w2k_ref[...], preferred_element_type=jnp.float32)
    h2_ref[...] = h2
    g2_ref[...] = dinv * h2


def _tc_post(sp_ref, dinv_ref, h2_ref, b2_ref, wlin_ref, blin_ref, y_ref):
    dinv = dinv_ref[...]
    s = sp_ref[0] + sp_ref[1]
    c2p = jnp.maximum(dinv * s + dinv * dinv * h2_ref[...] + b2_ref[...], 0.0)
    wlin = wlin_ref[...]
    blin = blin_ref[...]
    for i in range(8):
        ci = c2p[:NPK, i * H:(i + 1) * H]
        y_ref[:, i, :] = (
            jnp.dot(ci, wlin, preferred_element_type=jnp.float32) + blin
        )


def kernel(x, edge_index, W1, b1, W2, b2, Wlin, blin):
    es = edge_index[0].reshape(E // BE, BE)
    ed = edge_index[1].reshape(E // BE, BE)
    eye8 = jnp.eye(8, dtype=jnp.float32)
    w2k = jnp.kron(eye8, W2)
    b1t = jnp.tile(b1, 8).reshape(1, 128)
    b2t = jnp.tile(b2, 8).reshape(1, 128)
    blinr = blin.reshape(1, -1)
    f32 = jnp.float32
    packed = jax.ShapeDtypeStruct((NPR, 128), f32)

    degp = _sc_degree(ed).reshape(NC, NPR, 128)

    h1 = pl.pallas_call(
        _tc_h1, out_shape=packed,
    )(x.reshape(NPK, 8, 128), W1)

    dinv, g1 = pl.pallas_call(
        _tc_scale, out_shape=[packed] * 2,
    )(degp, h1)

    s1p = _sc_aggregate(g1.reshape(NN, H), es, ed).reshape(NC, NPR, 128)

    h2, g2 = pl.pallas_call(
        _tc_mid, out_shape=[packed] * 2,
    )(s1p, dinv, h1, b1t, w2k)

    s2p = _sc_aggregate(g2.reshape(NN, H), es, ed).reshape(NC, NPR, 128)

    y = pl.pallas_call(
        _tc_post, out_shape=jax.ShapeDtypeStruct((NPK, 8, 128), f32),
    )(s2p, dinv, h2, b2t, Wlin, blinr)
    return y.reshape(N, x.shape[1])

# --- scband reference (transcript-rebuilt; emitter-appended) ---
"""Pipeline reference for scband-gnnforecastor-15375982920128 (READ-ONLY COPY).

The authoritative reference and input builder live on the scoring server;
editing this copy changes nothing except your own understanding.
"""

import jax, jax.numpy as jnp
import numpy as np

N = 10000
E = 320000
D_IN = 128
H = 16
D_OUT = 128


def setup_inputs(seed: int = 0) -> dict:
    key = jax.random.key(seed)
    ks = jax.random.split(key, 8)
    x = jax.random.normal(ks[0], (N, D_IN), dtype=jnp.float32)
    edge_index = jax.random.randint(ks[1], (2, E), 0, N)
    W1 = jax.random.normal(ks[2], (D_IN, H), dtype=jnp.float32) * (1.0 / np.sqrt(D_IN))
    b1 = jnp.zeros((H,), dtype=jnp.float32)
    W2 = jax.random.normal(ks[3], (H, H), dtype=jnp.float32) * (1.0 / np.sqrt(H))
    b2 = jnp.zeros((H,), dtype=jnp.float32)
    Wlin = jax.random.normal(ks[4], (H, D_OUT), dtype=jnp.float32) * (1.0 / np.sqrt(H))
    blin = jnp.zeros((D_OUT,), dtype=jnp.float32)
    return {"x": x, "edge_index": edge_index, "W1": W1, "b1": b1, "W2": W2, "b2": b2, "Wlin": Wlin, "blin": blin}


def _gcn_conv(x, edge_index, W, b):
    # PyG GCNConv: x' = D^{-1/2} (A + I) D^{-1/2} (x W) + b
    n = x.shape[0]
    loop = jnp.arange(n)
    src = jnp.concatenate([edge_index[0], loop])
    dst = jnp.concatenate([edge_index[1], loop])
    ones = jnp.ones(src.shape[0], dtype=x.dtype)
    deg = jax.ops.segment_sum(ones, dst, num_segments=n)
    deg_inv_sqrt = jnp.where(deg > 0, jax.lax.rsqrt(jnp.maximum(deg, 1e-12)), 0.0)
    norm = deg_inv_sqrt[src] * deg_inv_sqrt[dst]
    h = x @ W
    msgs = h[src] * norm[:, None]
    out = jax.ops.segment_sum(msgs, dst, num_segments=n)
    return out + b


def reference(x, edge_index, W1, b1, W2, b2, Wlin, blin):
    h = jax.nn.relu(_gcn_conv(x, edge_index, W1, b1))
    h = jax.nn.relu(_gcn_conv(h, edge_index, W2, b2))
    return h @ Wlin + blin

if __name__ == "__main__":
    import jax
    _d = setup_inputs()
    print(jax.jit(kernel)(*tuple(_d.values())))

</pallas_src>

<mosaic_0001>
#map = affine_map<(d0, d1) -> (0, 0)>
#map1 = affine_map<(d0, d1) -> (0, 0, 0)>
module attributes {stable_mosaic.version = 14 : i64} {
  func.func @_sc_degree(%arg0: i32, %arg1: i32, %arg2: memref<2500x128xi32, #tpu.memory_space<hbm>>, %arg3: memref<2x10240x16xf32, #tpu.memory_space<hbm>>, %arg4: memref<79x128xi32, #tpu.memory_space<vmem>>, %arg5: memref<128x16xf32, #tpu.memory_space<vmem>>, %arg6: memref<624x16xf32, #tpu.memory_space<vmem>>, %arg7: memref<10000x16xf32, #tpu.memory_space<vmem_shared>>, %arg8: memref<!tpu.dma_semaphore, #tpu.memory_space<semaphore_mem>>) attributes {dimension_semantics = [#tpu.dimension_semantics<core_parallel>, #tpu.dimension_semantics<subcore_parallel>], iteration_bounds = array<i64: 2, 16>, scalar_prefetch = 0 : i64, scratch_operands = 5 : i64, tpu.core_type = #tpu.core_type<sc_vector_subcore>, window_params = [{transform_indices = #map}, {transform_indices = #map1}]} {
    %mul3A = arith.constant 16 : i32
    %mul3A_0 = arith.muli %arg0, %mul3A : i32
    %add3A = arith.addi %mul3A_0, %arg1 : i32
    %broadcast_in_dim3A = arith.constant 1.000000e+00 : f32
    %broadcast_in_dim3A_1 = vector.broadcast %broadcast_in_dim3A : f32 to vector<16xf32>
    %scan3A = arith.constant 0 : i32
    %scan3A_2 = arith.constant 0 : i32
    %scan3A_3 = arith.constant 128 : i32
    %scan3A_4 = arith.addi %scan3A_2, %scan3A_3 : i32
    %scan3A_5 = arith.constant 1 : i32
    %scan3A_6 = scf.for %scan3A_58 = %scan3A_2 to %scan3A_4 step %scan3A_5 iter_args(%scan3A_59 = %scan3A) -> (i32)  : i32 {
      %swap3A = arith.index_cast %scan3A_58 : i32 to index
      %swap3A_60 = arith.constant 0 : index
      %swap3A_61 = tpu.vector_load %arg5[%swap3A, %swap3A_60] {strides = array<i32>} : memref<128x16xf32, #tpu.memory_space<vmem>>, vector<1x16xf32>,
      %swap3A_62 = vector.shape_cast %swap3A_61 : vector<1x16xf32> to vector<16xf32>
      %swap3A_63 = vector.shape_cast %broadcast_in_dim3A_1 : vector<16xf32> to vector<1x16xf32>
      tpu.vector_store %arg5[%swap3A, %swap3A_60], %swap3A_63 {strides = array<i32>} : memref<128x16xf32, #tpu.memory_space<vmem>>, vector<1x16xf32>,
      %scan3A_64 = arith.constant 0 : i32
      scf.yield %scan3A_64 : i32
    }
    %scan3A_7 = arith.constant 128 : i32
    %broadcast_in_dim3A_8 = arith.constant 0.000000e+00 : f32
    %broadcast_in_dim3A_9 = vector.broadcast %broadcast_in_dim3A_8 : f32 to vector<16xf32>
    %scan3A_10 = arith.constant 0 : i32
    %scan3A_11 = arith.constant 0 : i32
    %scan3A_12 = arith.constant 624 : i32
    %scan3A_13 = arith.addi %scan3A_11, %scan3A_12 : i32
    %scan3A_14 = arith.constant 1 : i32
    %scan3A_15 = scf.for %scan3A_58 = %scan3A_11 to %scan3A_13 step %scan3A_14 iter_args(%scan3A_59 = %scan3A_10) -> (i32)  : i32 {
      %swap3A = arith.index_cast %scan3A_58 : i32 to index
      %swap3A_60 = arith.constant 0 : index
      %swap3A_61 = tpu.vector_load %arg6[%swap3A, %swap3A_60] {strides = array<i32>} : memref<624x16xf32, #tpu.memory_space<vmem>>, vector<1x16xf32>,
      %swap3A_62 = vector.shape_cast %swap3A_61 : vector<1x16xf32> to vector<16xf32>
      %swap3A_63 = vector.shape_cast %broadcast_in_dim3A_9 : vector<16xf32> to vector<1x16xf32>
      tpu.vector_store %arg6[%swap3A, %swap3A_60], %swap3A_63 {strides = array<i32>} : memref<624x16xf32, #tpu.memory_space<vmem>>, vector<1x16xf32>,
      %scan3A_64 = arith.constant 0 : i32
      scf.yield %scan3A_64 : i32
    }
    %scan3A_16 = arith.constant 624 : i32
    %mul3A_17 = arith.constant 624 : i32
    %mul3A_18 = arith.muli %arg1, %mul3A_17 : i32
    "tpu.region"() ({
      %run_scoped3A = tpu.sem_alloc : memref<!tpu.dma_semaphore, #tpu.memory_space<semaphore_mem>>
      %dma_start3A = arith.constant 0 : i32
      %dma_start3A_58 = tpu.memref_slice %arg7[%mul3A_18, %dma_start3A] : memref<10000x16xf32, #tpu.memory_space<vmem_shared>> -> memref<624x16xf32, #tpu.memory_space<vmem_shared>>
      %dma_start3A_59 = arith.constant 0 : i32
      %dma_start3A_60 = tpu.memref_slice %arg7[%mul3A_18, %dma_start3A_59] : memref<10000x16xf32, #tpu.memory_space<vmem_shared>> -> memref<624x16xf32, #tpu.memory_space<vmem_shared>>
      tpu.enqueue_dma source(%arg6 : memref<624x16xf32, #tpu.memory_space<vmem>>) target(%dma_start3A_60 : memref<624x16xf32, #tpu.memory_space<vmem_shared>>) target_semaphore(%run_scoped3A : memref<!tpu.dma_semaphore, #tpu.memory_space<semaphore_mem>>)
      %dma_wait3A = arith.constant 0 : i32
      %dma_wait3A_61 = tpu.memref_slice %arg7[%mul3A_18, %dma_wait3A] : memref<10000x16xf32, #tpu.memory_space<vmem_shared>> -> memref<624x16xf32, #tpu.memory_space<vmem_shared>>
      %dma_wait3A_62 = arith.constant 0 : i32
      %dma_wait3A_63 = tpu.memref_slice %arg7[%mul3A_18, %dma_wait3A_62] : memref<10000x16xf32, #tpu.memory_space<vmem_shared>> -> memref<624x16xf32, #tpu.memory_space<vmem_shared>>
      tpu.wait_dma2 semaphore(%run_scoped3A : memref<!tpu.dma_semaphore, #tpu.memory_space<semaphore_mem>>) src(%arg6 : memref<624x16xf32, #tpu.memory_space<vmem>>) dst(%dma_wait3A_63 : memref<624x16xf32, #tpu.memory_space<vmem_shared>>)
      tpu.yield
    }) : () -> ()
    %eq3A = arith.constant 0 : i32
    %eq3A_19 = arith.cmpi eq, %arg1, %eq3A : i32
    %convert_element_type3A = arith.extui %eq3A_19 : i1 to i32
    %cond3A = arith.constant 0 : i32
    %cond3A_20 = arith.cmpi ne, %convert_element_type3A, %cond3A : i32
    scf.if %cond3A_20 {
      "tpu.region"() ({
        %run_scoped3A = tpu.sem_alloc : memref<!tpu.dma_semaphore, #tpu.memory_space<semaphore_mem>>
        %dma_start3A = arith.constant 0 : i32
        %dma_start3A_58 = arith.constant 0 : i32
        %dma_start3A_59 = tpu.memref_slice %arg6[%dma_start3A, %dma_start3A_58] : memref<624x16xf32, #tpu.memory_space<vmem>> -> memref<16x16xf32, #tpu.memory_space<vmem>>
        %dma_start3A_60 = arith.constant 9984 : i32
        %dma_start3A_61 = arith.constant 0 : i32
        %dma_start3A_62 = tpu.memref_slice %arg7[%dma_start3A_60, %dma_start3A_61] : memref<10000x16xf32, #tpu.memory_space<vmem_shared>> -> memref<16x16xf32, #tpu.memory_space<vmem_shared>>
        %dma_start3A_63 = arith.constant 9984 : i32
        %dma_start3A_64 = arith.constant 0 : i32
        %dma_start3A_65 = tpu.memref_slice %arg7[%dma_start3A_63, %dma_start3A_64] : memref<10000x16xf32, #tpu.memory_space<vmem_shared>> -> memref<16x16xf32, #tpu.memory_space<vmem_shared>>
        %dma_start3A_66 = arith.constant 0 : i32
        %dma_start3A_67 = arith.constant 0 : i32
        %dma_start3A_68 = tpu.memref_slice %arg6[%dma_start3A_66, %dma_start3A_67] : memref<624x16xf32, #tpu.memory_space<vmem>> -> memref<16x16xf32, #tpu.memory_space<vmem>>
        tpu.enqueue_dma source(%dma_start3A_68 : memref<16x16xf32, #tpu.memory_space<vmem>>) target(%dma_start3A_65 : memref<16x16xf32, #tpu.memory_space<vmem_shared>>) target_semaphore(%run_scoped3A : memref<!tpu.dma_semaphore, #tpu.memory_space<semaphore_mem>>)
        %dma_wait3A = arith.constant 0 : i32
        %dma_wait3A_69 = arith.constant 0 : i32
        %dma_wait3A_70 = tpu.memref_slice %arg6[%dma_wait3A, %dma_wait3A_69] : memref<624x16xf32, #tpu.memory_space<vmem>> -> memref<16x16xf32, #tpu.memory_space<vmem>>
        %dma_wait3A_71 = arith.constant 9984 : i32
        %dma_wait3A_72 = arith.constant 0 : i32
        %dma_wait3A_73 = tpu.memref_slice %arg7[%dma_wait3A_71, %dma_wait3A_72] : memref<10000x16xf32, #tpu.memory_space<vmem_shared>> -> memref<16x16xf32, #tpu.memory_space<vmem_shared>>
        %dma_wait3A_74 = arith.constant 9984 : i32
        %dma_wait3A_75 = arith.constant 0 : i32
        %dma_wait3A_76 = tpu.memref_slice %arg7[%dma_wait3A_74, %dma_wait3A_75] : memref<10000x16xf32, #tpu.memory_space<vmem_shared>> -> memref<16x16xf32, #tpu.memory_space<vmem_shared>>
        %dma_wait3A_77 = arith.constant 0 : i32
        %dma_wait3A_78 = arith.constant 0 : i32
        %dma_wait3A_79 = tpu.memref_slice %arg6[%dma_wait3A_77, %dma_wait3A_78] : memref<624x16xf32, #tpu.memory_space<vmem>> -> memref<16x16xf32, #tpu.memory_space<vmem>>
        tpu.wait_dma2 semaphore(%run_scoped3A : memref<!tpu.dma_semaphore, #tpu.memory_space<semaphore_mem>>) src(%dma_wait3A_79 : memref<16x16xf32, #tpu.memory_space<vmem>>) dst(%dma_wait3A_76 : memref<16x16xf32, #tpu.memory_space<vmem_shared>>)
        tpu.yield
      }) : () -> ()
    } else {
    }
    %mul3A_21 = arith.constant 78 : i32
    %mul3A_22 = arith.muli %mul3A_21, %add3A : i32
    %min3A = arith.constant 4 : i32
    %min3A_23 = arith.minsi %add3A, %min3A : i32
    %add3A_24 = arith.addi %mul3A_22, %min3A_23 : i32
    "tpu.region"() ({
      %run_scoped3A = tpu.sem_alloc : memref<!tpu.dma_semaphore, #tpu.memory_space<semaphore_mem>>
      %dma_start3A = arith.constant 0 : i32
      %dma_start3A_58 = arith.constant 0 : i32
      %dma_start3A_59 = tpu.memref_slice %arg4[%dma_start3A, %dma_start3A_58] : memref<79x128xi32, #tpu.memory_space<vmem>> -> memref<78x128xi32, #tpu.memory_space<vmem>>
      %dma_start3A_60 = arith.constant 0 : i32
      %dma_start3A_61 = tpu.memref_slice %arg2[%add3A_24, %dma_start3A_60] : memref<2500x128xi32, #tpu.memory_space<hbm>> -> memref<78x128xi32, #tpu.memory_space<hbm>>
      %dma_start3A_62 = arith.constant 0 : i32
      %dma_start3A_63 = arith.constant 0 : i32
      %dma_start3A_64 = tpu.memref_slice %arg4[%dma_start3A_62, %dma_start3A_63] : memref<79x128xi32, #tpu.memory_space<vmem>> -> memref<78x128xi32, #tpu.memory_space<vmem>>
      %dma_start3A_65 = arith.constant 0 : i32
      %dma_start3A_66 = tpu.memref_slice %arg2[%add3A_24, %dma_start3A_65] : memref<2500x128xi32, #tpu.memory_space<hbm>> -> memref<78x128xi32, #tpu.memory_space<hbm>>
      tpu.enqueue_dma source(%dma_start3A_66 : memref<78x128xi32, #tpu.memory_space<hbm>>) target(%dma_start3A_64 : memref<78x128xi32, #tpu.memory_space<vmem>>) target_semaphore(%run_scoped3A : memref<!tpu.dma_semaphore, #tpu.memory_space<semaphore_mem>>)
      %dma_wait3A = arith.constant 0 : i32
      %dma_wait3A_67 = arith.constant 0 : i32
      %dma_wait3A_68 = tpu.memref_slice %arg4[%dma_wait3A, %dma_wait3A_67] : memref<79x128xi32, #tpu.memory_space<vmem>> -> memref<78x128xi32, #tpu.memory_space<vmem>>
      %dma_wait3A_69 = arith.constant 0 : i32
      %dma_wait3A_70 = tpu.memref_slice %arg2[%add3A_24, %dma_wait3A_69] : memref<2500x128xi32, #tpu.memory_space<hbm>> -> memref<78x128xi32, #tpu.memory_space<hbm>>
      %dma_wait3A_71 = arith.constant 0 : i32
      %dma_wait3A_72 = arith.constant 0 : i32
      %dma_wait3A_73 = tpu.memref_slice %arg4[%dma_wait3A_71, %dma_wait3A_72] : memref<79x128xi32, #tpu.memory_space<vmem>> -> memref<78x128xi32, #tpu.memory_space<vmem>>
      %dma_wait3A_74 = arith.constant 0 : i32
      %dma_wait3A_75 = tpu.memref_slice %arg2[%add3A_24, %dma_wait3A_74] : memref<2500x128xi32, #tpu.memory_space<hbm>> -> memref<78x128xi32, #tpu.memory_space<hbm>>
      tpu.wait_dma2 semaphore(%run_scoped3A : memref<!tpu.dma_semaphore, #tpu.memory_space<semaphore_mem>>) src(%dma_wait3A_75 : memref<78x128xi32, #tpu.memory_space<hbm>>) dst(%dma_wait3A_73 : memref<78x128xi32, #tpu.memory_space<vmem>>)
      tpu.yield
    }) : () -> ()
    %lt3A = arith.constant 4 : i32
    %lt3A_25 = arith.cmpi slt, %add3A, %lt3A : i32
    %convert_element_type3A_26 = arith.extui %lt3A_25 : i1 to i32
    %cond3A_27 = arith.constant 0 : i32
    %cond3A_28 = arith.cmpi ne, %convert_element_type3A_26, %cond3A_27 : i32
    scf.if %cond3A_28 {
      %add3A_58 = arith.constant 78 : i32
      %add3A_59 = arith.addi %add3A_24, %add3A_58 : i32
      "tpu.region"() ({
        %run_scoped3A = tpu.sem_alloc : memref<!tpu.dma_semaphore, #tpu.memory_space<semaphore_mem>>
        %dma_start3A = arith.constant 78 : i32
        %dma_start3A_60 = arith.constant 0 : i32
        %dma_start3A_61 = tpu.memref_slice %arg4[%dma_start3A, %dma_start3A_60] : memref<79x128xi32, #tpu.memory_space<vmem>> -> memref<1x128xi32, #tpu.memory_space<vmem>>
        %dma_start3A_62 = arith.constant 0 : i32
        %dma_start3A_63 = tpu.memref_slice %arg2[%add3A_59, %dma_start3A_62] : memref<2500x128xi32, #tpu.memory_space<hbm>> -> memref<1x128xi32, #tpu.memory_space<hbm>>
        %dma_start3A_64 = arith.constant 78 : i32
        %dma_start3A_65 = arith.constant 0 : i32
        %dma_start3A_66 = tpu.memref_slice %arg4[%dma_start3A_64, %dma_start3A_65] : memref<79x128xi32, #tpu.memory_space<vmem>> -> memref<1x128xi32, #tpu.memory_space<vmem>>
        %dma_start3A_67 = arith.constant 0 : i32
        %dma_start3A_68 = tpu.memref_slice %arg2[%add3A_59, %dma_start3A_67] : memref<2500x128xi32, #tpu.memory_space<hbm>> -> memref<1x128xi32, #tpu.memory_space<hbm>>
        tpu.enqueue_dma source(%dma_start3A_68 : memref<1x128xi32, #tpu.memory_space<hbm>>) target(%dma_start3A_66 : memref<1x128xi32, #tpu.memory_space<vmem>>) target_semaphore(%run_scoped3A : memref<!tpu.dma_semaphore, #tpu.memory_space<semaphore_mem>>)
        %dma_wait3A = arith.constant 78 : i32
        %dma_wait3A_69 = arith.constant 0 : i32
        %dma_wait3A_70 = tpu.memref_slice %arg4[%dma_wait3A, %dma_wait3A_69] : memref<79x128xi32, #tpu.memory_space<vmem>> -> memref<1x128xi32, #tpu.memory_space<vmem>>
        %dma_wait3A_71 = arith.constant 0 : i32
        %dma_wait3A_72 = tpu.memref_slice %arg2[%add3A_59, %dma_wait3A_71] : memref<2500x128xi32, #tpu.memory_space<hbm>> -> memref<1x128xi32, #tpu.memory_space<hbm>>
        %dma_wait3A_73 = arith.constant 78 : i32
        %dma_wait3A_74 = arith.constant 0 : i32
        %dma_wait3A_75 = tpu.memref_slice %arg4[%dma_wait3A_73, %dma_wait3A_74] : memref<79x128xi32, #tpu.memory_space<vmem>> -> memref<1x128xi32, #tpu.memory_space<vmem>>
        %dma_wait3A_76 = arith.constant 0 : i32
        %dma_wait3A_77 = tpu.memref_slice %arg2[%add3A_59, %dma_wait3A_76] : memref<2500x128xi32, #tpu.memory_space<hbm>> -> memref<1x128xi32, #tpu.memory_space<hbm>>
        tpu.wait_dma2 semaphore(%run_scoped3A : memref<!tpu.dma_semaphore, #tpu.memory_space<semaphore_mem>>) src(%dma_wait3A_77 : memref<1x128xi32, #tpu.memory_space<hbm>>) dst(%dma_wait3A_75 : memref<1x128xi32, #tpu.memory_space<vmem>>)
        tpu.yield
      }) : () -> ()
    } else {
    }
    %barrier3A = arith.constant 0 : index
    tpu.barrier barrier_id(%barrier3A)
    %scan3A_29 = arith.constant 0 : i32
    %scan3A_30 = arith.constant 0 : i32
    %scan3A_31 = arith.constant 78 : i32
    %scan3A_32 = arith.addi %scan3A_30, %scan3A_31 : i32
    %scan3A_33 = arith.constant 1 : i32
    %scan3A_34 = scf.for %scan3A_58 = %scan3A_30 to %scan3A_32 step %scan3A_33 iter_args(%scan3A_59 = %scan3A_29) -> (i32)  : i32 {
      %dma_start3A = arith.constant 0 : i32
      %dma_start3A_60 = tpu.memref_slice %arg4[%scan3A_58, %dma_start3A] : memref<79x128xi32, #tpu.memory_space<vmem>> -> memref<1x128xi32, #tpu.memory_space<vmem>>
      %dma_start3A_61 = tpu.memref_squeeze %dma_start3A_60 : memref<1x128xi32, #tpu.memory_space<vmem>> -> memref<128xi32, #tpu.memory_space<vmem>>
      %dma_start3A_62 = arith.constant 0 : i32
      %dma_start3A_63 = arith.constant 0 : i32
      %dma_start3A_64 = tpu.memref_slice %arg7[%dma_start3A_62, %dma_start3A_63] : memref<10000x16xf32, #tpu.memory_space<vmem_shared>> -> memref<10000x16xf32, #tpu.memory_space<vmem_shared>>
      tpu.enqueue_indirect_dma source(%arg5 : memref<128x16xf32, #tpu.memory_space<vmem>>) target(%dma_start3A_64 : memref<10000x16xf32, #tpu.memory_space<vmem_shared>>) offsets(%dma_start3A_61 : memref<128xi32, #tpu.memory_space<vmem>>) semaphore(%arg8 : memref<!tpu.dma_semaphore, #tpu.memory_space<semaphore_mem>>) {add = true}
      %ge3A = arith.constant 16 : i32
      %ge3A_65 = arith.cmpi sge, %scan3A_58, %ge3A : i32
      %convert_element_type3A_66 = arith.extui %ge3A_65 : i1 to i32
      %cond3A_67 = arith.constant 0 : i32
      %cond3A_68 = arith.cmpi ne, %convert_element_type3A_66, %cond3A_67 : i32
      scf.if %cond3A_68 {
        %dma_wait3A = arith.constant 0 : i32
        %dma_wait3A_70 = arith.constant 0 : i32
        %dma_wait3A_71 = tpu.memref_slice %arg4[%dma_wait3A, %dma_wait3A_70] : memref<79x128xi32, #tpu.memory_space<vmem>> -> memref<1x128xi32, #tpu.memory_space<vmem>>
        %dma_wait3A_72 = tpu.memref_squeeze %dma_wait3A_71 : memref<1x128xi32, #tpu.memory_space<vmem>> -> memref<128xi32, #tpu.memory_space<vmem>>
        %dma_wait3A_73 = arith.constant 0 : i32
        %dma_wait3A_74 = arith.constant 0 : i32
        %dma_wait3A_75 = tpu.memref_slice %arg7[%dma_wait3A_73, %dma_wait3A_74] : memref<10000x16xf32, #tpu.memory_space<vmem_shared>> -> memref<10000x16xf32, #tpu.memory_space<vmem_shared>>
        tpu.wait_indirect_dma semaphore(%arg8 : memref<!tpu.dma_semaphore, #tpu.memory_space<semaphore_mem>>) src(%arg5 : memref<128x16xf32, #tpu.memory_space<vmem>>) dst(%dma_wait3A_75 : memref<10000x16xf32, #tpu.memory_space<vmem_shared>>)
      } else {
      }
      %scan3A_69 = arith.constant 0 : i32
      scf.yield %scan3A_69 : i32
    }
    %scan3A_35 = arith.constant 78 : i32
    %scan3A_36 = arith.constant 0 : i32
    %scan3A_37 = arith.constant 0 : i32
    %scan3A_38 = arith.constant 16 : i32
    %scan3A_39 = arith.addi %scan3A_37, %scan3A_38 : i32
    %scan3A_40 = arith.constant 1 : i32
    %scan3A_41 = scf.for %scan3A_58 = %scan3A_37 to %scan3A_39 step %scan3A_40 iter_args(%scan3A_59 = %scan3A_36) -> (i32)  : i32 {
      %dma_wait3A = arith.constant 0 : i32
      %dma_wait3A_60 = arith.constant 0 : i32
      %dma_wait3A_61 = tpu.memref_slice %arg4[%dma_wait3A, %dma_wait3A_60] : memref<79x128xi32, #tpu.memory_space<vmem>> -> memref<1x128xi32, #tpu.memory_space<vmem>>
      %dma_wait3A_62 = tpu.memref_squeeze %dma_wait3A_61 : memref<1x128xi32, #tpu.memory_space<vmem>> -> memref<128xi32, #tpu.memory_space<vmem>>
      %dma_wait3A_63 = arith.constant 0 : i32
      %dma_wait3A_64 = arith.constant 0 : i32
      %dma_wait3A_65 = tpu.memref_slice %arg7[%dma_wait3A_63, %dma_wait3A_64] : memref<10000x16xf32, #tpu.memory_space<vmem_shared>> -> memref<10000x16xf32, #tpu.memory_space<vmem_shared>>
      tpu.wait_indirect_dma semaphore(%arg8 : memref<!tpu.dma_semaphore, #tpu.memory_space<semaphore_mem>>) src(%arg5 : memref<128x16xf32, #tpu.memory_space<vmem>>) dst(%dma_wait3A_65 : memref<10000x16xf32, #tpu.memory_space<vmem_shared>>)
      %scan3A_66 = arith.constant 0 : i32
      scf.yield %scan3A_66 : i32
    }
    %scan3A_42 = arith.constant 16 : i32
    %lt3A_43 = arith.constant 4 : i32
    %lt3A_44 = arith.cmpi slt, %add3A, %lt3A_43 : i32
    %convert_element_type3A_45 = arith.extui %lt3A_44 : i1 to i32
    %cond3A_46 = arith.constant 0 : i32
    %cond3A_47 = arith.cmpi ne, %convert_element_type3A_45, %cond3A_46 : i32
    scf.if %cond3A_47 {
      %run_scoped3A = arith.constant 78 : i32
      "tpu.region"() ({
        %run_scoped3A_58 = tpu.sem_alloc : memref<!tpu.dma_semaphore, #tpu.memory_space<semaphore_mem>>
        %dma_start3A = arith.constant 0 : i32
        %dma_start3A_59 = tpu.memref_slice %arg4[%run_scoped3A, %dma_start3A] : memref<79x128xi32, #tpu.memory_space<vmem>> -> memref<1x128xi32, #tpu.memory_space<vmem>>
        %dma_start3A_60 = tpu.memref_squeeze %dma_start3A_59 : memref<1x128xi32, #tpu.memory_space<vmem>> -> memref<128xi32, #tpu.memory_space<vmem>>
        %dma_start3A_61 = arith.constant 0 : i32
        %dma_start3A_62 = arith.constant 0 : i32
        %dma_start3A_63 = tpu.memref_slice %arg7[%dma_start3A_61, %dma_start3A_62] : memref<10000x16xf32, #tpu.memory_space<vmem_shared>> -> memref<10000x16xf32, #tpu.memory_space<vmem_shared>>
        tpu.enqueue_indirect_dma source(%arg5 : memref<128x16xf32, #tpu.memory_space<vmem>>) target(%dma_start3A_63 : memref<10000x16xf32, #tpu.memory_space<vmem_shared>>) offsets(%dma_start3A_60 : memref<128xi32, #tpu.memory_space<vmem>>) semaphore(%run_scoped3A_58 : memref<!tpu.dma_semaphore, #tpu.memory_space<semaphore_mem>>) {add = true}
        %dma_wait3A = arith.constant 0 : i32
        %dma_wait3A_64 = tpu.memref_slice %arg4[%run_scoped3A, %dma_wait3A] : memref<79x128xi32, #tpu.memory_space<vmem>> -> memref<1x128xi32, #tpu.memory_space<vmem>>
        %dma_wait3A_65 = tpu.memref_squeeze %dma_wait3A_64 : memref<1x128xi32, #tpu.memory_space<vmem>> -> memref<128xi32, #tpu.memory_space<vmem>>
        %dma_wait3A_66 = arith.constant 0 : i32
        %dma_wait3A_67 = arith.constant 0 : i32
        %dma_wait3A_68 = tpu.memref_slice %arg7[%dma_wait3A_66, %dma_wait3A_67] : memref<10000x16xf32, #tpu.memory_space<vmem_shared>> -> memref<10000x16xf32, #tpu.memory_space<vmem_shared>>
        tpu.wait_indirect_dma semaphore(%run_scoped3A_58 : memref<!tpu.dma_semaphore, #tpu.memory_space<semaphore_mem>>) src(%arg5 : memref<128x16xf32, #tpu.memory_space<vmem>>) dst(%dma_wait3A_68 : memref<10000x16xf32, #tpu.memory_space<vmem_shared>>)
        tpu.yield
      }) : () -> ()
    } else {
    }
    %barrier3A_48 = arith.constant 0 : index
    tpu.barrier barrier_id(%barrier3A_48)
    %mul3A_49 = arith.constant 624 : i32
    %mul3A_50 = arith.muli %arg1, %mul3A_49 : i32
    %mul3A_51 = arith.constant 624 : i32
    %mul3A_52 = arith.muli %arg1, %mul3A_51 : i32
    "tpu.region"() ({
      %run_scoped3A = tpu.sem_alloc : memref<!tpu.dma_semaphore, #tpu.memory_space<semaphore_mem>>
      %dma_start3A = arith.constant 0 : i32
      %dma_start3A_58 = tpu.memref_slice %arg3[%arg0, %mul3A_52, %dma_start3A] : memref<2x10240x16xf32, #tpu.memory_space<hbm>> -> memref<1x624x16xf32, #tpu.memory_space<hbm>>
      %dma_start3A_59 = tpu.memref_squeeze %dma_start3A_58 : memref<1x624x16xf32, #tpu.memory_space<hbm>> -> memref<624x16xf32, #tpu.memory_space<hbm>>
      %dma_start3A_60 = arith.constant 0 : i32
      %dma_start3A_61 = tpu.memref_slice %arg7[%mul3A_50, %dma_start3A_60] : memref<10000x16xf32, #tpu.memory_space<vmem_shared>> -> memref<624x16xf32, #tpu.memory_space<vmem_shared>>
      tpu.enqueue_dma source(%dma_start3A_61 : memref<624x16xf32, #tpu.memory_space<vmem_shared>>) target(%dma_start3A_59 : memref<624x16xf32, #tpu.memory_space<hbm>>) target_semaphore(%run_scoped3A : memref<!tpu.dma_semaphore, #tpu.memory_space<semaphore_mem>>)
      %dma_wait3A = arith.constant 0 : i32
      %dma_wait3A_62 = tpu.memref_slice %arg3[%arg0, %mul3A_52, %dma_wait3A] : memref<2x10240x16xf32, #tpu.memory_space<hbm>> -> memref<1x624x16xf32, #tpu.memory_space<hbm>>
      %dma_wait3A_63 = tpu.memref_squeeze %dma_wait3A_62 : memref<1x624x16xf32, #tpu.memory_space<hbm>> -> memref<624x16xf32, #tpu.memory_space<hbm>>
      %dma_wait3A_64 = arith.constant 0 : i32
      %dma_wait3A_65 = tpu.memref_slice %arg7[%mul3A_50, %dma_wait3A_64] : memref<10000x16xf32, #tpu.memory_space<vmem_shared>> -> memref<624x16xf32, #tpu.memory_space<vmem_shared>>
      tpu.wait_dma2 semaphore(%run_scoped3A : memref<!tpu.dma_semaphore, #tpu.memory_space<semaphore_mem>>) src(%dma_wait3A_65 : memref<624x16xf32, #tpu.memory_space<vmem_shared>>) dst(%dma_wait3A_63 : memref<624x16xf32, #tpu.memory_space<hbm>>)
      tpu.yield
    }) : () -> ()
    %eq3A_53 = arith.constant 0 : i32
    %eq3A_54 = arith.cmpi eq, %arg1, %eq3A_53 : i32
    %convert_element_type3A_55 = arith.extui %eq3A_54 : i1 to i32
    %cond3A_56 = arith.constant 0 : i32
    %cond3A_57 = arith.cmpi ne, %convert_element_type3A_55, %cond3A_56 : i32
    scf.if %cond3A_57 {
      "tpu.region"() ({
        %run_scoped3A = tpu.sem_alloc : memref<!tpu.dma_semaphore, #tpu.memory_space<semaphore_mem>>
        %dma_start3A = arith.constant 9984 : i32
        %dma_start3A_58 = arith.constant 0 : i32
        %dma_start3A_59 = tpu.memref_slice %arg3[%arg0, %dma_start3A, %dma_start3A_58] : memref<2x10240x16xf32, #tpu.memory_space<hbm>> -> memref<1x16x16xf32, #tpu.memory_space<hbm>>
        %dma_start3A_60 = tpu.memref_squeeze %dma_start3A_59 : memref<1x16x16xf32, #tpu.memory_space<hbm>> -> memref<16x16xf32, #tpu.memory_space<hbm>>
        %dma_start3A_61 = arith.constant 9984 : i32
        %dma_start3A_62 = arith.constant 0 : i32
        %dma_start3A_63 = tpu.memref_slice %arg7[%dma_start3A_61, %dma_start3A_62] : memref<10000x16xf32, #tpu.memory_space<vmem_shared>> -> memref<16x16xf32, #tpu.memory_space<vmem_shared>>
        tpu.enqueue_dma source(%dma_start3A_63 : memref<16x16xf32, #tpu.memory_space<vmem_shared>>) target(%dma_start3A_60 : memref<16x16xf32, #tpu.memory_space<hbm>>) target_semaphore(%run_scoped3A : memref<!tpu.dma_semaphore, #tpu.memory_space<semaphore_mem>>)
        %dma_wait3A = arith.constant 9984 : i32
        %dma_wait3A_64 = arith.constant 0 : i32
        %dma_wait3A_65 = tpu.memref_slice %arg3[%arg0, %dma_wait3A, %dma_wait3A_64] : memref<2x10240x16xf32, #tpu.memory_space<hbm>> -> memref<1x16x16xf32, #tpu.memory_space<hbm>>
        %dma_wait3A_66 = tpu.memref_squeeze %dma_wait3A_65 : memref<1x16x16xf32, #tpu.memory_space<hbm>> -> memref<16x16xf32, #tpu.memory_space<hbm>>
        %dma_wait3A_67 = arith.constant 9984 : i32
        %dma_wait3A_68 = arith.constant 0 : i32
        %dma_wait3A_69 = tpu.memref_slice %arg7[%dma_wait3A_67, %dma_wait3A_68] : memref<10000x16xf32, #tpu.memory_space<vmem_shared>> -> memref<16x16xf32, #tpu.memory_space<vmem_shared>>
        tpu.wait_dma2 semaphore(%run_scoped3A : memref<!tpu.dma_semaphore, #tpu.memory_space<semaphore_mem>>) src(%dma_wait3A_69 : memref<16x16xf32, #tpu.memory_space<vmem_shared>>) dst(%dma_wait3A_66 : memref<16x16xf32, #tpu.memory_space<hbm>>)
        tpu.yield
      }) : () -> ()
    } else {
    }
    return
  }
}

#map = affine_map<(d0, d1) -> (0, 0)>
#map1 = affine_map<(d0, d1) -> (0, 0, 0)>
module attributes {stable_mosaic.version = 14 : i64} {
  func.func @_sc_aggregate(%arg0: i32, %arg1: i32, %arg2: memref<10240x16xf32, #tpu.memory_space<hbm>>, %arg3: memref<2500x128xi32, #tpu.memory_space<hbm>>, %arg4: memref<2500x128xi32, #tpu.memory_space<hbm>>, %arg5: memref<2x10240x16xf32, #tpu.memory_space<hbm>>, %arg6: memref<79x128xi32, #tpu.memory_space<vmem>>, %arg7: memref<79x128xi32, #tpu.memory_space<vmem>>, %arg8: memref<6x128x16xf32, #tpu.memory_space<vmem>>, %arg9: memref<624x16xf32, #tpu.memory_space<vmem>>, %arg10: memref<10000x16xf32, #tpu.memory_space<vmem_shared>>, %arg11: memref<10000x16xf32, #tpu.memory_space<vmem_shared>>, %arg12: memref<!tpu.dma_semaphore, #tpu.memory_space<semaphore_mem>>, %arg13: memref<!tpu.dma_semaphore, #tpu.memory_space<semaphore_mem>>, %arg14: memref<!tpu.dma_semaphore, #tpu.memory_space<semaphore_mem>>, %arg15: memref<!tpu.dma_semaphore, #tpu.memory_space<semaphore_mem>>, %arg16: memref<!tpu.dma_semaphore, #tpu.memory_space<semaphore_mem>>, %arg17: memref<!tpu.dma_semaphore, #tpu.memory_space<semaphore_mem>>, %arg18: memref<!tpu.dma_semaphore, #tpu.memory_space<semaphore_mem>>, %arg19: memref<!tpu.dma_semaphore, #tpu.memory_space<semaphore_mem>>, %arg20: memref<!tpu.dma_semaphore, #tpu.memory_space<semaphore_mem>>, %arg21: memref<!tpu.dma_semaphore, #tpu.memory_space<semaphore_mem>>, %arg22: memref<!tpu.dma_semaphore, #tpu.memory_space<semaphore_mem>>, %arg23: memref<!tpu.dma_semaphore, #tpu.memory_space<semaphore_mem>>) attributes {dimension_semantics = [#tpu.dimension_semantics<core_parallel>, #tpu.dimension_semantics<subcore_parallel>], iteration_bounds = array<i64: 2, 16>, scalar_prefetch = 0 : i64, scratch_operands = 18 : i64, tpu.core_type = #tpu.core_type<sc_vector_subcore>, window_params = [{transform_indices = #map}, {transform_indices = #map}, {transform_indices = #map}, {transform_indices = #map1}]} {
    %mul3A = arith.constant 16 : i32
    %mul3A_0 = arith.muli %arg0, %mul3A : i32
    %add3A = arith.addi %mul3A_0, %arg1 : i32
    %broadcast_in_dim3A = arith.constant 0.000000e+00 : f32
    %broadcast_in_dim3A_1 = vector.broadcast %broadcast_in_dim3A : f32 to vector<16xf32>
    %scan3A = arith.constant 0 : i32
    %scan3A_2 = arith.constant 0 : i32
    %scan3A_3 = arith.constant 624 : i32
    %scan3A_4 = arith.addi %scan3A_2, %scan3A_3 : i32
    %scan3A_5 = arith.constant 1 : i32
    %scan3A_6 = scf.for %scan3A_131 = %scan3A_2 to %scan3A_4 step %scan3A_5 iter_args(%scan3A_132 = %scan3A) -> (i32)  : i32 {
      %swap3A = arith.index_cast %scan3A_131 : i32 to index
      %swap3A_133 = arith.constant 0 : index
      %swap3A_134 = tpu.vector_load %arg9[%swap3A, %swap3A_133] {strides = array<i32>} : memref<624x16xf32, #tpu.memory_space<vmem>>, vector<1x16xf32>,
      %swap3A_135 = vector.shape_cast %swap3A_134 : vector<1x16xf32> to vector<16xf32>
      %swap3A_136 = vector.shape_cast %broadcast_in_dim3A_1 : vector<16xf32> to vector<1x16xf32>
      tpu.vector_store %arg9[%swap3A, %swap3A_133], %swap3A_136 {strides = array<i32>} : memref<624x16xf32, #tpu.memory_space<vmem>>, vector<1x16xf32>,
      %scan3A_137 = arith.constant 0 : i32
      scf.yield %scan3A_137 : i32
    }
    %scan3A_7 = arith.constant 624 : i32
    %mul3A_8 = arith.constant 624 : i32
    %mul3A_9 = arith.muli %arg1, %mul3A_8 : i32
    "tpu.region"() ({
      %run_scoped3A = tpu.sem_alloc : memref<!tpu.dma_semaphore, #tpu.memory_space<semaphore_mem>>
      %dma_start3A_131 = arith.constant 0 : i32
      %dma_start3A_132 = tpu.memref_slice %arg10[%mul3A_9, %dma_start3A_131] : memref<10000x16xf32, #tpu.memory_space<vmem_shared>> -> memref<624x16xf32, #tpu.memory_space<vmem_shared>>
      %dma_start3A_133 = arith.constant 0 : i32
      %dma_start3A_134 = tpu.memref_slice %arg10[%mul3A_9, %dma_start3A_133] : memref<10000x16xf32, #tpu.memory_space<vmem_shared>> -> memref<624x16xf32, #tpu.memory_space<vmem_shared>>
      tpu.enqueue_dma source(%arg9 : memref<624x16xf32, #tpu.memory_space<vmem>>) target(%dma_start3A_134 : memref<624x16xf32, #tpu.memory_space<vmem_shared>>) target_semaphore(%run_scoped3A : memref<!tpu.dma_semaphore, #tpu.memory_space<semaphore_mem>>)
      %dma_wait3A_135 = arith.constant 0 : i32
      %dma_wait3A_136 = tpu.memref_slice %arg10[%mul3A_9, %dma_wait3A_135] : memref<10000x16xf32, #tpu.memory_space<vmem_shared>> -> memref<624x16xf32, #tpu.memory_space<vmem_shared>>
      %dma_wait3A_137 = arith.constant 0 : i32
      %dma_wait3A_138 = tpu.memref_slice %arg10[%mul3A_9, %dma_wait3A_137] : memref<10000x16xf32, #tpu.memory_space<vmem_shared>> -> memref<624x16xf32, #tpu.memory_space<vmem_shared>>
      tpu.wait_dma2 semaphore(%run_scoped3A : memref<!tpu.dma_semaphore, #tpu.memory_space<semaphore_mem>>) src(%arg9 : memref<624x16xf32, #tpu.memory_space<vmem>>) dst(%dma_wait3A_138 : memref<624x16xf32, #tpu.memory_space<vmem_shared>>)
      tpu.yield
    }) : () -> ()
    %eq3A = arith.constant 0 : i32
    %eq3A_10 = arith.cmpi eq, %arg1, %eq3A : i32
    %convert_element_type3A = arith.extui %eq3A_10 : i1 to i32
    %cond3A = arith.constant 0 : i32
    %cond3A_11 = arith.cmpi ne, %convert_element_type3A, %cond3A : i32
    scf.if %cond3A_11 {
      "tpu.region"() ({
        %run_scoped3A = tpu.sem_alloc : memref<!tpu.dma_semaphore, #tpu.memory_space<semaphore_mem>>
        %dma_start3A_131 = arith.constant 0 : i32
        %dma_start3A_132 = arith.constant 0 : i32
        %dma_start3A_133 = tpu.memref_slice %arg9[%dma_start3A_131, %dma_start3A_132] : memref<624x16xf32, #tpu.memory_space<vmem>> -> memref<16x16xf32, #tpu.memory_space<vmem>>
        %dma_start3A_134 = arith.constant 9984 : i32
        %dma_start3A_135 = arith.constant 0 : i32
        %dma_start3A_136 = tpu.memref_slice %arg10[%dma_start3A_134, %dma_start3A_135] : memref<10000x16xf32, #tpu.memory_space<vmem_shared>> -> memref<16x16xf32, #tpu.memory_space<vmem_shared>>
        %dma_start3A_137 = arith.constant 9984 : i32
        %dma_start3A_138 = arith.constant 0 : i32
        %dma_start3A_139 = tpu.memref_slice %arg10[%dma_start3A_137, %dma_start3A_138] : memref<10000x16xf32, #tpu.memory_space<vmem_shared>> -> memref<16x16xf32, #tpu.memory_space<vmem_shared>>
        %dma_start3A_140 = arith.constant 0 : i32
        %dma_start3A_141 = arith.constant 0 : i32
        %dma_start3A_142 = tpu.memref_slice %arg9[%dma_start3A_140, %dma_start3A_141] : memref<624x16xf32, #tpu.memory_space<vmem>> -> memref<16x16xf32, #tpu.memory_space<vmem>>
        tpu.enqueue_dma source(%dma_start3A_142 : memref<16x16xf32, #tpu.memory_space<vmem>>) target(%dma_start3A_139 : memref<16x16xf32, #tpu.memory_space<vmem_shared>>) target_semaphore(%run_scoped3A : memref<!tpu.dma_semaphore, #tpu.memory_space<semaphore_mem>>)
        %dma_wait3A_143 = arith.constant 0 : i32
        %dma_wait3A_144 = arith.constant 0 : i32
        %dma_wait3A_145 = tpu.memref_slice %arg9[%dma_wait3A_143, %dma_wait3A_144] : memref<624x16xf32, #tpu.memory_space<vmem>> -> memref<16x16xf32, #tpu.memory_space<vmem>>
        %dma_wait3A_146 = arith.constant 9984 : i32
        %dma_wait3A_147 = arith.constant 0 : i32
        %dma_wait3A_148 = tpu.memref_slice %arg10[%dma_wait3A_146, %dma_wait3A_147] : memref<10000x16xf32, #tpu.memory_space<vmem_shared>> -> memref<16x16xf32, #tpu.memory_space<vmem_shared>>
        %dma_wait3A_149 = arith.constant 9984 : i32
        %dma_wait3A_150 = arith.constant 0 : i32
        %dma_wait3A_151 = tpu.memref_slice %arg10[%dma_wait3A_149, %dma_wait3A_150] : memref<10000x16xf32, #tpu.memory_space<vmem_shared>> -> memref<16x16xf32, #tpu.memory_space<vmem_shared>>
        %dma_wait3A_152 = arith.constant 0 : i32
        %dma_wait3A_153 = arith.constant 0 : i32
        %dma_wait3A_154 = tpu.memref_slice %arg9[%dma_wait3A_152, %dma_wait3A_153] : memref<624x16xf32, #tpu.memory_space<vmem>> -> memref<16x16xf32, #tpu.memory_space<vmem>>
        tpu.wait_dma2 semaphore(%run_scoped3A : memref<!tpu.dma_semaphore, #tpu.memory_space<semaphore_mem>>) src(%dma_wait3A_154 : memref<16x16xf32, #tpu.memory_space<vmem>>) dst(%dma_wait3A_151 : memref<16x16xf32, #tpu.memory_space<vmem_shared>>)
        tpu.yield
      }) : () -> ()
    } else {
    }
    %mul3A_12 = arith.constant 624 : i32
    %mul3A_13 = arith.muli %arg1, %mul3A_12 : i32
    %mul3A_14 = arith.constant 624 : i32
    %mul3A_15 = arith.muli %arg1, %mul3A_14 : i32
    "tpu.region"() ({
      %run_scoped3A = tpu.sem_alloc : memref<!tpu.dma_semaphore, #tpu.memory_space<semaphore_mem>>
      %dma_start3A_131 = arith.constant 0 : i32
      %dma_start3A_132 = tpu.memref_slice %arg11[%mul3A_15, %dma_start3A_131] : memref<10000x16xf32, #tpu.memory_space<vmem_shared>> -> memref<624x16xf32, #tpu.memory_space<vmem_shared>>
      %dma_start3A_133 = arith.constant 0 : i32
      %dma_start3A_134 = tpu.memref_slice %arg2[%mul3A_13, %dma_start3A_133] : memref<10240x16xf32, #tpu.memory_space<hbm>> -> memref<624x16xf32, #tpu.memory_space<hbm>>
      tpu.enqueue_dma source(%dma_start3A_134 : memref<624x16xf32, #tpu.memory_space<hbm>>) target(%dma_start3A_132 : memref<624x16xf32, #tpu.memory_space<vmem_shared>>) target_semaphore(%run_scoped3A : memref<!tpu.dma_semaphore, #tpu.memory_space<semaphore_mem>>)
      %dma_wait3A_135 = arith.constant 0 : i32
      %dma_wait3A_136 = tpu.memref_slice %arg11[%mul3A_15, %dma_wait3A_135] : memref<10000x16xf32, #tpu.memory_space<vmem_shared>> -> memref<624x16xf32, #tpu.memory_space<vmem_shared>>
      %dma_wait3A_137 = arith.constant 0 : i32
      %dma_wait3A_138 = tpu.memref_slice %arg2[%mul3A_13, %dma_wait3A_137] : memref<10240x16xf32, #tpu.memory_space<hbm>> -> memref<624x16xf32, #tpu.memory_space<hbm>>
      tpu.wait_dma2 semaphore(%run_scoped3A : memref<!tpu.dma_semaphore, #tpu.memory_space<semaphore_mem>>) src(%dma_wait3A_138 : memref<624x16xf32, #tpu.memory_space<hbm>>) dst(%dma_wait3A_136 : memref<624x16xf32, #tpu.memory_space<vmem_shared>>)
      tpu.yield
    }) : () -> ()
    %eq3A_16 = arith.constant 0 : i32
    %eq3A_17 = arith.cmpi eq, %arg1, %eq3A_16 : i32
    %convert_element_type3A_18 = arith.extui %eq3A_17 : i1 to i32
    %cond3A_19 = arith.constant 0 : i32
    %cond3A_20 = arith.cmpi ne, %convert_element_type3A_18, %cond3A_19 : i32
    scf.if %cond3A_20 {
      "tpu.region"() ({
        %run_scoped3A = tpu.sem_alloc : memref<!tpu.dma_semaphore, #tpu.memory_space<semaphore_mem>>
        %dma_start3A_131 = arith.constant 9984 : i32
        %dma_start3A_132 = arith.constant 0 : i32
        %dma_start3A_133 = tpu.memref_slice %arg11[%dma_start3A_131, %dma_start3A_132] : memref<10000x16xf32, #tpu.memory_space<vmem_shared>> -> memref<16x16xf32, #tpu.memory_space<vmem_shared>>
        %dma_start3A_134 = arith.constant 9984 : i32
        %dma_start3A_135 = arith.constant 0 : i32
        %dma_start3A_136 = tpu.memref_slice %arg2[%dma_start3A_134, %dma_start3A_135] : memref<10240x16xf32, #tpu.memory_space<hbm>> -> memref<16x16xf32, #tpu.memory_space<hbm>>
        tpu.enqueue_dma source(%dma_start3A_136 : memref<16x16xf32, #tpu.memory_space<hbm>>) target(%dma_start3A_133 : memref<16x16xf32, #tpu.memory_space<vmem_shared>>) target_semaphore(%run_scoped3A : memref<!tpu.dma_semaphore, #tpu.memory_space<semaphore_mem>>)
        %dma_wait3A_137 = arith.constant 9984 : i32
        %dma_wait3A_138 = arith.constant 0 : i32
        %dma_wait3A_139 = tpu.memref_slice %arg11[%dma_wait3A_137, %dma_wait3A_138] : memref<10000x16xf32, #tpu.memory_space<vmem_shared>> -> memref<16x16xf32, #tpu.memory_space<vmem_shared>>
        %dma_wait3A_140 = arith.constant 9984 : i32
        %dma_wait3A_141 = arith.constant 0 : i32
        %dma_wait3A_142 = tpu.memref_slice %arg2[%dma_wait3A_140, %dma_wait3A_141] : memref<10240x16xf32, #tpu.memory_space<hbm>> -> memref<16x16xf32, #tpu.memory_space<hbm>>
        tpu.wait_dma2 semaphore(%run_scoped3A : memref<!tpu.dma_semaphore, #tpu.memory_space<semaphore_mem>>) src(%dma_wait3A_142 : memref<16x16xf32, #tpu.memory_space<hbm>>) dst(%dma_wait3A_139 : memref<16x16xf32, #tpu.memory_space<vmem_shared>>)
        tpu.yield
      }) : () -> ()
    } else {
    }
    %mul3A_21 = arith.constant 78 : i32
    %mul3A_22 = arith.muli %mul3A_21, %add3A : i32
    %min3A = arith.constant 4 : i32
    %min3A_23 = arith.minsi %add3A, %min3A : i32
    %add3A_24 = arith.addi %mul3A_22, %min3A_23 : i32
    "tpu.region"() ({
      %run_scoped3A = tpu.sem_alloc : memref<!tpu.dma_semaphore, #tpu.memory_space<semaphore_mem>>
      %dma_start3A_131 = arith.constant 0 : i32
      %dma_start3A_132 = arith.constant 0 : i32
      %dma_start3A_133 = tpu.memref_slice %arg6[%dma_start3A_131, %dma_start3A_132] : memref<79x128xi32, #tpu.memory_space<vmem>> -> memref<78x128xi32, #tpu.memory_space<vmem>>
      %dma_start3A_134 = arith.constant 0 : i32
      %dma_start3A_135 = tpu.memref_slice %arg3[%add3A_24, %dma_start3A_134] : memref<2500x128xi32, #tpu.memory_space<hbm>> -> memref<78x128xi32, #tpu.memory_space<hbm>>
      %dma_start3A_136 = arith.constant 0 : i32
      %dma_start3A_137 = arith.constant 0 : i32
      %dma_start3A_138 = tpu.memref_slice %arg6[%dma_start3A_136, %dma_start3A_137] : memref<79x128xi32, #tpu.memory_space<vmem>> -> memref<78x128xi32, #tpu.memory_space<vmem>>
      %dma_start3A_139 = arith.constant 0 : i32
      %dma_start3A_140 = tpu.memref_slice %arg3[%add3A_24, %dma_start3A_139] : memref<2500x128xi32, #tpu.memory_space<hbm>> -> memref<78x128xi32, #tpu.memory_space<hbm>>
      tpu.enqueue_dma source(%dma_start3A_140 : memref<78x128xi32, #tpu.memory_space<hbm>>) target(%dma_start3A_138 : memref<78x128xi32, #tpu.memory_space<vmem>>) target_semaphore(%run_scoped3A : memref<!tpu.dma_semaphore, #tpu.memory_space<semaphore_mem>>)
      %dma_wait3A_141 = arith.constant 0 : i32
      %dma_wait3A_142 = arith.constant 0 : i32
      %dma_wait3A_143 = tpu.memref_slice %arg6[%dma_wait3A_141, %dma_wait3A_142] : memref<79x128xi32, #tpu.memory_space<vmem>> -> memref<78x128xi32, #tpu.memory_space<vmem>>
      %dma_wait3A_144 = arith.constant 0 : i32
      %dma_wait3A_145 = tpu.memref_slice %arg3[%add3A_24, %dma_wait3A_144] : memref<2500x128xi32, #tpu.memory_space<hbm>> -> memref<78x128xi32, #tpu.memory_space<hbm>>
      %dma_wait3A_146 = arith.constant 0 : i32
      %dma_wait3A_147 = arith.constant 0 : i32
      %dma_wait3A_148 = tpu.memref_slice %arg6[%dma_wait3A_146, %dma_wait3A_147] : memref<79x128xi32, #tpu.memory_space<vmem>> -> memref<78x128xi32, #tpu.memory_space<vmem>>
      %dma_wait3A_149 = arith.constant 0 : i32
      %dma_wait3A_150 = tpu.memref_slice %arg3[%add3A_24, %dma_wait3A_149] : memref<2500x128xi32, #tpu.memory_space<hbm>> -> memref<78x128xi32, #tpu.memory_space<hbm>>
      tpu.wait_dma2 semaphore(%run_scoped3A : memref<!tpu.dma_semaphore, #tpu.memory_space<semaphore_mem>>) src(%dma_wait3A_150 : memref<78x128xi32, #tpu.memory_space<hbm>>) dst(%dma_wait3A_148 : memref<78x128xi32, #tpu.memory_space<vmem>>)
      tpu.yield
    }) : () -> ()
    %lt3A = arith.constant 4 : i32
    %lt3A_25 = arith.cmpi slt, %add3A, %lt3A : i32
    %convert_element_type3A_26 = arith.extui %lt3A_25 : i1 to i32
    %cond3A_27 = arith.constant 0 : i32
    %cond3A_28 = arith.cmpi ne, %convert_element_type3A_26, %cond3A_27 : i32
    scf.if %cond3A_28 {
      %add3A_131 = arith.constant 78 : i32
      %add3A_132 = arith.addi %add3A_24, %add3A_131 : i32
      "tpu.region"() ({
        %run_scoped3A = tpu.sem_alloc : memref<!tpu.dma_semaphore, #tpu.memory_space<semaphore_mem>>
        %dma_start3A_133 = arith.constant 78 : i32
        %dma_start3A_134 = arith.constant 0 : i32
        %dma_start3A_135 = tpu.memref_slice %arg6[%dma_start3A_133, %dma_start3A_134] : memref<79x128xi32, #tpu.memory_space<vmem>> -> memref<1x128xi32, #tpu.memory_space<vmem>>
        %dma_start3A_136 = arith.constant 0 : i32
        %dma_start3A_137 = tpu.memref_slice %arg3[%add3A_132, %dma_start3A_136] : memref<2500x128xi32, #tpu.memory_space<hbm>> -> memref<1x128xi32, #tpu.memory_space<hbm>>
        %dma_start3A_138 = arith.constant 78 : i32
        %dma_start3A_139 = arith.constant 0 : i32
        %dma_start3A_140 = tpu.memref_slice %arg6[%dma_start3A_138, %dma_start3A_139] : memref<79x128xi32, #tpu.memory_space<vmem>> -> memref<1x128xi32, #tpu.memory_space<vmem>>
        %dma_start3A_141 = arith.constant 0 : i32
        %dma_start3A_142 = tpu.memref_slice %arg3[%add3A_132, %dma_start3A_141] : memref<2500x128xi32, #tpu.memory_space<hbm>> -> memref<1x128xi32, #tpu.memory_space<hbm>>
        tpu.enqueue_dma source(%dma_start3A_142 : memref<1x128xi32, #tpu.memory_space<hbm>>) target(%dma_start3A_140 : memref<1x128xi32, #tpu.memory_space<vmem>>) target_semaphore(%run_scoped3A : memref<!tpu.dma_semaphore, #tpu.memory_space<semaphore_mem>>)
        %dma_wait3A_143 = arith.constant 78 : i32
        %dma_wait3A_144 = arith.constant 0 : i32
        %dma_wait3A_145 = tpu.memref_slice %arg6[%dma_wait3A_143, %dma_wait3A_144] : memref<79x128xi32, #tpu.memory_space<vmem>> -> memref<1x128xi32, #tpu.memory_space<vmem>>
        %dma_wait3A_146 = arith.constant 0 : i32
        %dma_wait3A_147 = tpu.memref_slice %arg3[%add3A_132, %dma_wait3A_146] : memref<2500x128xi32, #tpu.memory_space<hbm>> -> memref<1x128xi32, #tpu.memory_space<hbm>>
        %dma_wait3A_148 = arith.constant 78 : i32
        %dma_wait3A_149 = arith.constant 0 : i32
        %dma_wait3A_150 = tpu.memref_slice %arg6[%dma_wait3A_148, %dma_wait3A_149] : memref<79x128xi32, #tpu.memory_space<vmem>> -> memref<1x128xi32, #tpu.memory_space<vmem>>
        %dma_wait3A_151 = arith.constant 0 : i32
        %dma_wait3A_152 = tpu.memref_slice %arg3[%add3A_132, %dma_wait3A_151] : memref<2500x128xi32, #tpu.memory_space<hbm>> -> memref<1x128xi32, #tpu.memory_space<hbm>>
        tpu.wait_dma2 semaphore(%run_scoped3A : memref<!tpu.dma_semaphore, #tpu.memory_space<semaphore_mem>>) src(%dma_wait3A_152 : memref<1x128xi32, #tpu.memory_space<hbm>>) dst(%dma_wait3A_150 : memref<1x128xi32, #tpu.memory_space<vmem>>)
        tpu.yield
      }) : () -> ()
    } else {
    }
    %mul3A_29 = arith.constant 78 : i32
    %mul3A_30 = arith.muli %mul3A_29, %add3A : i32
    %min3A_31 = arith.constant 4 : i32
    %min3A_32 = arith.minsi %add3A, %min3A_31 : i32
    %add3A_33 = arith.addi %mul3A_30, %min3A_32 : i32
    "tpu.region"() ({
      %run_scoped3A = tpu.sem_alloc : memref<!tpu.dma_semaphore, #tpu.memory_space<semaphore_mem>>
      %dma_start3A_131 = arith.constant 0 : i32
      %dma_start3A_132 = arith.constant 0 : i32
      %dma_start3A_133 = tpu.memref_slice %arg7[%dma_start3A_131, %dma_start3A_132] : memref<79x128xi32, #tpu.memory_space<vmem>> -> memref<78x128xi32, #tpu.memory_space<vmem>>
      %dma_start3A_134 = arith.constant 0 : i32
      %dma_start3A_135 = tpu.memref_slice %arg4[%add3A_33, %dma_start3A_134] : memref<2500x128xi32, #tpu.memory_space<hbm>> -> memref<78x128xi32, #tpu.memory_space<hbm>>
      %dma_start3A_136 = arith.constant 0 : i32
      %dma_start3A_137 = arith.constant 0 : i32
      %dma_start3A_138 = tpu.memref_slice %arg7[%dma_start3A_136, %dma_start3A_137] : memref<79x128xi32, #tpu.memory_space<vmem>> -> memref<78x128xi32, #tpu.memory_space<vmem>>
      %dma_start3A_139 = arith.constant 0 : i32
      %dma_start3A_140 = tpu.memref_slice %arg4[%add3A_33, %dma_start3A_139] : memref<2500x128xi32, #tpu.memory_space<hbm>> -> memref<78x128xi32, #tpu.memory_space<hbm>>
      tpu.enqueue_dma source(%dma_start3A_140 : memref<78x128xi32, #tpu.memory_space<hbm>>) target(%dma_start3A_138 : memref<78x128xi32, #tpu.memory_space<vmem>>) target_semaphore(%run_scoped3A : memref<!tpu.dma_semaphore, #tpu.memory_space<semaphore_mem>>)
      %dma_wait3A_141 = arith.constant 0 : i32
      %dma_wait3A_142 = arith.constant 0 : i32
      %dma_wait3A_143 = tpu.memref_slice %arg7[%dma_wait3A_141, %dma_wait3A_142] : memref<79x128xi32, #tpu.memory_space<vmem>> -> memref<78x128xi32, #tpu.memory_space<vmem>>
      %dma_wait3A_144 = arith.constant 0 : i32
      %dma_wait3A_145 = tpu.memref_slice %arg4[%add3A_33, %dma_wait3A_144] : memref<2500x128xi32, #tpu.memory_space<hbm>> -> memref<78x128xi32, #tpu.memory_space<hbm>>
      %dma_wait3A_146 = arith.constant 0 : i32
      %dma_wait3A_147 = arith.constant 0 : i32
      %dma_wait3A_148 = tpu.memref_slice %arg7[%dma_wait3A_146, %dma_wait3A_147] : memref<79x128xi32, #tpu.memory_space<vmem>> -> memref<78x128xi32, #tpu.memory_space<vmem>>
      %dma_wait3A_149 = arith.constant 0 : i32
      %dma_wait3A_150 = tpu.memref_slice %arg4[%add3A_33, %dma_wait3A_149] : memref<2500x128xi32, #tpu.memory_space<hbm>> -> memref<78x128xi32, #tpu.memory_space<hbm>>
      tpu.wait_dma2 semaphore(%run_scoped3A : memref<!tpu.dma_semaphore, #tpu.memory_space<semaphore_mem>>) src(%dma_wait3A_150 : memref<78x128xi32, #tpu.memory_space<hbm>>) dst(%dma_wait3A_148 : memref<78x128xi32, #tpu.memory_space<vmem>>)
      tpu.yield
    }) : () -> ()
    %lt3A_34 = arith.constant 4 : i32
    %lt3A_35 = arith.cmpi slt, %add3A, %lt3A_34 : i32
    %convert_element_type3A_36 = arith.extui %lt3A_35 : i1 to i32
    %cond3A_37 = arith.constant 0 : i32
    %cond3A_38 = arith.cmpi ne, %convert_element_type3A_36, %cond3A_37 : i32
    scf.if %cond3A_38 {
      %add3A_131 = arith.constant 78 : i32
      %add3A_132 = arith.addi %add3A_33, %add3A_131 : i32
      "tpu.region"() ({
        %run_scoped3A = tpu.sem_alloc : memref<!tpu.dma_semaphore, #tpu.memory_space<semaphore_mem>>
        %dma_start3A_133 = arith.constant 78 : i32
        %dma_start3A_134 = arith.constant 0 : i32
        %dma_start3A_135 = tpu.memref_slice %arg7[%dma_start3A_133, %dma_start3A_134] : memref<79x128xi32, #tpu.memory_space<vmem>> -> memref<1x128xi32, #tpu.memory_space<vmem>>
        %dma_start3A_136 = arith.constant 0 : i32
        %dma_start3A_137 = tpu.memref_slice %arg4[%add3A_132, %dma_start3A_136] : memref<2500x128xi32, #tpu.memory_space<hbm>> -> memref<1x128xi32, #tpu.memory_space<hbm>>
        %dma_start3A_138 = arith.constant 78 : i32
        %dma_start3A_139 = arith.constant 0 : i32
        %dma_start3A_140 = tpu.memref_slice %arg7[%dma_start3A_138, %dma_start3A_139] : memref<79x128xi32, #tpu.memory_space<vmem>> -> memref<1x128xi32, #tpu.memory_space<vmem>>
        %dma_start3A_141 = arith.constant 0 : i32
        %dma_start3A_142 = tpu.memref_slice %arg4[%add3A_132, %dma_start3A_141] : memref<2500x128xi32, #tpu.memory_space<hbm>> -> memref<1x128xi32, #tpu.memory_space<hbm>>
        tpu.enqueue_dma source(%dma_start3A_142 : memref<1x128xi32, #tpu.memory_space<hbm>>) target(%dma_start3A_140 : memref<1x128xi32, #tpu.memory_space<vmem>>) target_semaphore(%run_scoped3A : memref<!tpu.dma_semaphore, #tpu.memory_space<semaphore_mem>>)
        %dma_wait3A_143 = arith.constant 78 : i32
        %dma_wait3A_144 = arith.constant 0 : i32
        %dma_wait3A_145 = tpu.memref_slice %arg7[%dma_wait3A_143, %dma_wait3A_144] : memref<79x128xi32, #tpu.memory_space<vmem>> -> memref<1x128xi32, #tpu.memory_space<vmem>>
        %dma_wait3A_146 = arith.constant 0 : i32
        %dma_wait3A_147 = tpu.memref_slice %arg4[%add3A_132, %dma_wait3A_146] : memref<2500x128xi32, #tpu.memory_space<hbm>> -> memref<1x128xi32, #tpu.memory_space<hbm>>
        %dma_wait3A_148 = arith.constant 78 : i32
        %dma_wait3A_149 = arith.constant 0 : i32
        %dma_wait3A_150 = tpu.memref_slice %arg7[%dma_wait3A_148, %dma_wait3A_149] : memref<79x128xi32, #tpu.memory_space<vmem>> -> memref<1x128xi32, #tpu.memory_space<vmem>>
        %dma_wait3A_151 = arith.constant 0 : i32
        %dma_wait3A_152 = tpu.memref_slice %arg4[%add3A_132, %dma_wait3A_151] : memref<2500x128xi32, #tpu.memory_space<hbm>> -> memref<1x128xi32, #tpu.memory_space<hbm>>
        tpu.wait_dma2 semaphore(%run_scoped3A : memref<!tpu.dma_semaphore, #tpu.memory_space<semaphore_mem>>) src(%dma_wait3A_152 : memref<1x128xi32, #tpu.memory_space<hbm>>) dst(%dma_wait3A_150 : memref<1x128xi32, #tpu.memory_space<vmem>>)
        tpu.yield
      }) : () -> ()
    } else {
    }
    %barrier3A = arith.constant 0 : index
    tpu.barrier barrier_id(%barrier3A)
    %dma_start3A = arith.constant 0 : i32
    %dma_start3A_39 = arith.constant 0 : i32
    %dma_start3A_40 = arith.constant 0 : i32
    %dma_start3A_41 = arith.constant 0 : i32
    %dma_start3A_42 = tpu.memref_slice %arg8[%dma_start3A_39, %dma_start3A_40, %dma_start3A_41] : memref<6x128x16xf32, #tpu.memory_space<vmem>> -> memref<1x128x16xf32, #tpu.memory_space<vmem>>
    %dma_start3A_43 = tpu.memref_squeeze %dma_start3A_42 : memref<1x128x16xf32, #tpu.memory_space<vmem>> -> memref<128x16xf32, #tpu.memory_space<vmem>>
    %dma_start3A_44 = arith.constant 0 : i32
    %dma_start3A_45 = tpu.memref_slice %arg6[%dma_start3A, %dma_start3A_44] : memref<79x128xi32, #tpu.memory_space<vmem>> -> memref<1x128xi32, #tpu.memory_space<vmem>>
    %dma_start3A_46 = tpu.memref_squeeze %dma_start3A_45 : memref<1x128xi32, #tpu.memory_space<vmem>> -> memref<128xi32, #tpu.memory_space<vmem>>
    %dma_start3A_47 = arith.constant 0 : i32
    %dma_start3A_48 = arith.constant 0 : i32
    %dma_start3A_49 = tpu.memref_slice %arg11[%dma_start3A_47, %dma_start3A_48] : memref<10000x16xf32, #tpu.memory_space<vmem_shared>> -> memref<10000x16xf32, #tpu.memory_space<vmem_shared>>
    tpu.enqueue_indirect_dma source(%dma_start3A_49 : memref<10000x16xf32, #tpu.memory_space<vmem_shared>>) target(%dma_start3A_43 : memref<128x16xf32, #tpu.memory_space<vmem>>) offsets(%dma_start3A_46 : memref<128xi32, #tpu.memory_space<vmem>>) semaphore(%arg12 : memref<!tpu.dma_semaphore, #tpu.memory_space<semaphore_mem>>)
    %dma_start3A_50 = arith.constant 1 : i32
    %dma_start3A_51 = arith.constant 1 : i32
    %dma_start3A_52 = arith.constant 0 : i32
    %dma_start3A_53 = arith.constant 0 : i32
    %dma_start3A_54 = tpu.memref_slice %arg8[%dma_start3A_51, %dma_start3A_52, %dma_start3A_53] : memref<6x128x16xf32, #tpu.memory_space<vmem>> -> memref<1x128x16xf32, #tpu.memory_space<vmem>>
    %dma_start3A_55 = tpu.memref_squeeze %dma_start3A_54 : memref<1x128x16xf32, #tpu.memory_space<vmem>> -> memref<128x16xf32, #tpu.memory_space<vmem>>
    %dma_start3A_56 = arith.constant 0 : i32
    %dma_start3A_57 = tpu.memref_slice %arg6[%dma_start3A_50, %dma_start3A_56] : memref<79x128xi32, #tpu.memory_space<vmem>> -> memref<1x128xi32, #tpu.memory_space<vmem>>
    %dma_start3A_58 = tpu.memref_squeeze %dma_start3A_57 : memref<1x128xi32, #tpu.memory_space<vmem>> -> memref<128xi32, #tpu.memory_space<vmem>>
    %dma_start3A_59 = arith.constant 0 : i32
    %dma_start3A_60 = arith.constant 0 : i32
    %dma_start3A_61 = tpu.memref_slice %arg11[%dma_start3A_59, %dma_start3A_60] : memref<10000x16xf32, #tpu.memory_space<vmem_shared>> -> memref<10000x16xf32, #tpu.memory_space<vmem_shared>>
    tpu.enqueue_indirect_dma source(%dma_start3A_61 : memref<10000x16xf32, #tpu.memory_space<vmem_shared>>) target(%dma_start3A_55 : memref<128x16xf32, #tpu.memory_space<vmem>>) offsets(%dma_start3A_58 : memref<128xi32, #tpu.memory_space<vmem>>) semaphore(%arg13 : memref<!tpu.dma_semaphore, #tpu.memory_space<semaphore_mem>>)
    %dma_start3A_62 = arith.constant 2 : i32
    %dma_start3A_63 = arith.constant 2 : i32
    %dma_start3A_64 = arith.constant 0 : i32
    %dma_start3A_65 = arith.constant 0 : i32
    %dma_start3A_66 = tpu.memref_slice %arg8[%dma_start3A_63, %dma_start3A_64, %dma_start3A_65] : memref<6x128x16xf32, #tpu.memory_space<vmem>> -> memref<1x128x16xf32, #tpu.memory_space<vmem>>
    %dma_start3A_67 = tpu.memref_squeeze %dma_start3A_66 : memref<1x128x16xf32, #tpu.memory_space<vmem>> -> memref<128x16xf32, #tpu.memory_space<vmem>>
    %dma_start3A_68 = arith.constant 0 : i32
    %dma_start3A_69 = tpu.memref_slice %arg6[%dma_start3A_62, %dma_start3A_68] : memref<79x128xi32, #tpu.memory_space<vmem>> -> memref<1x128xi32, #tpu.memory_space<vmem>>
    %dma_start3A_70 = tpu.memref_squeeze %dma_start3A_69 : memref<1x128xi32, #tpu.memory_space<vmem>> -> memref<128xi32, #tpu.memory_space<vmem>>
    %dma_start3A_71 = arith.constant 0 : i32
    %dma_start3A_72 = arith.constant 0 : i32
    %dma_start3A_73 = tpu.memref_slice %arg11[%dma_start3A_71, %dma_start3A_72] : memref<10000x16xf32, #tpu.memory_space<vmem_shared>> -> memref<10000x16xf32, #tpu.memory_space<vmem_shared>>
    tpu.enqueue_indirect_dma source(%dma_start3A_73 : memref<10000x16xf32, #tpu.memory_space<vmem_shared>>) target(%dma_start3A_67 : memref<128x16xf32, #tpu.memory_space<vmem>>) offsets(%dma_start3A_70 : memref<128xi32, #tpu.memory_space<vmem>>) semaphore(%arg14 : memref<!tpu.dma_semaphore, #tpu.memory_space<semaphore_mem>>)
    %scan3A_74 = arith.constant 0 : i32
    %scan3A_75 = arith.constant 0 : i32
    %scan3A_76 = arith.constant 13 : i32
    %scan3A_77 = arith.addi %scan3A_75, %scan3A_76 : i32
    %scan3A_78 = arith.constant 1 : i32
    %scan3A_79 = scf.for %scan3A_131 = %scan3A_75 to %scan3A_77 step %scan3A_78 iter_args(%scan3A_132 = %scan3A_74) -> (i32)  : i32 {
      %mul3A_133 = arith.constant 6 : i32
      %mul3A_134 = arith.muli %scan3A_131, %mul3A_133 : i32
      %add3A_135 = arith.constant 0 : i32
      %add3A_136 = arith.addi %mul3A_134, %add3A_135 : i32
      %ge3A = arith.constant 3 : i32
      %ge3A_137 = arith.cmpi sge, %add3A_136, %ge3A : i32
      %convert_element_type3A_138 = arith.extui %ge3A_137 : i1 to i32
      %cond3A_139 = arith.constant 0 : i32
      %cond3A_140 = arith.cmpi ne, %convert_element_type3A_138, %cond3A_139 : i32
      scf.if %cond3A_140 {
        %dma_wait3A_367 = arith.constant 3 : i32
        %dma_wait3A_368 = arith.constant 0 : i32
        %dma_wait3A_369 = arith.constant 0 : i32
        %dma_wait3A_370 = arith.constant 0 : i32
        %dma_wait3A_371 = tpu.memref_slice %arg8[%dma_wait3A_367, %dma_wait3A_369, %dma_wait3A_370] : memref<6x128x16xf32, #tpu.memory_space<vmem>> -> memref<1x128x16xf32, #tpu.memory_space<vmem>>
        %dma_wait3A_372 = tpu.memref_squeeze %dma_wait3A_371 : memref<1x128x16xf32, #tpu.memory_space<vmem>> -> memref<128x16xf32, #tpu.memory_space<vmem>>
        %dma_wait3A_373 = arith.constant 0 : i32
        %dma_wait3A_374 = tpu.memref_slice %arg7[%dma_wait3A_368, %dma_wait3A_373] : memref<79x128xi32, #tpu.memory_space<vmem>> -> memref<1x128xi32, #tpu.memory_space<vmem>>
        %dma_wait3A_375 = tpu.memref_squeeze %dma_wait3A_374 : memref<1x128xi32, #tpu.memory_space<vmem>> -> memref<128xi32, #tpu.memory_space<vmem>>
        %dma_wait3A_376 = arith.constant 0 : i32
        %dma_wait3A_377 = arith.constant 0 : i32
        %dma_wait3A_378 = tpu.memref_slice %arg10[%dma_wait3A_376, %dma_wait3A_377] : memref<10000x16xf32, #tpu.memory_space<vmem_shared>> -> memref<10000x16xf32, #tpu.memory_space<vmem_shared>>
        tpu.wait_indirect_dma semaphore(%arg21 : memref<!tpu.dma_semaphore, #tpu.memory_space<semaphore_mem>>) src(%dma_wait3A_372 : memref<128x16xf32, #tpu.memory_space<vmem>>) dst(%dma_wait3A_378 : memref<10000x16xf32, #tpu.memory_space<vmem_shared>>)
      } else {
      }
      %add3A_141 = arith.constant 3 : i32
      %add3A_142 = arith.addi %add3A_136, %add3A_141 : i32
      %lt3A_143 = arith.constant 78 : i32
      %lt3A_144 = arith.cmpi slt, %add3A_142, %lt3A_143 : i32
      %convert_element_type3A_145 = arith.extui %lt3A_144 : i1 to i32
      %cond3A_146 = arith.constant 0 : i32
      %cond3A_147 = arith.cmpi ne, %convert_element_type3A_145, %cond3A_146 : i32
      scf.if %cond3A_147 {
        %add3A_367 = arith.constant 3 : i32
        %add3A_368 = arith.addi %add3A_136, %add3A_367 : i32
        %dma_start3A_369 = arith.constant 3 : i32
        %dma_start3A_370 = arith.constant 0 : i32
        %dma_start3A_371 = arith.constant 0 : i32
        %dma_start3A_372 = tpu.memref_slice %arg8[%dma_start3A_369, %dma_start3A_370, %dma_start3A_371] : memref<6x128x16xf32, #tpu.memory_space<vmem>> -> memref<1x128x16xf32, #tpu.memory_space<vmem>>
        %dma_start3A_373 = tpu.memref_squeeze %dma_start3A_372 : memref<1x128x16xf32, #tpu.memory_space<vmem>> -> memref<128x16xf32, #tpu.memory_space<vmem>>
        %dma_start3A_374 = arith.constant 0 : i32
        %dma_start3A_375 = tpu.memref_slice %arg6[%add3A_368, %dma_start3A_374] : memref<79x128xi32, #tpu.memory_space<vmem>> -> memref<1x128xi32, #tpu.memory_space<vmem>>
        %dma_start3A_376 = tpu.memref_squeeze %dma_start3A_375 : memref<1x128xi32, #tpu.memory_space<vmem>> -> memref<128xi32, #tpu.memory_space<vmem>>
        %dma_start3A_377 = arith.constant 0 : i32
        %dma_start3A_378 = arith.constant 0 : i32
        %dma_start3A_379 = tpu.memref_slice %arg11[%dma_start3A_377, %dma_start3A_378] : memref<10000x16xf32, #tpu.memory_space<vmem_shared>> -> memref<10000x16xf32, #tpu.memory_space<vmem_shared>>
        tpu.enqueue_indirect_dma source(%dma_start3A_379 : memref<10000x16xf32, #tpu.memory_space<vmem_shared>>) target(%dma_start3A_373 : memref<128x16xf32, #tpu.memory_space<vmem>>) offsets(%dma_start3A_376 : memref<128xi32, #tpu.memory_space<vmem>>) semaphore(%arg15 : memref<!tpu.dma_semaphore, #tpu.memory_space<semaphore_mem>>)
      } else {
      }
      %dma_wait3A_148 = arith.constant 0 : i32
      %dma_wait3A_149 = arith.constant 0 : i32
      %dma_wait3A_150 = arith.constant 0 : i32
      %dma_wait3A_151 = arith.constant 0 : i32
      %dma_wait3A_152 = tpu.memref_slice %arg8[%dma_wait3A_149, %dma_wait3A_150, %dma_wait3A_151] : memref<6x128x16xf32, #tpu.memory_space<vmem>> -> memref<1x128x16xf32, #tpu.memory_space<vmem>>
      %dma_wait3A_153 = tpu.memref_squeeze %dma_wait3A_152 : memref<1x128x16xf32, #tpu.memory_space<vmem>> -> memref<128x16xf32, #tpu.memory_space<vmem>>
      %dma_wait3A_154 = arith.constant 0 : i32
      %dma_wait3A_155 = tpu.memref_slice %arg6[%dma_wait3A_148, %dma_wait3A_154] : memref<79x128xi32, #tpu.memory_space<vmem>> -> memref<1x128xi32, #tpu.memory_space<vmem>>
      %dma_wait3A_156 = tpu.memref_squeeze %dma_wait3A_155 : memref<1x128xi32, #tpu.memory_space<vmem>> -> memref<128xi32, #tpu.memory_space<vmem>>
      %dma_wait3A_157 = arith.constant 0 : i32
      %dma_wait3A_158 = arith.constant 0 : i32
      %dma_wait3A_159 = tpu.memref_slice %arg11[%dma_wait3A_157, %dma_wait3A_158] : memref<10000x16xf32, #tpu.memory_space<vmem_shared>> -> memref<10000x16xf32, #tpu.memory_space<vmem_shared>>
      tpu.wait_indirect_dma semaphore(%arg12 : memref<!tpu.dma_semaphore, #tpu.memory_space<semaphore_mem>>) src(%dma_wait3A_159 : memref<10000x16xf32, #tpu.memory_space<vmem_shared>>) dst(%dma_wait3A_153 : memref<128x16xf32, #tpu.memory_space<vmem>>)
      %dma_start3A_160 = arith.constant 0 : i32
      %dma_start3A_161 = arith.constant 0 : i32
      %dma_start3A_162 = arith.constant 0 : i32
      %dma_start3A_163 = tpu.memref_slice %arg8[%dma_start3A_160, %dma_start3A_161, %dma_start3A_162] : memref<6x128x16xf32, #tpu.memory_space<vmem>> -> memref<1x128x16xf32, #tpu.memory_space<vmem>>
      %dma_start3A_164 = tpu.memref_squeeze %dma_start3A_163 : memref<1x128x16xf32, #tpu.memory_space<vmem>> -> memref<128x16xf32, #tpu.memory_space<vmem>>
      %dma_start3A_165 = arith.constant 0 : i32
      %dma_start3A_166 = tpu.memref_slice %arg7[%add3A_136, %dma_start3A_165] : memref<79x128xi32, #tpu.memory_space<vmem>> -> memref<1x128xi32, #tpu.memory_space<vmem>>
      %dma_start3A_167 = tpu.memref_squeeze %dma_start3A_166 : memref<1x128xi32, #tpu.memory_space<vmem>> -> memref<128xi32, #tpu.memory_space<vmem>>
      %dma_start3A_168 = arith.constant 0 : i32
      %dma_start3A_169 = arith.constant 0 : i32
      %dma_start3A_170 = tpu.memref_slice %arg10[%dma_start3A_168, %dma_start3A_169] : memref<10000x16xf32, #tpu.memory_space<vmem_shared>> -> memref<10000x16xf32, #tpu.memory_space<vmem_shared>>
      tpu.enqueue_indirect_dma source(%dma_start3A_164 : memref<128x16xf32, #tpu.memory_space<vmem>>) target(%dma_start3A_170 : memref<10000x16xf32, #tpu.memory_space<vmem_shared>>) offsets(%dma_start3A_167 : memref<128xi32, #tpu.memory_space<vmem>>) semaphore(%arg18 : memref<!tpu.dma_semaphore, #tpu.memory_space<semaphore_mem>>) {add = true}
      %mul3A_171 = arith.constant 6 : i32
      %mul3A_172 = arith.muli %scan3A_131, %mul3A_171 : i32
      %add3A_173 = arith.constant 1 : i32
      %add3A_174 = arith.addi %mul3A_172, %add3A_173 : i32
      %ge3A_175 = arith.constant 3 : i32
      %ge3A_176 = arith.cmpi sge, %add3A_174, %ge3A_175 : i32
      %convert_element_type3A_177 = arith.extui %ge3A_176 : i1 to i32
      %cond3A_178 = arith.constant 0 : i32
      %cond3A_179 = arith.cmpi ne, %convert_element_type3A_177, %cond3A_178 : i32
      scf.if %cond3A_179 {
        %dma_wait3A_367 = arith.constant 4 : i32
        %dma_wait3A_368 = arith.constant 0 : i32
        %dma_wait3A_369 = arith.constant 0 : i32
        %dma_wait3A_370 = arith.constant 0 : i32
        %dma_wait3A_371 = tpu.memref_slice %arg8[%dma_wait3A_367, %dma_wait3A_369, %dma_wait3A_370] : memref<6x128x16xf32, #tpu.memory_space<vmem>> -> memref<1x128x16xf32, #tpu.memory_space<vmem>>
        %dma_wait3A_372 = tpu.memref_squeeze %dma_wait3A_371 : memref<1x128x16xf32, #tpu.memory_space<vmem>> -> memref<128x16xf32, #tpu.memory_space<vmem>>
        %dma_wait3A_373 = arith.constant 0 : i32
        %dma_wait3A_374 = tpu.memref_slice %arg7[%dma_wait3A_368, %dma_wait3A_373] : memref<79x128xi32, #tpu.memory_space<vmem>> -> memref<1x128xi32, #tpu.memory_space<vmem>>
        %dma_wait3A_375 = tpu.memref_squeeze %dma_wait3A_374 : memref<1x128xi32, #tpu.memory_space<vmem>> -> memref<128xi32, #tpu.memory_space<vmem>>
        %dma_wait3A_376 = arith.constant 0 : i32
        %dma_wait3A_377 = arith.constant 0 : i32
        %dma_wait3A_378 = tpu.memref_slice %arg10[%dma_wait3A_376, %dma_wait3A_377] : memref<10000x16xf32, #tpu.memory_space<vmem_shared>> -> memref<10000x16xf32, #tpu.memory_space<vmem_shared>>
        tpu.wait_indirect_dma semaphore(%arg22 : memref<!tpu.dma_semaphore, #tpu.memory_space<semaphore_mem>>) src(%dma_wait3A_372 : memref<128x16xf32, #tpu.memory_space<vmem>>) dst(%dma_wait3A_378 : memref<10000x16xf32, #tpu.memory_space<vmem_shared>>)
      } else {
      }
      %add3A_180 = arith.constant 3 : i32
      %add3A_181 = arith.addi %add3A_174, %add3A_180 : i32
      %lt3A_182 = arith.constant 78 : i32
      %lt3A_183 = arith.cmpi slt, %add3A_181, %lt3A_182 : i32
      %convert_element_type3A_184 = arith.extui %lt3A_183 : i1 to i32
      %cond3A_185 = arith.constant 0 : i32
      %cond3A_186 = arith.cmpi ne, %convert_element_type3A_184, %cond3A_185 : i32
      scf.if %cond3A_186 {
        %add3A_367 = arith.constant 3 : i32
        %add3A_368 = arith.addi %add3A_174, %add3A_367 : i32
        %dma_start3A_369 = arith.constant 4 : i32
        %dma_start3A_370 = arith.constant 0 : i32
        %dma_start3A_371 = arith.constant 0 : i32
        %dma_start3A_372 = tpu.memref_slice %arg8[%dma_start3A_369, %dma_start3A_370, %dma_start3A_371] : memref<6x128x16xf32, #tpu.memory_space<vmem>> -> memref<1x128x16xf32, #tpu.memory_space<vmem>>
        %dma_start3A_373 = tpu.memref_squeeze %dma_start3A_372 : memref<1x128x16xf32, #tpu.memory_space<vmem>> -> memref<128x16xf32, #tpu.memory_space<vmem>>
        %dma_start3A_374 = arith.constant 0 : i32
        %dma_start3A_375 = tpu.memref_slice %arg6[%add3A_368, %dma_start3A_374] : memref<79x128xi32, #tpu.memory_space<vmem>> -> memref<1x128xi32, #tpu.memory_space<vmem>>
        %dma_start3A_376 = tpu.memref_squeeze %dma_start3A_375 : memref<1x128xi32, #tpu.memory_space<vmem>> -> memref<128xi32, #tpu.memory_space<vmem>>
        %dma_start3A_377 = arith.constant 0 : i32
        %dma_start3A_378 = arith.constant 0 : i32
        %dma_start3A_379 = tpu.memref_slice %arg11[%dma_start3A_377, %dma_start3A_378] : memref<10000x16xf32, #tpu.memory_space<vmem_shared>> -> memref<10000x16xf32, #tpu.memory_space<vmem_shared>>
        tpu.enqueue_indirect_dma source(%dma_start3A_379 : memref<10000x16xf32, #tpu.memory_space<vmem_shared>>) target(%dma_start3A_373 : memref<128x16xf32, #tpu.memory_space<vmem>>) offsets(%dma_start3A_376 : memref<128xi32, #tpu.memory_space<vmem>>) semaphore(%arg16 : memref<!tpu.dma_semaphore, #tpu.memory_space<semaphore_mem>>)
      } else {
      }
      %dma_wait3A_187 = arith.constant 0 : i32
      %dma_wait3A_188 = arith.constant 1 : i32
      %dma_wait3A_189 = arith.constant 0 : i32
      %dma_wait3A_190 = arith.constant 0 : i32
      %dma_wait3A_191 = tpu.memref_slice %arg8[%dma_wait3A_188, %dma_wait3A_189, %dma_wait3A_190] : memref<6x128x16xf32, #tpu.memory_space<vmem>> -> memref<1x128x16xf32, #tpu.memory_space<vmem>>
      %dma_wait3A_192 = tpu.memref_squeeze %dma_wait3A_191 : memref<1x128x16xf32, #tpu.memory_space<vmem>> -> memref<128x16xf32, #tpu.memory_space<vmem>>
      %dma_wait3A_193 = arith.constant 0 : i32
      %dma_wait3A_194 = tpu.memref_slice %arg6[%dma_wait3A_187, %dma_wait3A_193] : memref<79x128xi32, #tpu.memory_space<vmem>> -> memref<1x128xi32, #tpu.memory_space<vmem>>
      %dma_wait3A_195 = tpu.memref_squeeze %dma_wait3A_194 : memref<1x128xi32, #tpu.memory_space<vmem>> -> memref<128xi32, #tpu.memory_space<vmem>>
      %dma_wait3A_196 = arith.constant 0 : i32
      %dma_wait3A_197 = arith.constant 0 : i32
      %dma_wait3A_198 = tpu.memref_slice %arg11[%dma_wait3A_196, %dma_wait3A_197] : memref<10000x16xf32, #tpu.memory_space<vmem_shared>> -> memref<10000x16xf32, #tpu.memory_space<vmem_shared>>
      tpu.wait_indirect_dma semaphore(%arg13 : memref<!tpu.dma_semaphore, #tpu.memory_space<semaphore_mem>>) src(%dma_wait3A_198 : memref<10000x16xf32, #tpu.memory_space<vmem_shared>>) dst(%dma_wait3A_192 : memref<128x16xf32, #tpu.memory_space<vmem>>)
      %dma_start3A_199 = arith.constant 1 : i32
      %dma_start3A_200 = arith.constant 0 : i32
      %dma_start3A_201 = arith.constant 0 : i32
      %dma_start3A_202 = tpu.memref_slice %arg8[%dma_start3A_199, %dma_start3A_200, %dma_start3A_201] : memref<6x128x16xf32, #tpu.memory_space<vmem>> -> memref<1x128x16xf32, #tpu.memory_space<vmem>>
      %dma_start3A_203 = tpu.memref_squeeze %dma_start3A_202 : memref<1x128x16xf32, #tpu.memory_space<vmem>> -> memref<128x16xf32, #tpu.memory_space<vmem>>
      %dma_start3A_204 = arith.constant 0 : i32
      %dma_start3A_205 = tpu.memref_slice %arg7[%add3A_174, %dma_start3A_204] : memref<79x128xi32, #tpu.memory_space<vmem>> -> memref<1x128xi32, #tpu.memory_space<vmem>>
      %dma_start3A_206 = tpu.memref_squeeze %dma_start3A_205 : memref<1x128xi32, #tpu.memory_space<vmem>> -> memref<128xi32, #tpu.memory_space<vmem>>
      %dma_start3A_207 = arith.constant 0 : i32
      %dma_start3A_208 = arith.constant 0 : i32
      %dma_start3A_209 = tpu.memref_slice %arg10[%dma_start3A_207, %dma_start3A_208] : memref<10000x16xf32, #tpu.memory_space<vmem_shared>> -> memref<10000x16xf32, #tpu.memory_space<vmem_shared>>
      tpu.enqueue_indirect_dma source(%dma_start3A_203 : memref<128x16xf32, #tpu.memory_space<vmem>>) target(%dma_start3A_209 : memref<10000x16xf32, #tpu.memory_space<vmem_shared>>) offsets(%dma_start3A_206 : memref<128xi32, #tpu.memory_space<vmem>>) semaphore(%arg19 : memref<!tpu.dma_semaphore, #tpu.memory_space<semaphore_mem>>) {add = true}
      %mul3A_210 = arith.constant 6 : i32
      %mul3A_211 = arith.muli %scan3A_131, %mul3A_210 : i32
      %add3A_212 = arith.constant 2 : i32
      %add3A_213 = arith.addi %mul3A_211, %add3A_212 : i32
      %ge3A_214 = arith.constant 3 : i32
      %ge3A_215 = arith.cmpi sge, %add3A_213, %ge3A_214 : i32
      %convert_element_type3A_216 = arith.extui %ge3A_215 : i1 to i32
      %cond3A_217 = arith.constant 0 : i32
      %cond3A_218 = arith.cmpi ne, %convert_element_type3A_216, %cond3A_217 : i32
      scf.if %cond3A_218 {
        %dma_wait3A_367 = arith.constant 5 : i32
        %dma_wait3A_368 = arith.constant 0 : i32
        %dma_wait3A_369 = arith.constant 0 : i32
        %dma_wait3A_370 = arith.constant 0 : i32
        %dma_wait3A_371 = tpu.memref_slice %arg8[%dma_wait3A_367, %dma_wait3A_369, %dma_wait3A_370] : memref<6x128x16xf32, #tpu.memory_space<vmem>> -> memref<1x128x16xf32, #tpu.memory_space<vmem>>
        %dma_wait3A_372 = tpu.memref_squeeze %dma_wait3A_371 : memref<1x128x16xf32, #tpu.memory_space<vmem>> -> memref<128x16xf32, #tpu.memory_space<vmem>>
        %dma_wait3A_373 = arith.constant 0 : i32
        %dma_wait3A_374 = tpu.memref_slice %arg7[%dma_wait3A_368, %dma_wait3A_373] : memref<79x128xi32, #tpu.memory_space<vmem>> -> memref<1x128xi32, #tpu.memory_space<vmem>>
        %dma_wait3A_375 = tpu.memref_squeeze %dma_wait3A_374 : memref<1x128xi32, #tpu.memory_space<vmem>> -> memref<128xi32, #tpu.memory_space<vmem>>
        %dma_wait3A_376 = arith.constant 0 : i32
        %dma_wait3A_377 = arith.constant 0 : i32
        %dma_wait3A_378 = tpu.memref_slice %arg10[%dma_wait3A_376, %dma_wait3A_377] : memref<10000x16xf32, #tpu.memory_space<vmem_shared>> -> memref<10000x16xf32, #tpu.memory_space<vmem_shared>>
        tpu.wait_indirect_dma semaphore(%arg23 : memref<!tpu.dma_semaphore, #tpu.memory_space<semaphore_mem>>) src(%dma_wait3A_372 : memref<128x16xf32, #tpu.memory_space<vmem>>) dst(%dma_wait3A_378 : memref<10000x16xf32, #tpu.memory_space<vmem_shared>>)
      } else {
      }
      %add3A_219 = arith.constant 3 : i32
      %add3A_220 = arith.addi %add3A_213, %add3A_219 : i32
      %lt3A_221 = arith.constant 78 : i32
      %lt3A_222 = arith.cmpi slt, %add3A_220, %lt3A_221 : i32
      %convert_element_type3A_223 = arith.extui %lt3A_222 : i1 to i32
      %cond3A_224 = arith.constant 0 : i32
      %cond3A_225 = arith.cmpi ne, %convert_element_type3A_223, %cond3A_224 : i32
      scf.if %cond3A_225 {
        %add3A_367 = arith.constant 3 : i32
        %add3A_368 = arith.addi %add3A_213, %add3A_367 : i32
        %dma_start3A_369 = arith.constant 5 : i32
        %dma_start3A_370 = arith.constant 0 : i32
        %dma_start3A_371 = arith.constant 0 : i32
        %dma_start3A_372 = tpu.memref_slice %arg8[%dma_start3A_369, %dma_start3A_370, %dma_start3A_371] : memref<6x128x16xf32, #tpu.memory_space<vmem>> -> memref<1x128x16xf32, #tpu.memory_space<vmem>>
        %dma_start3A_373 = tpu.memref_squeeze %dma_start3A_372 : memref<1x128x16xf32, #tpu.memory_space<vmem>> -> memref<128x16xf32, #tpu.memory_space<vmem>>
        %dma_start3A_374 = arith.constant 0 : i32
        %dma_start3A_375 = tpu.memref_slice %arg6[%add3A_368, %dma_start3A_374] : memref<79x128xi32, #tpu.memory_space<vmem>> -> memref<1x128xi32, #tpu.memory_space<vmem>>
        %dma_start3A_376 = tpu.memref_squeeze %dma_start3A_375 : memref<1x128xi32, #tpu.memory_space<vmem>> -> memref<128xi32, #tpu.memory_space<vmem>>
        %dma_start3A_377 = arith.constant 0 : i32
        %dma_start3A_378 = arith.constant 0 : i32
        %dma_start3A_379 = tpu.memref_slice %arg11[%dma_start3A_377, %dma_start3A_378] : memref<10000x16xf32, #tpu.memory_space<vmem_shared>> -> memref<10000x16xf32, #tpu.memory_space<vmem_shared>>
        tpu.enqueue_indirect_dma source(%dma_start3A_379 : memref<10000x16xf32, #tpu.memory_space<vmem_shared>>) target(%dma_start3A_373 : memref<128x16xf32, #tpu.memory_space<vmem>>) offsets(%dma_start3A_376 : memref<128xi32, #tpu.memory_space<vmem>>) semaphore(%arg17 : memref<!tpu.dma_semaphore, #tpu.memory_space<semaphore_mem>>)
      } else {
      }
      %dma_wait3A_226 = arith.constant 0 : i32
      %dma_wait3A_227 = arith.constant 2 : i32
      %dma_wait3A_228 = arith.constant 0 : i32
      %dma_wait3A_229 = arith.constant 0 : i32
      %dma_wait3A_230 = tpu.memref_slice %arg8[%dma_wait3A_227, %dma_wait3A_228, %dma_wait3A_229] : memref<6x128x16xf32, #tpu.memory_space<vmem>> -> memref<1x128x16xf32, #tpu.memory_space<vmem>>
      %dma_wait3A_231 = tpu.memref_squeeze %dma_wait3A_230 : memref<1x128x16xf32, #tpu.memory_space<vmem>> -> memref<128x16xf32, #tpu.memory_space<vmem>>
      %dma_wait3A_232 = arith.constant 0 : i32
      %dma_wait3A_233 = tpu.memref_slice %arg6[%dma_wait3A_226, %dma_wait3A_232] : memref<79x128xi32, #tpu.memory_space<vmem>> -> memref<1x128xi32, #tpu.memory_space<vmem>>
      %dma_wait3A_234 = tpu.memref_squeeze %dma_wait3A_233 : memref<1x128xi32, #tpu.memory_space<vmem>> -> memref<128xi32, #tpu.memory_space<vmem>>
      %dma_wait3A_235 = arith.constant 0 : i32
      %dma_wait3A_236 = arith.constant 0 : i32
      %dma_wait3A_237 = tpu.memref_slice %arg11[%dma_wait3A_235, %dma_wait3A_236] : memref<10000x16xf32, #tpu.memory_space<vmem_shared>> -> memref<10000x16xf32, #tpu.memory_space<vmem_shared>>
      tpu.wait_indirect_dma semaphore(%arg14 : memref<!tpu.dma_semaphore, #tpu.memory_space<semaphore_mem>>) src(%dma_wait3A_237 : memref<10000x16xf32, #tpu.memory_space<vmem_shared>>) dst(%dma_wait3A_231 : memref<128x16xf32, #tpu.memory_space<vmem>>)
      %dma_start3A_238 = arith.constant 2 : i32
      %dma_start3A_239 = arith.constant 0 : i32
      %dma_start3A_240 = arith.constant 0 : i32
      %dma_start3A_241 = tpu.memref_slice %arg8[%dma_start3A_238, %dma_start3A_239, %dma_start3A_240] : memref<6x128x16xf32, #tpu.memory_space<vmem>> -> memref<1x128x16xf32, #tpu.memory_space<vmem>>
      %dma_start3A_242 = tpu.memref_squeeze %dma_start3A_241 : memref<1x128x16xf32, #tpu.memory_space<vmem>> -> memref<128x16xf32, #tpu.memory_space<vmem>>
      %dma_start3A_243 = arith.constant 0 : i32
      %dma_start3A_244 = tpu.memref_slice %arg7[%add3A_213, %dma_start3A_243] : memref<79x128xi32, #tpu.memory_space<vmem>> -> memref<1x128xi32, #tpu.memory_space<vmem>>
      %dma_start3A_245 = tpu.memref_squeeze %dma_start3A_244 : memref<1x128xi32, #tpu.memory_space<vmem>> -> memref<128xi32, #tpu.memory_space<vmem>>
      %dma_start3A_246 = arith.constant 0 : i32
      %dma_start3A_247 = arith.constant 0 : i32
      %dma_start3A_248 = tpu.memref_slice %arg10[%dma_start3A_246, %dma_start3A_247] : memref<10000x16xf32, #tpu.memory_space<vmem_shared>> -> memref<10000x16xf32, #tpu.memory_space<vmem_shared>>
      tpu.enqueue_indirect_dma source(%dma_start3A_242 : memref<128x16xf32, #tpu.memory_space<vmem>>) target(%dma_start3A_248 : memref<10000x16xf32, #tpu.memory_space<vmem_shared>>) offsets(%dma_start3A_245 : memref<128xi32, #tpu.memory_space<vmem>>) semaphore(%arg20 : memref<!tpu.dma_semaphore, #tpu.memory_space<semaphore_mem>>) {add = true}
      %mul3A_249 = arith.constant 6 : i32
      %mul3A_250 = arith.muli %scan3A_131, %mul3A_249 : i32
      %add3A_251 = arith.constant 3 : i32
      %add3A_252 = arith.addi %mul3A_250, %add3A_251 : i32
      %ge3A_253 = arith.constant 3 : i32
      %ge3A_254 = arith.cmpi sge, %add3A_252, %ge3A_253 : i32
      %convert_element_type3A_255 = arith.extui %ge3A_254 : i1 to i32
      %cond3A_256 = arith.constant 0 : i32
      %cond3A_257 = arith.cmpi ne, %convert_element_type3A_255, %cond3A_256 : i32
      scf.if %cond3A_257 {
        %dma_wait3A_367 = arith.constant 0 : i32
        %dma_wait3A_368 = arith.constant 0 : i32
        %dma_wait3A_369 = arith.constant 0 : i32
        %dma_wait3A_370 = arith.constant 0 : i32
        %dma_wait3A_371 = tpu.memref_slice %arg8[%dma_wait3A_367, %dma_wait3A_369, %dma_wait3A_370] : memref<6x128x16xf32, #tpu.memory_space<vmem>> -> memref<1x128x16xf32, #tpu.memory_space<vmem>>
        %dma_wait3A_372 = tpu.memref_squeeze %dma_wait3A_371 : memref<1x128x16xf32, #tpu.memory_space<vmem>> -> memref<128x16xf32, #tpu.memory_space<vmem>>
        %dma_wait3A_373 = arith.constant 0 : i32
        %dma_wait3A_374 = tpu.memref_slice %arg7[%dma_wait3A_368, %dma_wait3A_373] : memref<79x128xi32, #tpu.memory_space<vmem>> -> memref<1x128xi32, #tpu.memory_space<vmem>>
        %dma_wait3A_375 = tpu.memref_squeeze %dma_wait3A_374 : memref<1x128xi32, #tpu.memory_space<vmem>> -> memref<128xi32, #tpu.memory_space<vmem>>
        %dma_wait3A_376 = arith.constant 0 : i32
        %dma_wait3A_377 = arith.constant 0 : i32
        %dma_wait3A_378 = tpu.memref_slice %arg10[%dma_wait3A_376, %dma_wait3A_377] : memref<10000x16xf32, #tpu.memory_space<vmem_shared>> -> memref<10000x16xf32, #tpu.memory_space<vmem_shared>>
        tpu.wait_indirect_dma semaphore(%arg18 : memref<!tpu.dma_semaphore, #tpu.memory_space<semaphore_mem>>) src(%dma_wait3A_372 : memref<128x16xf32, #tpu.memory_space<vmem>>) dst(%dma_wait3A_378 : memref<10000x16xf32, #tpu.memory_space<vmem_shared>>)
      } else {
      }
      %add3A_258 = arith.constant 3 : i32
      %add3A_259 = arith.addi %add3A_252, %add3A_258 : i32
      %lt3A_260 = arith.constant 78 : i32
      %lt3A_261 = arith.cmpi slt, %add3A_259, %lt3A_260 : i32
      %convert_element_type3A_262 = arith.extui %lt3A_261 : i1 to i32
      %cond3A_263 = arith.constant 0 : i32
      %cond3A_264 = arith.cmpi ne, %convert_element_type3A_262, %cond3A_263 : i32
      scf.if %cond3A_264 {
        %add3A_367 = arith.constant 3 : i32
        %add3A_368 = arith.addi %add3A_252, %add3A_367 : i32
        %dma_start3A_369 = arith.constant 0 : i32
        %dma_start3A_370 = arith.constant 0 : i32
        %dma_start3A_371 = arith.constant 0 : i32
        %dma_start3A_372 = tpu.memref_slice %arg8[%dma_start3A_369, %dma_start3A_370, %dma_start3A_371] : memref<6x128x16xf32, #tpu.memory_space<vmem>> -> memref<1x128x16xf32, #tpu.memory_space<vmem>>
        %dma_start3A_373 = tpu.memref_squeeze %dma_start3A_372 : memref<1x128x16xf32, #tpu.memory_space<vmem>> -> memref<128x16xf32, #tpu.memory_space<vmem>>
        %dma_start3A_374 = arith.constant 0 : i32
        %dma_start3A_375 = tpu.memref_slice %arg6[%add3A_368, %dma_start3A_374] : memref<79x128xi32, #tpu.memory_space<vmem>> -> memref<1x128xi32, #tpu.memory_space<vmem>>
        %dma_start3A_376 = tpu.memref_squeeze %dma_start3A_375 : memref<1x128xi32, #tpu.memory_space<vmem>> -> memref<128xi32, #tpu.memory_space<vmem>>
        %dma_start3A_377 = arith.constant 0 : i32
        %dma_start3A_378 = arith.constant 0 : i32
        %dma_start3A_379 = tpu.memref_slice %arg11[%dma_start3A_377, %dma_start3A_378] : memref<10000x16xf32, #tpu.memory_space<vmem_shared>> -> memref<10000x16xf32, #tpu.memory_space<vmem_shared>>
        tpu.enqueue_indirect_dma source(%dma_start3A_379 : memref<10000x16xf32, #tpu.memory_space<vmem_shared>>) target(%dma_start3A_373 : memref<128x16xf32, #tpu.memory_space<vmem>>) offsets(%dma_start3A_376 : memref<128xi32, #tpu.memory_space<vmem>>) semaphore(%arg12 : memref<!tpu.dma_semaphore, #tpu.memory_space<semaphore_mem>>)
      } else {
      }
      %dma_wait3A_265 = arith.constant 0 : i32
      %dma_wait3A_266 = arith.constant 3 : i32
      %dma_wait3A_267 = arith.constant 0 : i32
      %dma_wait3A_268 = arith.constant 0 : i32
      %dma_wait3A_269 = tpu.memref_slice %arg8[%dma_wait3A_266, %dma_wait3A_267, %dma_wait3A_268] : memref<6x128x16xf32, #tpu.memory_space<vmem>> -> memref<1x128x16xf32, #tpu.memory_space<vmem>>
      %dma_wait3A_270 = tpu.memref_squeeze %dma_wait3A_269 : memref<1x128x16xf32, #tpu.memory_space<vmem>> -> memref<128x16xf32, #tpu.memory_space<vmem>>
      %dma_wait3A_271 = arith.constant 0 : i32
      %dma_wait3A_272 = tpu.memref_slice %arg6[%dma_wait3A_265, %dma_wait3A_271] : memref<79x128xi32, #tpu.memory_space<vmem>> -> memref<1x128xi32, #tpu.memory_space<vmem>>
      %dma_wait3A_273 = tpu.memref_squeeze %dma_wait3A_272 : memref<1x128xi32, #tpu.memory_space<vmem>> -> memref<128xi32, #tpu.memory_space<vmem>>
      %dma_wait3A_274 = arith.constant 0 : i32
      %dma_wait3A_275 = arith.constant 0 : i32
      %dma_wait3A_276 = tpu.memref_slice %arg11[%dma_wait3A_274, %dma_wait3A_275] : memref<10000x16xf32, #tpu.memory_space<vmem_shared>> -> memref<10000x16xf32, #tpu.memory_space<vmem_shared>>
      tpu.wait_indirect_dma semaphore(%arg15 : memref<!tpu.dma_semaphore, #tpu.memory_space<semaphore_mem>>) src(%dma_wait3A_276 : memref<10000x16xf32, #tpu.memory_space<vmem_shared>>) dst(%dma_wait3A_270 : memref<128x16xf32, #tpu.memory_space<vmem>>)
      %dma_start3A_277 = arith.constant 3 : i32
      %dma_start3A_278 = arith.constant 0 : i32
      %dma_start3A_279 = arith.constant 0 : i32
      %dma_start3A_280 = tpu.memref_slice %arg8[%dma_start3A_277, %dma_start3A_278, %dma_start3A_279] : memref<6x128x16xf32, #tpu.memory_space<vmem>> -> memref<1x128x16xf32, #tpu.memory_space<vmem>>
      %dma_start3A_281 = tpu.memref_squeeze %dma_start3A_280 : memref<1x128x16xf32, #tpu.memory_space<vmem>> -> memref<128x16xf32, #tpu.memory_space<vmem>>
      %dma_start3A_282 = arith.constant 0 : i32
      %dma_start3A_283 = tpu.memref_slice %arg7[%add3A_252, %dma_start3A_282] : memref<79x128xi32, #tpu.memory_space<vmem>> -> memref<1x128xi32, #tpu.memory_space<vmem>>
      %dma_start3A_284 = tpu.memref_squeeze %dma_start3A_283 : memref<1x128xi32, #tpu.memory_space<vmem>> -> memref<128xi32, #tpu.memory_space<vmem>>
      %dma_start3A_285 = arith.constant 0 : i32
      %dma_start3A_286 = arith.constant 0 : i32
      %dma_start3A_287 = tpu.memref_slice %arg10[%dma_start3A_285, %dma_start3A_286] : memref<10000x16xf32, #tpu.memory_space<vmem_shared>> -> memref<10000x16xf32, #tpu.memory_space<vmem_shared>>
      tpu.enqueue_indirect_dma source(%dma_start3A_281 : memref<128x16xf32, #tpu.memory_space<vmem>>) target(%dma_start3A_287 : memref<10000x16xf32, #tpu.memory_space<vmem_shared>>) offsets(%dma_start3A_284 : memref<128xi32, #tpu.memory_space<vmem>>) semaphore(%arg21 : memref<!tpu.dma_semaphore, #tpu.memory_space<semaphore_mem>>) {add = true}
      %mul3A_288 = arith.constant 6 : i32
      %mul3A_289 = arith.muli %scan3A_131, %mul3A_288 : i32
      %add3A_290 = arith.constant 4 : i32
      %add3A_291 = arith.addi %mul3A_289, %add3A_290 : i32
      %ge3A_292 = arith.constant 3 : i32
      %ge3A_293 = arith.cmpi sge, %add3A_291, %ge3A_292 : i32
      %convert_element_type3A_294 = arith.extui %ge3A_293 : i1 to i32
      %cond3A_295 = arith.constant 0 : i32
      %cond3A_296 = arith.cmpi ne, %convert_element_type3A_294, %cond3A_295 : i32
      scf.if %cond3A_296 {
        %dma_wait3A_367 = arith.constant 1 : i32
        %dma_wait3A_368 = arith.constant 0 : i32
        %dma_wait3A_369 = arith.constant 0 : i32
        %dma_wait3A_370 = arith.constant 0 : i32
        %dma_wait3A_371 = tpu.memref_slice %arg8[%dma_wait3A_367, %dma_wait3A_369, %dma_wait3A_370] : memref<6x128x16xf32, #tpu.memory_space<vmem>> -> memref<1x128x16xf32, #tpu.memory_space<vmem>>
        %dma_wait3A_372 = tpu.memref_squeeze %dma_wait3A_371 : memref<1x128x16xf32, #tpu.memory_space<vmem>> -> memref<128x16xf32, #tpu.memory_space<vmem>>
        %dma_wait3A_373 = arith.constant 0 : i32
        %dma_wait3A_374 = tpu.memref_slice %arg7[%dma_wait3A_368, %dma_wait3A_373] : memref<79x128xi32, #tpu.memory_space<vmem>> -> memref<1x128xi32, #tpu.memory_space<vmem>>
        %dma_wait3A_375 = tpu.memref_squeeze %dma_wait3A_374 : memref<1x128xi32, #tpu.memory_space<vmem>> -> memref<128xi32, #tpu.memory_space<vmem>>
        %dma_wait3A_376 = arith.constant 0 : i32
        %dma_wait3A_377 = arith.constant 0 : i32
        %dma_wait3A_378 = tpu.memref_slice %arg10[%dma_wait3A_376, %dma_wait3A_377] : memref<10000x16xf32, #tpu.memory_space<vmem_shared>> -> memref<10000x16xf32, #tpu.memory_space<vmem_shared>>
        tpu.wait_indirect_dma semaphore(%arg19 : memref<!tpu.dma_semaphore, #tpu.memory_space<semaphore_mem>>) src(%dma_wait3A_372 : memref<128x16xf32, #tpu.memory_space<vmem>>) dst(%dma_wait3A_378 : memref<10000x16xf32, #tpu.memory_space<vmem_shared>>)
      } else {
      }
      %add3A_297 = arith.constant 3 : i32
      %add3A_298 = arith.addi %add3A_291, %add3A_297 : i32
      %lt3A_299 = arith.constant 78 : i32
      %lt3A_300 = arith.cmpi slt, %add3A_298, %lt3A_299 : i32
      %convert_element_type3A_301 = arith.extui %lt3A_300 : i1 to i32
      %cond3A_302 = arith.constant 0 : i32
      %cond3A_303 = arith.cmpi ne, %convert_element_type3A_301, %cond3A_302 : i32
      scf.if %cond3A_303 {
        %add3A_367 = arith.constant 3 : i32
        %add3A_368 = arith.addi %add3A_291, %add3A_367 : i32
        %dma_start3A_369 = arith.constant 1 : i32
        %dma_start3A_370 = arith.constant 0 : i32
        %dma_start3A_371 = arith.constant 0 : i32
        %dma_start3A_372 = tpu.memref_slice %arg8[%dma_start3A_369, %dma_start3A_370, %dma_start3A_371] : memref<6x128x16xf32, #tpu.memory_space<vmem>> -> memref<1x128x16xf32, #tpu.memory_space<vmem>>
        %dma_start3A_373 = tpu.memref_squeeze %dma_start3A_372 : memref<1x128x16xf32, #tpu.memory_space<vmem>> -> memref<128x16xf32, #tpu.memory_space<vmem>>
        %dma_start3A_374 = arith.constant 0 : i32
        %dma_start3A_375 = tpu.memref_slice %arg6[%add3A_368, %dma_start3A_374] : memref<79x128xi32, #tpu.memory_space<vmem>> -> memref<1x128xi32, #tpu.memory_space<vmem>>
        %dma_start3A_376 = tpu.memref_squeeze %dma_start3A_375 : memref<1x128xi32, #tpu.memory_space<vmem>> -> memref<128xi32, #tpu.memory_space<vmem>>
        %dma_start3A_377 = arith.constant 0 : i32
        %dma_start3A_378 = arith.constant 0 : i32
        %dma_start3A_379 = tpu.memref_slice %arg11[%dma_start3A_377, %dma_start3A_378] : memref<10000x16xf32, #tpu.memory_space<vmem_shared>> -> memref<10000x16xf32, #tpu.memory_space<vmem_shared>>
        tpu.enqueue_indirect_dma source(%dma_start3A_379 : memref<10000x16xf32, #tpu.memory_space<vmem_shared>>) target(%dma_start3A_373 : memref<128x16xf32, #tpu.memory_space<vmem>>) offsets(%dma_start3A_376 : memref<128xi32, #tpu.memory_space<vmem>>) semaphore(%arg13 : memref<!tpu.dma_semaphore, #tpu.memory_space<semaphore_mem>>)
      } else {
      }
      %dma_wait3A_304 = arith.constant 0 : i32
      %dma_wait3A_305 = arith.constant 4 : i32
      %dma_wait3A_306 = arith.constant 0 : i32
      %dma_wait3A_307 = arith.constant 0 : i32
      %dma_wait3A_308 = tpu.memref_slice %arg8[%dma_wait3A_305, %dma_wait3A_306, %dma_wait3A_307] : memref<6x128x16xf32, #tpu.memory_space<vmem>> -> memref<1x128x16xf32, #tpu.memory_space<vmem>>
      %dma_wait3A_309 = tpu.memref_squeeze %dma_wait3A_308 : memref<1x128x16xf32, #tpu.memory_space<vmem>> -> memref<128x16xf32, #tpu.memory_space<vmem>>
      %dma_wait3A_310 = arith.constant 0 : i32
      %dma_wait3A_311 = tpu.memref_slice %arg6[%dma_wait3A_304, %dma_wait3A_310] : memref<79x128xi32, #tpu.memory_space<vmem>> -> memref<1x128xi32, #tpu.memory_space<vmem>>
      %dma_wait3A_312 = tpu.memref_squeeze %dma_wait3A_311 : memref<1x128xi32, #tpu.memory_space<vmem>> -> memref<128xi32, #tpu.memory_space<vmem>>
      %dma_wait3A_313 = arith.constant 0 : i32
      %dma_wait3A_314 = arith.constant 0 : i32
      %dma_wait3A_315 = tpu.memref_slice %arg11[%dma_wait3A_313, %dma_wait3A_314] : memref<10000x16xf32, #tpu.memory_space<vmem_shared>> -> memref<10000x16xf32, #tpu.memory_space<vmem_shared>>
      tpu.wait_indirect_dma semaphore(%arg16 : memref<!tpu.dma_semaphore, #tpu.memory_space<semaphore_mem>>) src(%dma_wait3A_315 : memref<10000x16xf32, #tpu.memory_space<vmem_shared>>) dst(%dma_wait3A_309 : memref<128x16xf32, #tpu.memory_space<vmem>>)
      %dma_start3A_316 = arith.constant 4 : i32
      %dma_start3A_317 = arith.constant 0 : i32
      %dma_start3A_318 = arith.constant 0 : i32
      %dma_start3A_319 = tpu.memref_slice %arg8[%dma_start3A_316, %dma_start3A_317, %dma_start3A_318] : memref<6x128x16xf32, #tpu.memory_space<vmem>> -> memref<1x128x16xf32, #tpu.memory_space<vmem>>
      %dma_start3A_320 = tpu.memref_squeeze %dma_start3A_319 : memref<1x128x16xf32, #tpu.memory_space<vmem>> -> memref<128x16xf32, #tpu.memory_space<vmem>>
      %dma_start3A_321 = arith.constant 0 : i32
      %dma_start3A_322 = tpu.memref_slice %arg7[%add3A_291, %dma_start3A_321] : memref<79x128xi32, #tpu.memory_space<vmem>> -> memref<1x128xi32, #tpu.memory_space<vmem>>
      %dma_start3A_323 = tpu.memref_squeeze %dma_start3A_322 : memref<1x128xi32, #tpu.memory_space<vmem>> -> memref<128xi32, #tpu.memory_space<vmem>>
      %dma_start3A_324 = arith.constant 0 : i32
      %dma_start3A_325 = arith.constant 0 : i32
      %dma_start3A_326 = tpu.memref_slice %arg10[%dma_start3A_324, %dma_start3A_325] : memref<10000x16xf32, #tpu.memory_space<vmem_shared>> -> memref<10000x16xf32, #tpu.memory_space<vmem_shared>>
      tpu.enqueue_indirect_dma source(%dma_start3A_320 : memref<128x16xf32, #tpu.memory_space<vmem>>) target(%dma_start3A_326 : memref<10000x16xf32, #tpu.memory_space<vmem_shared>>) offsets(%dma_start3A_323 : memref<128xi32, #tpu.memory_space<vmem>>) semaphore(%arg22 : memref<!tpu.dma_semaphore, #tpu.memory_space<semaphore_mem>>) {add = true}
      %mul3A_327 = arith.constant 6 : i32
      %mul3A_328 = arith.muli %scan3A_131, %mul3A_327 : i32
      %add3A_329 = arith.constant 5 : i32
      %add3A_330 = arith.addi %mul3A_328, %add3A_329 : i32
      %ge3A_331 = arith.constant 3 : i32
      %ge3A_332 = arith.cmpi sge, %add3A_330, %ge3A_331 : i32
      %convert_element_type3A_333 = arith.extui %ge3A_332 : i1 to i32
      %cond3A_334 = arith.constant 0 : i32
      %cond3A_335 = arith.cmpi ne, %convert_element_type3A_333, %cond3A_334 : i32
      scf.if %cond3A_335 {
        %dma_wait3A_367 = arith.constant 2 : i32
        %dma_wait3A_368 = arith.constant 0 : i32
        %dma_wait3A_369 = arith.constant 0 : i32
        %dma_wait3A_370 = arith.constant 0 : i32
        %dma_wait3A_371 = tpu.memref_slice %arg8[%dma_wait3A_367, %dma_wait3A_369, %dma_wait3A_370] : memref<6x128x16xf32, #tpu.memory_space<vmem>> -> memref<1x128x16xf32, #tpu.memory_space<vmem>>
        %dma_wait3A_372 = tpu.memref_squeeze %dma_wait3A_371 : memref<1x128x16xf32, #tpu.memory_space<vmem>> -> memref<128x16xf32, #tpu.memory_space<vmem>>
        %dma_wait3A_373 = arith.constant 0 : i32
        %dma_wait3A_374 = tpu.memref_slice %arg7[%dma_wait3A_368, %dma_wait3A_373] : memref<79x128xi32, #tpu.memory_space<vmem>> -> memref<1x128xi32, #tpu.memory_space<vmem>>
        %dma_wait3A_375 = tpu.memref_squeeze %dma_wait3A_374 : memref<1x128xi32, #tpu.memory_space<vmem>> -> memref<128xi32, #tpu.memory_space<vmem>>
        %dma_wait3A_376 = arith.constant 0 : i32
        %dma_wait3A_377 = arith.constant 0 : i32
        %dma_wait3A_378 = tpu.memref_slice %arg10[%dma_wait3A_376, %dma_wait3A_377] : memref<10000x16xf32, #tpu.memory_space<vmem_shared>> -> memref<10000x16xf32, #tpu.memory_space<vmem_shared>>
        tpu.wait_indirect_dma semaphore(%arg20 : memref<!tpu.dma_semaphore, #tpu.memory_space<semaphore_mem>>) src(%dma_wait3A_372 : memref<128x16xf32, #tpu.memory_space<vmem>>) dst(%dma_wait3A_378 : memref<10000x16xf32, #tpu.memory_space<vmem_shared>>)
      } else {
      }
      %add3A_336 = arith.constant 3 : i32
      %add3A_337 = arith.addi %add3A_330, %add3A_336 : i32
      %lt3A_338 = arith.constant 78 : i32
      %lt3A_339 = arith.cmpi slt, %add3A_337, %lt3A_338 : i32
      %convert_element_type3A_340 = arith.extui %lt3A_339 : i1 to i32
      %cond3A_341 = arith.constant 0 : i32
      %cond3A_342 = arith.cmpi ne, %convert_element_type3A_340, %cond3A_341 : i32
      scf.if %cond3A_342 {
        %add3A_367 = arith.constant 3 : i32
        %add3A_368 = arith.addi %add3A_330, %add3A_367 : i32
        %dma_start3A_369 = arith.constant 2 : i32
        %dma_start3A_370 = arith.constant 0 : i32
        %dma_start3A_371 = arith.constant 0 : i32
        %dma_start3A_372 = tpu.memref_slice %arg8[%dma_start3A_369, %dma_start3A_370, %dma_start3A_371] : memref<6x128x16xf32, #tpu.memory_space<vmem>> -> memref<1x128x16xf32, #tpu.memory_space<vmem>>
        %dma_start3A_373 = tpu.memref_squeeze %dma_start3A_372 : memref<1x128x16xf32, #tpu.memory_space<vmem>> -> memref<128x16xf32, #tpu.memory_space<vmem>>
        %dma_start3A_374 = arith.constant 0 : i32
        %dma_start3A_375 = tpu.memref_slice %arg6[%add3A_368, %dma_start3A_374] : memref<79x128xi32, #tpu.memory_space<vmem>> -> memref<1x128xi32, #tpu.memory_space<vmem>>
        %dma_start3A_376 = tpu.memref_squeeze %dma_start3A_375 : memref<1x128xi32, #tpu.memory_space<vmem>> -> memref<128xi32, #tpu.memory_space<vmem>>
        %dma_start3A_377 = arith.constant 0 : i32
        %dma_start3A_378 = arith.constant 0 : i32
        %dma_start3A_379 = tpu.memref_slice %arg11[%dma_start3A_377, %dma_start3A_378] : memref<10000x16xf32, #tpu.memory_space<vmem_shared>> -> memref<10000x16xf32, #tpu.memory_space<vmem_shared>>
        tpu.enqueue_indirect_dma source(%dma_start3A_379 : memref<10000x16xf32, #tpu.memory_space<vmem_shared>>) target(%dma_start3A_373 : memref<128x16xf32, #tpu.memory_space<vmem>>) offsets(%dma_start3A_376 : memref<128xi32, #tpu.memory_space<vmem>>) semaphore(%arg14 : memref<!tpu.dma_semaphore, #tpu.memory_space<semaphore_mem>>)
      } else {
      }
      %dma_wait3A_343 = arith.constant 0 : i32
      %dma_wait3A_344 = arith.constant 5 : i32
      %dma_wait3A_345 = arith.constant 0 : i32
      %dma_wait3A_346 = arith.constant 0 : i32
      %dma_wait3A_347 = tpu.memref_slice %arg8[%dma_wait3A_344, %dma_wait3A_345, %dma_wait3A_346] : memref<6x128x16xf32, #tpu.memory_space<vmem>> -> memref<1x128x16xf32, #tpu.memory_space<vmem>>
      %dma_wait3A_348 = tpu.memref_squeeze %dma_wait3A_347 : memref<1x128x16xf32, #tpu.memory_space<vmem>> -> memref<128x16xf32, #tpu.memory_space<vmem>>
      %dma_wait3A_349 = arith.constant 0 : i32
      %dma_wait3A_350 = tpu.memref_slice %arg6[%dma_wait3A_343, %dma_wait3A_349] : memref<79x128xi32, #tpu.memory_space<vmem>> -> memref<1x128xi32, #tpu.memory_space<vmem>>
      %dma_wait3A_351 = tpu.memref_squeeze %dma_wait3A_350 : memref<1x128xi32, #tpu.memory_space<vmem>> -> memref<128xi32, #tpu.memory_space<vmem>>
      %dma_wait3A_352 = arith.constant 0 : i32
      %dma_wait3A_353 = arith.constant 0 : i32
      %dma_wait3A_354 = tpu.memref_slice %arg11[%dma_wait3A_352, %dma_wait3A_353] : memref<10000x16xf32, #tpu.memory_space<vmem_shared>> -> memref<10000x16xf32, #tpu.memory_space<vmem_shared>>
      tpu.wait_indirect_dma semaphore(%arg17 : memref<!tpu.dma_semaphore, #tpu.memory_space<semaphore_mem>>) src(%dma_wait3A_354 : memref<10000x16xf32, #tpu.memory_space<vmem_shared>>) dst(%dma_wait3A_348 : memref<128x16xf32, #tpu.memory_space<vmem>>)
      %dma_start3A_355 = arith.constant 5 : i32
      %dma_start3A_356 = arith.constant 0 : i32
      %dma_start3A_357 = arith.constant 0 : i32
      %dma_start3A_358 = tpu.memref_slice %arg8[%dma_start3A_355, %dma_start3A_356, %dma_start3A_357] : memref<6x128x16xf32, #tpu.memory_space<vmem>> -> memref<1x128x16xf32, #tpu.memory_space<vmem>>
      %dma_start3A_359 = tpu.memref_squeeze %dma_start3A_358 : memref<1x128x16xf32, #tpu.memory_space<vmem>> -> memref<128x16xf32, #tpu.memory_space<vmem>>
      %dma_start3A_360 = arith.constant 0 : i32
      %dma_start3A_361 = tpu.memref_slice %arg7[%add3A_330, %dma_start3A_360] : memref<79x128xi32, #tpu.memory_space<vmem>> -> memref<1x128xi32, #tpu.memory_space<vmem>>
      %dma_start3A_362 = tpu.memref_squeeze %dma_start3A_361 : memref<1x128xi32, #tpu.memory_space<vmem>> -> memref<128xi32, #tpu.memory_space<vmem>>
      %dma_start3A_363 = arith.constant 0 : i32
      %dma_start3A_364 = arith.constant 0 : i32
      %dma_start3A_365 = tpu.memref_slice %arg10[%dma_start3A_363, %dma_start3A_364] : memref<10000x16xf32, #tpu.memory_space<vmem_shared>> -> memref<10000x16xf32, #tpu.memory_space<vmem_shared>>
      tpu.enqueue_indirect_dma source(%dma_start3A_359 : memref<128x16xf32, #tpu.memory_space<vmem>>) target(%dma_start3A_365 : memref<10000x16xf32, #tpu.memory_space<vmem_shared>>) offsets(%dma_start3A_362 : memref<128xi32, #tpu.memory_space<vmem>>) semaphore(%arg23 : memref<!tpu.dma_semaphore, #tpu.memory_space<semaphore_mem>>) {add = true}
      %scan3A_366 = arith.constant 0 : i32
      scf.yield %scan3A_366 : i32
    }
    %scan3A_80 = arith.constant 13 : i32
    %dma_wait3A = arith.constant 3 : i32
    %dma_wait3A_81 = arith.constant 0 : i32
    %dma_wait3A_82 = arith.constant 0 : i32
    %dma_wait3A_83 = arith.constant 0 : i32
    %dma_wait3A_84 = tpu.memref_slice %arg8[%dma_wait3A, %dma_wait3A_82, %dma_wait3A_83] : memref<6x128x16xf32, #tpu.memory_space<vmem>> -> memref<1x128x16xf32, #tpu.memory_space<vmem>>
    %dma_wait3A_85 = tpu.memref_squeeze %dma_wait3A_84 : memref<1x128x16xf32, #tpu.memory_space<vmem>> -> memref<128x16xf32, #tpu.memory_space<vmem>>
    %dma_wait3A_86 = arith.constant 0 : i32
    %dma_wait3A_87 = tpu.memref_slice %arg7[%dma_wait3A_81, %dma_wait3A_86] : memref<79x128xi32, #tpu.memory_space<vmem>> -> memref<1x128xi32, #tpu.memory_space<vmem>>
    %dma_wait3A_88 = tpu.memref_squeeze %dma_wait3A_87 : memref<1x128xi32, #tpu.memory_space<vmem>> -> memref<128xi32, #tpu.memory_space<vmem>>
    %dma_wait3A_89 = arith.constant 0 : i32
    %dma_wait3A_90 = arith.constant 0 : i32
    %dma_wait3A_91 = tpu.memref_slice %arg10[%dma_wait3A_89, %dma_wait3A_90] : memref<10000x16xf32, #tpu.memory_space<vmem_shared>> -> memref<10000x16xf32, #tpu.memory_space<vmem_shared>>
    tpu.wait_indirect_dma semaphore(%arg21 : memref<!tpu.dma_semaphore, #tpu.memory_space<semaphore_mem>>) src(%dma_wait3A_85 : memref<128x16xf32, #tpu.memory_space<vmem>>) dst(%dma_wait3A_91 : memref<10000x16xf32, #tpu.memory_space<vmem_shared>>)
    %dma_wait3A_92 = arith.constant 4 : i32
    %dma_wait3A_93 = arith.constant 0 : i32
    %dma_wait3A_94 = arith.constant 0 : i32
    %dma_wait3A_95 = arith.constant 0 : i32
    %dma_wait3A_96 = tpu.memref_slice %arg8[%dma_wait3A_92, %dma_wait3A_94, %dma_wait3A_95] : memref<6x128x16xf32, #tpu.memory_space<vmem>> -> memref<1x128x16xf32, #tpu.memory_space<vmem>>
    %dma_wait3A_97 = tpu.memref_squeeze %dma_wait3A_96 : memref<1x128x16xf32, #tpu.memory_space<vmem>> -> memref<128x16xf32, #tpu.memory_space<vmem>>
    %dma_wait3A_98 = arith.constant 0 : i32
    %dma_wait3A_99 = tpu.memref_slice %arg7[%dma_wait3A_93, %dma_wait3A_98] : memref<79x128xi32, #tpu.memory_space<vmem>> -> memref<1x128xi32, #tpu.memory_space<vmem>>
    %dma_wait3A_100 = tpu.memref_squeeze %dma_wait3A_99 : memref<1x128xi32, #tpu.memory_space<vmem>> -> memref<128xi32, #tpu.memory_space<vmem>>
    %dma_wait3A_101 = arith.constant 0 : i32
    %dma_wait3A_102 = arith.constant 0 : i32
    %dma_wait3A_103 = tpu.memref_slice %arg10[%dma_wait3A_101, %dma_wait3A_102] : memref<10000x16xf32, #tpu.memory_space<vmem_shared>> -> memref<10000x16xf32, #tpu.memory_space<vmem_shared>>
    tpu.wait_indirect_dma semaphore(%arg22 : memref<!tpu.dma_semaphore, #tpu.memory_space<semaphore_mem>>) src(%dma_wait3A_97 : memref<128x16xf32, #tpu.memory_space<vmem>>) dst(%dma_wait3A_103 : memref<10000x16xf32, #tpu.memory_space<vmem_shared>>)
    %dma_wait3A_104 = arith.constant 5 : i32
    %dma_wait3A_105 = arith.constant 0 : i32
    %dma_wait3A_106 = arith.constant 0 : i32
    %dma_wait3A_107 = arith.constant 0 : i32
    %dma_wait3A_108 = tpu.memref_slice %arg8[%dma_wait3A_104, %dma_wait3A_106, %dma_wait3A_107] : memref<6x128x16xf32, #tpu.memory_space<vmem>> -> memref<1x128x16xf32, #tpu.memory_space<vmem>>
    %dma_wait3A_109 = tpu.memref_squeeze %dma_wait3A_108 : memref<1x128x16xf32, #tpu.memory_space<vmem>> -> memref<128x16xf32, #tpu.memory_space<vmem>>
    %dma_wait3A_110 = arith.constant 0 : i32
    %dma_wait3A_111 = tpu.memref_slice %arg7[%dma_wait3A_105, %dma_wait3A_110] : memref<79x128xi32, #tpu.memory_space<vmem>> -> memref<1x128xi32, #tpu.memory_space<vmem>>
    %dma_wait3A_112 = tpu.memref_squeeze %dma_wait3A_111 : memref<1x128xi32, #tpu.memory_space<vmem>> -> memref<128xi32, #tpu.memory_space<vmem>>
    %dma_wait3A_113 = arith.constant 0 : i32
    %dma_wait3A_114 = arith.constant 0 : i32
    %dma_wait3A_115 = tpu.memref_slice %arg10[%dma_wait3A_113, %dma_wait3A_114] : memref<10000x16xf32, #tpu.memory_space<vmem_shared>> -> memref<10000x16xf32, #tpu.memory_space<vmem_shared>>
    tpu.wait_indirect_dma semaphore(%arg23 : memref<!tpu.dma_semaphore, #tpu.memory_space<semaphore_mem>>) src(%dma_wait3A_109 : memref<128x16xf32, #tpu.memory_space<vmem>>) dst(%dma_wait3A_115 : memref<10000x16xf32, #tpu.memory_space<vmem_shared>>)
    %lt3A_116 = arith.constant 4 : i32
    %lt3A_117 = arith.cmpi slt, %add3A, %lt3A_116 : i32
    %convert_element_type3A_118 = arith.extui %lt3A_117 : i1 to i32
    %cond3A_119 = arith.constant 0 : i32
    %cond3A_120 = arith.cmpi ne, %convert_element_type3A_118, %cond3A_119 : i32
    scf.if %cond3A_120 {
      %dma_start3A_131 = arith.constant 78 : i32
      %dma_start3A_132 = arith.constant 0 : i32
      %dma_start3A_133 = arith.constant 0 : i32
      %dma_start3A_134 = arith.constant 0 : i32
      %dma_start3A_135 = tpu.memref_slice %arg8[%dma_start3A_132, %dma_start3A_133, %dma_start3A_134] : memref<6x128x16xf32, #tpu.memory_space<vmem>> -> memref<1x128x16xf32, #tpu.memory_space<vmem>>
      %dma_start3A_136 = tpu.memref_squeeze %dma_start3A_135 : memref<1x128x16xf32, #tpu.memory_space<vmem>> -> memref<128x16xf32, #tpu.memory_space<vmem>>
      %dma_start3A_137 = arith.constant 0 : i32
      %dma_start3A_138 = tpu.memref_slice %arg6[%dma_start3A_131, %dma_start3A_137] : memref<79x128xi32, #tpu.memory_space<vmem>> -> memref<1x128xi32, #tpu.memory_space<vmem>>
      %dma_start3A_139 = tpu.memref_squeeze %dma_start3A_138 : memref<1x128xi32, #tpu.memory_space<vmem>> -> memref<128xi32, #tpu.memory_space<vmem>>
      %dma_start3A_140 = arith.constant 0 : i32
      %dma_start3A_141 = arith.constant 0 : i32
      %dma_start3A_142 = tpu.memref_slice %arg11[%dma_start3A_140, %dma_start3A_141] : memref<10000x16xf32, #tpu.memory_space<vmem_shared>> -> memref<10000x16xf32, #tpu.memory_space<vmem_shared>>
      tpu.enqueue_indirect_dma source(%dma_start3A_142 : memref<10000x16xf32, #tpu.memory_space<vmem_shared>>) target(%dma_start3A_136 : memref<128x16xf32, #tpu.memory_space<vmem>>) offsets(%dma_start3A_139 : memref<128xi32, #tpu.memory_space<vmem>>) semaphore(%arg12 : memref<!tpu.dma_semaphore, #tpu.memory_space<semaphore_mem>>)
      %dma_wait3A_143 = arith.constant 78 : i32
      %dma_wait3A_144 = arith.constant 0 : i32
      %dma_wait3A_145 = arith.constant 0 : i32
      %dma_wait3A_146 = arith.constant 0 : i32
      %dma_wait3A_147 = tpu.memref_slice %arg8[%dma_wait3A_144, %dma_wait3A_145, %dma_wait3A_146] : memref<6x128x16xf32, #tpu.memory_space<vmem>> -> memref<1x128x16xf32, #tpu.memory_space<vmem>>
      %dma_wait3A_148 = tpu.memref_squeeze %dma_wait3A_147 : memref<1x128x16xf32, #tpu.memory_space<vmem>> -> memref<128x16xf32, #tpu.memory_space<vmem>>
      %dma_wait3A_149 = arith.constant 0 : i32
      %dma_wait3A_150 = tpu.memref_slice %arg6[%dma_wait3A_143, %dma_wait3A_149] : memref<79x128xi32, #tpu.memory_space<vmem>> -> memref<1x128xi32, #tpu.memory_space<vmem>>
      %dma_wait3A_151 = tpu.memref_squeeze %dma_wait3A_150 : memref<1x128xi32, #tpu.memory_space<vmem>> -> memref<128xi32, #tpu.memory_space<vmem>>
      %dma_wait3A_152 = arith.constant 0 : i32
      %dma_wait3A_153 = arith.constant 0 : i32
      %dma_wait3A_154 = tpu.memref_slice %arg11[%dma_wait3A_152, %dma_wait3A_153] : memref<10000x16xf32, #tpu.memory_space<vmem_shared>> -> memref<10000x16xf32, #tpu.memory_space<vmem_shared>>
      tpu.wait_indirect_dma semaphore(%arg12 : memref<!tpu.dma_semaphore, #tpu.memory_space<semaphore_mem>>) src(%dma_wait3A_154 : memref<10000x16xf32, #tpu.memory_space<vmem_shared>>) dst(%dma_wait3A_148 : memref<128x16xf32, #tpu.memory_space<vmem>>)
      %run_scoped3A = arith.constant 0 : i32
      %run_scoped3A_155 = arith.constant 78 : i32
      "tpu.region"() ({
        %run_scoped3A_156 = tpu.sem_alloc : memref<!tpu.dma_semaphore, #tpu.memory_space<semaphore_mem>>
        %dma_start3A_157 = arith.constant 0 : i32
        %dma_start3A_158 = arith.constant 0 : i32
        %dma_start3A_159 = tpu.memref_slice %arg8[%run_scoped3A, %dma_start3A_157, %dma_start3A_158] : memref<6x128x16xf32, #tpu.memory_space<vmem>> -> memref<1x128x16xf32, #tpu.memory_space<vmem>>
        %dma_start3A_160 = tpu.memref_squeeze %dma_start3A_159 : memref<1x128x16xf32, #tpu.memory_space<vmem>> -> memref<128x16xf32, #tpu.memory_space<vmem>>
        %dma_start3A_161 = arith.constant 0 : i32
        %dma_start3A_162 = tpu.memref_slice %arg7[%run_scoped3A_155, %dma_start3A_161] : memref<79x128xi32, #tpu.memory_space<vmem>> -> memref<1x128xi32, #tpu.memory_space<vmem>>
        %dma_start3A_163 = tpu.memref_squeeze %dma_start3A_162 : memref<1x128xi32, #tpu.memory_space<vmem>> -> memref<128xi32, #tpu.memory_space<vmem>>
        %dma_start3A_164 = arith.constant 0 : i32
        %dma_start3A_165 = arith.constant 0 : i32
        %dma_start3A_166 = tpu.memref_slice %arg10[%dma_start3A_164, %dma_start3A_165] : memref<10000x16xf32, #tpu.memory_space<vmem_shared>> -> memref<10000x16xf32, #tpu.memory_space<vmem_shared>>
        tpu.enqueue_indirect_dma source(%dma_start3A_160 : memref<128x16xf32, #tpu.memory_space<vmem>>) target(%dma_start3A_166 : memref<10000x16xf32, #tpu.memory_space<vmem_shared>>) offsets(%dma_start3A_163 : memref<128xi32, #tpu.memory_space<vmem>>) semaphore(%run_scoped3A_156 : memref<!tpu.dma_semaphore, #tpu.memory_space<semaphore_mem>>) {add = true}
        %dma_wait3A_167 = arith.constant 0 : i32
        %dma_wait3A_168 = arith.constant 0 : i32
        %dma_wait3A_169 = tpu.memref_slice %arg8[%run_scoped3A, %dma_wait3A_167, %dma_wait3A_168] : memref<6x128x16xf32, #tpu.memory_space<vmem>> -> memref<1x128x16xf32, #tpu.memory_space<vmem>>
        %dma_wait3A_170 = tpu.memref_squeeze %dma_wait3A_169 : memref<1x128x16xf32, #tpu.memory_space<vmem>> -> memref<128x16xf32, #tpu.memory_space<vmem>>
        %dma_wait3A_171 = arith.constant 0 : i32
        %dma_wait3A_172 = tpu.memref_slice %arg7[%run_scoped3A_155, %dma_wait3A_171] : memref<79x128xi32, #tpu.memory_space<vmem>> -> memref<1x128xi32, #tpu.memory_space<vmem>>
        %dma_wait3A_173 = tpu.memref_squeeze %dma_wait3A_172 : memref<1x128xi32, #tpu.memory_space<vmem>> -> memref<128xi32, #tpu.memory_space<vmem>>
        %dma_wait3A_174 = arith.constant 0 : i32
        %dma_wait3A_175 = arith.constant 0 : i32
        %dma_wait3A_176 = tpu.memref_slice %arg10[%dma_wait3A_174, %dma_wait3A_175] : memref<10000x16xf32, #tpu.memory_space<vmem_shared>> -> memref<10000x16xf32, #tpu.memory_space<vmem_shared>>
        tpu.wait_indirect_dma semaphore(%run_scoped3A_156 : memref<!tpu.dma_semaphore, #tpu.memory_space<semaphore_mem>>) src(%dma_wait3A_170 : memref<128x16xf32, #tpu.memory_space<vmem>>) dst(%dma_wait3A_176 : memref<10000x16xf32, #tpu.memory_space<vmem_shared>>)
        tpu.yield
      }) : () -> ()
    } else {
    }
    %barrier3A_121 = arith.constant 0 : index
    tpu.barrier barrier_id(%barrier3A_121)
    %mul3A_122 = arith.constant 624 : i32
    %mul3A_123 = arith.muli %arg1, %mul3A_122 : i32
    %mul3A_124 = arith.constant 624 : i32
    %mul3A_125 = arith.muli %arg1, %mul3A_124 : i32
    "tpu.region"() ({
      %run_scoped3A = tpu.sem_alloc : memref<!tpu.dma_semaphore, #tpu.memory_space<semaphore_mem>>
      %dma_start3A_131 = arith.constant 0 : i32
      %dma_start3A_132 = tpu.memref_slice %arg5[%arg0, %mul3A_125, %dma_start3A_131] : memref<2x10240x16xf32, #tpu.memory_space<hbm>> -> memref<1x624x16xf32, #tpu.memory_space<hbm>>
      %dma_start3A_133 = tpu.memref_squeeze %dma_start3A_132 : memref<1x624x16xf32, #tpu.memory_space<hbm>> -> memref<624x16xf32, #tpu.memory_space<hbm>>
      %dma_start3A_134 = arith.constant 0 : i32
      %dma_start3A_135 = tpu.memref_slice %arg10[%mul3A_123, %dma_start3A_134] : memref<10000x16xf32, #tpu.memory_space<vmem_shared>> -> memref<624x16xf32, #tpu.memory_space<vmem_shared>>
      tpu.enqueue_dma source(%dma_start3A_135 : memref<624x16xf32, #tpu.memory_space<vmem_shared>>) target(%dma_start3A_133 : memref<624x16xf32, #tpu.memory_space<hbm>>) target_semaphore(%run_scoped3A : memref<!tpu.dma_semaphore, #tpu.memory_space<semaphore_mem>>)
      %dma_wait3A_136 = arith.constant 0 : i32
      %dma_wait3A_137 = tpu.memref_slice %arg5[%arg0, %mul3A_125, %dma_wait3A_136] : memref<2x10240x16xf32, #tpu.memory_space<hbm>> -> memref<1x624x16xf32, #tpu.memory_space<hbm>>
      %dma_wait3A_138 = tpu.memref_squeeze %dma_wait3A_137 : memref<1x624x16xf32, #tpu.memory_space<hbm>> -> memref<624x16xf32, #tpu.memory_space<hbm>>
      %dma_wait3A_139 = arith.constant 0 : i32
      %dma_wait3A_140 = tpu.memref_slice %arg10[%mul3A_123, %dma_wait3A_139] : memref<10000x16xf32, #tpu.memory_space<vmem_shared>> -> memref<624x16xf32, #tpu.memory_space<vmem_shared>>
      tpu.wait_dma2 semaphore(%run_scoped3A : memref<!tpu.dma_semaphore, #tpu.memory_space<semaphore_mem>>) src(%dma_wait3A_140 : memref<624x16xf32, #tpu.memory_space<vmem_shared>>) dst(%dma_wait3A_138 : memref<624x16xf32, #tpu.memory_space<hbm>>)
      tpu.yield
    }) : () -> ()
    %eq3A_126 = arith.constant 0 : i32
    %eq3A_127 = arith.cmpi eq, %arg1, %eq3A_126 : i32
    %convert_element_type3A_128 = arith.extui %eq3A_127 : i1 to i32
    %cond3A_129 = arith.constant 0 : i32
    %cond3A_130 = arith.cmpi ne, %convert_element_type3A_128, %cond3A_129 : i32
    scf.if %cond3A_130 {
      "tpu.region"() ({
        %run_scoped3A = tpu.sem_alloc : memref<!tpu.dma_semaphore, #tpu.memory_space<semaphore_mem>>
        %dma_start3A_131 = arith.constant 9984 : i32
        %dma_start3A_132 = arith.constant 0 : i32
        %dma_start3A_133 = tpu.memref_slice %arg5[%arg0, %dma_start3A_131, %dma_start3A_132] : memref<2x10240x16xf32, #tpu.memory_space<hbm>> -> memref<1x16x16xf32, #tpu.memory_space<hbm>>
        %dma_start3A_134 = tpu.memref_squeeze %dma_start3A_133 : memref<1x16x16xf32, #tpu.memory_space<hbm>> -> memref<16x16xf32, #tpu.memory_space<hbm>>
        %dma_start3A_135 = arith.constant 9984 : i32
        %dma_start3A_136 = arith.constant 0 : i32
        %dma_start3A_137 = tpu.memref_slice %arg10[%dma_start3A_135, %dma_start3A_136] : memref<10000x16xf32, #tpu.memory_space<vmem_shared>> -> memref<16x16xf32, #tpu.memory_space<vmem_shared>>
        tpu.enqueue_dma source(%dma_start3A_137 : memref<16x16xf32, #tpu.memory_space<vmem_shared>>) target(%dma_start3A_134 : memref<16x16xf32, #tpu.memory_space<hbm>>) target_semaphore(%run_scoped3A : memref<!tpu.dma_semaphore, #tpu.memory_space<semaphore_mem>>)
        %dma_wait3A_138 = arith.constant 9984 : i32
        %dma_wait3A_139 = arith.constant 0 : i32
        %dma_wait3A_140 = tpu.memref_slice %arg5[%arg0, %dma_wait3A_138, %dma_wait3A_139] : memref<2x10240x16xf32, #tpu.memory_space<hbm>> -> memref<1x16x16xf32, #tpu.memory_space<hbm>>
        %dma_wait3A_141 = tpu.memref_squeeze %dma_wait3A_140 : memref<1x16x16xf32, #tpu.memory_space<hbm>> -> memref<16x16xf32, #tpu.memory_space<hbm>>
        %dma_wait3A_142 = arith.constant 9984 : i32
        %dma_wait3A_143 = arith.constant 0 : i32
        %dma_wait3A_144 = tpu.memref_slice %arg10[%dma_wait3A_142, %dma_wait3A_143] : memref<10000x16xf32, #tpu.memory_space<vmem_shared>> -> memref<16x16xf32, #tpu.memory_space<vmem_shared>>
        tpu.wait_dma2 semaphore(%run_scoped3A : memref<!tpu.dma_semaphore, #tpu.memory_space<semaphore_mem>>) src(%dma_wait3A_144 : memref<16x16xf32, #tpu.memory_space<vmem_shared>>) dst(%dma_wait3A_141 : memref<16x16xf32, #tpu.memory_space<hbm>>)
        tpu.yield
      }) : () -> ()
    } else {
    }
    return
  }
}

#map = affine_map<(d0, d1) -> (0, 0)>
#map1 = affine_map<(d0, d1) -> (0, 0, 0)>
module attributes {stable_mosaic.version = 14 : i64} {
  func.func @_sc_aggregate(%arg0: i32, %arg1: i32, %arg2: memref<10240x16xf32, #tpu.memory_space<hbm>>, %arg3: memref<2500x128xi32, #tpu.memory_space<hbm>>, %arg4: memref<2500x128xi32, #tpu.memory_space<hbm>>, %arg5: memref<2x10240x16xf32, #tpu.memory_space<hbm>>, %arg6: memref<79x128xi32, #tpu.memory_space<vmem>>, %arg7: memref<79x128xi32, #tpu.memory_space<vmem>>, %arg8: memref<6x128x16xf32, #tpu.memory_space<vmem>>, %arg9: memref<624x16xf32, #tpu.memory_space<vmem>>, %arg10: memref<10000x16xf32, #tpu.memory_space<vmem_shared>>, %arg11: memref<10000x16xf32, #tpu.memory_space<vmem_shared>>, %arg12: memref<!tpu.dma_semaphore, #tpu.memory_space<semaphore_mem>>, %arg13: memref<!tpu.dma_semaphore, #tpu.memory_space<semaphore_mem>>, %arg14: memref<!tpu.dma_semaphore, #tpu.memory_space<semaphore_mem>>, %arg15: memref<!tpu.dma_semaphore, #tpu.memory_space<semaphore_mem>>, %arg16: memref<!tpu.dma_semaphore, #tpu.memory_space<semaphore_mem>>, %arg17: memref<!tpu.dma_semaphore, #tpu.memory_space<semaphore_mem>>, %arg18: memref<!tpu.dma_semaphore, #tpu.memory_space<semaphore_mem>>, %arg19: memref<!tpu.dma_semaphore, #tpu.memory_space<semaphore_mem>>, %arg20: memref<!tpu.dma_semaphore, #tpu.memory_space<semaphore_mem>>, %arg21: memref<!tpu.dma_semaphore, #tpu.memory_space<semaphore_mem>>, %arg22: memref<!tpu.dma_semaphore, #tpu.memory_space<semaphore_mem>>, %arg23: memref<!tpu.dma_semaphore, #tpu.memory_space<semaphore_mem>>) attributes {dimension_semantics = [#tpu.dimension_semantics<core_parallel>, #tpu.dimension_semantics<subcore_parallel>], iteration_bounds = array<i64: 2, 16>, scalar_prefetch = 0 : i64, scratch_operands = 18 : i64, tpu.core_type = #tpu.core_type<sc_vector_subcore>, window_params = [{transform_indices = #map}, {transform_indices = #map}, {transform_indices = #map}, {transform_indices = #map1}]} {
    %mul3A = arith.constant 16 : i32
    %mul3A_0 = arith.muli %arg0, %mul3A : i32
    %add3A = arith.addi %mul3A_0, %arg1 : i32
    %broadcast_in_dim3A = arith.constant 0.000000e+00 : f32
    %broadcast_in_dim3A_1 = vector.broadcast %broadcast_in_dim3A : f32 to vector<16xf32>
    %scan3A = arith.constant 0 : i32
    %scan3A_2 = arith.constant 0 : i32
    %scan3A_3 = arith.constant 624 : i32
    %scan3A_4 = arith.addi %scan3A_2, %scan3A_3 : i32
    %scan3A_5 = arith.constant 1 : i32
    %scan3A_6 = scf.for %scan3A_131 = %scan3A_2 to %scan3A_4 step %scan3A_5 iter_args(%scan3A_132 = %scan3A) -> (i32)  : i32 {
      %swap3A = arith.index_cast %scan3A_131 : i32 to index
      %swap3A_133 = arith.constant 0 : index
      %swap3A_134 = tpu.vector_load %arg9[%swap3A, %swap3A_133] {strides = array<i32>} : memref<624x16xf32, #tpu.memory_space<vmem>>, vector<1x16xf32>,
      %swap3A_135 = vector.shape_cast %swap3A_134 : vector<1x16xf32> to vector<16xf32>
      %swap3A_136 = vector.shape_cast %broadcast_in_dim3A_1 : vector<16xf32> to vector<1x16xf32>
      tpu.vector_store %arg9[%swap3A, %swap3A_133], %swap3A_136 {strides = array<i32>} : memref<624x16xf32, #tpu.memory_space<vmem>>, vector<1x16xf32>,
      %scan3A_137 = arith.constant 0 : i32
      scf.yield %scan3A_137 : i32
    }
    %scan3A_7 = arith.constant 624 : i32
    %mul3A_8 = arith.constant 624 : i32
    %mul3A_9 = arith.muli %arg1, %mul3A_8 : i32
    "tpu.region"() ({
      %run_scoped3A = tpu.sem_alloc : memref<!tpu.dma_semaphore, #tpu.memory_space<semaphore_mem>>
      %dma_start3A_131 = arith.constant 0 : i32
      %dma_start3A_132 = tpu.memref_slice %arg10[%mul3A_9, %dma_start3A_131] : memref<10000x16xf32, #tpu.memory_space<vmem_shared>> -> memref<624x16xf32, #tpu.memory_space<vmem_shared>>
      %dma_start3A_133 = arith.constant 0 : i32
      %dma_start3A_134 = tpu.memref_slice %arg10[%mul3A_9, %dma_start3A_133] : memref<10000x16xf32, #tpu.memory_space<vmem_shared>> -> memref<624x16xf32, #tpu.memory_space<vmem_shared>>
      tpu.enqueue_dma source(%arg9 : memref<624x16xf32, #tpu.memory_space<vmem>>) target(%dma_start3A_134 : memref<624x16xf32, #tpu.memory_space<vmem_shared>>) target_semaphore(%run_scoped3A : memref<!tpu.dma_semaphore, #tpu.memory_space<semaphore_mem>>)
      %dma_wait3A_135 = arith.constant 0 : i32
      %dma_wait3A_136 = tpu.memref_slice %arg10[%mul3A_9, %dma_wait3A_135] : memref<10000x16xf32, #tpu.memory_space<vmem_shared>> -> memref<624x16xf32, #tpu.memory_space<vmem_shared>>
      %dma_wait3A_137 = arith.constant 0 : i32
      %dma_wait3A_138 = tpu.memref_slice %arg10[%mul3A_9, %dma_wait3A_137] : memref<10000x16xf32, #tpu.memory_space<vmem_shared>> -> memref<624x16xf32, #tpu.memory_space<vmem_shared>>
      tpu.wait_dma2 semaphore(%run_scoped3A : memref<!tpu.dma_semaphore, #tpu.memory_space<semaphore_mem>>) src(%arg9 : memref<624x16xf32, #tpu.memory_space<vmem>>) dst(%dma_wait3A_138 : memref<624x16xf32, #tpu.memory_space<vmem_shared>>)
      tpu.yield
    }) : () -> ()
    %eq3A = arith.constant 0 : i32
    %eq3A_10 = arith.cmpi eq, %arg1, %eq3A : i32
    %convert_element_type3A = arith.extui %eq3A_10 : i1 to i32
    %cond3A = arith.constant 0 : i32
    %cond3A_11 = arith.cmpi ne, %convert_element_type3A, %cond3A : i32
    scf.if %cond3A_11 {
      "tpu.region"() ({
        %run_scoped3A = tpu.sem_alloc : memref<!tpu.dma_semaphore, #tpu.memory_space<semaphore_mem>>
        %dma_start3A_131 = arith.constant 0 : i32
        %dma_start3A_132 = arith.constant 0 : i32
        %dma_start3A_133 = tpu.memref_slice %arg9[%dma_start3A_131, %dma_start3A_132] : memref<624x16xf32, #tpu.memory_space<vmem>> -> memref<16x16xf32, #tpu.memory_space<vmem>>
        %dma_start3A_134 = arith.constant 9984 : i32
        %dma_start3A_135 = arith.constant 0 : i32
        %dma_start3A_136 = tpu.memref_slice %arg10[%dma_start3A_134, %dma_start3A_135] : memref<10000x16xf32, #tpu.memory_space<vmem_shared>> -> memref<16x16xf32, #tpu.memory_space<vmem_shared>>
        %dma_start3A_137 = arith.constant 9984 : i32
        %dma_start3A_138 = arith.constant 0 : i32
        %dma_start3A_139 = tpu.memref_slice %arg10[%dma_start3A_137, %dma_start3A_138] : memref<10000x16xf32, #tpu.memory_space<vmem_shared>> -> memref<16x16xf32, #tpu.memory_space<vmem_shared>>
        %dma_start3A_140 = arith.constant 0 : i32
        %dma_start3A_141 = arith.constant 0 : i32
        %dma_start3A_142 = tpu.memref_slice %arg9[%dma_start3A_140, %dma_start3A_141] : memref<624x16xf32, #tpu.memory_space<vmem>> -> memref<16x16xf32, #tpu.memory_space<vmem>>
        tpu.enqueue_dma source(%dma_start3A_142 : memref<16x16xf32, #tpu.memory_space<vmem>>) target(%dma_start3A_139 : memref<16x16xf32, #tpu.memory_space<vmem_shared>>) target_semaphore(%run_scoped3A : memref<!tpu.dma_semaphore, #tpu.memory_space<semaphore_mem>>)
        %dma_wait3A_143 = arith.constant 0 : i32
        %dma_wait3A_144 = arith.constant 0 : i32
        %dma_wait3A_145 = tpu.memref_slice %arg9[%dma_wait3A_143, %dma_wait3A_144] : memref<624x16xf32, #tpu.memory_space<vmem>> -> memref<16x16xf32, #tpu.memory_space<vmem>>
        %dma_wait3A_146 = arith.constant 9984 : i32
        %dma_wait3A_147 = arith.constant 0 : i32
        %dma_wait3A_148 = tpu.memref_slice %arg10[%dma_wait3A_146, %dma_wait3A_147] : memref<10000x16xf32, #tpu.memory_space<vmem_shared>> -> memref<16x16xf32, #tpu.memory_space<vmem_shared>>
        %dma_wait3A_149 = arith.constant 9984 : i32
        %dma_wait3A_150 = arith.constant 0 : i32
        %dma_wait3A_151 = tpu.memref_slice %arg10[%dma_wait3A_149, %dma_wait3A_150] : memref<10000x16xf32, #tpu.memory_space<vmem_shared>> -> memref<16x16xf32, #tpu.memory_space<vmem_shared>>
        %dma_wait3A_152 = arith.constant 0 : i32
        %dma_wait3A_153 = arith.constant 0 : i32
        %dma_wait3A_154 = tpu.memref_slice %arg9[%dma_wait3A_152, %dma_wait3A_153] : memref<624x16xf32, #tpu.memory_space<vmem>> -> memref<16x16xf32, #tpu.memory_space<vmem>>
        tpu.wait_dma2 semaphore(%run_scoped3A : memref<!tpu.dma_semaphore, #tpu.memory_space<semaphore_mem>>) src(%dma_wait3A_154 : memref<16x16xf32, #tpu.memory_space<vmem>>) dst(%dma_wait3A_151 : memref<16x16xf32, #tpu.memory_space<vmem_shared>>)
        tpu.yield
      }) : () -> ()
    } else {
    }
    %mul3A_12 = arith.constant 624 : i32
    %mul3A_13 = arith.muli %arg1, %mul3A_12 : i32
    %mul3A_14 = arith.constant 624 : i32
    %mul3A_15 = arith.muli %arg1, %mul3A_14 : i32
    "tpu.region"() ({
      %run_scoped3A = tpu.sem_alloc : memref<!tpu.dma_semaphore, #tpu.memory_space<semaphore_mem>>
      %dma_start3A_131 = arith.constant 0 : i32
      %dma_start3A_132 = tpu.memref_slice %arg11[%mul3A_15, %dma_start3A_131] : memref<10000x16xf32, #tpu.memory_space<vmem_shared>> -> memref<624x16xf32, #tpu.memory_space<vmem_shared>>
      %dma_start3A_133 = arith.constant 0 : i32
      %dma_start3A_134 = tpu.memref_slice %arg2[%mul3A_13, %dma_start3A_133] : memref<10240x16xf32, #tpu.memory_space<hbm>> -> memref<624x16xf32, #tpu.memory_space<hbm>>
      tpu.enqueue_dma source(%dma_start3A_134 : memref<624x16xf32, #tpu.memory_space<hbm>>) target(%dma_start3A_132 : memref<624x16xf32, #tpu.memory_space<vmem_shared>>) target_semaphore(%run_scoped3A : memref<!tpu.dma_semaphore, #tpu.memory_space<semaphore_mem>>)
      %dma_wait3A_135 = arith.constant 0 : i32
      %dma_wait3A_136 = tpu.memref_slice %arg11[%mul3A_15, %dma_wait3A_135] : memref<10000x16xf32, #tpu.memory_space<vmem_shared>> -> memref<624x16xf32, #tpu.memory_space<vmem_shared>>
      %dma_wait3A_137 = arith.constant 0 : i32
      %dma_wait3A_138 = tpu.memref_slice %arg2[%mul3A_13, %dma_wait3A_137] : memref<10240x16xf32, #tpu.memory_space<hbm>> -> memref<624x16xf32, #tpu.memory_space<hbm>>
      tpu.wait_dma2 semaphore(%run_scoped3A : memref<!tpu.dma_semaphore, #tpu.memory_space<semaphore_mem>>) src(%dma_wait3A_138 : memref<624x16xf32, #tpu.memory_space<hbm>>) dst(%dma_wait3A_136 : memref<624x16xf32, #tpu.memory_space<vmem_shared>>)
      tpu.yield
    }) : () -> ()
    %eq3A_16 = arith.constant 0 : i32
    %eq3A_17 = arith.cmpi eq, %arg1, %eq3A_16 : i32
    %convert_element_type3A_18 = arith.extui %eq3A_17 : i1 to i32
    %cond3A_19 = arith.constant 0 : i32
    %cond3A_20 = arith.cmpi ne, %convert_element_type3A_18, %cond3A_19 : i32
    scf.if %cond3A_20 {
      "tpu.region"() ({
        %run_scoped3A = tpu.sem_alloc : memref<!tpu.dma_semaphore, #tpu.memory_space<semaphore_mem>>
        %dma_start3A_131 = arith.constant 9984 : i32
        %dma_start3A_132 = arith.constant 0 : i32
        %dma_start3A_133 = tpu.memref_slice %arg11[%dma_start3A_131, %dma_start3A_132] : memref<10000x16xf32, #tpu.memory_space<vmem_shared>> -> memref<16x16xf32, #tpu.memory_space<vmem_shared>>
        %dma_start3A_134 = arith.constant 9984 : i32
        %dma_start3A_135 = arith.constant 0 : i32
        %dma_start3A_136 = tpu.memref_slice %arg2[%dma_start3A_134, %dma_start3A_135] : memref<10240x16xf32, #tpu.memory_space<hbm>> -> memref<16x16xf32, #tpu.memory_space<hbm>>
        tpu.enqueue_dma source(%dma_start3A_136 : memref<16x16xf32, #tpu.memory_space<hbm>>) target(%dma_start3A_133 : memref<16x16xf32, #tpu.memory_space<vmem_shared>>) target_semaphore(%run_scoped3A : memref<!tpu.dma_semaphore, #tpu.memory_space<semaphore_mem>>)
        %dma_wait3A_137 = arith.constant 9984 : i32
        %dma_wait3A_138 = arith.constant 0 : i32
        %dma_wait3A_139 = tpu.memref_slice %arg11[%dma_wait3A_137, %dma_wait3A_138] : memref<10000x16xf32, #tpu.memory_space<vmem_shared>> -> memref<16x16xf32, #tpu.memory_space<vmem_shared>>
        %dma_wait3A_140 = arith.constant 9984 : i32
        %dma_wait3A_141 = arith.constant 0 : i32
        %dma_wait3A_142 = tpu.memref_slice %arg2[%dma_wait3A_140, %dma_wait3A_141] : memref<10240x16xf32, #tpu.memory_space<hbm>> -> memref<16x16xf32, #tpu.memory_space<hbm>>
        tpu.wait_dma2 semaphore(%run_scoped3A : memref<!tpu.dma_semaphore, #tpu.memory_space<semaphore_mem>>) src(%dma_wait3A_142 : memref<16x16xf32, #tpu.memory_space<hbm>>) dst(%dma_wait3A_139 : memref<16x16xf32, #tpu.memory_space<vmem_shared>>)
        tpu.yield
      }) : () -> ()
    } else {
    }
    %mul3A_21 = arith.constant 78 : i32
    %mul3A_22 = arith.muli %mul3A_21, %add3A : i32
    %min3A = arith.constant 4 : i32
    %min3A_23 = arith.minsi %add3A, %min3A : i32
    %add3A_24 = arith.addi %mul3A_22, %min3A_23 : i32
    "tpu.region"() ({
      %run_scoped3A = tpu.sem_alloc : memref<!tpu.dma_semaphore, #tpu.memory_space<semaphore_mem>>
      %dma_start3A_131 = arith.constant 0 : i32
      %dma_start3A_132 = arith.constant 0 : i32
      %dma_start3A_133 = tpu.memref_slice %arg6[%dma_start3A_131, %dma_start3A_132] : memref<79x128xi32, #tpu.memory_space<vmem>> -> memref<78x128xi32, #tpu.memory_space<vmem>>
      %dma_start3A_134 = arith.constant 0 : i32
      %dma_start3A_135 = tpu.memref_slice %arg3[%add3A_24, %dma_start3A_134] : memref<2500x128xi32, #tpu.memory_space<hbm>> -> memref<78x128xi32, #tpu.memory_space<hbm>>
      %dma_start3A_136 = arith.constant 0 : i32
      %dma_start3A_137 = arith.constant 0 : i32
      %dma_start3A_138 = tpu.memref_slice %arg6[%dma_start3A_136, %dma_start3A_137] : memref<79x128xi32, #tpu.memory_space<vmem>> -> memref<78x128xi32, #tpu.memory_space<vmem>>
      %dma_start3A_139 = arith.constant 0 : i32
      %dma_start3A_140 = tpu.memref_slice %arg3[%add3A_24, %dma_start3A_139] : memref<2500x128xi32, #tpu.memory_space<hbm>> -> memref<78x128xi32, #tpu.memory_space<hbm>>
      tpu.enqueue_dma source(%dma_start3A_140 : memref<78x128xi32, #tpu.memory_space<hbm>>) target(%dma_start3A_138 : memref<78x128xi32, #tpu.memory_space<vmem>>) target_semaphore(%run_scoped3A : memref<!tpu.dma_semaphore, #tpu.memory_space<semaphore_mem>>)
      %dma_wait3A_141 = arith.constant 0 : i32
      %dma_wait3A_142 = arith.constant 0 : i32
      %dma_wait3A_143 = tpu.memref_slice %arg6[%dma_wait3A_141, %dma_wait3A_142] : memref<79x128xi32, #tpu.memory_space<vmem>> -> memref<78x128xi32, #tpu.memory_space<vmem>>
      %dma_wait3A_144 = arith.constant 0 : i32
      %dma_wait3A_145 = tpu.memref_slice %arg3[%add3A_24, %dma_wait3A_144] : memref<2500x128xi32, #tpu.memory_space<hbm>> -> memref<78x128xi32, #tpu.memory_space<hbm>>
      %dma_wait3A_146 = arith.constant 0 : i32
      %dma_wait3A_147 = arith.constant 0 : i32
      %dma_wait3A_148 = tpu.memref_slice %arg6[%dma_wait3A_146, %dma_wait3A_147] : memref<79x128xi32, #tpu.memory_space<vmem>> -> memref<78x128xi32, #tpu.memory_space<vmem>>
      %dma_wait3A_149 = arith.constant 0 : i32
      %dma_wait3A_150 = tpu.memref_slice %arg3[%add3A_24, %dma_wait3A_149] : memref<2500x128xi32, #tpu.memory_space<hbm>> -> memref<78x128xi32, #tpu.memory_space<hbm>>
      tpu.wait_dma2 semaphore(%run_scoped3A : memref<!tpu.dma_semaphore, #tpu.memory_space<semaphore_mem>>) src(%dma_wait3A_150 : memref<78x128xi32, #tpu.memory_space<hbm>>) dst(%dma_wait3A_148 : memref<78x128xi32, #tpu.memory_space<vmem>>)
      tpu.yield
    }) : () -> ()
    %lt3A = arith.constant 4 : i32
    %lt3A_25 = arith.cmpi slt, %add3A, %lt3A : i32
    %convert_element_type3A_26 = arith.extui %lt3A_25 : i1 to i32
    %cond3A_27 = arith.constant 0 : i32
    %cond3A_28 = arith.cmpi ne, %convert_element_type3A_26, %cond3A_27 : i32
    scf.if %cond3A_28 {
      %add3A_131 = arith.constant 78 : i32
      %add3A_132 = arith.addi %add3A_24, %add3A_131 : i32
      "tpu.region"() ({
        %run_scoped3A = tpu.sem_alloc : memref<!tpu.dma_semaphore, #tpu.memory_space<semaphore_mem>>
        %dma_start3A_133 = arith.constant 78 : i32
        %dma_start3A_134 = arith.constant 0 : i32
        %dma_start3A_135 = tpu.memref_slice %arg6[%dma_start3A_133, %dma_start3A_134] : memref<79x128xi32, #tpu.memory_space<vmem>> -> memref<1x128xi32, #tpu.memory_space<vmem>>
        %dma_start3A_136 = arith.constant 0 : i32
        %dma_start3A_137 = tpu.memref_slice %arg3[%add3A_132, %dma_start3A_136] : memref<2500x128xi32, #tpu.memory_space<hbm>> -> memref<1x128xi32, #tpu.memory_space<hbm>>
        %dma_start3A_138 = arith.constant 78 : i32
        %dma_start3A_139 = arith.constant 0 : i32
        %dma_start3A_140 = tpu.memref_slice %arg6[%dma_start3A_138, %dma_start3A_139] : memref<79x128xi32, #tpu.memory_space<vmem>> -> memref<1x128xi32, #tpu.memory_space<vmem>>
        %dma_start3A_141 = arith.constant 0 : i32
        %dma_start3A_142 = tpu.memref_slice %arg3[%add3A_132, %dma_start3A_141] : memref<2500x128xi32, #tpu.memory_space<hbm>> -> memref<1x128xi32, #tpu.memory_space<hbm>>
        tpu.enqueue_dma source(%dma_start3A_142 : memref<1x128xi32, #tpu.memory_space<hbm>>) target(%dma_start3A_140 : memref<1x128xi32, #tpu.memory_space<vmem>>) target_semaphore(%run_scoped3A : memref<!tpu.dma_semaphore, #tpu.memory_space<semaphore_mem>>)
        %dma_wait3A_143 = arith.constant 78 : i32
        %dma_wait3A_144 = arith.constant 0 : i32
        %dma_wait3A_145 = tpu.memref_slice %arg6[%dma_wait3A_143, %dma_wait3A_144] : memref<79x128xi32, #tpu.memory_space<vmem>> -> memref<1x128xi32, #tpu.memory_space<vmem>>
        %dma_wait3A_146 = arith.constant 0 : i32
        %dma_wait3A_147 = tpu.memref_slice %arg3[%add3A_132, %dma_wait3A_146] : memref<2500x128xi32, #tpu.memory_space<hbm>> -> memref<1x128xi32, #tpu.memory_space<hbm>>
        %dma_wait3A_148 = arith.constant 78 : i32
        %dma_wait3A_149 = arith.constant 0 : i32
        %dma_wait3A_150 = tpu.memref_slice %arg6[%dma_wait3A_148, %dma_wait3A_149] : memref<79x128xi32, #tpu.memory_space<vmem>> -> memref<1x128xi32, #tpu.memory_space<vmem>>
        %dma_wait3A_151 = arith.constant 0 : i32
        %dma_wait3A_152 = tpu.memref_slice %arg3[%add3A_132, %dma_wait3A_151] : memref<2500x128xi32, #tpu.memory_space<hbm>> -> memref<1x128xi32, #tpu.memory_space<hbm>>
        tpu.wait_dma2 semaphore(%run_scoped3A : memref<!tpu.dma_semaphore, #tpu.memory_space<semaphore_mem>>) src(%dma_wait3A_152 : memref<1x128xi32, #tpu.memory_space<hbm>>) dst(%dma_wait3A_150 : memref<1x128xi32, #tpu.memory_space<vmem>>)
        tpu.yield
      }) : () -> ()
    } else {
    }
    %mul3A_29 = arith.constant 78 : i32
    %mul3A_30 = arith.muli %mul3A_29, %add3A : i32
    %min3A_31 = arith.constant 4 : i32
    %min3A_32 = arith.minsi %add3A, %min3A_31 : i32
    %add3A_33 = arith.addi %mul3A_30, %min3A_32 : i32
    "tpu.region"() ({
      %run_scoped3A = tpu.sem_alloc : memref<!tpu.dma_semaphore, #tpu.memory_space<semaphore_mem>>
      %dma_start3A_131 = arith.constant 0 : i32
      %dma_start3A_132 = arith.constant 0 : i32
      %dma_start3A_133 = tpu.memref_slice %arg7[%dma_start3A_131, %dma_start3A_132] : memref<79x128xi32, #tpu.memory_space<vmem>> -> memref<78x128xi32, #tpu.memory_space<vmem>>
      %dma_start3A_134 = arith.constant 0 : i32
      %dma_start3A_135 = tpu.memref_slice %arg4[%add3A_33, %dma_start3A_134] : memref<2500x128xi32, #tpu.memory_space<hbm>> -> memref<78x128xi32, #tpu.memory_space<hbm>>
      %dma_start3A_136 = arith.constant 0 : i32
      %dma_start3A_137 = arith.constant 0 : i32
      %dma_start3A_138 = tpu.memref_slice %arg7[%dma_start3A_136, %dma_start3A_137] : memref<79x128xi32, #tpu.memory_space<vmem>> -> memref<78x128xi32, #tpu.memory_space<vmem>>
      %dma_start3A_139 = arith.constant 0 : i32
      %dma_start3A_140 = tpu.memref_slice %arg4[%add3A_33, %dma_start3A_139] : memref<2500x128xi32, #tpu.memory_space<hbm>> -> memref<78x128xi32, #tpu.memory_space<hbm>>
      tpu.enqueue_dma source(%dma_start3A_140 : memref<78x128xi32, #tpu.memory_space<hbm>>) target(%dma_start3A_138 : memref<78x128xi32, #tpu.memory_space<vmem>>) target_semaphore(%run_scoped3A : memref<!tpu.dma_semaphore, #tpu.memory_space<semaphore_mem>>)
      %dma_wait3A_141 = arith.constant 0 : i32
      %dma_wait3A_142 = arith.constant 0 : i32
      %dma_wait3A_143 = tpu.memref_slice %arg7[%dma_wait3A_141, %dma_wait3A_142] : memref<79x128xi32, #tpu.memory_space<vmem>> -> memref<78x128xi32, #tpu.memory_space<vmem>>
      %dma_wait3A_144 = arith.constant 0 : i32
      %dma_wait3A_145 = tpu.memref_slice %arg4[%add3A_33, %dma_wait3A_144] : memref<2500x128xi32, #tpu.memory_space<hbm>> -> memref<78x128xi32, #tpu.memory_space<hbm>>
      %dma_wait3A_146 = arith.constant 0 : i32
      %dma_wait3A_147 = arith.constant 0 : i32
      %dma_wait3A_148 = tpu.memref_slice %arg7[%dma_wait3A_146, %dma_wait3A_147] : memref<79x128xi32, #tpu.memory_space<vmem>> -> memref<78x128xi32, #tpu.memory_space<vmem>>
      %dma_wait3A_149 = arith.constant 0 : i32
      %dma_wait3A_150 = tpu.memref_slice %arg4[%add3A_33, %dma_wait3A_149] : memref<2500x128xi32, #tpu.memory_space<hbm>> -> memref<78x128xi32, #tpu.memory_space<hbm>>
      tpu.wait_dma2 semaphore(%run_scoped3A : memref<!tpu.dma_semaphore, #tpu.memory_space<semaphore_mem>>) src(%dma_wait3A_150 : memref<78x128xi32, #tpu.memory_space<hbm>>) dst(%dma_wait3A_148 : memref<78x128xi32, #tpu.memory_space<vmem>>)
      tpu.yield
    }) : () -> ()
    %lt3A_34 = arith.constant 4 : i32
    %lt3A_35 = arith.cmpi slt, %add3A, %lt3A_34 : i32
    %convert_element_type3A_36 = arith.extui %lt3A_35 : i1 to i32
    %cond3A_37 = arith.constant 0 : i32
    %cond3A_38 = arith.cmpi ne, %convert_element_type3A_36, %cond3A_37 : i32
    scf.if %cond3A_38 {
      %add3A_131 = arith.constant 78 : i32
      %add3A_132 = arith.addi %add3A_33, %add3A_131 : i32
      "tpu.region"() ({
        %run_scoped3A = tpu.sem_alloc : memref<!tpu.dma_semaphore, #tpu.memory_space<semaphore_mem>>
        %dma_start3A_133 = arith.constant 78 : i32
        %dma_start3A_134 = arith.constant 0 : i32
        %dma_start3A_135 = tpu.memref_slice %arg7[%dma_start3A_133, %dma_start3A_134] : memref<79x128xi32, #tpu.memory_space<vmem>> -> memref<1x128xi32, #tpu.memory_space<vmem>>
        %dma_start3A_136 = arith.constant 0 : i32
        %dma_start3A_137 = tpu.memref_slice %arg4[%add3A_132, %dma_start3A_136] : memref<2500x128xi32, #tpu.memory_space<hbm>> -> memref<1x128xi32, #tpu.memory_space<hbm>>
        %dma_start3A_138 = arith.constant 78 : i32
        %dma_start3A_139 = arith.constant 0 : i32
        %dma_start3A_140 = tpu.memref_slice %arg7[%dma_start3A_138, %dma_start3A_139] : memref<79x128xi32, #tpu.memory_space<vmem>> -> memref<1x128xi32, #tpu.memory_space<vmem>>
        %dma_start3A_141 = arith.constant 0 : i32
        %dma_start3A_142 = tpu.memref_slice %arg4[%add3A_132, %dma_start3A_141] : memref<2500x128xi32, #tpu.memory_space<hbm>> -> memref<1x128xi32, #tpu.memory_space<hbm>>
        tpu.enqueue_dma source(%dma_start3A_142 : memref<1x128xi32, #tpu.memory_space<hbm>>) target(%dma_start3A_140 : memref<1x128xi32, #tpu.memory_space<vmem>>) target_semaphore(%run_scoped3A : memref<!tpu.dma_semaphore, #tpu.memory_space<semaphore_mem>>)
        %dma_wait3A_143 = arith.constant 78 : i32
        %dma_wait3A_144 = arith.constant 0 : i32
        %dma_wait3A_145 = tpu.memref_slice %arg7[%dma_wait3A_143, %dma_wait3A_144] : memref<79x128xi32, #tpu.memory_space<vmem>> -> memref<1x128xi32, #tpu.memory_space<vmem>>
        %dma_wait3A_146 = arith.constant 0 : i32
        %dma_wait3A_147 = tpu.memref_slice %arg4[%add3A_132, %dma_wait3A_146] : memref<2500x128xi32, #tpu.memory_space<hbm>> -> memref<1x128xi32, #tpu.memory_space<hbm>>
        %dma_wait3A_148 = arith.constant 78 : i32
        %dma_wait3A_149 = arith.constant 0 : i32
        %dma_wait3A_150 = tpu.memref_slice %arg7[%dma_wait3A_148, %dma_wait3A_149] : memref<79x128xi32, #tpu.memory_space<vmem>> -> memref<1x128xi32, #tpu.memory_space<vmem>>
        %dma_wait3A_151 = arith.constant 0 : i32
        %dma_wait3A_152 = tpu.memref_slice %arg4[%add3A_132, %dma_wait3A_151] : memref<2500x128xi32, #tpu.memory_space<hbm>> -> memref<1x128xi32, #tpu.memory_space<hbm>>
        tpu.wait_dma2 semaphore(%run_scoped3A : memref<!tpu.dma_semaphore, #tpu.memory_space<semaphore_mem>>) src(%dma_wait3A_152 : memref<1x128xi32, #tpu.memory_space<hbm>>) dst(%dma_wait3A_150 : memref<1x128xi32, #tpu.memory_space<vmem>>)
        tpu.yield
      }) : () -> ()
    } else {
    }
    %barrier3A = arith.constant 0 : index
    tpu.barrier barrier_id(%barrier3A)
    %dma_start3A = arith.constant 0 : i32
    %dma_start3A_39 = arith.constant 0 : i32
    %dma_start3A_40 = arith.constant 0 : i32
    %dma_start3A_41 = arith.constant 0 : i32
    %dma_start3A_42 = tpu.memref_slice %arg8[%dma_start3A_39, %dma_start3A_40, %dma_start3A_41] : memref<6x128x16xf32, #tpu.memory_space<vmem>> -> memref<1x128x16xf32, #tpu.memory_space<vmem>>
    %dma_start3A_43 = tpu.memref_squeeze %dma_start3A_42 : memref<1x128x16xf32, #tpu.memory_space<vmem>> -> memref<128x16xf32, #tpu.memory_space<vmem>>
    %dma_start3A_44 = arith.constant 0 : i32
    %dma_start3A_45 = tpu.memref_slice %arg6[%dma_start3A, %dma_start3A_44] : memref<79x128xi32, #tpu.memory_space<vmem>> -> memref<1x128xi32, #tpu.memory_space<vmem>>
    %dma_start3A_46 = tpu.memref_squeeze %dma_start3A_45 : memref<1x128xi32, #tpu.memory_space<vmem>> -> memref<128xi32, #tpu.memory_space<vmem>>
    %dma_start3A_47 = arith.constant 0 : i32
    %dma_start3A_48 = arith.constant 0 : i32
    %dma_start3A_49 = tpu.memref_slice %arg11[%dma_start3A_47, %dma_start3A_48] : memref<10000x16xf32, #tpu.memory_space<vmem_shared>> -> memref<10000x16xf32, #tpu.memory_space<vmem_shared>>
    tpu.enqueue_indirect_dma source(%dma_start3A_49 : memref<10000x16xf32, #tpu.memory_space<vmem_shared>>) target(%dma_start3A_43 : memref<128x16xf32, #tpu.memory_space<vmem>>) offsets(%dma_start3A_46 : memref<128xi32, #tpu.memory_space<vmem>>) semaphore(%arg12 : memref<!tpu.dma_semaphore, #tpu.memory_space<semaphore_mem>>)
    %dma_start3A_50 = arith.constant 1 : i32
    %dma_start3A_51 = arith.constant 1 : i32
    %dma_start3A_52 = arith.constant 0 : i32
    %dma_start3A_53 = arith.constant 0 : i32
    %dma_start3A_54 = tpu.memref_slice %arg8[%dma_start3A_51, %dma_start3A_52, %dma_start3A_53] : memref<6x128x16xf32, #tpu.memory_space<vmem>> -> memref<1x128x16xf32, #tpu.memory_space<vmem>>
    %dma_start3A_55 = tpu.memref_squeeze %dma_start3A_54 : memref<1x128x16xf32, #tpu.memory_space<vmem>> -> memref<128x16xf32, #tpu.memory_space<vmem>>
    %dma_start3A_56 = arith.constant 0 : i32
    %dma_start3A_57 = tpu.memref_slice %arg6[%dma_start3A_50, %dma_start3A_56] : memref<79x128xi32, #tpu.memory_space<vmem>> -> memref<1x128xi32, #tpu.memory_space<vmem>>
    %dma_start3A_58 = tpu.memref_squeeze %dma_start3A_57 : memref<1x128xi32, #tpu.memory_space<vmem>> -> memref<128xi32, #tpu.memory_space<vmem>>
    %dma_start3A_59 = arith.constant 0 : i32
    %dma_start3A_60 = arith.constant 0 : i32
    %dma_start3A_61 = tpu.memref_slice %arg11[%dma_start3A_59, %dma_start3A_60] : memref<10000x16xf32, #tpu.memory_space<vmem_shared>> -> memref<10000x16xf32, #tpu.memory_space<vmem_shared>>
    tpu.enqueue_indirect_dma source(%dma_start3A_61 : memref<10000x16xf32, #tpu.memory_space<vmem_shared>>) target(%dma_start3A_55 : memref<128x16xf32, #tpu.memory_space<vmem>>) offsets(%dma_start3A_58 : memref<128xi32, #tpu.memory_space<vmem>>) semaphore(%arg13 : memref<!tpu.dma_semaphore, #tpu.memory_space<semaphore_mem>>)
    %dma_start3A_62 = arith.constant 2 : i32
    %dma_start3A_63 = arith.constant 2 : i32
    %dma_start3A_64 = arith.constant 0 : i32
    %dma_start3A_65 = arith.constant 0 : i32
    %dma_start3A_66 = tpu.memref_slice %arg8[%dma_start3A_63, %dma_start3A_64, %dma_start3A_65] : memref<6x128x16xf32, #tpu.memory_space<vmem>> -> memref<1x128x16xf32, #tpu.memory_space<vmem>>
    %dma_start3A_67 = tpu.memref_squeeze %dma_start3A_66 : memref<1x128x16xf32, #tpu.memory_space<vmem>> -> memref<128x16xf32, #tpu.memory_space<vmem>>
    %dma_start3A_68 = arith.constant 0 : i32
    %dma_start3A_69 = tpu.memref_slice %arg6[%dma_start3A_62, %dma_start3A_68] : memref<79x128xi32, #tpu.memory_space<vmem>> -> memref<1x128xi32, #tpu.memory_space<vmem>>
    %dma_start3A_70 = tpu.memref_squeeze %dma_start3A_69 : memref<1x128xi32, #tpu.memory_space<vmem>> -> memref<128xi32, #tpu.memory_space<vmem>>
    %dma_start3A_71 = arith.constant 0 : i32
    %dma_start3A_72 = arith.constant 0 : i32
    %dma_start3A_73 = tpu.memref_slice %arg11[%dma_start3A_71, %dma_start3A_72] : memref<10000x16xf32, #tpu.memory_space<vmem_shared>> -> memref<10000x16xf32, #tpu.memory_space<vmem_shared>>
    tpu.enqueue_indirect_dma source(%dma_start3A_73 : memref<10000x16xf32, #tpu.memory_space<vmem_shared>>) target(%dma_start3A_67 : memref<128x16xf32, #tpu.memory_space<vmem>>) offsets(%dma_start3A_70 : memref<128xi32, #tpu.memory_space<vmem>>) semaphore(%arg14 : memref<!tpu.dma_semaphore, #tpu.memory_space<semaphore_mem>>)
    %scan3A_74 = arith.constant 0 : i32
    %scan3A_75 = arith.constant 0 : i32
    %scan3A_76 = arith.constant 13 : i32
    %scan3A_77 = arith.addi %scan3A_75, %scan3A_76 : i32
    %scan3A_78 = arith.constant 1 : i32
    %scan3A_79 = scf.for %scan3A_131 = %scan3A_75 to %scan3A_77 step %scan3A_78 iter_args(%scan3A_132 = %scan3A_74) -> (i32)  : i32 {
      %mul3A_133 = arith.constant 6 : i32
      %mul3A_134 = arith.muli %scan3A_131, %mul3A_133 : i32
      %add3A_135 = arith.constant 0 : i32
      %add3A_136 = arith.addi %mul3A_134, %add3A_135 : i32
      %ge3A = arith.constant 3 : i32
      %ge3A_137 = arith.cmpi sge, %add3A_136, %ge3A : i32
      %convert_element_type3A_138 = arith.extui %ge3A_137 : i1 to i32
      %cond3A_139 = arith.constant 0 : i32
      %cond3A_140 = arith.cmpi ne, %convert_element_type3A_138, %cond3A_139 : i32
      scf.if %cond3A_140 {
        %dma_wait3A_367 = arith.constant 3 : i32
        %dma_wait3A_368 = arith.constant 0 : i32
        %dma_wait3A_369 = arith.constant 0 : i32
        %dma_wait3A_370 = arith.constant 0 : i32
        %dma_wait3A_371 = tpu.memref_slice %arg8[%dma_wait3A_367, %dma_wait3A_369, %dma_wait3A_370] : memref<6x128x16xf32, #tpu.memory_space<vmem>> -> memref<1x128x16xf32, #tpu.memory_space<vmem>>
        %dma_wait3A_372 = tpu.memref_squeeze %dma_wait3A_371 : memref<1x128x16xf32, #tpu.memory_space<vmem>> -> memref<128x16xf32, #tpu.memory_space<vmem>>
        %dma_wait3A_373 = arith.constant 0 : i32
        %dma_wait3A_374 = tpu.memref_slice %arg7[%dma_wait3A_368, %dma_wait3A_373] : memref<79x128xi32, #tpu.memory_space<vmem>> -> memref<1x128xi32, #tpu.memory_space<vmem>>
        %dma_wait3A_375 = tpu.memref_squeeze %dma_wait3A_374 : memref<1x128xi32, #tpu.memory_space<vmem>> -> memref<128xi32, #tpu.memory_space<vmem>>
        %dma_wait3A_376 = arith.constant 0 : i32
        %dma_wait3A_377 = arith.constant 0 : i32
        %dma_wait3A_378 = tpu.memref_slice %arg10[%dma_wait3A_376, %dma_wait3A_377] : memref<10000x16xf32, #tpu.memory_space<vmem_shared>> -> memref<10000x16xf32, #tpu.memory_space<vmem_shared>>
        tpu.wait_indirect_dma semaphore(%arg21 : memref<!tpu.dma_semaphore, #tpu.memory_space<semaphore_mem>>) src(%dma_wait3A_372 : memref<128x16xf32, #tpu.memory_space<vmem>>) dst(%dma_wait3A_378 : memref<10000x16xf32, #tpu.memory_space<vmem_shared>>)
      } else {
      }
      %add3A_141 = arith.constant 3 : i32
      %add3A_142 = arith.addi %add3A_136, %add3A_141 : i32
      %lt3A_143 = arith.constant 78 : i32
      %lt3A_144 = arith.cmpi slt, %add3A_142, %lt3A_143 : i32
      %convert_element_type3A_145 = arith.extui %lt3A_144 : i1 to i32
      %cond3A_146 = arith.constant 0 : i32
      %cond3A_147 = arith.cmpi ne, %convert_element_type3A_145, %cond3A_146 : i32
      scf.if %cond3A_147 {
        %add3A_367 = arith.constant 3 : i32
        %add3A_368 = arith.addi %add3A_136, %add3A_367 : i32
        %dma_start3A_369 = arith.constant 3 : i32
        %dma_start3A_370 = arith.constant 0 : i32
        %dma_start3A_371 = arith.constant 0 : i32
        %dma_start3A_372 = tpu.memref_slice %arg8[%dma_start3A_369, %dma_start3A_370, %dma_start3A_371] : memref<6x128x16xf32, #tpu.memory_space<vmem>> -> memref<1x128x16xf32, #tpu.memory_space<vmem>>
        %dma_start3A_373 = tpu.memref_squeeze %dma_start3A_372 : memref<1x128x16xf32, #tpu.memory_space<vmem>> -> memref<128x16xf32, #tpu.memory_space<vmem>>
        %dma_start3A_374 = arith.constant 0 : i32
        %dma_start3A_375 = tpu.memref_slice %arg6[%add3A_368, %dma_start3A_374] : memref<79x128xi32, #tpu.memory_space<vmem>> -> memref<1x128xi32, #tpu.memory_space<vmem>>
        %dma_start3A_376 = tpu.memref_squeeze %dma_start3A_375 : memref<1x128xi32, #tpu.memory_space<vmem>> -> memref<128xi32, #tpu.memory_space<vmem>>
        %dma_start3A_377 = arith.constant 0 : i32
        %dma_start3A_378 = arith.constant 0 : i32
        %dma_start3A_379 = tpu.memref_slice %arg11[%dma_start3A_377, %dma_start3A_378] : memref<10000x16xf32, #tpu.memory_space<vmem_shared>> -> memref<10000x16xf32, #tpu.memory_space<vmem_shared>>
        tpu.enqueue_indirect_dma source(%dma_start3A_379 : memref<10000x16xf32, #tpu.memory_space<vmem_shared>>) target(%dma_start3A_373 : memref<128x16xf32, #tpu.memory_space<vmem>>) offsets(%dma_start3A_376 : memref<128xi32, #tpu.memory_space<vmem>>) semaphore(%arg15 : memref<!tpu.dma_semaphore, #tpu.memory_space<semaphore_mem>>)
      } else {
      }
      %dma_wait3A_148 = arith.constant 0 : i32
      %dma_wait3A_149 = arith.constant 0 : i32
      %dma_wait3A_150 = arith.constant 0 : i32
      %dma_wait3A_151 = arith.constant 0 : i32
      %dma_wait3A_152 = tpu.memref_slice %arg8[%dma_wait3A_149, %dma_wait3A_150, %dma_wait3A_151] : memref<6x128x16xf32, #tpu.memory_space<vmem>> -> memref<1x128x16xf32, #tpu.memory_space<vmem>>
      %dma_wait3A_153 = tpu.memref_squeeze %dma_wait3A_152 : memref<1x128x16xf32, #tpu.memory_space<vmem>> -> memref<128x16xf32, #tpu.memory_space<vmem>>
      %dma_wait3A_154 = arith.constant 0 : i32
      %dma_wait3A_155 = tpu.memref_slice %arg6[%dma_wait3A_148, %dma_wait3A_154] : memref<79x128xi32, #tpu.memory_space<vmem>> -> memref<1x128xi32, #tpu.memory_space<vmem>>
      %dma_wait3A_156 = tpu.memref_squeeze %dma_wait3A_155 : memref<1x128xi32, #tpu.memory_space<vmem>> -> memref<128xi32, #tpu.memory_space<vmem>>
      %dma_wait3A_157 = arith.constant 0 : i32
      %dma_wait3A_158 = arith.constant 0 : i32
      %dma_wait3A_159 = tpu.memref_slice %arg11[%dma_wait3A_157, %dma_wait3A_158] : memref<10000x16xf32, #tpu.memory_space<vmem_shared>> -> memref<10000x16xf32, #tpu.memory_space<vmem_shared>>
      tpu.wait_indirect_dma semaphore(%arg12 : memref<!tpu.dma_semaphore, #tpu.memory_space<semaphore_mem>>) src(%dma_wait3A_159 : memref<10000x16xf32, #tpu.memory_space<vmem_shared>>) dst(%dma_wait3A_153 : memref<128x16xf32, #tpu.memory_space<vmem>>)
      %dma_start3A_160 = arith.constant 0 : i32
      %dma_start3A_161 = arith.constant 0 : i32
      %dma_start3A_162 = arith.constant 0 : i32
      %dma_start3A_163 = tpu.memref_slice %arg8[%dma_start3A_160, %dma_start3A_161, %dma_start3A_162] : memref<6x128x16xf32, #tpu.memory_space<vmem>> -> memref<1x128x16xf32, #tpu.memory_space<vmem>>
      %dma_start3A_164 = tpu.memref_squeeze %dma_start3A_163 : memref<1x128x16xf32, #tpu.memory_space<vmem>> -> memref<128x16xf32, #tpu.memory_space<vmem>>
      %dma_start3A_165 = arith.constant 0 : i32
      %dma_start3A_166 = tpu.memref_slice %arg7[%add3A_136, %dma_start3A_165] : memref<79x128xi32, #tpu.memory_space<vmem>> -> memref<1x128xi32, #tpu.memory_space<vmem>>
      %dma_start3A_167 = tpu.memref_squeeze %dma_start3A_166 : memref<1x128xi32, #tpu.memory_space<vmem>> -> memref<128xi32, #tpu.memory_space<vmem>>
      %dma_start3A_168 = arith.constant 0 : i32
      %dma_start3A_169 = arith.constant 0 : i32
      %dma_start3A_170 = tpu.memref_slice %arg10[%dma_start3A_168, %dma_start3A_169] : memref<10000x16xf32, #tpu.memory_space<vmem_shared>> -> memref<10000x16xf32, #tpu.memory_space<vmem_shared>>
      tpu.enqueue_indirect_dma source(%dma_start3A_164 : memref<128x16xf32, #tpu.memory_space<vmem>>) target(%dma_start3A_170 : memref<10000x16xf32, #tpu.memory_space<vmem_shared>>) offsets(%dma_start3A_167 : memref<128xi32, #tpu.memory_space<vmem>>) semaphore(%arg18 : memref<!tpu.dma_semaphore, #tpu.memory_space<semaphore_mem>>) {add = true}
      %mul3A_171 = arith.constant 6 : i32
      %mul3A_172 = arith.muli %scan3A_131, %mul3A_171 : i32
      %add3A_173 = arith.constant 1 : i32
      %add3A_174 = arith.addi %mul3A_172, %add3A_173 : i32
      %ge3A_175 = arith.constant 3 : i32
      %ge3A_176 = arith.cmpi sge, %add3A_174, %ge3A_175 : i32
      %convert_element_type3A_177 = arith.extui %ge3A_176 : i1 to i32
      %cond3A_178 = arith.constant 0 : i32
      %cond3A_179 = arith.cmpi ne, %convert_element_type3A_177, %cond3A_178 : i32
      scf.if %cond3A_179 {
        %dma_wait3A_367 = arith.constant 4 : i32
        %dma_wait3A_368 = arith.constant 0 : i32
        %dma_wait3A_369 = arith.constant 0 : i32
        %dma_wait3A_370 = arith.constant 0 : i32
        %dma_wait3A_371 = tpu.memref_slice %arg8[%dma_wait3A_367, %dma_wait3A_369, %dma_wait3A_370] : memref<6x128x16xf32, #tpu.memory_space<vmem>> -> memref<1x128x16xf32, #tpu.memory_space<vmem>>
        %dma_wait3A_372 = tpu.memref_squeeze %dma_wait3A_371 : memref<1x128x16xf32, #tpu.memory_space<vmem>> -> memref<128x16xf32, #tpu.memory_space<vmem>>
        %dma_wait3A_373 = arith.constant 0 : i32
        %dma_wait3A_374 = tpu.memref_slice %arg7[%dma_wait3A_368, %dma_wait3A_373] : memref<79x128xi32, #tpu.memory_space<vmem>> -> memref<1x128xi32, #tpu.memory_space<vmem>>
        %dma_wait3A_375 = tpu.memref_squeeze %dma_wait3A_374 : memref<1x128xi32, #tpu.memory_space<vmem>> -> memref<128xi32, #tpu.memory_space<vmem>>
        %dma_wait3A_376 = arith.constant 0 : i32
        %dma_wait3A_377 = arith.constant 0 : i32
        %dma_wait3A_378 = tpu.memref_slice %arg10[%dma_wait3A_376, %dma_wait3A_377] : memref<10000x16xf32, #tpu.memory_space<vmem_shared>> -> memref<10000x16xf32, #tpu.memory_space<vmem_shared>>
        tpu.wait_indirect_dma semaphore(%arg22 : memref<!tpu.dma_semaphore, #tpu.memory_space<semaphore_mem>>) src(%dma_wait3A_372 : memref<128x16xf32, #tpu.memory_space<vmem>>) dst(%dma_wait3A_378 : memref<10000x16xf32, #tpu.memory_space<vmem_shared>>)
      } else {
      }
      %add3A_180 = arith.constant 3 : i32
      %add3A_181 = arith.addi %add3A_174, %add3A_180 : i32
      %lt3A_182 = arith.constant 78 : i32
      %lt3A_183 = arith.cmpi slt, %add3A_181, %lt3A_182 : i32
      %convert_element_type3A_184 = arith.extui %lt3A_183 : i1 to i32
      %cond3A_185 = arith.constant 0 : i32
      %cond3A_186 = arith.cmpi ne, %convert_element_type3A_184, %cond3A_185 : i32
      scf.if %cond3A_186 {
        %add3A_367 = arith.constant 3 : i32
        %add3A_368 = arith.addi %add3A_174, %add3A_367 : i32
        %dma_start3A_369 = arith.constant 4 : i32
        %dma_start3A_370 = arith.constant 0 : i32
        %dma_start3A_371 = arith.constant 0 : i32
        %dma_start3A_372 = tpu.memref_slice %arg8[%dma_start3A_369, %dma_start3A_370, %dma_start3A_371] : memref<6x128x16xf32, #tpu.memory_space<vmem>> -> memref<1x128x16xf32, #tpu.memory_space<vmem>>
        %dma_start3A_373 = tpu.memref_squeeze %dma_start3A_372 : memref<1x128x16xf32, #tpu.memory_space<vmem>> -> memref<128x16xf32, #tpu.memory_space<vmem>>
        %dma_start3A_374 = arith.constant 0 : i32
        %dma_start3A_375 = tpu.memref_slice %arg6[%add3A_368, %dma_start3A_374] : memref<79x128xi32, #tpu.memory_space<vmem>> -> memref<1x128xi32, #tpu.memory_space<vmem>>
        %dma_start3A_376 = tpu.memref_squeeze %dma_start3A_375 : memref<1x128xi32, #tpu.memory_space<vmem>> -> memref<128xi32, #tpu.memory_space<vmem>>
        %dma_start3A_377 = arith.constant 0 : i32
        %dma_start3A_378 = arith.constant 0 : i32
        %dma_start3A_379 = tpu.memref_slice %arg11[%dma_start3A_377, %dma_start3A_378] : memref<10000x16xf32, #tpu.memory_space<vmem_shared>> -> memref<10000x16xf32, #tpu.memory_space<vmem_shared>>
        tpu.enqueue_indirect_dma source(%dma_start3A_379 : memref<10000x16xf32, #tpu.memory_space<vmem_shared>>) target(%dma_start3A_373 : memref<128x16xf32, #tpu.memory_space<vmem>>) offsets(%dma_start3A_376 : memref<128xi32, #tpu.memory_space<vmem>>) semaphore(%arg16 : memref<!tpu.dma_semaphore, #tpu.memory_space<semaphore_mem>>)
      } else {
      }
      %dma_wait3A_187 = arith.constant 0 : i32
      %dma_wait3A_188 = arith.constant 1 : i32
      %dma_wait3A_189 = arith.constant 0 : i32
      %dma_wait3A_190 = arith.constant 0 : i32
      %dma_wait3A_191 = tpu.memref_slice %arg8[%dma_wait3A_188, %dma_wait3A_189, %dma_wait3A_190] : memref<6x128x16xf32, #tpu.memory_space<vmem>> -> memref<1x128x16xf32, #tpu.memory_space<vmem>>
      %dma_wait3A_192 = tpu.memref_squeeze %dma_wait3A_191 : memref<1x128x16xf32, #tpu.memory_space<vmem>> -> memref<128x16xf32, #tpu.memory_space<vmem>>
      %dma_wait3A_193 = arith.constant 0 : i32
      %dma_wait3A_194 = tpu.memref_slice %arg6[%dma_wait3A_187, %dma_wait3A_193] : memref<79x128xi32, #tpu.memory_space<vmem>> -> memref<1x128xi32, #tpu.memory_space<vmem>>
      %dma_wait3A_195 = tpu.memref_squeeze %dma_wait3A_194 : memref<1x128xi32, #tpu.memory_space<vmem>> -> memref<128xi32, #tpu.memory_space<vmem>>
      %dma_wait3A_196 = arith.constant 0 : i32
      %dma_wait3A_197 = arith.constant 0 : i32
      %dma_wait3A_198 = tpu.memref_slice %arg11[%dma_wait3A_196, %dma_wait3A_197] : memref<10000x16xf32, #tpu.memory_space<vmem_shared>> -> memref<10000x16xf32, #tpu.memory_space<vmem_shared>>
      tpu.wait_indirect_dma semaphore(%arg13 : memref<!tpu.dma_semaphore, #tpu.memory_space<semaphore_mem>>) src(%dma_wait3A_198 : memref<10000x16xf32, #tpu.memory_space<vmem_shared>>) dst(%dma_wait3A_192 : memref<128x16xf32, #tpu.memory_space<vmem>>)
      %dma_start3A_199 = arith.constant 1 : i32
      %dma_start3A_200 = arith.constant 0 : i32
      %dma_start3A_201 = arith.constant 0 : i32
      %dma_start3A_202 = tpu.memref_slice %arg8[%dma_start3A_199, %dma_start3A_200, %dma_start3A_201] : memref<6x128x16xf32, #tpu.memory_space<vmem>> -> memref<1x128x16xf32, #tpu.memory_space<vmem>>
      %dma_start3A_203 = tpu.memref_squeeze %dma_start3A_202 : memref<1x128x16xf32, #tpu.memory_space<vmem>> -> memref<128x16xf32, #tpu.memory_space<vmem>>
      %dma_start3A_204 = arith.constant 0 : i32
      %dma_start3A_205 = tpu.memref_slice %arg7[%add3A_174, %dma_start3A_204] : memref<79x128xi32, #tpu.memory_space<vmem>> -> memref<1x128xi32, #tpu.memory_space<vmem>>
      %dma_start3A_206 = tpu.memref_squeeze %dma_start3A_205 : memref<1x128xi32, #tpu.memory_space<vmem>> -> memref<128xi32, #tpu.memory_space<vmem>>
      %dma_start3A_207 = arith.constant 0 : i32
      %dma_start3A_208 = arith.constant 0 : i32
      %dma_start3A_209 = tpu.memref_slice %arg10[%dma_start3A_207, %dma_start3A_208] : memref<10000x16xf32, #tpu.memory_space<vmem_shared>> -> memref<10000x16xf32, #tpu.memory_space<vmem_shared>>
      tpu.enqueue_indirect_dma source(%dma_start3A_203 : memref<128x16xf32, #tpu.memory_space<vmem>>) target(%dma_start3A_209 : memref<10000x16xf32, #tpu.memory_space<vmem_shared>>) offsets(%dma_start3A_206 : memref<128xi32, #tpu.memory_space<vmem>>) semaphore(%arg19 : memref<!tpu.dma_semaphore, #tpu.memory_space<semaphore_mem>>) {add = true}
      %mul3A_210 = arith.constant 6 : i32
      %mul3A_211 = arith.muli %scan3A_131, %mul3A_210 : i32
      %add3A_212 = arith.constant 2 : i32
      %add3A_213 = arith.addi %mul3A_211, %add3A_212 : i32
      %ge3A_214 = arith.constant 3 : i32
      %ge3A_215 = arith.cmpi sge, %add3A_213, %ge3A_214 : i32
      %convert_element_type3A_216 = arith.extui %ge3A_215 : i1 to i32
      %cond3A_217 = arith.constant 0 : i32
      %cond3A_218 = arith.cmpi ne, %convert_element_type3A_216, %cond3A_217 : i32
      scf.if %cond3A_218 {
        %dma_wait3A_367 = arith.constant 5 : i32
        %dma_wait3A_368 = arith.constant 0 : i32
        %dma_wait3A_369 = arith.constant 0 : i32
        %dma_wait3A_370 = arith.constant 0 : i32
        %dma_wait3A_371 = tpu.memref_slice %arg8[%dma_wait3A_367, %dma_wait3A_369, %dma_wait3A_370] : memref<6x128x16xf32, #tpu.memory_space<vmem>> -> memref<1x128x16xf32, #tpu.memory_space<vmem>>
        %dma_wait3A_372 = tpu.memref_squeeze %dma_wait3A_371 : memref<1x128x16xf32, #tpu.memory_space<vmem>> -> memref<128x16xf32, #tpu.memory_space<vmem>>
        %dma_wait3A_373 = arith.constant 0 : i32
        %dma_wait3A_374 = tpu.memref_slice %arg7[%dma_wait3A_368, %dma_wait3A_373] : memref<79x128xi32, #tpu.memory_space<vmem>> -> memref<1x128xi32, #tpu.memory_space<vmem>>
        %dma_wait3A_375 = tpu.memref_squeeze %dma_wait3A_374 : memref<1x128xi32, #tpu.memory_space<vmem>> -> memref<128xi32, #tpu.memory_space<vmem>>
        %dma_wait3A_376 = arith.constant 0 : i32
        %dma_wait3A_377 = arith.constant 0 : i32
        %dma_wait3A_378 = tpu.memref_slice %arg10[%dma_wait3A_376, %dma_wait3A_377] : memref<10000x16xf32, #tpu.memory_space<vmem_shared>> -> memref<10000x16xf32, #tpu.memory_space<vmem_shared>>
        tpu.wait_indirect_dma semaphore(%arg23 : memref<!tpu.dma_semaphore, #tpu.memory_space<semaphore_mem>>) src(%dma_wait3A_372 : memref<128x16xf32, #tpu.memory_space<vmem>>) dst(%dma_wait3A_378 : memref<10000x16xf32, #tpu.memory_space<vmem_shared>>)
      } else {
      }
      %add3A_219 = arith.constant 3 : i32
      %add3A_220 = arith.addi %add3A_213, %add3A_219 : i32
      %lt3A_221 = arith.constant 78 : i32
      %lt3A_222 = arith.cmpi slt, %add3A_220, %lt3A_221 : i32
      %convert_element_type3A_223 = arith.extui %lt3A_222 : i1 to i32
      %cond3A_224 = arith.constant 0 : i32
      %cond3A_225 = arith.cmpi ne, %convert_element_type3A_223, %cond3A_224 : i32
      scf.if %cond3A_225 {
        %add3A_367 = arith.constant 3 : i32
        %add3A_368 = arith.addi %add3A_213, %add3A_367 : i32
        %dma_start3A_369 = arith.constant 5 : i32
        %dma_start3A_370 = arith.constant 0 : i32
        %dma_start3A_371 = arith.constant 0 : i32
        %dma_start3A_372 = tpu.memref_slice %arg8[%dma_start3A_369, %dma_start3A_370, %dma_start3A_371] : memref<6x128x16xf32, #tpu.memory_space<vmem>> -> memref<1x128x16xf32, #tpu.memory_space<vmem>>
        %dma_start3A_373 = tpu.memref_squeeze %dma_start3A_372 : memref<1x128x16xf32, #tpu.memory_space<vmem>> -> memref<128x16xf32, #tpu.memory_space<vmem>>
        %dma_start3A_374 = arith.constant 0 : i32
        %dma_start3A_375 = tpu.memref_slice %arg6[%add3A_368, %dma_start3A_374] : memref<79x128xi32, #tpu.memory_space<vmem>> -> memref<1x128xi32, #tpu.memory_space<vmem>>
        %dma_start3A_376 = tpu.memref_squeeze %dma_start3A_375 : memref<1x128xi32, #tpu.memory_space<vmem>> -> memref<128xi32, #tpu.memory_space<vmem>>
        %dma_start3A_377 = arith.constant 0 : i32
        %dma_start3A_378 = arith.constant 0 : i32
        %dma_start3A_379 = tpu.memref_slice %arg11[%dma_start3A_377, %dma_start3A_378] : memref<10000x16xf32, #tpu.memory_space<vmem_shared>> -> memref<10000x16xf32, #tpu.memory_space<vmem_shared>>
        tpu.enqueue_indirect_dma source(%dma_start3A_379 : memref<10000x16xf32, #tpu.memory_space<vmem_shared>>) target(%dma_start3A_373 : memref<128x16xf32, #tpu.memory_space<vmem>>) offsets(%dma_start3A_376 : memref<128xi32, #tpu.memory_space<vmem>>) semaphore(%arg17 : memref<!tpu.dma_semaphore, #tpu.memory_space<semaphore_mem>>)
      } else {
      }
      %dma_wait3A_226 = arith.constant 0 : i32
      %dma_wait3A_227 = arith.constant 2 : i32
      %dma_wait3A_228 = arith.constant 0 : i32
      %dma_wait3A_229 = arith.constant 0 : i32
      %dma_wait3A_230 = tpu.memref_slice %arg8[%dma_wait3A_227, %dma_wait3A_228, %dma_wait3A_229] : memref<6x128x16xf32, #tpu.memory_space<vmem>> -> memref<1x128x16xf32, #tpu.memory_space<vmem>>
      %dma_wait3A_231 = tpu.memref_squeeze %dma_wait3A_230 : memref<1x128x16xf32, #tpu.memory_space<vmem>> -> memref<128x16xf32, #tpu.memory_space<vmem>>
      %dma_wait3A_232 = arith.constant 0 : i32
      %dma_wait3A_233 = tpu.memref_slice %arg6[%dma_wait3A_226, %dma_wait3A_232] : memref<79x128xi32, #tpu.memory_space<vmem>> -> memref<1x128xi32, #tpu.memory_space<vmem>>
      %dma_wait3A_234 = tpu.memref_squeeze %dma_wait3A_233 : memref<1x128xi32, #tpu.memory_space<vmem>> -> memref<128xi32, #tpu.memory_space<vmem>>
      %dma_wait3A_235 = arith.constant 0 : i32
      %dma_wait3A_236 = arith.constant 0 : i32
      %dma_wait3A_237 = tpu.memref_slice %arg11[%dma_wait3A_235, %dma_wait3A_236] : memref<10000x16xf32, #tpu.memory_space<vmem_shared>> -> memref<10000x16xf32, #tpu.memory_space<vmem_shared>>
      tpu.wait_indirect_dma semaphore(%arg14 : memref<!tpu.dma_semaphore, #tpu.memory_space<semaphore_mem>>) src(%dma_wait3A_237 : memref<10000x16xf32, #tpu.memory_space<vmem_shared>>) dst(%dma_wait3A_231 : memref<128x16xf32, #tpu.memory_space<vmem>>)
      %dma_start3A_238 = arith.constant 2 : i32
      %dma_start3A_239 = arith.constant 0 : i32
      %dma_start3A_240 = arith.constant 0 : i32
      %dma_start3A_241 = tpu.memref_slice %arg8[%dma_start3A_238, %dma_start3A_239, %dma_start3A_240] : memref<6x128x16xf32, #tpu.memory_space<vmem>> -> memref<1x128x16xf32, #tpu.memory_space<vmem>>
      %dma_start3A_242 = tpu.memref_squeeze %dma_start3A_241 : memref<1x128x16xf32, #tpu.memory_space<vmem>> -> memref<128x16xf32, #tpu.memory_space<vmem>>
      %dma_start3A_243 = arith.constant 0 : i32
      %dma_start3A_244 = tpu.memref_slice %arg7[%add3A_213, %dma_start3A_243] : memref<79x128xi32, #tpu.memory_space<vmem>> -> memref<1x128xi32, #tpu.memory_space<vmem>>
      %dma_start3A_245 = tpu.memref_squeeze %dma_start3A_244 : memref<1x128xi32, #tpu.memory_space<vmem>> -> memref<128xi32, #tpu.memory_space<vmem>>
      %dma_start3A_246 = arith.constant 0 : i32
      %dma_start3A_247 = arith.constant 0 : i32
      %dma_start3A_248 = tpu.memref_slice %arg10[%dma_start3A_246, %dma_start3A_247] : memref<10000x16xf32, #tpu.memory_space<vmem_shared>> -> memref<10000x16xf32, #tpu.memory_space<vmem_shared>>
      tpu.enqueue_indirect_dma source(%dma_start3A_242 : memref<128x16xf32, #tpu.memory_space<vmem>>) target(%dma_start3A_248 : memref<10000x16xf32, #tpu.memory_space<vmem_shared>>) offsets(%dma_start3A_245 : memref<128xi32, #tpu.memory_space<vmem>>) semaphore(%arg20 : memref<!tpu.dma_semaphore, #tpu.memory_space<semaphore_mem>>) {add = true}
      %mul3A_249 = arith.constant 6 : i32
      %mul3A_250 = arith.muli %scan3A_131, %mul3A_249 : i32
      %add3A_251 = arith.constant 3 : i32
      %add3A_252 = arith.addi %mul3A_250, %add3A_251 : i32
      %ge3A_253 = arith.constant 3 : i32
      %ge3A_254 = arith.cmpi sge, %add3A_252, %ge3A_253 : i32
      %convert_element_type3A_255 = arith.extui %ge3A_254 : i1 to i32
      %cond3A_256 = arith.constant 0 : i32
      %cond3A_257 = arith.cmpi ne, %convert_element_type3A_255, %cond3A_256 : i32
      scf.if %cond3A_257 {
        %dma_wait3A_367 = arith.constant 0 : i32
        %dma_wait3A_368 = arith.constant 0 : i32
        %dma_wait3A_369 = arith.constant 0 : i32
        %dma_wait3A_370 = arith.constant 0 : i32
        %dma_wait3A_371 = tpu.memref_slice %arg8[%dma_wait3A_367, %dma_wait3A_369, %dma_wait3A_370] : memref<6x128x16xf32, #tpu.memory_space<vmem>> -> memref<1x128x16xf32, #tpu.memory_space<vmem>>
        %dma_wait3A_372 = tpu.memref_squeeze %dma_wait3A_371 : memref<1x128x16xf32, #tpu.memory_space<vmem>> -> memref<128x16xf32, #tpu.memory_space<vmem>>
        %dma_wait3A_373 = arith.constant 0 : i32
        %dma_wait3A_374 = tpu.memref_slice %arg7[%dma_wait3A_368, %dma_wait3A_373] : memref<79x128xi32, #tpu.memory_space<vmem>> -> memref<1x128xi32, #tpu.memory_space<vmem>>
        %dma_wait3A_375 = tpu.memref_squeeze %dma_wait3A_374 : memref<1x128xi32, #tpu.memory_space<vmem>> -> memref<128xi32, #tpu.memory_space<vmem>>
        %dma_wait3A_376 = arith.constant 0 : i32
        %dma_wait3A_377 = arith.constant 0 : i32
        %dma_wait3A_378 = tpu.memref_slice %arg10[%dma_wait3A_376, %dma_wait3A_377] : memref<10000x16xf32, #tpu.memory_space<vmem_shared>> -> memref<10000x16xf32, #tpu.memory_space<vmem_shared>>
        tpu.wait_indirect_dma semaphore(%arg18 : memref<!tpu.dma_semaphore, #tpu.memory_space<semaphore_mem>>) src(%dma_wait3A_372 : memref<128x16xf32, #tpu.memory_space<vmem>>) dst(%dma_wait3A_378 : memref<10000x16xf32, #tpu.memory_space<vmem_shared>>)
      } else {
      }
      %add3A_258 = arith.constant 3 : i32
      %add3A_259 = arith.addi %add3A_252, %add3A_258 : i32
      %lt3A_260 = arith.constant 78 : i32
      %lt3A_261 = arith.cmpi slt, %add3A_259, %lt3A_260 : i32
      %convert_element_type3A_262 = arith.extui %lt3A_261 : i1 to i32
      %cond3A_263 = arith.constant 0 : i32
      %cond3A_264 = arith.cmpi ne, %convert_element_type3A_262, %cond3A_263 : i32
      scf.if %cond3A_264 {
        %add3A_367 = arith.constant 3 : i32
        %add3A_368 = arith.addi %add3A_252, %add3A_367 : i32
        %dma_start3A_369 = arith.constant 0 : i32
        %dma_start3A_370 = arith.constant 0 : i32
        %dma_start3A_371 = arith.constant 0 : i32
        %dma_start3A_372 = tpu.memref_slice %arg8[%dma_start3A_369, %dma_start3A_370, %dma_start3A_371] : memref<6x128x16xf32, #tpu.memory_space<vmem>> -> memref<1x128x16xf32, #tpu.memory_space<vmem>>
        %dma_start3A_373 = tpu.memref_squeeze %dma_start3A_372 : memref<1x128x16xf32, #tpu.memory_space<vmem>> -> memref<128x16xf32, #tpu.memory_space<vmem>>
        %dma_start3A_374 = arith.constant 0 : i32
        %dma_start3A_375 = tpu.memref_slice %arg6[%add3A_368, %dma_start3A_374] : memref<79x128xi32, #tpu.memory_space<vmem>> -> memref<1x128xi32, #tpu.memory_space<vmem>>
        %dma_start3A_376 = tpu.memref_squeeze %dma_start3A_375 : memref<1x128xi32, #tpu.memory_space<vmem>> -> memref<128xi32, #tpu.memory_space<vmem>>
        %dma_start3A_377 = arith.constant 0 : i32
        %dma_start3A_378 = arith.constant 0 : i32
        %dma_start3A_379 = tpu.memref_slice %arg11[%dma_start3A_377, %dma_start3A_378] : memref<10000x16xf32, #tpu.memory_space<vmem_shared>> -> memref<10000x16xf32, #tpu.memory_space<vmem_shared>>
        tpu.enqueue_indirect_dma source(%dma_start3A_379 : memref<10000x16xf32, #tpu.memory_space<vmem_shared>>) target(%dma_start3A_373 : memref<128x16xf32, #tpu.memory_space<vmem>>) offsets(%dma_start3A_376 : memref<128xi32, #tpu.memory_space<vmem>>) semaphore(%arg12 : memref<!tpu.dma_semaphore, #tpu.memory_space<semaphore_mem>>)
      } else {
      }
      %dma_wait3A_265 = arith.constant 0 : i32
      %dma_wait3A_266 = arith.constant 3 : i32
      %dma_wait3A_267 = arith.constant 0 : i32
      %dma_wait3A_268 = arith.constant 0 : i32
      %dma_wait3A_269 = tpu.memref_slice %arg8[%dma_wait3A_266, %dma_wait3A_267, %dma_wait3A_268] : memref<6x128x16xf32, #tpu.memory_space<vmem>> -> memref<1x128x16xf32, #tpu.memory_space<vmem>>
      %dma_wait3A_270 = tpu.memref_squeeze %dma_wait3A_269 : memref<1x128x16xf32, #tpu.memory_space<vmem>> -> memref<128x16xf32, #tpu.memory_space<vmem>>
      %dma_wait3A_271 = arith.constant 0 : i32
      %dma_wait3A_272 = tpu.memref_slice %arg6[%dma_wait3A_265, %dma_wait3A_271] : memref<79x128xi32, #tpu.memory_space<vmem>> -> memref<1x128xi32, #tpu.memory_space<vmem>>
      %dma_wait3A_273 = tpu.memref_squeeze %dma_wait3A_272 : memref<1x128xi32, #tpu.memory_space<vmem>> -> memref<128xi32, #tpu.memory_space<vmem>>
      %dma_wait3A_274 = arith.constant 0 : i32
      %dma_wait3A_275 = arith.constant 0 : i32
      %dma_wait3A_276 = tpu.memref_slice %arg11[%dma_wait3A_274, %dma_wait3A_275] : memref<10000x16xf32, #tpu.memory_space<vmem_shared>> -> memref<10000x16xf32, #tpu.memory_space<vmem_shared>>
      tpu.wait_indirect_dma semaphore(%arg15 : memref<!tpu.dma_semaphore, #tpu.memory_space<semaphore_mem>>) src(%dma_wait3A_276 : memref<10000x16xf32, #tpu.memory_space<vmem_shared>>) dst(%dma_wait3A_270 : memref<128x16xf32, #tpu.memory_space<vmem>>)
      %dma_start3A_277 = arith.constant 3 : i32
      %dma_start3A_278 = arith.constant 0 : i32
      %dma_start3A_279 = arith.constant 0 : i32
      %dma_start3A_280 = tpu.memref_slice %arg8[%dma_start3A_277, %dma_start3A_278, %dma_start3A_279] : memref<6x128x16xf32, #tpu.memory_space<vmem>> -> memref<1x128x16xf32, #tpu.memory_space<vmem>>
      %dma_start3A_281 = tpu.memref_squeeze %dma_start3A_280 : memref<1x128x16xf32, #tpu.memory_space<vmem>> -> memref<128x16xf32, #tpu.memory_space<vmem>>
      %dma_start3A_282 = arith.constant 0 : i32
      %dma_start3A_283 = tpu.memref_slice %arg7[%add3A_252, %dma_start3A_282] : memref<79x128xi32, #tpu.memory_space<vmem>> -> memref<1x128xi32, #tpu.memory_space<vmem>>
      %dma_start3A_284 = tpu.memref_squeeze %dma_start3A_283 : memref<1x128xi32, #tpu.memory_space<vmem>> -> memref<128xi32, #tpu.memory_space<vmem>>
      %dma_start3A_285 = arith.constant 0 : i32
      %dma_start3A_286 = arith.constant 0 : i32
      %dma_start3A_287 = tpu.memref_slice %arg10[%dma_start3A_285, %dma_start3A_286] : memref<10000x16xf32, #tpu.memory_space<vmem_shared>> -> memref<10000x16xf32, #tpu.memory_space<vmem_shared>>
      tpu.enqueue_indirect_dma source(%dma_start3A_281 : memref<128x16xf32, #tpu.memory_space<vmem>>) target(%dma_start3A_287 : memref<10000x16xf32, #tpu.memory_space<vmem_shared>>) offsets(%dma_start3A_284 : memref<128xi32, #tpu.memory_space<vmem>>) semaphore(%arg21 : memref<!tpu.dma_semaphore, #tpu.memory_space<semaphore_mem>>) {add = true}
      %mul3A_288 = arith.constant 6 : i32
      %mul3A_289 = arith.muli %scan3A_131, %mul3A_288 : i32
      %add3A_290 = arith.constant 4 : i32
      %add3A_291 = arith.addi %mul3A_289, %add3A_290 : i32
      %ge3A_292 = arith.constant 3 : i32
      %ge3A_293 = arith.cmpi sge, %add3A_291, %ge3A_292 : i32
      %convert_element_type3A_294 = arith.extui %ge3A_293 : i1 to i32
      %cond3A_295 = arith.constant 0 : i32
      %cond3A_296 = arith.cmpi ne, %convert_element_type3A_294, %cond3A_295 : i32
      scf.if %cond3A_296 {
        %dma_wait3A_367 = arith.constant 1 : i32
        %dma_wait3A_368 = arith.constant 0 : i32
        %dma_wait3A_369 = arith.constant 0 : i32
        %dma_wait3A_370 = arith.constant 0 : i32
        %dma_wait3A_371 = tpu.memref_slice %arg8[%dma_wait3A_367, %dma_wait3A_369, %dma_wait3A_370] : memref<6x128x16xf32, #tpu.memory_space<vmem>> -> memref<1x128x16xf32, #tpu.memory_space<vmem>>
        %dma_wait3A_372 = tpu.memref_squeeze %dma_wait3A_371 : memref<1x128x16xf32, #tpu.memory_space<vmem>> -> memref<128x16xf32, #tpu.memory_space<vmem>>
        %dma_wait3A_373 = arith.constant 0 : i32
        %dma_wait3A_374 = tpu.memref_slice %arg7[%dma_wait3A_368, %dma_wait3A_373] : memref<79x128xi32, #tpu.memory_space<vmem>> -> memref<1x128xi32, #tpu.memory_space<vmem>>
        %dma_wait3A_375 = tpu.memref_squeeze %dma_wait3A_374 : memref<1x128xi32, #tpu.memory_space<vmem>> -> memref<128xi32, #tpu.memory_space<vmem>>
        %dma_wait3A_376 = arith.constant 0 : i32
        %dma_wait3A_377 = arith.constant 0 : i32
        %dma_wait3A_378 = tpu.memref_slice %arg10[%dma_wait3A_376, %dma_wait3A_377] : memref<10000x16xf32, #tpu.memory_space<vmem_shared>> -> memref<10000x16xf32, #tpu.memory_space<vmem_shared>>
        tpu.wait_indirect_dma semaphore(%arg19 : memref<!tpu.dma_semaphore, #tpu.memory_space<semaphore_mem>>) src(%dma_wait3A_372 : memref<128x16xf32, #tpu.memory_space<vmem>>) dst(%dma_wait3A_378 : memref<10000x16xf32, #tpu.memory_space<vmem_shared>>)
      } else {
      }
      %add3A_297 = arith.constant 3 : i32
      %add3A_298 = arith.addi %add3A_291, %add3A_297 : i32
      %lt3A_299 = arith.constant 78 : i32
      %lt3A_300 = arith.cmpi slt, %add3A_298, %lt3A_299 : i32
      %convert_element_type3A_301 = arith.extui %lt3A_300 : i1 to i32
      %cond3A_302 = arith.constant 0 : i32
      %cond3A_303 = arith.cmpi ne, %convert_element_type3A_301, %cond3A_302 : i32
      scf.if %cond3A_303 {
        %add3A_367 = arith.constant 3 : i32
        %add3A_368 = arith.addi %add3A_291, %add3A_367 : i32
        %dma_start3A_369 = arith.constant 1 : i32
        %dma_start3A_370 = arith.constant 0 : i32
        %dma_start3A_371 = arith.constant 0 : i32
        %dma_start3A_372 = tpu.memref_slice %arg8[%dma_start3A_369, %dma_start3A_370, %dma_start3A_371] : memref<6x128x16xf32, #tpu.memory_space<vmem>> -> memref<1x128x16xf32, #tpu.memory_space<vmem>>
        %dma_start3A_373 = tpu.memref_squeeze %dma_start3A_372 : memref<1x128x16xf32, #tpu.memory_space<vmem>> -> memref<128x16xf32, #tpu.memory_space<vmem>>
        %dma_start3A_374 = arith.constant 0 : i32
        %dma_start3A_375 = tpu.memref_slice %arg6[%add3A_368, %dma_start3A_374] : memref<79x128xi32, #tpu.memory_space<vmem>> -> memref<1x128xi32, #tpu.memory_space<vmem>>
        %dma_start3A_376 = tpu.memref_squeeze %dma_start3A_375 : memref<1x128xi32, #tpu.memory_space<vmem>> -> memref<128xi32, #tpu.memory_space<vmem>>
        %dma_start3A_377 = arith.constant 0 : i32
        %dma_start3A_378 = arith.constant 0 : i32
        %dma_start3A_379 = tpu.memref_slice %arg11[%dma_start3A_377, %dma_start3A_378] : memref<10000x16xf32, #tpu.memory_space<vmem_shared>> -> memref<10000x16xf32, #tpu.memory_space<vmem_shared>>
        tpu.enqueue_indirect_dma source(%dma_start3A_379 : memref<10000x16xf32, #tpu.memory_space<vmem_shared>>) target(%dma_start3A_373 : memref<128x16xf32, #tpu.memory_space<vmem>>) offsets(%dma_start3A_376 : memref<128xi32, #tpu.memory_space<vmem>>) semaphore(%arg13 : memref<!tpu.dma_semaphore, #tpu.memory_space<semaphore_mem>>)
      } else {
      }
      %dma_wait3A_304 = arith.constant 0 : i32
      %dma_wait3A_305 = arith.constant 4 : i32
      %dma_wait3A_306 = arith.constant 0 : i32
      %dma_wait3A_307 = arith.constant 0 : i32
      %dma_wait3A_308 = tpu.memref_slice %arg8[%dma_wait3A_305, %dma_wait3A_306, %dma_wait3A_307] : memref<6x128x16xf32, #tpu.memory_space<vmem>> -> memref<1x128x16xf32, #tpu.memory_space<vmem>>
      %dma_wait3A_309 = tpu.memref_squeeze %dma_wait3A_308 : memref<1x128x16xf32, #tpu.memory_space<vmem>> -> memref<128x16xf32, #tpu.memory_space<vmem>>
      %dma_wait3A_310 = arith.constant 0 : i32
      %dma_wait3A_311 = tpu.memref_slice %arg6[%dma_wait3A_304, %dma_wait3A_310] : memref<79x128xi32, #tpu.memory_space<vmem>> -> memref<1x128xi32, #tpu.memory_space<vmem>>
      %dma_wait3A_312 = tpu.memref_squeeze %dma_wait3A_311 : memref<1x128xi32, #tpu.memory_space<vmem>> -> memref<128xi32, #tpu.memory_space<vmem>>
      %dma_wait3A_313 = arith.constant 0 : i32
      %dma_wait3A_314 = arith.constant 0 : i32
      %dma_wait3A_315 = tpu.memref_slice %arg11[%dma_wait3A_313, %dma_wait3A_314] : memref<10000x16xf32, #tpu.memory_space<vmem_shared>> -> memref<10000x16xf32, #tpu.memory_space<vmem_shared>>
      tpu.wait_indirect_dma semaphore(%arg16 : memref<!tpu.dma_semaphore, #tpu.memory_space<semaphore_mem>>) src(%dma_wait3A_315 : memref<10000x16xf32, #tpu.memory_space<vmem_shared>>) dst(%dma_wait3A_309 : memref<128x16xf32, #tpu.memory_space<vmem>>)
      %dma_start3A_316 = arith.constant 4 : i32
      %dma_start3A_317 = arith.constant 0 : i32
      %dma_start3A_318 = arith.constant 0 : i32
      %dma_start3A_319 = tpu.memref_slice %arg8[%dma_start3A_316, %dma_start3A_317, %dma_start3A_318] : memref<6x128x16xf32, #tpu.memory_space<vmem>> -> memref<1x128x16xf32, #tpu.memory_space<vmem>>
      %dma_start3A_320 = tpu.memref_squeeze %dma_start3A_319 : memref<1x128x16xf32, #tpu.memory_space<vmem>> -> memref<128x16xf32, #tpu.memory_space<vmem>>
      %dma_start3A_321 = arith.constant 0 : i32
      %dma_start3A_322 = tpu.memref_slice %arg7[%add3A_291, %dma_start3A_321] : memref<79x128xi32, #tpu.memory_space<vmem>> -> memref<1x128xi32, #tpu.memory_space<vmem>>
      %dma_start3A_323 = tpu.memref_squeeze %dma_start3A_322 : memref<1x128xi32, #tpu.memory_space<vmem>> -> memref<128xi32, #tpu.memory_space<vmem>>
      %dma_start3A_324 = arith.constant 0 : i32
      %dma_start3A_325 = arith.constant 0 : i32
      %dma_start3A_326 = tpu.memref_slice %arg10[%dma_start3A_324, %dma_start3A_325] : memref<10000x16xf32, #tpu.memory_space<vmem_shared>> -> memref<10000x16xf32, #tpu.memory_space<vmem_shared>>
      tpu.enqueue_indirect_dma source(%dma_start3A_320 : memref<128x16xf32, #tpu.memory_space<vmem>>) target(%dma_start3A_326 : memref<10000x16xf32, #tpu.memory_space<vmem_shared>>) offsets(%dma_start3A_323 : memref<128xi32, #tpu.memory_space<vmem>>) semaphore(%arg22 : memref<!tpu.dma_semaphore, #tpu.memory_space<semaphore_mem>>) {add = true}
      %mul3A_327 = arith.constant 6 : i32
      %mul3A_328 = arith.muli %scan3A_131, %mul3A_327 : i32
      %add3A_329 = arith.constant 5 : i32
      %add3A_330 = arith.addi %mul3A_328, %add3A_329 : i32
      %ge3A_331 = arith.constant 3 : i32
      %ge3A_332 = arith.cmpi sge, %add3A_330, %ge3A_331 : i32
      %convert_element_type3A_333 = arith.extui %ge3A_332 : i1 to i32
      %cond3A_334 = arith.constant 0 : i32
      %cond3A_335 = arith.cmpi ne, %convert_element_type3A_333, %cond3A_334 : i32
      scf.if %cond3A_335 {
        %dma_wait3A_367 = arith.constant 2 : i32
        %dma_wait3A_368 = arith.constant 0 : i32
        %dma_wait3A_369 = arith.constant 0 : i32
        %dma_wait3A_370 = arith.constant 0 : i32
        %dma_wait3A_371 = tpu.memref_slice %arg8[%dma_wait3A_367, %dma_wait3A_369, %dma_wait3A_370] : memref<6x128x16xf32, #tpu.memory_space<vmem>> -> memref<1x128x16xf32, #tpu.memory_space<vmem>>
        %dma_wait3A_372 = tpu.memref_squeeze %dma_wait3A_371 : memref<1x128x16xf32, #tpu.memory_space<vmem>> -> memref<128x16xf32, #tpu.memory_space<vmem>>
        %dma_wait3A_373 = arith.constant 0 : i32
        %dma_wait3A_374 = tpu.memref_slice %arg7[%dma_wait3A_368, %dma_wait3A_373] : memref<79x128xi32, #tpu.memory_space<vmem>> -> memref<1x128xi32, #tpu.memory_space<vmem>>
        %dma_wait3A_375 = tpu.memref_squeeze %dma_wait3A_374 : memref<1x128xi32, #tpu.memory_space<vmem>> -> memref<128xi32, #tpu.memory_space<vmem>>
        %dma_wait3A_376 = arith.constant 0 : i32
        %dma_wait3A_377 = arith.constant 0 : i32
        %dma_wait3A_378 = tpu.memref_slice %arg10[%dma_wait3A_376, %dma_wait3A_377] : memref<10000x16xf32, #tpu.memory_space<vmem_shared>> -> memref<10000x16xf32, #tpu.memory_space<vmem_shared>>
        tpu.wait_indirect_dma semaphore(%arg20 : memref<!tpu.dma_semaphore, #tpu.memory_space<semaphore_mem>>) src(%dma_wait3A_372 : memref<128x16xf32, #tpu.memory_space<vmem>>) dst(%dma_wait3A_378 : memref<10000x16xf32, #tpu.memory_space<vmem_shared>>)
      } else {
      }
      %add3A_336 = arith.constant 3 : i32
      %add3A_337 = arith.addi %add3A_330, %add3A_336 : i32
      %lt3A_338 = arith.constant 78 : i32
      %lt3A_339 = arith.cmpi slt, %add3A_337, %lt3A_338 : i32
      %convert_element_type3A_340 = arith.extui %lt3A_339 : i1 to i32
      %cond3A_341 = arith.constant 0 : i32
      %cond3A_342 = arith.cmpi ne, %convert_element_type3A_340, %cond3A_341 : i32
      scf.if %cond3A_342 {
        %add3A_367 = arith.constant 3 : i32
        %add3A_368 = arith.addi %add3A_330, %add3A_367 : i32
        %dma_start3A_369 = arith.constant 2 : i32
        %dma_start3A_370 = arith.constant 0 : i32
        %dma_start3A_371 = arith.constant 0 : i32
        %dma_start3A_372 = tpu.memref_slice %arg8[%dma_start3A_369, %dma_start3A_370, %dma_start3A_371] : memref<6x128x16xf32, #tpu.memory_space<vmem>> -> memref<1x128x16xf32, #tpu.memory_space<vmem>>
        %dma_start3A_373 = tpu.memref_squeeze %dma_start3A_372 : memref<1x128x16xf32, #tpu.memory_space<vmem>> -> memref<128x16xf32, #tpu.memory_space<vmem>>
        %dma_start3A_374 = arith.constant 0 : i32
        %dma_start3A_375 = tpu.memref_slice %arg6[%add3A_368, %dma_start3A_374] : memref<79x128xi32, #tpu.memory_space<vmem>> -> memref<1x128xi32, #tpu.memory_space<vmem>>
        %dma_start3A_376 = tpu.memref_squeeze %dma_start3A_375 : memref<1x128xi32, #tpu.memory_space<vmem>> -> memref<128xi32, #tpu.memory_space<vmem>>
        %dma_start3A_377 = arith.constant 0 : i32
        %dma_start3A_378 = arith.constant 0 : i32
        %dma_start3A_379 = tpu.memref_slice %arg11[%dma_start3A_377, %dma_start3A_378] : memref<10000x16xf32, #tpu.memory_space<vmem_shared>> -> memref<10000x16xf32, #tpu.memory_space<vmem_shared>>
        tpu.enqueue_indirect_dma source(%dma_start3A_379 : memref<10000x16xf32, #tpu.memory_space<vmem_shared>>) target(%dma_start3A_373 : memref<128x16xf32, #tpu.memory_space<vmem>>) offsets(%dma_start3A_376 : memref<128xi32, #tpu.memory_space<vmem>>) semaphore(%arg14 : memref<!tpu.dma_semaphore, #tpu.memory_space<semaphore_mem>>)
      } else {
      }
      %dma_wait3A_343 = arith.constant 0 : i32
      %dma_wait3A_344 = arith.constant 5 : i32
      %dma_wait3A_345 = arith.constant 0 : i32
      %dma_wait3A_346 = arith.constant 0 : i32
      %dma_wait3A_347 = tpu.memref_slice %arg8[%dma_wait3A_344, %dma_wait3A_345, %dma_wait3A_346] : memref<6x128x16xf32, #tpu.memory_space<vmem>> -> memref<1x128x16xf32, #tpu.memory_space<vmem>>
      %dma_wait3A_348 = tpu.memref_squeeze %dma_wait3A_347 : memref<1x128x16xf32, #tpu.memory_space<vmem>> -> memref<128x16xf32, #tpu.memory_space<vmem>>
      %dma_wait3A_349 = arith.constant 0 : i32
      %dma_wait3A_350 = tpu.memref_slice %arg6[%dma_wait3A_343, %dma_wait3A_349] : memref<79x128xi32, #tpu.memory_space<vmem>> -> memref<1x128xi32, #tpu.memory_space<vmem>>
      %dma_wait3A_351 = tpu.memref_squeeze %dma_wait3A_350 : memref<1x128xi32, #tpu.memory_space<vmem>> -> memref<128xi32, #tpu.memory_space<vmem>>
      %dma_wait3A_352 = arith.constant 0 : i32
      %dma_wait3A_353 = arith.constant 0 : i32
      %dma_wait3A_354 = tpu.memref_slice %arg11[%dma_wait3A_352, %dma_wait3A_353] : memref<10000x16xf32, #tpu.memory_space<vmem_shared>> -> memref<10000x16xf32, #tpu.memory_space<vmem_shared>>
      tpu.wait_indirect_dma semaphore(%arg17 : memref<!tpu.dma_semaphore, #tpu.memory_space<semaphore_mem>>) src(%dma_wait3A_354 : memref<10000x16xf32, #tpu.memory_space<vmem_shared>>) dst(%dma_wait3A_348 : memref<128x16xf32, #tpu.memory_space<vmem>>)
      %dma_start3A_355 = arith.constant 5 : i32
      %dma_start3A_356 = arith.constant 0 : i32
      %dma_start3A_357 = arith.constant 0 : i32
      %dma_start3A_358 = tpu.memref_slice %arg8[%dma_start3A_355, %dma_start3A_356, %dma_start3A_357] : memref<6x128x16xf32, #tpu.memory_space<vmem>> -> memref<1x128x16xf32, #tpu.memory_space<vmem>>
      %dma_start3A_359 = tpu.memref_squeeze %dma_start3A_358 : memref<1x128x16xf32, #tpu.memory_space<vmem>> -> memref<128x16xf32, #tpu.memory_space<vmem>>
      %dma_start3A_360 = arith.constant 0 : i32
      %dma_start3A_361 = tpu.memref_slice %arg7[%add3A_330, %dma_start3A_360] : memref<79x128xi32, #tpu.memory_space<vmem>> -> memref<1x128xi32, #tpu.memory_space<vmem>>
      %dma_start3A_362 = tpu.memref_squeeze %dma_start3A_361 : memref<1x128xi32, #tpu.memory_space<vmem>> -> memref<128xi32, #tpu.memory_space<vmem>>
      %dma_start3A_363 = arith.constant 0 : i32
      %dma_start3A_364 = arith.constant 0 : i32
      %dma_start3A_365 = tpu.memref_slice %arg10[%dma_start3A_363, %dma_start3A_364] : memref<10000x16xf32, #tpu.memory_space<vmem_shared>> -> memref<10000x16xf32, #tpu.memory_space<vmem_shared>>
      tpu.enqueue_indirect_dma source(%dma_start3A_359 : memref<128x16xf32, #tpu.memory_space<vmem>>) target(%dma_start3A_365 : memref<10000x16xf32, #tpu.memory_space<vmem_shared>>) offsets(%dma_start3A_362 : memref<128xi32, #tpu.memory_space<vmem>>) semaphore(%arg23 : memref<!tpu.dma_semaphore, #tpu.memory_space<semaphore_mem>>) {add = true}
      %scan3A_366 = arith.constant 0 : i32
      scf.yield %scan3A_366 : i32
    }
    %scan3A_80 = arith.constant 13 : i32
    %dma_wait3A = arith.constant 3 : i32
    %dma_wait3A_81 = arith.constant 0 : i32
    %dma_wait3A_82 = arith.constant 0 : i32
    %dma_wait3A_83 = arith.constant 0 : i32
    %dma_wait3A_84 = tpu.memref_slice %arg8[%dma_wait3A, %dma_wait3A_82, %dma_wait3A_83] : memref<6x128x16xf32, #tpu.memory_space<vmem>> -> memref<1x128x16xf32, #tpu.memory_space<vmem>>
    %dma_wait3A_85 = tpu.memref_squeeze %dma_wait3A_84 : memref<1x128x16xf32, #tpu.memory_space<vmem>> -> memref<128x16xf32, #tpu.memory_space<vmem>>
    %dma_wait3A_86 = arith.constant 0 : i32
    %dma_wait3A_87 = tpu.memref_slice %arg7[%dma_wait3A_81, %dma_wait3A_86] : memref<79x128xi32, #tpu.memory_space<vmem>> -> memref<1x128xi32, #tpu.memory_space<vmem>>
    %dma_wait3A_88 = tpu.memref_squeeze %dma_wait3A_87 : memref<1x128xi32, #tpu.memory_space<vmem>> -> memref<128xi32, #tpu.memory_space<vmem>>
    %dma_wait3A_89 = arith.constant 0 : i32
    %dma_wait3A_90 = arith.constant 0 : i32
    %dma_wait3A_91 = tpu.memref_slice %arg10[%dma_wait3A_89, %dma_wait3A_90] : memref<10000x16xf32, #tpu.memory_space<vmem_shared>> -> memref<10000x16xf32, #tpu.memory_space<vmem_shared>>
    tpu.wait_indirect_dma semaphore(%arg21 : memref<!tpu.dma_semaphore, #tpu.memory_space<semaphore_mem>>) src(%dma_wait3A_85 : memref<128x16xf32, #tpu.memory_space<vmem>>) dst(%dma_wait3A_91 : memref<10000x16xf32, #tpu.memory_space<vmem_shared>>)
    %dma_wait3A_92 = arith.constant 4 : i32
    %dma_wait3A_93 = arith.constant 0 : i32
    %dma_wait3A_94 = arith.constant 0 : i32
    %dma_wait3A_95 = arith.constant 0 : i32
    %dma_wait3A_96 = tpu.memref_slice %arg8[%dma_wait3A_92, %dma_wait3A_94, %dma_wait3A_95] : memref<6x128x16xf32, #tpu.memory_space<vmem>> -> memref<1x128x16xf32, #tpu.memory_space<vmem>>
    %dma_wait3A_97 = tpu.memref_squeeze %dma_wait3A_96 : memref<1x128x16xf32, #tpu.memory_space<vmem>> -> memref<128x16xf32, #tpu.memory_space<vmem>>
    %dma_wait3A_98 = arith.constant 0 : i32
    %dma_wait3A_99 = tpu.memref_slice %arg7[%dma_wait3A_93, %dma_wait3A_98] : memref<79x128xi32, #tpu.memory_space<vmem>> -> memref<1x128xi32, #tpu.memory_space<vmem>>
    %dma_wait3A_100 = tpu.memref_squeeze %dma_wait3A_99 : memref<1x128xi32, #tpu.memory_space<vmem>> -> memref<128xi32, #tpu.memory_space<vmem>>
    %dma_wait3A_101 = arith.constant 0 : i32
    %dma_wait3A_102 = arith.constant 0 : i32
    %dma_wait3A_103 = tpu.memref_slice %arg10[%dma_wait3A_101, %dma_wait3A_102] : memref<10000x16xf32, #tpu.memory_space<vmem_shared>> -> memref<10000x16xf32, #tpu.memory_space<vmem_shared>>
    tpu.wait_indirect_dma semaphore(%arg22 : memref<!tpu.dma_semaphore, #tpu.memory_space<semaphore_mem>>) src(%dma_wait3A_97 : memref<128x16xf32, #tpu.memory_space<vmem>>) dst(%dma_wait3A_103 : memref<10000x16xf32, #tpu.memory_space<vmem_shared>>)
    %dma_wait3A_104 = arith.constant 5 : i32
    %dma_wait3A_105 = arith.constant 0 : i32
    %dma_wait3A_106 = arith.constant 0 : i32
    %dma_wait3A_107 = arith.constant 0 : i32
    %dma_wait3A_108 = tpu.memref_slice %arg8[%dma_wait3A_104, %dma_wait3A_106, %dma_wait3A_107] : memref<6x128x16xf32, #tpu.memory_space<vmem>> -> memref<1x128x16xf32, #tpu.memory_space<vmem>>
    %dma_wait3A_109 = tpu.memref_squeeze %dma_wait3A_108 : memref<1x128x16xf32, #tpu.memory_space<vmem>> -> memref<128x16xf32, #tpu.memory_space<vmem>>
    %dma_wait3A_110 = arith.constant 0 : i32
    %dma_wait3A_111 = tpu.memref_slice %arg7[%dma_wait3A_105, %dma_wait3A_110] : memref<79x128xi32, #tpu.memory_space<vmem>> -> memref<1x128xi32, #tpu.memory_space<vmem>>
    %dma_wait3A_112 = tpu.memref_squeeze %dma_wait3A_111 : memref<1x128xi32, #tpu.memory_space<vmem>> -> memref<128xi32, #tpu.memory_space<vmem>>
    %dma_wait3A_113 = arith.constant 0 : i32
    %dma_wait3A_114 = arith.constant 0 : i32
    %dma_wait3A_115 = tpu.memref_slice %arg10[%dma_wait3A_113, %dma_wait3A_114] : memref<10000x16xf32, #tpu.memory_space<vmem_shared>> -> memref<10000x16xf32, #tpu.memory_space<vmem_shared>>
    tpu.wait_indirect_dma semaphore(%arg23 : memref<!tpu.dma_semaphore, #tpu.memory_space<semaphore_mem>>) src(%dma_wait3A_109 : memref<128x16xf32, #tpu.memory_space<vmem>>) dst(%dma_wait3A_115 : memref<10000x16xf32, #tpu.memory_space<vmem_shared>>)
    %lt3A_116 = arith.constant 4 : i32
    %lt3A_117 = arith.cmpi slt, %add3A, %lt3A_116 : i32
    %convert_element_type3A_118 = arith.extui %lt3A_117 : i1 to i32
    %cond3A_119 = arith.constant 0 : i32
    %cond3A_120 = arith.cmpi ne, %convert_element_type3A_118, %cond3A_119 : i32
    scf.if %cond3A_120 {
      %dma_start3A_131 = arith.constant 78 : i32
      %dma_start3A_132 = arith.constant 0 : i32
      %dma_start3A_133 = arith.constant 0 : i32
      %dma_start3A_134 = arith.constant 0 : i32
      %dma_start3A_135 = tpu.memref_slice %arg8[%dma_start3A_132, %dma_start3A_133, %dma_start3A_134] : memref<6x128x16xf32, #tpu.memory_space<vmem>> -> memref<1x128x16xf32, #tpu.memory_space<vmem>>
      %dma_start3A_136 = tpu.memref_squeeze %dma_start3A_135 : memref<1x128x16xf32, #tpu.memory_space<vmem>> -> memref<128x16xf32, #tpu.memory_space<vmem>>
      %dma_start3A_137 = arith.constant 0 : i32
      %dma_start3A_138 = tpu.memref_slice %arg6[%dma_start3A_131, %dma_start3A_137] : memref<79x128xi32, #tpu.memory_space<vmem>> -> memref<1x128xi32, #tpu.memory_space<vmem>>
      %dma_start3A_139 = tpu.memref_squeeze %dma_start3A_138 : memref<1x128xi32, #tpu.memory_space<vmem>> -> memref<128xi32, #tpu.memory_space<vmem>>
      %dma_start3A_140 = arith.constant 0 : i32
      %dma_start3A_141 = arith.constant 0 : i32
      %dma_start3A_142 = tpu.memref_slice %arg11[%dma_start3A_140, %dma_start3A_141] : memref<10000x16xf32, #tpu.memory_space<vmem_shared>> -> memref<10000x16xf32, #tpu.memory_space<vmem_shared>>
      tpu.enqueue_indirect_dma source(%dma_start3A_142 : memref<10000x16xf32, #tpu.memory_space<vmem_shared>>) target(%dma_start3A_136 : memref<128x16xf32, #tpu.memory_space<vmem>>) offsets(%dma_start3A_139 : memref<128xi32, #tpu.memory_space<vmem>>) semaphore(%arg12 : memref<!tpu.dma_semaphore, #tpu.memory_space<semaphore_mem>>)
      %dma_wait3A_143 = arith.constant 78 : i32
      %dma_wait3A_144 = arith.constant 0 : i32
      %dma_wait3A_145 = arith.constant 0 : i32
      %dma_wait3A_146 = arith.constant 0 : i32
      %dma_wait3A_147 = tpu.memref_slice %arg8[%dma_wait3A_144, %dma_wait3A_145, %dma_wait3A_146] : memref<6x128x16xf32, #tpu.memory_space<vmem>> -> memref<1x128x16xf32, #tpu.memory_space<vmem>>
      %dma_wait3A_148 = tpu.memref_squeeze %dma_wait3A_147 : memref<1x128x16xf32, #tpu.memory_space<vmem>> -> memref<128x16xf32, #tpu.memory_space<vmem>>
      %dma_wait3A_149 = arith.constant 0 : i32
      %dma_wait3A_150 = tpu.memref_slice %arg6[%dma_wait3A_143, %dma_wait3A_149] : memref<79x128xi32, #tpu.memory_space<vmem>> -> memref<1x128xi32, #tpu.memory_space<vmem>>
      %dma_wait3A_151 = tpu.memref_squeeze %dma_wait3A_150 : memref<1x128xi32, #tpu.memory_space<vmem>> -> memref<128xi32, #tpu.memory_space<vmem>>
      %dma_wait3A_152 = arith.constant 0 : i32
      %dma_wait3A_153 = arith.constant 0 : i32
      %dma_wait3A_154 = tpu.memref_slice %arg11[%dma_wait3A_152, %dma_wait3A_153] : memref<10000x16xf32, #tpu.memory_space<vmem_shared>> -> memref<10000x16xf32, #tpu.memory_space<vmem_shared>>
      tpu.wait_indirect_dma semaphore(%arg12 : memref<!tpu.dma_semaphore, #tpu.memory_space<semaphore_mem>>) src(%dma_wait3A_154 : memref<10000x16xf32, #tpu.memory_space<vmem_shared>>) dst(%dma_wait3A_148 : memref<128x16xf32, #tpu.memory_space<vmem>>)
      %run_scoped3A = arith.constant 0 : i32
      %run_scoped3A_155 = arith.constant 78 : i32
      "tpu.region"() ({
        %run_scoped3A_156 = tpu.sem_alloc : memref<!tpu.dma_semaphore, #tpu.memory_space<semaphore_mem>>
        %dma_start3A_157 = arith.constant 0 : i32
        %dma_start3A_158 = arith.constant 0 : i32
        %dma_start3A_159 = tpu.memref_slice %arg8[%run_scoped3A, %dma_start3A_157, %dma_start3A_158] : memref<6x128x16xf32, #tpu.memory_space<vmem>> -> memref<1x128x16xf32, #tpu.memory_space<vmem>>
        %dma_start3A_160 = tpu.memref_squeeze %dma_start3A_159 : memref<1x128x16xf32, #tpu.memory_space<vmem>> -> memref<128x16xf32, #tpu.memory_space<vmem>>
        %dma_start3A_161 = arith.constant 0 : i32
        %dma_start3A_162 = tpu.memref_slice %arg7[%run_scoped3A_155, %dma_start3A_161] : memref<79x128xi32, #tpu.memory_space<vmem>> -> memref<1x128xi32, #tpu.memory_space<vmem>>
        %dma_start3A_163 = tpu.memref_squeeze %dma_start3A_162 : memref<1x128xi32, #tpu.memory_space<vmem>> -> memref<128xi32, #tpu.memory_space<vmem>>
        %dma_start3A_164 = arith.constant 0 : i32
        %dma_start3A_165 = arith.constant 0 : i32
        %dma_start3A_166 = tpu.memref_slice %arg10[%dma_start3A_164, %dma_start3A_165] : memref<10000x16xf32, #tpu.memory_space<vmem_shared>> -> memref<10000x16xf32, #tpu.memory_space<vmem_shared>>
        tpu.enqueue_indirect_dma source(%dma_start3A_160 : memref<128x16xf32, #tpu.memory_space<vmem>>) target(%dma_start3A_166 : memref<10000x16xf32, #tpu.memory_space<vmem_shared>>) offsets(%dma_start3A_163 : memref<128xi32, #tpu.memory_space<vmem>>) semaphore(%run_scoped3A_156 : memref<!tpu.dma_semaphore, #tpu.memory_space<semaphore_mem>>) {add = true}
        %dma_wait3A_167 = arith.constant 0 : i32
        %dma_wait3A_168 = arith.constant 0 : i32
        %dma_wait3A_169 = tpu.memref_slice %arg8[%run_scoped3A, %dma_wait3A_167, %dma_wait3A_168] : memref<6x128x16xf32, #tpu.memory_space<vmem>> -> memref<1x128x16xf32, #tpu.memory_space<vmem>>
        %dma_wait3A_170 = tpu.memref_squeeze %dma_wait3A_169 : memref<1x128x16xf32, #tpu.memory_space<vmem>> -> memref<128x16xf32, #tpu.memory_space<vmem>>
        %dma_wait3A_171 = arith.constant 0 : i32
        %dma_wait3A_172 = tpu.memref_slice %arg7[%run_scoped3A_155, %dma_wait3A_171] : memref<79x128xi32, #tpu.memory_space<vmem>> -> memref<1x128xi32, #tpu.memory_space<vmem>>
        %dma_wait3A_173 = tpu.memref_squeeze %dma_wait3A_172 : memref<1x128xi32, #tpu.memory_space<vmem>> -> memref<128xi32, #tpu.memory_space<vmem>>
        %dma_wait3A_174 = arith.constant 0 : i32
        %dma_wait3A_175 = arith.constant 0 : i32
        %dma_wait3A_176 = tpu.memref_slice %arg10[%dma_wait3A_174, %dma_wait3A_175] : memref<10000x16xf32, #tpu.memory_space<vmem_shared>> -> memref<10000x16xf32, #tpu.memory_space<vmem_shared>>
        tpu.wait_indirect_dma semaphore(%run_scoped3A_156 : memref<!tpu.dma_semaphore, #tpu.memory_space<semaphore_mem>>) src(%dma_wait3A_170 : memref<128x16xf32, #tpu.memory_space<vmem>>) dst(%dma_wait3A_176 : memref<10000x16xf32, #tpu.memory_space<vmem_shared>>)
        tpu.yield
      }) : () -> ()
    } else {
    }
    %barrier3A_121 = arith.constant 0 : index
    tpu.barrier barrier_id(%barrier3A_121)
    %mul3A_122 = arith.constant 624 : i32
    %mul3A_123 = arith.muli %arg1, %mul3A_122 : i32
    %mul3A_124 = arith.constant 624 : i32
    %mul3A_125 = arith.muli %arg1, %mul3A_124 : i32
    "tpu.region"() ({
      %run_scoped3A = tpu.sem_alloc : memref<!tpu.dma_semaphore, #tpu.memory_space<semaphore_mem>>
      %dma_start3A_131 = arith.constant 0 : i32
      %dma_start3A_132 = tpu.memref_slice %arg5[%arg0, %mul3A_125, %dma_start3A_131] : memref<2x10240x16xf32, #tpu.memory_space<hbm>> -> memref<1x624x16xf32, #tpu.memory_space<hbm>>
      %dma_start3A_133 = tpu.memref_squeeze %dma_start3A_132 : memref<1x624x16xf32, #tpu.memory_space<hbm>> -> memref<624x16xf32, #tpu.memory_space<hbm>>
      %dma_start3A_134 = arith.constant 0 : i32
      %dma_start3A_135 = tpu.memref_slice %arg10[%mul3A_123, %dma_start3A_134] : memref<10000x16xf32, #tpu.memory_space<vmem_shared>> -> memref<624x16xf32, #tpu.memory_space<vmem_shared>>
      tpu.enqueue_dma source(%dma_start3A_135 : memref<624x16xf32, #tpu.memory_space<vmem_shared>>) target(%dma_start3A_133 : memref<624x16xf32, #tpu.memory_space<hbm>>) target_semaphore(%run_scoped3A : memref<!tpu.dma_semaphore, #tpu.memory_space<semaphore_mem>>)
      %dma_wait3A_136 = arith.constant 0 : i32
      %dma_wait3A_137 = tpu.memref_slice %arg5[%arg0, %mul3A_125, %dma_wait3A_136] : memref<2x10240x16xf32, #tpu.memory_space<hbm>> -> memref<1x624x16xf32, #tpu.memory_space<hbm>>
      %dma_wait3A_138 = tpu.memref_squeeze %dma_wait3A_137 : memref<1x624x16xf32, #tpu.memory_space<hbm>> -> memref<624x16xf32, #tpu.memory_space<hbm>>
      %dma_wait3A_139 = arith.constant 0 : i32
      %dma_wait3A_140 = tpu.memref_slice %arg10[%mul3A_123, %dma_wait3A_139] : memref<10000x16xf32, #tpu.memory_space<vmem_shared>> -> memref<624x16xf32, #tpu.memory_space<vmem_shared>>
      tpu.wait_dma2 semaphore(%run_scoped3A : memref<!tpu.dma_semaphore, #tpu.memory_space<semaphore_mem>>) src(%dma_wait3A_140 : memref<624x16xf32, #tpu.memory_space<vmem_shared>>) dst(%dma_wait3A_138 : memref<624x16xf32, #tpu.memory_space<hbm>>)
      tpu.yield
    }) : () -> ()
    %eq3A_126 = arith.constant 0 : i32
    %eq3A_127 = arith.cmpi eq, %arg1, %eq3A_126 : i32
    %convert_element_type3A_128 = arith.extui %eq3A_127 : i1 to i32
    %cond3A_129 = arith.constant 0 : i32
    %cond3A_130 = arith.cmpi ne, %convert_element_type3A_128, %cond3A_129 : i32
    scf.if %cond3A_130 {
      "tpu.region"() ({
        %run_scoped3A = tpu.sem_alloc : memref<!tpu.dma_semaphore, #tpu.memory_space<semaphore_mem>>
        %dma_start3A_131 = arith.constant 9984 : i32
        %dma_start3A_132 = arith.constant 0 : i32
        %dma_start3A_133 = tpu.memref_slice %arg5[%arg0, %dma_start3A_131, %dma_start3A_132] : memref<2x10240x16xf32, #tpu.memory_space<hbm>> -> memref<1x16x16xf32, #tpu.memory_space<hbm>>
        %dma_start3A_134 = tpu.memref_squeeze %dma_start3A_133 : memref<1x16x16xf32, #tpu.memory_space<hbm>> -> memref<16x16xf32, #tpu.memory_space<hbm>>
        %dma_start3A_135 = arith.constant 9984 : i32
        %dma_start3A_136 = arith.constant 0 : i32
        %dma_start3A_137 = tpu.memref_slice %arg10[%dma_start3A_135, %dma_start3A_136] : memref<10000x16xf32, #tpu.memory_space<vmem_shared>> -> memref<16x16xf32, #tpu.memory_space<vmem_shared>>
        tpu.enqueue_dma source(%dma_start3A_137 : memref<16x16xf32, #tpu.memory_space<vmem_shared>>) target(%dma_start3A_134 : memref<16x16xf32, #tpu.memory_space<hbm>>) target_semaphore(%run_scoped3A : memref<!tpu.dma_semaphore, #tpu.memory_space<semaphore_mem>>)
        %dma_wait3A_138 = arith.constant 9984 : i32
        %dma_wait3A_139 = arith.constant 0 : i32
        %dma_wait3A_140 = tpu.memref_slice %arg5[%arg0, %dma_wait3A_138, %dma_wait3A_139] : memref<2x10240x16xf32, #tpu.memory_space<hbm>> -> memref<1x16x16xf32, #tpu.memory_space<hbm>>
        %dma_wait3A_141 = tpu.memref_squeeze %dma_wait3A_140 : memref<1x16x16xf32, #tpu.memory_space<hbm>> -> memref<16x16xf32, #tpu.memory_space<hbm>>
        %dma_wait3A_142 = arith.constant 9984 : i32
        %dma_wait3A_143 = arith.constant 0 : i32
        %dma_wait3A_144 = tpu.memref_slice %arg10[%dma_wait3A_142, %dma_wait3A_143] : memref<10000x16xf32, #tpu.memory_space<vmem_shared>> -> memref<16x16xf32, #tpu.memory_space<vmem_shared>>
        tpu.wait_dma2 semaphore(%run_scoped3A : memref<!tpu.dma_semaphore, #tpu.memory_space<semaphore_mem>>) src(%dma_wait3A_144 : memref<16x16xf32, #tpu.memory_space<vmem_shared>>) dst(%dma_wait3A_141 : memref<16x16xf32, #tpu.memory_space<hbm>>)
        tpu.yield
      }) : () -> ()
    } else {
    }
    return
  }
}

module attributes {stable_mosaic.version = 14 : i64} {
  func.func @_tc_scale(%arg0: memref<2x1280x128xf32, #tpu.memory_space<vmem>>, %arg1: memref<1280x128xf32, #tpu.memory_space<vmem>>, %arg2: memref<1280x128xf32, #tpu.memory_space<vmem>>, %arg3: memref<1280x128xf32, #tpu.memory_space<vmem>>) attributes {dimension_semantics = [], scalar_prefetch = 0 : i64, scratch_operands = 0 : i64, tpu.core_type = #tpu.core_type<tc>} {
    %get3A = arith.constant 0 : index
    %get3A_0 = arith.constant 0 : index
    %get3A_1 = arith.constant 0 : index
    %get3A_2 = vector.load %arg0[%get3A, %get3A_0, %get3A_1] : memref<2x1280x128xf32, #tpu.memory_space<vmem>>, vector<1x1280x128xf32>
    %get3A_3 = vector.shape_cast %get3A_2 : vector<1x1280x128xf32> to vector<1280x128xf32>
    %get3A_4 = arith.constant 1 : index
    %get3A_5 = arith.constant 0 : index
    %get3A_6 = arith.constant 0 : index
    %get3A_7 = vector.load %arg0[%get3A_4, %get3A_5, %get3A_6] : memref<2x1280x128xf32, #tpu.memory_space<vmem>>, vector<1x1280x128xf32>
    %get3A_8 = vector.shape_cast %get3A_7 : vector<1x1280x128xf32> to vector<1280x128xf32>
    %add3A = arith.addf %get3A_3, %get3A_8 : vector<1280x128xf32>
    %add3A_9 = arith.constant 1.000000e+00 : f32
    %add3A_10 = vector.broadcast %add3A_9 : f32 to vector<1280x128xf32>
    %add3A_11 = arith.addf %add3A, %add3A_10 : vector<1280x128xf32>
    %rsqrt3A = math.rsqrt %add3A_11 : vector<1280x128xf32>
    %swap3A = arith.constant 0 : index
    %swap3A_12 = arith.constant 0 : index
    %swap3A_13 = vector.load %arg2[%swap3A, %swap3A_12] : memref<1280x128xf32, #tpu.memory_space<vmem>>, vector<1280x128xf32>
    tpu.vector_store %arg2[%swap3A, %swap3A_12], %rsqrt3A {strides = array<i32>} : memref<1280x128xf32, #tpu.memory_space<vmem>>, vector<1280x128xf32>,
    %get3A_14 = arith.constant 0 : index
    %get3A_15 = arith.constant 0 : index
    %get3A_16 = vector.load %arg1[%get3A_14, %get3A_15] : memref<1280x128xf32, #tpu.memory_space<vmem>>, vector<1280x128xf32>
    %mul3A = arith.mulf %rsqrt3A, %get3A_16 : vector<1280x128xf32>
    %swap3A_17 = arith.constant 0 : index
    %swap3A_18 = arith.constant 0 : index
    %swap3A_19 = vector.load %arg3[%swap3A_17, %swap3A_18] : memref<1280x128xf32, #tpu.memory_space<vmem>>, vector<1280x128xf32>
    tpu.vector_store %arg3[%swap3A_17, %swap3A_18], %mul3A {strides = array<i32>} : memref<1280x128xf32, #tpu.memory_space<vmem>>, vector<1280x128xf32>,
    return
  }
}

module attributes {stable_mosaic.version = 14 : i64} {
  func.func @_tc_h1(%arg0: memref<1250x8x128xf32, #tpu.memory_space<vmem>>, %arg1: memref<128x16xf32, #tpu.memory_space<vmem>>, %arg2: memref<1280x128xf32, #tpu.memory_space<vmem>>) attributes {dimension_semantics = [], scalar_prefetch = 0 : i64, scratch_operands = 0 : i64, tpu.core_type = #tpu.core_type<tc>} {
    %get3A = arith.constant 0 : index
    %get3A_0 = arith.constant 0 : index
    %get3A_1 = vector.load %arg1[%get3A, %get3A_0] : memref<128x16xf32, #tpu.memory_space<vmem>>, vector<128x16xf32>
    %get3A_2 = arith.constant 0 : index
    %get3A_3 = arith.constant 0 : index
    %get3A_4 = arith.constant 0 : index
    %get3A_5 = vector.load %arg0[%get3A_2, %get3A_3, %get3A_4] : memref<1250x8x128xf32, #tpu.memory_space<vmem>>, vector<1250x1x128xf32>
    %get3A_6 = vector.shape_cast %get3A_5 : vector<1250x1x128xf32> to vector<1250x128xf32>
    %dot_general3A = arith.constant dense<0.000000e+00> : vector<1250x16xf32>
    %dot_general3A_7 = tpu.matmul %get3A_6, %get3A_1, %dot_general3A {dimension_numbers = #tpu.dot_dimension_numbers<[1], [0], [0], [1], [0, 0, 1, 1], [], []>, transpose_lhs_hint = false} : vector<1250x128xf32>, vector<128x16xf32>, vector<1250x16xf32> -> vector<1250x16xf32>
    %get3A_8 = arith.constant 0 : index
    %get3A_9 = arith.constant 1 : index
    %get3A_10 = arith.constant 0 : index
    %get3A_11 = vector.load %arg0[%get3A_8, %get3A_9, %get3A_10] : memref<1250x8x128xf32, #tpu.memory_space<vmem>>, vector<1250x1x128xf32>
    %get3A_12 = vector.shape_cast %get3A_11 : vector<1250x1x128xf32> to vector<1250x128xf32>
    %dot_general3A_13 = arith.constant dense<0.000000e+00> : vector<1250x16xf32>
    %dot_general3A_14 = tpu.matmul %get3A_12, %get3A_1, %dot_general3A_13 {dimension_numbers = #tpu.dot_dimension_numbers<[1], [0], [0], [1], [0, 0, 1, 1], [], []>, transpose_lhs_hint = false} : vector<1250x128xf32>, vector<128x16xf32>, vector<1250x16xf32> -> vector<1250x16xf32>
    %get3A_15 = arith.constant 0 : index
    %get3A_16 = arith.constant 2 : index
    %get3A_17 = arith.constant 0 : index
    %get3A_18 = vector.load %arg0[%get3A_15, %get3A_16, %get3A_17] : memref<1250x8x128xf32, #tpu.memory_space<vmem>>, vector<1250x1x128xf32>
    %get3A_19 = vector.shape_cast %get3A_18 : vector<1250x1x128xf32> to vector<1250x128xf32>
    %dot_general3A_20 = arith.constant dense<0.000000e+00> : vector<1250x16xf32>
    %dot_general3A_21 = tpu.matmul %get3A_19, %get3A_1, %dot_general3A_20 {dimension_numbers = #tpu.dot_dimension_numbers<[1], [0], [0], [1], [0, 0, 1, 1], [], []>, transpose_lhs_hint = false} : vector<1250x128xf32>, vector<128x16xf32>, vector<1250x16xf32> -> vector<1250x16xf32>
    %get3A_22 = arith.constant 0 : index
    %get3A_23 = arith.constant 3 : index
    %get3A_24 = arith.constant 0 : index
    %get3A_25 = vector.load %arg0[%get3A_22, %get3A_23, %get3A_24] : memref<1250x8x128xf32, #tpu.memory_space<vmem>>, vector<1250x1x128xf32>
    %get3A_26 = vector.shape_cast %get3A_25 : vector<1250x1x128xf32> to vector<1250x128xf32>
    %dot_general3A_27 = arith.constant dense<0.000000e+00> : vector<1250x16xf32>
    %dot_general3A_28 = tpu.matmul %get3A_26, %get3A_1, %dot_general3A_27 {dimension_numbers = #tpu.dot_dimension_numbers<[1], [0], [0], [1], [0, 0, 1, 1], [], []>, transpose_lhs_hint = false} : vector<1250x128xf32>, vector<128x16xf32>, vector<1250x16xf32> -> vector<1250x16xf32>
    %get3A_29 = arith.constant 0 : index
    %get3A_30 = arith.constant 4 : index
    %get3A_31 = arith.constant 0 : index
    %get3A_32 = vector.load %arg0[%get3A_29, %get3A_30, %get3A_31] : memref<1250x8x128xf32, #tpu.memory_space<vmem>>, vector<1250x1x128xf32>
    %get3A_33 = vector.shape_cast %get3A_32 : vector<1250x1x128xf32> to vector<1250x128xf32>
    %dot_general3A_34 = arith.constant dense<0.000000e+00> : vector<1250x16xf32>
    %dot_general3A_35 = tpu.matmul %get3A_33, %get3A_1, %dot_general3A_34 {dimension_numbers = #tpu.dot_dimension_numbers<[1], [0], [0], [1], [0, 0, 1, 1], [], []>, transpose_lhs_hint = false} : vector<1250x128xf32>, vector<128x16xf32>, vector<1250x16xf32> -> vector<1250x16xf32>
    %get3A_36 = arith.constant 0 : index
    %get3A_37 = arith.constant 5 : index
    %get3A_38 = arith.constant 0 : index
    %get3A_39 = vector.load %arg0[%get3A_36, %get3A_37, %get3A_38] : memref<1250x8x128xf32, #tpu.memory_space<vmem>>, vector<1250x1x128xf32>
    %get3A_40 = vector.shape_cast %get3A_39 : vector<1250x1x128xf32> to vector<1250x128xf32>
    %dot_general3A_41 = arith.constant dense<0.000000e+00> : vector<1250x16xf32>
    %dot_general3A_42 = tpu.matmul %get3A_40, %get3A_1, %dot_general3A_41 {dimension_numbers = #tpu.dot_dimension_numbers<[1], [0], [0], [1], [0, 0, 1, 1], [], []>, transpose_lhs_hint = false} : vector<1250x128xf32>, vector<128x16xf32>, vector<1250x16xf32> -> vector<1250x16xf32>
    %get3A_43 = arith.constant 0 : index
    %get3A_44 = arith.constant 6 : index
    %get3A_45 = arith.constant 0 : index
    %get3A_46 = vector.load %arg0[%get3A_43, %get3A_44, %get3A_45] : memref<1250x8x128xf32, #tpu.memory_space<vmem>>, vector<1250x1x128xf32>
    %get3A_47 = vector.shape_cast %get3A_46 : vector<1250x1x128xf32> to vector<1250x128xf32>
    %dot_general3A_48 = arith.constant dense<0.000000e+00> : vector<1250x16xf32>
    %dot_general3A_49 = tpu.matmul %get3A_47, %get3A_1, %dot_general3A_48 {dimension_numbers = #tpu.dot_dimension_numbers<[1], [0], [0], [1], [0, 0, 1, 1], [], []>, transpose_lhs_hint = false} : vector<1250x128xf32>, vector<128x16xf32>, vector<1250x16xf32> -> vector<1250x16xf32>
    %get3A_50 = arith.constant 0 : index
    %get3A_51 = arith.constant 7 : index
    %get3A_52 = arith.constant 0 : index
    %get3A_53 = vector.load %arg0[%get3A_50, %get3A_51, %get3A_52] : memref<1250x8x128xf32, #tpu.memory_space<vmem>>, vector<1250x1x128xf32>
    %get3A_54 = vector.shape_cast %get3A_53 : vector<1250x1x128xf32> to vector<1250x128xf32>
    %dot_general3A_55 = arith.constant dense<0.000000e+00> : vector<1250x16xf32>
    %dot_general3A_56 = tpu.matmul %get3A_54, %get3A_1, %dot_general3A_55 {dimension_numbers = #tpu.dot_dimension_numbers<[1], [0], [0], [1], [0, 0, 1, 1], [], []>, transpose_lhs_hint = false} : vector<1250x128xf32>, vector<128x16xf32>, vector<1250x16xf32> -> vector<1250x16xf32>
    %concatenate3A = tpu.concatenate %dot_general3A_7, %dot_general3A_14, %dot_general3A_21, %dot_general3A_28, %dot_general3A_35, %dot_general3A_42, %dot_general3A_49, %dot_general3A_56 in 1 : vector<1250x16xf32>, vector<1250x16xf32>, vector<1250x16xf32>, vector<1250x16xf32>, vector<1250x16xf32>, vector<1250x16xf32>, vector<1250x16xf32>, vector<1250x16xf32> -> vector<1250x128xf32>
    %broadcast_in_dim3A = arith.constant 0.000000e+00 : f32
    %broadcast_in_dim3A_57 = vector.broadcast %broadcast_in_dim3A : f32 to vector<30x128xf32>
    %concatenate3A_58 = tpu.concatenate %concatenate3A, %broadcast_in_dim3A_57 in 0 : vector<1250x128xf32>, vector<30x128xf32> -> vector<1280x128xf32>
    %swap3A = arith.constant 0 : index
    %swap3A_59 = arith.constant 0 : index
    %swap3A_60 = vector.load %arg2[%swap3A, %swap3A_59] : memref<1280x128xf32, #tpu.memory_space<vmem>>, vector<1280x128xf32>
    tpu.vector_store %arg2[%swap3A, %swap3A_59], %concatenate3A_58 {strides = array<i32>} : memref<1280x128xf32, #tpu.memory_space<vmem>>, vector<1280x128xf32>,
    return
  }
}

module attributes {stable_mosaic.version = 14 : i64} {
  func.func @_tc_mid(%arg0: memref<2x1280x128xf32, #tpu.memory_space<vmem>>, %arg1: memref<1280x128xf32, #tpu.memory_space<vmem>>, %arg2: memref<1280x128xf32, #tpu.memory_space<vmem>>, %arg3: memref<1x128xf32, #tpu.memory_space<vmem>>, %arg4: memref<128x128xf32, #tpu.memory_space<vmem>>, %arg5: memref<1280x128xf32, #tpu.memory_space<vmem>>, %arg6: memref<1280x128xf32, #tpu.memory_space<vmem>>) attributes {dimension_semantics = [], scalar_prefetch = 0 : i64, scratch_operands = 0 : i64, tpu.core_type = #tpu.core_type<tc>} {
    %get3A = arith.constant 0 : index
    %get3A_0 = arith.constant 0 : index
    %get3A_1 = vector.load %arg1[%get3A, %get3A_0] : memref<1280x128xf32, #tpu.memory_space<vmem>>, vector<1280x128xf32>
    %get3A_2 = arith.constant 0 : index
    %get3A_3 = arith.constant 0 : index
    %get3A_4 = arith.constant 0 : index
    %get3A_5 = vector.load %arg0[%get3A_2, %get3A_3, %get3A_4] : memref<2x1280x128xf32, #tpu.memory_space<vmem>>, vector<1x1280x128xf32>
    %get3A_6 = vector.shape_cast %get3A_5 : vector<1x1280x128xf32> to vector<1280x128xf32>
    %get3A_7 = arith.constant 1 : index
    %get3A_8 = arith.constant 0 : index
    %get3A_9 = arith.constant 0 : index
    %get3A_10 = vector.load %arg0[%get3A_7, %get3A_8, %get3A_9] : memref<2x1280x128xf32, #tpu.memory_space<vmem>>, vector<1x1280x128xf32>
    %get3A_11 = vector.shape_cast %get3A_10 : vector<1x1280x128xf32> to vector<1280x128xf32>
    %add3A = arith.addf %get3A_6, %get3A_11 : vector<1280x128xf32>
    %mul3A = arith.mulf %get3A_1, %add3A : vector<1280x128xf32>
    %mul3A_12 = arith.mulf %get3A_1, %get3A_1 : vector<1280x128xf32>
    %get3A_13 = arith.constant 0 : index
    %get3A_14 = arith.constant 0 : index
    %get3A_15 = vector.load %arg2[%get3A_13, %get3A_14] : memref<1280x128xf32, #tpu.memory_space<vmem>>, vector<1280x128xf32>
    %mul3A_16 = arith.mulf %mul3A_12, %get3A_15 : vector<1280x128xf32>
    %add3A_17 = arith.addf %mul3A, %mul3A_16 : vector<1280x128xf32>
    %get3A_18 = arith.constant 0 : index
    %get3A_19 = arith.constant 0 : index
    %get3A_20 = vector.load %arg3[%get3A_18, %get3A_19] : memref<1x128xf32, #tpu.memory_space<vmem>>, vector<1x128xf32>
    %add3A_21 = vector.broadcast %get3A_20 : vector<1x128xf32> to vector<1280x128xf32>
    %add3A_22 = arith.addf %add3A_17, %add3A_21 : vector<1280x128xf32>
    %max3A = arith.constant 0.000000e+00 : f32
    %max3A_23 = vector.broadcast %max3A : f32 to vector<1280x128xf32>
    %max3A_24 = arith.maximumf %add3A_22, %max3A_23 : vector<1280x128xf32>
    %get3A_25 = arith.constant 0 : index
    %get3A_26 = arith.constant 0 : index
    %get3A_27 = vector.load %arg4[%get3A_25, %get3A_26] : memref<128x128xf32, #tpu.memory_space<vmem>>, vector<128x128xf32>
    %dot_general3A = arith.constant dense<0.000000e+00> : vector<1280x128xf32>
    %dot_general3A_28 = tpu.matmul %max3A_24, %get3A_27, %dot_general3A {dimension_numbers = #tpu.dot_dimension_numbers<[1], [0], [0], [1], [0, 0, 1, 1], [], []>, transpose_lhs_hint = false} : vector<1280x128xf32>, vector<128x128xf32>, vector<1280x128xf32> -> vector<1280x128xf32>
    %swap3A = arith.constant 0 : index
    %swap3A_29 = arith.constant 0 : index
    %swap3A_30 = vector.load %arg5[%swap3A, %swap3A_29] : memref<1280x128xf32, #tpu.memory_space<vmem>>, vector<1280x128xf32>
    tpu.vector_store %arg5[%swap3A, %swap3A_29], %dot_general3A_28 {strides = array<i32>} : memref<1280x128xf32, #tpu.memory_space<vmem>>, vector<1280x128xf32>,
    %mul3A_31 = arith.mulf %get3A_1, %dot_general3A_28 : vector<1280x128xf32>
    %swap3A_32 = arith.constant 0 : index
    %swap3A_33 = arith.constant 0 : index
    %swap3A_34 = vector.load %arg6[%swap3A_32, %swap3A_33] : memref<1280x128xf32, #tpu.memory_space<vmem>>, vector<1280x128xf32>
    tpu.vector_store %arg6[%swap3A_32, %swap3A_33], %mul3A_31 {strides = array<i32>} : memref<1280x128xf32, #tpu.memory_space<vmem>>, vector<1280x128xf32>,
    return
  }
}

module attributes {stable_mosaic.version = 14 : i64} {
  func.func @_tc_post(%arg0: memref<2x1280x128xf32, #tpu.memory_space<vmem>>, %arg1: memref<1280x128xf32, #tpu.memory_space<vmem>>, %arg2: memref<1280x128xf32, #tpu.memory_space<vmem>>, %arg3: memref<1x128xf32, #tpu.memory_space<vmem>>, %arg4: memref<16x128xf32, #tpu.memory_space<vmem>>, %arg5: memref<1x128xf32, #tpu.memory_space<vmem>>, %arg6: memref<1250x8x128xf32, #tpu.memory_space<vmem>>) attributes {dimension_semantics = [], scalar_prefetch = 0 : i64, scratch_operands = 0 : i64, tpu.core_type = #tpu.core_type<tc>} {
    %get3A = arith.constant 0 : index
    %get3A_0 = arith.constant 0 : index
    %get3A_1 = vector.load %arg1[%get3A, %get3A_0] : memref<1280x128xf32, #tpu.memory_space<vmem>>, vector<1280x128xf32>
    %get3A_2 = arith.constant 0 : index
    %get3A_3 = arith.constant 0 : index
    %get3A_4 = arith.constant 0 : index
    %get3A_5 = vector.load %arg0[%get3A_2, %get3A_3, %get3A_4] : memref<2x1280x128xf32, #tpu.memory_space<vmem>>, vector<1x1280x128xf32>
    %get3A_6 = vector.shape_cast %get3A_5 : vector<1x1280x128xf32> to vector<1280x128xf32>
    %get3A_7 = arith.constant 1 : index
    %get3A_8 = arith.constant 0 : index
    %get3A_9 = arith.constant 0 : index
    %get3A_10 = vector.load %arg0[%get3A_7, %get3A_8, %get3A_9] : memref<2x1280x128xf32, #tpu.memory_space<vmem>>, vector<1x1280x128xf32>
    %get3A_11 = vector.shape_cast %get3A_10 : vector<1x1280x128xf32> to vector<1280x128xf32>
    %add3A = arith.addf %get3A_6, %get3A_11 : vector<1280x128xf32>
    %mul3A = arith.mulf %get3A_1, %add3A : vector<1280x128xf32>
    %mul3A_12 = arith.mulf %get3A_1, %get3A_1 : vector<1280x128xf32>
    %get3A_13 = arith.constant 0 : index
    %get3A_14 = arith.constant 0 : index
    %get3A_15 = vector.load %arg2[%get3A_13, %get3A_14] : memref<1280x128xf32, #tpu.memory_space<vmem>>, vector<1280x128xf32>
    %mul3A_16 = arith.mulf %mul3A_12, %get3A_15 : vector<1280x128xf32>
    %add3A_17 = arith.addf %mul3A, %mul3A_16 : vector<1280x128xf32>
    %get3A_18 = arith.constant 0 : index
    %get3A_19 = arith.constant 0 : index
    %get3A_20 = vector.load %arg3[%get3A_18, %get3A_19] : memref<1x128xf32, #tpu.memory_space<vmem>>, vector<1x128xf32>
    %add3A_21 = vector.broadcast %get3A_20 : vector<1x128xf32> to vector<1280x128xf32>
    %add3A_22 = arith.addf %add3A_17, %add3A_21 : vector<1280x128xf32>
    %max3A = arith.constant 0.000000e+00 : f32
    %max3A_23 = vector.broadcast %max3A : f32 to vector<1280x128xf32>
    %max3A_24 = arith.maximumf %add3A_22, %max3A_23 : vector<1280x128xf32>
    %get3A_25 = arith.constant 0 : index
    %get3A_26 = arith.constant 0 : index
    %get3A_27 = vector.load %arg4[%get3A_25, %get3A_26] : memref<16x128xf32, #tpu.memory_space<vmem>>, vector<16x128xf32>
    %get3A_28 = arith.constant 0 : index
    %get3A_29 = arith.constant 0 : index
    %get3A_30 = vector.load %arg5[%get3A_28, %get3A_29] : memref<1x128xf32, #tpu.memory_space<vmem>>, vector<1x128xf32>
    %slice3A = vector.extract_strided_slice %max3A_24 {offsets = [0, 0], sizes = [1250, 16], strides = [1, 1]} : vector<1280x128xf32> to vector<1250x16xf32>
    %dot_general3A = arith.constant dense<0.000000e+00> : vector<1250x128xf32>
    %dot_general3A_31 = tpu.matmul %slice3A, %get3A_27, %dot_general3A {dimension_numbers = #tpu.dot_dimension_numbers<[1], [0], [0], [1], [0, 0, 1, 1], [], []>, transpose_lhs_hint = false} : vector<1250x16xf32>, vector<16x128xf32>, vector<1250x128xf32> -> vector<1250x128xf32>
    %add3A_32 = vector.broadcast %get3A_30 : vector<1x128xf32> to vector<1250x128xf32>
    %add3A_33 = arith.addf %dot_general3A_31, %add3A_32 : vector<1250x128xf32>
    %swap3A = arith.constant 0 : index
    %swap3A_34 = arith.constant 0 : index
    %swap3A_35 = arith.constant 0 : index
    %swap3A_36 = vector.load %arg6[%swap3A, %swap3A_34, %swap3A_35] : memref<1250x8x128xf32, #tpu.memory_space<vmem>>, vector<1250x1x128xf32>
    %swap3A_37 = vector.shape_cast %swap3A_36 : vector<1250x1x128xf32> to vector<1250x128xf32>
    %swap3A_38 = vector.shape_cast %add3A_33 : vector<1250x128xf32> to vector<1250x1x128xf32>
    tpu.vector_store %arg6[%swap3A, %swap3A_34, %swap3A_35], %swap3A_38 {strides = array<i32>} : memref<1250x8x128xf32, #tpu.memory_space<vmem>>, vector<1250x1x128xf32>,
    %slice3A_39 = vector.extract_strided_slice %max3A_24 {offsets = [0, 16], sizes = [1250, 16], strides = [1, 1]} : vector<1280x128xf32> to vector<1250x16xf32>
    %dot_general3A_40 = arith.constant dense<0.000000e+00> : vector<1250x128xf32>
    %dot_general3A_41 = tpu.matmul %slice3A_39, %get3A_27, %dot_general3A_40 {dimension_numbers = #tpu.dot_dimension_numbers<[1], [0], [0], [1], [0, 0, 1, 1], [], []>, transpose_lhs_hint = false} : vector<1250x16xf32>, vector<16x128xf32>, vector<1250x128xf32> -> vector<1250x128xf32>
    %add3A_42 = vector.broadcast %get3A_30 : vector<1x128xf32> to vector<1250x128xf32>
    %add3A_43 = arith.addf %dot_general3A_41, %add3A_42 : vector<1250x128xf32>
    %swap3A_44 = arith.constant 0 : index
    %swap3A_45 = arith.constant 1 : index
    %swap3A_46 = arith.constant 0 : index
    %swap3A_47 = vector.load %arg6[%swap3A_44, %swap3A_45, %swap3A_46] : memref<1250x8x128xf32, #tpu.memory_space<vmem>>, vector<1250x1x128xf32>
    %swap3A_48 = vector.shape_cast %swap3A_47 : vector<1250x1x128xf32> to vector<1250x128xf32>
    %swap3A_49 = vector.shape_cast %add3A_43 : vector<1250x128xf32> to vector<1250x1x128xf32>
    tpu.vector_store %arg6[%swap3A_44, %swap3A_45, %swap3A_46], %swap3A_49 {strides = array<i32>} : memref<1250x8x128xf32, #tpu.memory_space<vmem>>, vector<1250x1x128xf32>,
    %slice3A_50 = vector.extract_strided_slice %max3A_24 {offsets = [0, 32], sizes = [1250, 16], strides = [1, 1]} : vector<1280x128xf32> to vector<1250x16xf32>
    %dot_general3A_51 = arith.constant dense<0.000000e+00> : vector<1250x128xf32>
    %dot_general3A_52 = tpu.matmul %slice3A_50, %get3A_27, %dot_general3A_51 {dimension_numbers = #tpu.dot_dimension_numbers<[1], [0], [0], [1], [0, 0, 1, 1], [], []>, transpose_lhs_hint = false} : vector<1250x16xf32>, vector<16x128xf32>, vector<1250x128xf32> -> vector<1250x128xf32>
    %add3A_53 = vector.broadcast %get3A_30 : vector<1x128xf32> to vector<1250x128xf32>
    %add3A_54 = arith.addf %dot_general3A_52, %add3A_53 : vector<1250x128xf32>
    %swap3A_55 = arith.constant 0 : index
    %swap3A_56 = arith.constant 2 : index
    %swap3A_57 = arith.constant 0 : index
    %swap3A_58 = vector.load %arg6[%swap3A_55, %swap3A_56, %swap3A_57] : memref<1250x8x128xf32, #tpu.memory_space<vmem>>, vector<1250x1x128xf32>
    %swap3A_59 = vector.shape_cast %swap3A_58 : vector<1250x1x128xf32> to vector<1250x128xf32>
    %swap3A_60 = vector.shape_cast %add3A_54 : vector<1250x128xf32> to vector<1250x1x128xf32>
    tpu.vector_store %arg6[%swap3A_55, %swap3A_56, %swap3A_57], %swap3A_60 {strides = array<i32>} : memref<1250x8x128xf32, #tpu.memory_space<vmem>>, vector<1250x1x128xf32>,
    %slice3A_61 = vector.extract_strided_slice %max3A_24 {offsets = [0, 48], sizes = [1250, 16], strides = [1, 1]} : vector<1280x128xf32> to vector<1250x16xf32>
    %dot_general3A_62 = arith.constant dense<0.000000e+00> : vector<1250x128xf32>
    %dot_general3A_63 = tpu.matmul %slice3A_61, %get3A_27, %dot_general3A_62 {dimension_numbers = #tpu.dot_dimension_numbers<[1], [0], [0], [1], [0, 0, 1, 1], [], []>, transpose_lhs_hint = false} : vector<1250x16xf32>, vector<16x128xf32>, vector<1250x128xf32> -> vector<1250x128xf32>
    %add3A_64 = vector.broadcast %get3A_30 : vector<1x128xf32> to vector<1250x128xf32>
    %add3A_65 = arith.addf %dot_general3A_63, %add3A_64 : vector<1250x128xf32>
    %swap3A_66 = arith.constant 0 : index
    %swap3A_67 = arith.constant 3 : index
    %swap3A_68 = arith.constant 0 : index
    %swap3A_69 = vector.load %arg6[%swap3A_66, %swap3A_67, %swap3A_68] : memref<1250x8x128xf32, #tpu.memory_space<vmem>>, vector<1250x1x128xf32>
    %swap3A_70 = vector.shape_cast %swap3A_69 : vector<1250x1x128xf32> to vector<1250x128xf32>
    %swap3A_71 = vector.shape_cast %add3A_65 : vector<1250x128xf32> to vector<1250x1x128xf32>
    tpu.vector_store %arg6[%swap3A_66, %swap3A_67, %swap3A_68], %swap3A_71 {strides = array<i32>} : memref<1250x8x128xf32, #tpu.memory_space<vmem>>, vector<1250x1x128xf32>,
    %slice3A_72 = vector.extract_strided_slice %max3A_24 {offsets = [0, 64], sizes = [1250, 16], strides = [1, 1]} : vector<1280x128xf32> to vector<1250x16xf32>
    %dot_general3A_73 = arith.constant dense<0.000000e+00> : vector<1250x128xf32>
    %dot_general3A_74 = tpu.matmul %slice3A_72, %get3A_27, %dot_general3A_73 {dimension_numbers = #tpu.dot_dimension_numbers<[1], [0], [0], [1], [0, 0, 1, 1], [], []>, transpose_lhs_hint = false} : vector<1250x16xf32>, vector<16x128xf32>, vector<1250x128xf32> -> vector<1250x128xf32>
    %add3A_75 = vector.broadcast %get3A_30 : vector<1x128xf32> to vector<1250x128xf32>
    %add3A_76 = arith.addf %dot_general3A_74, %add3A_75 : vector<1250x128xf32>
    %swap3A_77 = arith.constant 0 : index
    %swap3A_78 = arith.constant 4 : index
    %swap3A_79 = arith.constant 0 : index
    %swap3A_80 = vector.load %arg6[%swap3A_77, %swap3A_78, %swap3A_79] : memref<1250x8x128xf32, #tpu.memory_space<vmem>>, vector<1250x1x128xf32>
    %swap3A_81 = vector.shape_cast %swap3A_80 : vector<1250x1x128xf32> to vector<1250x128xf32>
    %swap3A_82 = vector.shape_cast %add3A_76 : vector<1250x128xf32> to vector<1250x1x128xf32>
    tpu.vector_store %arg6[%swap3A_77, %swap3A_78, %swap3A_79], %swap3A_82 {strides = array<i32>} : memref<1250x8x128xf32, #tpu.memory_space<vmem>>, vector<1250x1x128xf32>,
    %slice3A_83 = vector.extract_strided_slice %max3A_24 {offsets = [0, 80], sizes = [1250, 16], strides = [1, 1]} : vector<1280x128xf32> to vector<1250x16xf32>
    %dot_general3A_84 = arith.constant dense<0.000000e+00> : vector<1250x128xf32>
    %dot_general3A_85 = tpu.matmul %slice3A_83, %get3A_27, %dot_general3A_84 {dimension_numbers = #tpu.dot_dimension_numbers<[1], [0], [0], [1], [0, 0, 1, 1], [], []>, transpose_lhs_hint = false} : vector<1250x16xf32>, vector<16x128xf32>, vector<1250x128xf32> -> vector<1250x128xf32>
    %add3A_86 = vector.broadcast %get3A_30 : vector<1x128xf32> to vector<1250x128xf32>
    %add3A_87 = arith.addf %dot_general3A_85, %add3A_86 : vector<1250x128xf32>
    %swap3A_88 = arith.constant 0 : index
    %swap3A_89 = arith.constant 5 : index
    %swap3A_90 = arith.constant 0 : index
    %swap3A_91 = vector.load %arg6[%swap3A_88, %swap3A_89, %swap3A_90] : memref<1250x8x128xf32, #tpu.memory_space<vmem>>, vector<1250x1x128xf32>
    %swap3A_92 = vector.shape_cast %swap3A_91 : vector<1250x1x128xf32> to vector<1250x128xf32>
    %swap3A_93 = vector.shape_cast %add3A_87 : vector<1250x128xf32> to vector<1250x1x128xf32>
    tpu.vector_store %arg6[%swap3A_88, %swap3A_89, %swap3A_90], %swap3A_93 {strides = array<i32>} : memref<1250x8x128xf32, #tpu.memory_space<vmem>>, vector<1250x1x128xf32>,
    %slice3A_94 = vector.extract_strided_slice %max3A_24 {offsets = [0, 96], sizes = [1250, 16], strides = [1, 1]} : vector<1280x128xf32> to vector<1250x16xf32>
    %dot_general3A_95 = arith.constant dense<0.000000e+00> : vector<1250x128xf32>
    %dot_general3A_96 = tpu.matmul %slice3A_94, %get3A_27, %dot_general3A_95 {dimension_numbers = #tpu.dot_dimension_numbers<[1], [0], [0], [1], [0, 0, 1, 1], [], []>, transpose_lhs_hint = false} : vector<1250x16xf32>, vector<16x128xf32>, vector<1250x128xf32> -> vector<1250x128xf32>
    %add3A_97 = vector.broadcast %get3A_30 : vector<1x128xf32> to vector<1250x128xf32>
    %add3A_98 = arith.addf %dot_general3A_96, %add3A_97 : vector<1250x128xf32>
    %swap3A_99 = arith.constant 0 : index
    %swap3A_100 = arith.constant 6 : index
    %swap3A_101 = arith.constant 0 : index
    %swap3A_102 = vector.load %arg6[%swap3A_99, %swap3A_100, %swap3A_101] : memref<1250x8x128xf32, #tpu.memory_space<vmem>>, vector<1250x1x128xf32>
    %swap3A_103 = vector.shape_cast %swap3A_102 : vector<1250x1x128xf32> to vector<1250x128xf32>
    %swap3A_104 = vector.shape_cast %add3A_98 : vector<1250x128xf32> to vector<1250x1x128xf32>
    tpu.vector_store %arg6[%swap3A_99, %swap3A_100, %swap3A_101], %swap3A_104 {strides = array<i32>} : memref<1250x8x128xf32, #tpu.memory_space<vmem>>, vector<1250x1x128xf32>,
    %slice3A_105 = vector.extract_strided_slice %max3A_24 {offsets = [0, 112], sizes = [1250, 16], strides = [1, 1]} : vector<1280x128xf32> to vector<1250x16xf32>
    %dot_general3A_106 = arith.constant dense<0.000000e+00> : vector<1250x128xf32>
    %dot_general3A_107 = tpu.matmul %slice3A_105, %get3A_27, %dot_general3A_106 {dimension_numbers = #tpu.dot_dimension_numbers<[1], [0], [0], [1], [0, 0, 1, 1], [], []>, transpose_lhs_hint = false} : vector<1250x16xf32>, vector<16x128xf32>, vector<1250x128xf32> -> vector<1250x128xf32>
    %add3A_108 = vector.broadcast %get3A_30 : vector<1x128xf32> to vector<1250x128xf32>
    %add3A_109 = arith.addf %dot_general3A_107, %add3A_108 : vector<1250x128xf32>
    %swap3A_110 = arith.constant 0 : index
    %swap3A_111 = arith.constant 7 : index
    %swap3A_112 = arith.constant 0 : index
    %swap3A_113 = vector.load %arg6[%swap3A_110, %swap3A_111, %swap3A_112] : memref<1250x8x128xf32, #tpu.memory_space<vmem>>, vector<1250x1x128xf32>
    %swap3A_114 = vector.shape_cast %swap3A_113 : vector<1250x1x128xf32> to vector<1250x128xf32>
    %swap3A_115 = vector.shape_cast %add3A_109 : vector<1250x128xf32> to vector<1250x1x128xf32>
    tpu.vector_store %arg6[%swap3A_110, %swap3A_111, %swap3A_112], %swap3A_115 {strides = array<i32>} : memref<1250x8x128xf32, #tpu.memory_space<vmem>>, vector<1250x1x128xf32>,
    return
  }
}

</mosaic_0001>

<sc_bundles>
// kernel: kernel.12.cloned.1.call-start
scs
__scs_entry_jumppad:
0x0: {  	(pc) =	sbr.rel $0x88, $3  }
0x1: {  	(tag) =	ssettag $0x0;
	lr =	simm.s32 $0x1  }
0x2: {  	[smem:$0x3F99] =	sst lr;
	_ =	strace $0xD0000000  }
0x3: {  	_ = 	snop  }
0x4: {  	_ = 	snop  }
0x5: {  	_ = 	snop  }
0x6: {  	_ = 	snop  }
0x7: {  	_ = 	snop  }
__scs_overlays_trampoline_lowered:
0x8: {  	[smem:$0x3FA8] =	sst s0  }
0x9: {  	[smem:$0x3FA9] =	sst s1  }
0xa: {  	[smem:$0x3FAA] =	sst s2  }
0xb: {  	[smem:$0x3FAB] =	sst s3  }
0xc: {  	[smem:$0x3FAC] =	sst s4  }
0xd: {  	[smem:$0x3FAD] =	sst s5  }
0xe: {  	[smem:$0x3FAE] =	sst s6  }
0xf: {  	[smem:$0x3FAF] =	sst s7  }
0x10: {  	[smem:$0x3FB0] =	sst s8  }
0x11: {  	[smem:$0x3FB1] =	sst s9;
	s0 =	simm.s32 @!p0 $0x0  }
0x12: {  	s1 =	sld [smem:$0x3F97];
	s0 =	simm.s32 @p0 $0x1  }
0x13: {  	[smem:$0x3FB2] =	sst s0;
	s0 =	simm.s32 @!p1 $0x0  }
0x14: {  	s2 =	sld [smem:$0x3F96];
	s0 =	simm.s32 @p1 $0x1  }
0x15: {  	[smem:$0x3FB3] =	sst s0;
	s0 =	simm.s32 @!p2 $0x0  }
0x16: {  	s3 =	sld [smem:$0x3FDB];
	s0 =	simm.s32 @p2 $0x1  }
0x17: {  	s4 =	simm.s32 $0x1BF5;
	[smem:$0x3FB5] =	sst s0  }
0x18: {  	s0 =	sld [smem:$0x3F98];
	_ =	swait.ge [sflag:s4], $0x0  }
0x19: {  	s7 =	sld [smem:$0x3F99]  }
0x1a: {  	s8 =	sadd.s32 $0xFFFFE003, lr  }
0x1b: {  	s9 =	sadd.s32 $0xFFFFFEF7, lr;
	s5 =	simm.s32 $0xFFFFFFFF;
	p2 =	slt.u32 s8, $0xFFFFF086  }
0x1c: {  	p1 =	slt.u32 s9, $0xF7A;
	s5 =	simm.s32 @!p2 $0x0  }
0x1d: {  	s5 =	simm.s32 @p1 $0x1;
	p0 =	seq.s32 s7, s2  }
0x1e: {  	s7 =	smul.u32 @!p0 $0xF7A, s2;
	p2 =	seq.s32 @!p0 s5, $0x0  }
0x1f: {  	s9 =	smul.u32 $0xF7A, s1;
	s8 =	simm.s32 @!p0 $0x1BF5;
	p2 =	por !p2, p0  }
0x20: {  	[sflag:s8] =	ssyncset.s32 @!p0 $0xFFFFF086;
	s6 =	sadd.s32 @!p0 s3, s7;
	s7 =	simm.s32 @!p0 $0x108  }
0x21: {  	s3 =	sadd.s32 s3, s9;
	s6 =	sadd.s32 @!p0 $0x88, s6;
	s7 =	simm.s32 @p2 $0x1082  }
0x22: {  	[simem:s7], [sflag:s8] =	dma.local @!p0 [hbm:s6], $0xF7A  }
0x23: {  	s9 =	sor.u32 $0xD0000000, s2;
	s6 =	simm.s32 $0x108;
	_ =	swait.ge @!p0 [sflag:s8], $0x0  }
0x24: {  	s3 =	sadd.s32 $0x88, s3;
	s6 =	simm.s32 @!p1 $0x1082;
	[sflag:s4] =	ssyncset.s32 $0xFFFFF086  }
0x25: {  	[simem:s6], [sflag:s4] =	dma.local [hbm:s3], $0xF7A  }
0x26: {  	[smem:$0x3F99] =	sst s1;
	(tag) =	ssettag s2;
	_ =	strace s9  }
0x27: {  	s1 =	sld [smem:$0x3FA9]  }
0x28: {  	s2 =	sld [smem:$0x3FAA]  }
0x29: {  	s4 =	sld [smem:$0x3FAC]  }
0x2a: {  	p0 =	seq.s32 s5, $0x0;
	s5 =	sld [smem:$0x3FAD]  }
0x2b: {  	s6 =	sld [smem:$0x3FAE]  }
0x2c: {  	s7 =	sld [smem:$0x3FAF]  }
0x2d: {  	s3 =	simm.s32 $0x108;
	s8 =	sld [smem:$0x3FB0]  }
0x2e: {  	s3 =	simm.s32 @!p0 $0x1082;
	s9 =	sld [smem:$0x3FB1]  }
0x2f: {  	lr =	sadd.s32 s0, s3;
	s0 =	sld [smem:$0x3FA8]  }
0x30: {  	s3 =	sld [smem:$0x3FAB]  }
0x31: {  	[smem:$0x3FB4] =	sst s10  }
0x32: {  	s10 =	sld [smem:$0x3FB2];
	_ =	sdelay $0x3  }
0x33: {  	p0 =	seq.s32 s10, $0x1;
	s10 =	sld [smem:$0x3FB4];
	_ =	sdelay $0x3  }
0x34: {  	[smem:$0x3FB4] =	sst s10  }
0x35: {  	s10 =	sld [smem:$0x3FB3];
	_ =	sdelay $0x3  }
0x36: {  	p1 =	seq.s32 s10, $0x1;
	s10 =	sld [smem:$0x3FB4];
	_ =	sdelay $0x3  }
0x37: {  	[smem:$0x3FB4] =	sst s10  }
0x38: {  	s10 =	sld [smem:$0x3FB5]  }
0x39: {  	_ = 	snop;
	(pc) =	sbr.ind lr, $3  }
0x3a: {  	_ = 	snop  }
0x3b: {  	_ = 	snop  }
0x3c: {  	p2 =	seq.s32 s10, $0x1;
	s10 =	sld [smem:$0x3FB4]  }
0x3d: {  	_ =	shalt  }
0x3e: {  	_ =	shalt  }
0x3f: {  	_ =	shalt  }
0x40: {  	_ =	shalt  }
0x41: {  	_ =	shalt  }
0x42: {  	_ =	shalt  }
0x43: {  	_ =	shalt  }
0x44: {  	_ =	shalt  }
0x45: {  	_ =	shalt  }
0x46: {  	_ =	shalt  }
0x47: {  	_ =	shalt  }
0x48: {  	_ =	shalt  }
0x49: {  	_ =	shalt  }
0x4a: {  	_ =	shalt  }
0x4b: {  	_ =	shalt  }
0x4c: {  	_ =	shalt  }
0x4d: {  	_ =	shalt  }
0x4e: {  	_ =	shalt  }
0x4f: {  	_ =	shalt  }
0x50: {  	_ =	shalt  }
0x51: {  	_ =	shalt  }
0x52: {  	_ =	shalt  }
0x53: {  	_ =	shalt  }
0x54: {  	_ =	shalt  }
0x55: {  	_ =	shalt  }
0x56: {  	_ =	shalt  }
0x57: {  	_ =	shalt  }
0x58: {  	_ =	shalt  }
0x59: {  	_ =	shalt  }
0x5a: {  	_ =	shalt  }
0x5b: {  	_ =	shalt  }
0x5c: {  	_ =	shalt  }
0x5d: {  	_ =	shalt  }
0x5e: {  	_ =	shalt  }
0x5f: {  	_ =	shalt  }
0x60: {  	_ =	shalt  }
0x61: {  	_ =	shalt  }
0x62: {  	_ =	shalt  }
0x63: {  	_ =	shalt  }
0x64: {  	_ =	shalt  }
0x65: {  	_ =	shalt  }
0x66: {  	_ =	shalt  }
0x67: {  	_ =	shalt  }
0x68: {  	_ =	shalt  }
0x69: {  	_ =	shalt  }
0x6a: {  	_ =	shalt  }
0x6b: {  	_ =	shalt  }
0x6c: {  	_ =	shalt  }
0x6d: {  	_ =	shalt  }
0x6e: {  	_ =	shalt  }
0x6f: {  	_ =	shalt  }
0x70: {  	_ =	shalt  }
0x71: {  	_ =	shalt  }
0x72: {  	_ =	shalt  }
0x73: {  	_ =	shalt  }
0x74: {  	_ =	shalt  }
0x75: {  	_ =	shalt  }
0x76: {  	_ =	shalt  }
0x77: {  	_ =	shalt  }
0x78: {  	_ =	shalt  }
0x79: {  	_ =	shalt  }
0x7a: {  	_ =	shalt  }
0x7b: {  	_ =	shalt  }
0x7c: {  	_ =	shalt  }
0x7d: {  	_ =	shalt  }
0x7e: {  	_ =	shalt  }
0x7f: {  	_ =	shalt  }
0x80: {  	_ =	shalt  }
0x81: {  	_ =	shalt  }
0x82: {  	_ =	shalt  }
0x83: {  	_ =	shalt  }
0x84: {  	_ =	shalt  }
0x85: {  	_ =	shalt  }
0x86: {  	_ =	shalt  }
0x87: {  	_ =	shalt  }
.Lfunc_end0:
.L_simem_size_0:
called_computation.1_lowered:
.L_overlay_start_0:
0x88: {  	s2 =	sld [smem:$0x3FD9]  }
0x89: {  	s3 =	sld [smem:$0x3FFE];
	_ =	sdelay $0x1  }
0x8a: {  	s1 =	srdreg.scid  }
0x8b: {  	s0 =	sand.u32 $0x1, s1  }
0x8c: {  	s17 =	sshll.u32 s0, $0xA;
	s2 =	sadd.s32 s3, s2  }
0x8d: {  	s2 =	sadd.s32 s2, s17  }
0x8e: {  	[smem:$0x3FC0] =	sst s2  }
0x8f: {  	_ = 	snop  }
0x90: {  	s2 =	sld [smem:$0x3FD0];
	(tm) =	ssettm $0x1  }
0x91: {  	s18 =	sld [smem:$0x3FFB];
	_ =	sdelay $0x3  }
0x92: {  	_ =	strace s18  }
0x93: {  	s3 =	sld [smem:$0x3FFC];
	_ =	sdelay $0x3  }
0x94: {  	_ =	strace s3  }
0x95: {  	s3 =	sld [smem:$0x3FFD];
	_ =	sdelay $0x3  }
0x96: {  	_ =	strace s3  }
0x97: {  	_ =	strace $0x8FFFFFFF  }
0x98: {  	s19 =	sld [smem:$0x3FDB];
	_ =	sdelay $0x1  }
0x99: {  	s4 =	simm.s32 $_scs_section_size  }
0x9a: {  	s5 =	simm.s32 $_size__tile_overlayer_lowered;
	s6 =	simm.s32 $_tile_overlayer_lowered  }
0x9b: {  	s22 =	simm.s32 $0x1BFF;
	s21 =	sshll.u32 s6, $0x1;
	s3 =	sadd.s32 s4, s19  }
0x9c: {  	s7 =	simm.s32 $0x0;
	s20 =	sshll.u32 s5, $0x1;
	s5 =	sadd.s32 s21, s3  }
0x9d: {  	[timem:s7], [sflag:s22] =	dma.local [hbm:s5], s20  }
0x9e: {  	_ =	swait.ge [sflag:s22], s20  }
0x9f: {  	s4 =	ssub.s32 $0x0, s20;
	[sflag:s22] =	ssyncset.done $0x0  }
0xa0: {  	[sflag:s22] =	ssyncadd.s32 s4;
	_ =	sdelay $0x1  }
0xa1: {  	s23 =	simm.s32 $0x1B8B  }
0xa2: {  	_ =	swait.ge [sflag:s23], $0x1  }
0xa3: {  	[sflag:s23] =	ssyncset.done $0x0  }
0xa4: {  	s25 =	simm.s32 $0x1B8E;
	s24 =	sld [smem:$0x3FFE];
	[sflag:s23] =	ssyncadd.s32 $0xFFFFFFFF  }
0xa5: {  	s26 =	simm.s32 $execute0_lowered;
	[smem:$0x3FD2] =	sst s25  }
0xa6: {  	s5 =	sshll.u32 s26, $0x1;
	_ =	strace $0x80000049;
	[dreg:$0x1] =	wrdreg $0xFFFFFFFF  }
0xa7: {  	s28 =	simm.s32 $_size_execute0_lowered;
	s3 =	sadd.s32 s3, s5;
	[dreg:$0x0] =	wrdreg $0x0  }
0xa8: {  	s5 =	sshll.u32 s28, $0x1;
	[dreg:$0x2] =	wrdreg s3  }
0xa9: {  	[dreg:$0x3] =	wrdreg s5  }
0xaa: {  	[dreg:$0x4] =	wrdreg $0xC0  }
0xab: {  	_ =	task [dreg:s7], $0x5FFFF  }
0xac: {  	[dreg:$0x1] =	wrdreg $0xFFFFFFFF  }
0xad: {  	[dreg:$0x0] =	wrdreg $0x60  }
0xae: {  	[dreg:$0x2] =	wrdreg s24  }
0xaf: {  	[dreg:$0x3] =	wrdreg s2  }
0xb0: {  	[dreg:$0x4] =	wrdreg $0xA6000  }
0xb1: {  	[dreg:$0x5] =	wrdreg $0xCD100  }
0xb2: {  	[dreg:$0x6] =	wrdreg $0x9  }
0xb3: {  	_ =	task.clear_ibuf [dreg:s7], $0x7FFFF;
	_ =	strace $0x90000049  }
0xb4: {  	s29 =	simm.s32 $0x9;
	_ =	strace $0x8000004B  }
0xb5: {  	_ =	swait.ge [sflag:s29], $0x1  }
0xb6: {  	[sflag:s29] =	ssyncadd.s32 $0xFFFFFFFF  }
0xb7: {  	_ =	strace $0x9000004B  }
0xb8: {  	_ =	sfence  }
0xb9: {  	s30 =	sld [smem:$0x0];
	_ =	sdelay $0x2  }
0xba: {  	s31 =	sshll.u32 s1, $0xD;
	s1 =	sshrl.u32 s1, $0x2  }
0xbb: {  	s3 =	sand.u32 $0x4000, s31;
	s1 =	sadd.s32 s1, s30  }
0xbc: {  	s0 =	sor.u32 s3, s0;
	s1 =	sshll.u32 s1, $0x11  }
0xbd: {  	s0 =	sor.u32 s1, s0  }
0xbe: {  	s0 =	sadd.s32 $0x8F2B, s0  }
0xbf: {  	[sflag:s0] =	ssyncadd.remote.s32 $0x1  }
0xc0: {  	_ =	sfence.sel $0xFFFF  }
0xc1: {  	[dreg:$0x0] =	wrdreg $0xFFFFFFFF;
	(pc) =	sbr.abs _section_cstart, $3  }
0xc2: {  	[dreg:$0x1] =	wrdreg $0xFFFFFFFF  }
0xc3: {  	_ =	task.clear_ibuf [dreg:s7], $0x2FFFF;
	_ =	strace $0x9FFFFFFF  }
0xc4: {  	(tm) =	ssettm $0x7FFFFFFF  }
0xc5: {  	_ =	shalt  }
tec
execute0_lowered:
.L_overlay_start_1:
0x0: {  	(tag) =	ssettag $0x1  }
0x1: {  	s0 =	rddreg [dreg:$0x0]  }
0x2: {  	s2 =	rddreg [dreg:$0x1]  }
0x3: {  	s1 =	rddreg [dreg:$0x2];
	s16 =	stileid.u32  }
0x4: {  	s3 =	rddreg [dreg:$0x3];
	s5 =	simm.s32 $0x0;
	s6 =	srdreg.scid  }
0x5: {  	s28 =	simm.s32 $0x1;
	s31 =	simm.s32 $0x6F00;
	s29 =	simm.s32 $0x7  }
0x6: {  	s30 =	simm.s32 $0x9;
	s4 =	smul.u32 $0x2700, s16;
	[smem:$0x7FF] =	sst s5  }
0x7: {  	s8 =	sand.u32 $0x1, s6;
	s9 =	sadd.s32 $0x2600, s0;
	s11 =	sadd.s32 $0xC400, s0  }
0x8: {  	p0 =	sne.s32 s16, $0x0;
	_ =	strace $0x8000004A;
	s18 =	ssub.s32 $0x2, s8  }
0x9: {  	s6 =	sshll.u32 s8, $0x4;
	s8 =	smul.u32 $0x28000, s8;
	s17 =	sshrl.u32 s4, $0x3  }
0xa: {  	s10 =	sshrl.u32 s18, $0x1;
	s12 =	sor.u32 s16, s6;
	s5 =	sadd.s32 s4, s1  }
0xb: {  	s6 =	sadd.s32 $0x27000, s1;
	s14 =	sadd.s32 s4, s3;
	s16 =	simm.s32 $0x7700  }
0xc: {  	s7 =	sadd.s32 s17, s0;
	s13 =	ssub.s32 s18, s10;
	s19 =	smul.u32 $0x4E, s12  }
0xd: {  	s15 =	smin.u32 s12, $0x4;
	s0 =	sadd.s32 $0x1B000, s0;
	s4 =	sadd.s32 s4, s8  }
0xe: {  	s8 =	sshrl.u32 s8, $0x3;
	s17 =	simm.s32 $0xD;
	[dreg:$0x5] =	wrdreg s5  }
0xf: {  	s26 =	sshrl.u32 s14, $0x3;
	p1 =	sgt.u32 s12, $0x3;
	[dreg:$0x6] =	wrdreg s6  }
0x10: {  	s12 =	simm.s32 $0x0;
	s7 =	sadd.s32 $0x16200, s7;
	[dreg:$0x8] =	wrdreg s0  }
0x11: {  	s22 =	sshrl.u32 s4, $0x3;
	s23 =	sadd.s32 s2, s8;
	s25 =	smax.u32 s13, $0x1  }
0x12: {  	[dreg:$0x10] =	wrdreg s26;
	s26 =	simm.s32 $0x6700;
	s8 =	simm.s32 $0xA  }
0x13: {  	[dreg:$0x7] =	wrdreg s7;
	s7 =	sadd.s32 $0x27000, s3;
	s10 =	sadd.s32 s15, s19  }
0x14: {  	s24 =	sadd.s32 $0x4E00, s23;
	[dreg:$0xf] =	wrdreg s25;
	s20 =	sshll.u32 s10, $0x4  }
0x15: {  	s23 =	simm.s32 $0x3;
	[dreg:$0xe] =	wrdreg s24;
	s10 =	sadd.s32 s9, s20  }
0x16: {  	s21 =	sadd.s32 s11, s20;
	s0 =	sadd.s32 $0x4E0, s20;
	[dreg:$0x9] =	wrdreg s10  }
0x17: {  	s24 =	simm.s32 $0x5F00;
	[dreg:$0xa] =	wrdreg s21;
	s9 =	sadd.s32 s9, s0  }
0x18: {  	s20 =	simm.s32 $0x80;
	s0 =	sadd.s32 s11, s0;
	[dreg:$0xb] =	wrdreg s9  }
0x19: {  	s21 =	simm.s32 $0x4F00;
	s11 =	simm.s32 $0xC;
	[dreg:$0xc] =	wrdreg s0  }
0x1a: {  	s0 =	sadd.s32 s2, s22;
	s22 =	simm.s32 $0x5700;
	s2 =	simm.s32 $0x5  }
0x1b: {  	s9 =	simm.s32 $0xB;
	[dreg:$0xd] =	wrdreg s0;
	s0 =	sshrl.u32 @!p0 s7, $0x3  }
0x1c: {  	v0 =	vimm.f32 $0.0e+00;
	s7 =	simm.s32 $0x6;
	[dreg:$0x11] =	wrdreg s0;
	s0 =	simm.s32 $0x2  }
.LBB2_1:
0x1d: {  	s13 =	simm.s32 $0x40;
	s14 =	simm.s32 $0x0  }
.LBB2_2:
0x1e: {  	p2 =	sne.s32 s13, $0x9BC0;
	[tilespmem:s14+$0x7F00] =	vst v0;
	s14 =	smov.u32 s13;
	s13 =	sadd.s32 $0x40, s13  }
.Ltmp0:
0x1f: {  	(pc) =	sbr.rel @p2 .LBB2_2-.Ltmp0, $2  }
0x20: {  	_ =	sdelay $0x2  }
0x21: {  	s14 =	sshra.s32 s14, $0x2  }
0x22: {  	[tilespmem:s14+$0x7F00] =	vst v0;
	s4 =	simm.s32 $0x7F00  }
0x23: {  	[spmem:s5] =	stream.linear.scatter [tilespmem:s4], [sflag:$0xD], $0x2700, $0x38;
	[tilespmem:$0xF420] =	vst v63  }
0x24: {  	_ =	swait.ge [sflag:s17], $0x2700  }
0x25: {  	[sflag:s17] =	ssyncset.done $0x0  }
0x26: {  	s13 =	simm.s32 @!p0 $0x7F00;
	s14 =	simm.s32 @!p0 $0xD;
	[sflag:s17] =	ssyncadd.s32 $0xFFFFD900  }
0x27: {  	[spmem:s6] =	stream.linear.scatter @!p0 [tilespmem:s13], [sflag:$0xD], $0x100, $0x38;
	[tilespmem:$0xF420] =	vst v63  }
0x28: {  	s6 =	stileid.u32;
	_ =	swait.ge @!p0 [sflag:s14], $0x100  }
0x29: {  	s10 =	sshll.u32 s6, $0x6;
	[sflag:s14] =	ssyncset.done @!p0 $0x0;
	s15 =	rddreg [dreg:$0x7]  }
0x2a: {  	s13 =	sor.u32 $0x1C0D, s10;
	s18 =	rddreg [dreg:$0x10];
	[sflag:s14] =	ssyncadd.s32 @!p0 $0xFFFFFF00  }
0x2b: {  	[spmem:s18], [sflag:s13] =	dma.local [hbm:s15], $0x4E0  }
0x2c: {  	_ =	swait.ge [sflag:s17], $0x4E0  }
0x2d: {  	[sflag:s17] =	ssyncset.done $0x0;
	s4 =	rddreg [dreg:$0x8]  }
0x2e: {  	s5 =	rddreg [dreg:$0x11];
	[sflag:s17] =	ssyncadd.s32 $0xFFFFFB20  }
0x2f: {  	[spmem:s5], [sflag:s13] =	dma.local @!p0 [hbm:s4], $0x20  }
0x30: {  	_ =	swait.ge @!p0 [sflag:s14], $0x20  }
0x31: {  	[sflag:s14] =	ssyncset.done @!p0 $0x0  }
0x32: {  	s19 =	simm.s32 $0x0;
	s25 =	rddreg [dreg:$0x9];
	[sflag:s14] =	ssyncadd.s32 @!p0 $0xFFFFFFE0  }
0x33: {  	[tilespmem:s19], [sflag:$0xD] =	stream.linear.gather [hbm4b:s25+s19], $0x2700, $0x38;
	[tilespmem:$0xF420] =	vst v63  }
0x34: {  	_ =	swait.ge [sflag:s17], $0x2700  }
0x35: {  	s15 =	simm.s32 @p1 $0x2780;
	[sflag:s17] =	ssyncset.done $0x0  }
0x36: {  	s14 =	simm.s32 @p1 $0x0;
	s4 =	rddreg [dreg:$0xa];
	[sflag:s17] =	ssyncadd.s32 $0xFFFFD900  }
0x37: {  	[tilespmem:s15], [sflag:$0xD] =	stream.linear.gather @p1 [hbm4b:s4+s14], $0x2700, $0x38;
	[tilespmem:$0xF420] =	vst v63  }
0x38: {  	s14 =	simm.s32 @p1 $0xD  }
0x39: {  	_ =	swait.ge @p1 [sflag:s14], $0x2700  }
0x3a: {  	s15 =	simm.s32 @!p1 $0x2700;
	[sflag:s14] =	ssyncset.done @p1 $0x0  }
0x3b: {  	s5 =	rddreg [dreg:$0xb];
	[sflag:s14] =	ssyncadd.s32 @p1 $0xFFFFD900;
	s14 =	simm.s32 @!p1 $0x0  }
0x3c: {  	[tilespmem:s15], [sflag:$0xD] =	stream.linear.gather @!p1 [hbm4b:s5+s14], $0x80, $0x38;
	[tilespmem:$0xF420] =	vst v63  }
0x3d: {  	s15 =	simm.s32 @!p1 $0xD  }
0x3e: {  	_ =	swait.ge @!p1 [sflag:s15], $0x80  }
0x3f: {  	[sflag:s15] =	ssyncset.done @!p1 $0x0  }
0x40: {  	s18 =	simm.s32 @!p1 $0x2780;
	[sflag:s15] =	ssyncadd.s32 @!p1 $0xFFFFFF80  }
0x41: {  	[tilespmem:s18], [sflag:$0xD] =	stream.linear.gather @!p1 [hbm4b:s4+s14], $0x2700, $0x38;
	[tilespmem:$0xF420] =	vst v63  }
0x42: {  	_ =	swait.ge @!p1 [sflag:s15], $0x2700  }
0x43: {  	[sflag:s15] =	ssyncset.done @!p1 $0x0  }
0x44: {  	s18 =	simm.s32 @!p1 $0x4E80;
	s4 =	rddreg [dreg:$0xc];
	[sflag:s15] =	ssyncadd.s32 @!p1 $0xFFFFD900  }
0x45: {  	[tilespmem:s18], [sflag:$0xD] =	stream.linear.gather @!p1 [hbm4b:s4+s14], $0x80, $0x38;
	[tilespmem:$0xF420] =	vst v63  }
0x46: {  	_ =	swait.ge @!p1 [sflag:s15], $0x80  }
0x47: {  	[sflag:s15] =	ssyncset.done @!p1 $0x0  }
0x48: {  	[sflag:s15] =	ssyncadd.s32 @!p1 $0xFFFFFF80  }
0x49: {  	s5 =	simm.s32 $0x0;
	[bflag:$0x0] =	sbarrier.arrive $0xFFFF  }
0x4a: {  	[tilespmem:s21], [sflag:$0x1] =	stream.indirect.gather [spmem:s3], $0x10, s5, s20, $0xb8;
	[tilespmem:$0xF420] =	vst v63  }
0x4b: {  	_ = 	snop  }
0x4c: {  	[tilespmem:s22], [sflag:$0x2] =	stream.indirect.gather [spmem:s3], $0x10, s20, s20, $0xb8;
	[tilespmem:$0xF420] =	vst v63  }
0x4d: {  	s6 =	simm.s32 $0x100  }
0x4e: {  	[tilespmem:s24], [sflag:$0x3] =	stream.indirect.gather [spmem:s3], $0x10, s6, s20, $0xb8;
	[tilespmem:$0xF420] =	vst v63  }
0x4f: {  	s10 =	simm.s32 $0x180  }
0x50: {  	[tilespmem:s26], [sflag:$0x4] =	stream.indirect.gather [spmem:s3], $0x10, s10, s20, $0xb8;
	[tilespmem:$0xF420] =	vst v63  }
0x51: {  	_ =	swait.ge [sflag:s28], $0x800  }
0x52: {  	[sflag:s28] =	ssyncset.done $0x0  }
0x53: {  	s14 =	simm.s32 $0x2780;
	[sflag:s28] =	ssyncadd.s32 $0xFFFFF800  }
0x54: {  	[spmem:s1] =	stream.indirect.scatter.add.f32 [tilespmem:s21], [sflag:$0x7], $0x10, s14, s20, $0xb8;
	[tilespmem:$0xF420] =	vst v63  }
0x55: {  	s15 =	simm.s32 $0x200  }
0x56: {  	[tilespmem:s31], [sflag:$0x5] =	stream.indirect.gather [spmem:s3], $0x10, s15, s20, $0xb8;
	[tilespmem:$0xF420] =	vst v63  }
0x57: {  	_ =	swait.ge [sflag:s0], $0x800  }
0x58: {  	[sflag:s0] =	ssyncset.done $0x0  }
0x59: {  	s18 =	simm.s32 $0x2800;
	[sflag:s0] =	ssyncadd.s32 $0xFFFFF800  }
0x5a: {  	[spmem:s1] =	stream.indirect.scatter.add.f32 [tilespmem:s22], [sflag:$0x8], $0x10, s18, s20, $0xb8;
	[tilespmem:$0xF420] =	vst v63  }
0x5b: {  	s19 =	simm.s32 $0x280  }
0x5c: {  	[tilespmem:s16], [sflag:$0x6] =	stream.indirect.gather [spmem:s3], $0x10, s19, s20, $0xb8;
	[tilespmem:$0xF420] =	vst v63  }
0x5d: {  	_ =	swait.ge [sflag:s23], $0x800  }
0x5e: {  	[sflag:s23] =	ssyncset.done $0x0  }
0x5f: {  	s25 =	simm.s32 $0x2880;
	[sflag:s23] =	ssyncadd.s32 $0xFFFFF800  }
0x60: {  	[spmem:s1] =	stream.indirect.scatter.add.f32 [tilespmem:s24], [sflag:$0x9], $0x10, s25, s20, $0xb8;
	[tilespmem:$0xF420] =	vst v63  }
0x61: {  	_ =	swait.ge [sflag:s29], $0x800  }
0x62: {  	[sflag:s29] =	ssyncset.done $0x0  }
0x63: {  	s5 =	simm.s32 $0x300;
	s6 =	simm.s32 $0x4;
	[sflag:s29] =	ssyncadd.s32 $0xFFFFF800  }
0x64: {  	[tilespmem:s21], [sflag:$0x1] =	stream.indirect.gather [spmem:s3], $0x10, s5, s20, $0xb8;
	[tilespmem:$0xF420] =	vst v63  }
0x65: {  	_ =	swait.ge [sflag:s6], $0x800  }
0x66: {  	[sflag:s6] =	ssyncset.done $0x0  }
0x67: {  	s10 =	simm.s32 $0x2900;
	s14 =	simm.s32 $0x8;
	[sflag:s6] =	ssyncadd.s32 $0xFFFFF800  }
0x68: {  	[spmem:s1] =	stream.indirect.scatter.add.f32 [tilespmem:s26], [sflag:$0xA], $0x10, s10, s20, $0xb8;
	[tilespmem:$0xF420] =	vst v63  }
0x69: {  	_ =	swait.ge [sflag:s14], $0x800  }
0x6a: {  	[sflag:s14] =	ssyncset.done $0x0  }
0x6b: {  	s15 =	simm.s32 $0x380;
	[sflag:s14] =	ssyncadd.s32 $0xFFFFF800  }
0x6c: {  	[tilespmem:s22], [sflag:$0x2] =	stream.indirect.gather [spmem:s3], $0x10, s15, s20, $0xb8;
	[tilespmem:$0xF420] =	vst v63  }
0x6d: {  	_ =	swait.ge [sflag:s2], $0x800  }
0x6e: {  	[sflag:s2] =	ssyncset.done $0x0  }
0x6f: {  	s18 =	simm.s32 $0x2980;
	[sflag:s2] =	ssyncadd.s32 $0xFFFFF800  }
0x70: {  	[spmem:s1] =	stream.indirect.scatter.add.f32 [tilespmem:s31], [sflag:$0xB], $0x10, s18, s20, $0xb8;
	[tilespmem:$0xF420] =	vst v63  }
0x71: {  	_ =	swait.ge [sflag:s30], $0x800  }
0x72: {  	[sflag:s30] =	ssyncset.done $0x0  }
0x73: {  	s19 =	simm.s32 $0x400;
	[sflag:s30] =	ssyncadd.s32 $0xFFFFF800  }
0x74: {  	[tilespmem:s24], [sflag:$0x3] =	stream.indirect.gather [spmem:s3], $0x10, s19, s20, $0xb8;
	[tilespmem:$0xF420] =	vst v63  }
0x75: {  	_ =	swait.ge [sflag:s7], $0x800  }
0x76: {  	[sflag:s7] =	ssyncset.done $0x0  }
0x77: {  	s25 =	simm.s32 $0x2A00;
	[sflag:s7] =	ssyncadd.s32 $0xFFFFF800  }
0x78: {  	[spmem:s1] =	stream.indirect.scatter.add.f32 [tilespmem:s16], [sflag:$0xC], $0x10, s25, s20, $0xb8;
	[tilespmem:$0xF420] =	vst v63  }
0x79: {  	_ =	swait.ge [sflag:s8], $0x800  }
0x7a: {  	[sflag:s8] =	ssyncset.done $0x0  }
0x7b: {  	s5 =	simm.s32 $0x480;
	[sflag:s8] =	ssyncadd.s32 $0xFFFFF800  }
0x7c: {  	[tilespmem:s26], [sflag:$0x4] =	stream.indirect.gather [spmem:s3], $0x10, s5, s20, $0xb8;
	[tilespmem:$0xF420] =	vst v63  }
0x7d: {  	_ =	swait.ge [sflag:s28], $0x800  }
0x7e: {  	[sflag:s28] =	ssyncset.done $0x0  }
0x7f: {  	s6 =	simm.s32 $0x2A80;
	[sflag:s28] =	ssyncadd.s32 $0xFFFFF800  }
0x80: {  	[spmem:s1] =	stream.indirect.scatter.add.f32 [tilespmem:s21], [sflag:$0x7], $0x10, s6, s20, $0xb8;
	[tilespmem:$0xF420] =	vst v63  }
0x81: {  	_ =	swait.ge [sflag:s9], $0x800  }
0x82: {  	[sflag:s9] =	ssyncset.done $0x0  }
0x83: {  	s10 =	simm.s32 $0x500;
	[sflag:s9] =	ssyncadd.s32 $0xFFFFF800  }
0x84: {  	[tilespmem:s31], [sflag:$0x5] =	stream.indirect.gather [spmem:s3], $0x10, s10, s20, $0xb8;
	[tilespmem:$0xF420] =	vst v63  }
0x85: {  	_ =	swait.ge [sflag:s0], $0x800  }
0x86: {  	[sflag:s0] =	ssyncset.done $0x0  }
0x87: {  	s15 =	simm.s32 $0x2B00;
	[sflag:s0] =	ssyncadd.s32 $0xFFFFF800  }
0x88: {  	[spmem:s1] =	stream.indirect.scatter.add.f32 [tilespmem:s22], [sflag:$0x8], $0x10, s15, s20, $0xb8;
	[tilespmem:$0xF420] =	vst v63  }
0x89: {  	_ =	swait.ge [sflag:s11], $0x800  }
0x8a: {  	[sflag:s11] =	ssyncset.done $0x0  }
0x8b: {  	s18 =	simm.s32 $0x580;
	[sflag:s11] =	ssyncadd.s32 $0xFFFFF800  }
0x8c: {  	[tilespmem:s16], [sflag:$0x6] =	stream.indirect.gather [spmem:s3], $0x10, s18, s20, $0xb8;
	[tilespmem:$0xF420] =	vst v63  }
0x8d: {  	_ =	swait.ge [sflag:s23], $0x800  }
0x8e: {  	[sflag:s23] =	ssyncset.done $0x0  }
0x8f: {  	s19 =	simm.s32 $0x2B80;
	[sflag:s23] =	ssyncadd.s32 $0xFFFFF800  }
0x90: {  	[spmem:s1] =	stream.indirect.scatter.add.f32 [tilespmem:s24], [sflag:$0x9], $0x10, s19, s20, $0xb8;
	[tilespmem:$0xF420] =	vst v63  }
0x91: {  	_ =	swait.ge [sflag:s29], $0x800  }
0x92: {  	p2 =	por $0x0, $0x0;
	[sflag:s29] =	ssyncset.done $0x0  }
0x93: {  	s14 =	simm.s32 @p2 $0x4;
	[sflag:s29] =	ssyncadd.s32 $0xFFFFF800  }
0x94: {  	_ =	swait.ge @p2 [sflag:s14], $0x800  }
0x95: {  	s15 =	simm.s32 @p2 $0x2C00;
	[sflag:s14] =	ssyncset.done @p2 $0x0  }
0x96: {  	s18 =	simm.s32 @p2 $0x6700;
	[sflag:s14] =	ssyncadd.s32 @p2 $0xFFFFF800;
	s14 =	simm.s32 @p2 $0x80  }
0x97: {  	[spmem:s1] =	stream.indirect.scatter.add.f32 @p2 [tilespmem:s18], [sflag:$0xA], $0x10, s15, s14, $0xb8;
	[tilespmem:$0xF420] =	vst v63  }
0x98: {  	s14 =	simm.s32 @p2 $0x8  }
0x99: {  	_ =	swait.ge @p2 [sflag:s14], $0x800  }
0x9a: {  	s15 =	simm.s32 @!p2 $0x600;
	[sflag:s14] =	ssyncset.done @p2 $0x0  }
0x9b: {  	s18 =	simm.s32 @!p2 $0x4F00;
	[sflag:s14] =	ssyncadd.s32 @p2 $0xFFFFF800;
	s14 =	simm.s32 @!p2 $0x80  }
0x9c: {  	[tilespmem:s18], [sflag:$0x1] =	stream.indirect.gather @!p2 [spmem:s3], $0x10, s15, s14, $0xb8;
	[tilespmem:$0xF420] =	vst v63  }
0x9d: {  	s15 =	simm.s32 @!p2 $0x4  }
0x9e: {  	_ =	swait.ge @!p2 [sflag:s15], $0x800  }
0x9f: {  	[sflag:s15] =	ssyncset.done @!p2 $0x0  }
0xa0: {  	s18 =	simm.s32 @!p2 $0x2C00;
	[sflag:s15] =	ssyncadd.s32 @!p2 $0xFFFFF800;
	s15 =	simm.s32 @!p2 $0x6700  }
0xa1: {  	[spmem:s1] =	stream.indirect.scatter.add.f32 @!p2 [tilespmem:s15], [sflag:$0xA], $0x10, s18, s14, $0xb8;
	[tilespmem:$0xF420] =	vst v63  }
0xa2: {  	s15 =	simm.s32 @!p2 $0x8  }
0xa3: {  	_ =	swait.ge @!p2 [sflag:s15], $0x800  }
0xa4: {  	[sflag:s15] =	ssyncset.done @!p2 $0x0  }
0xa5: {  	s18 =	simm.s32 @!p2 $0x680;
	[sflag:s15] =	ssyncadd.s32 @!p2 $0xFFFFF800;
	s15 =	simm.s32 @!p2 $0x5700  }
0xa6: {  	[tilespmem:s15], [sflag:$0x2] =	stream.indirect.gather @!p2 [spmem:s3], $0x10, s18, s14, $0xb8;
	[tilespmem:$0xF420] =	vst v63  }
0xa7: {  	_ =	swait.ge [sflag:s2], $0x800  }
0xa8: {  	[sflag:s2] =	ssyncset.done $0x0  }
0xa9: {  	s25 =	simm.s32 $0x2C80;
	[sflag:s2] =	ssyncadd.s32 $0xFFFFF800  }
0xaa: {  	[spmem:s1] =	stream.indirect.scatter.add.f32 [tilespmem:s31], [sflag:$0xB], $0x10, s25, s20, $0xb8;
	[tilespmem:$0xF420] =	vst v63  }
0xab: {  	_ =	swait.ge [sflag:s30], $0x800  }
0xac: {  	[sflag:s30] =	ssyncset.done $0x0  }
0xad: {  	s15 =	simm.s32 @!p2 $0x700;
	s18 =	simm.s32 @!p2 $0x5F00;
	[sflag:s30] =	ssyncadd.s32 $0xFFFFF800  }
0xae: {  	[tilespmem:s18], [sflag:$0x3] =	stream.indirect.gather @!p2 [spmem:s3], $0x10, s15, s14, $0xb8;
	[tilespmem:$0xF420] =	vst v63  }
0xaf: {  	_ =	swait.ge [sflag:s7], $0x800  }
0xb0: {  	[sflag:s7] =	ssyncset.done $0x0  }
0xb1: {  	s14 =	simm.s32 $0xC00;
	s15 =	simm.s32 $0x2D00;
	[sflag:s7] =	ssyncadd.s32 $0xFFFFF800  }
.LBB2_4:
0xb2: {  	[spmem:s1] =	stream.indirect.scatter.add.f32 [tilespmem:s16], [sflag:$0xC], $0x10, s15, s20, $0xb8;
	[tilespmem:$0xF420] =	vst v63  }
0xb3: {  	s18 =	smov.u32 s14;
	s14 =	sadd.s32 $0xC00, s14;
	_ =	swait.ge [sflag:s8], $0x800  }
0xb4: {  	s15 =	sshra.s32 s18, $0x2;
	p2 =	sne.s32 s14, $0x9000;
	[sflag:s8] =	ssyncset.done $0x0  }
0xb5: {  	s19 =	sadd.s32 $0x480, s15;
	[sflag:s8] =	ssyncadd.s32 $0xFFFFF800  }
0xb6: {  	[tilespmem:s26], [sflag:$0x4] =	stream.indirect.gather [spmem:s3], $0x10, s19, s20, $0xb8;
	[tilespmem:$0xF420] =	vst v63  }
0xb7: {  	_ =	swait.ge [sflag:s28], $0x800  }
0xb8: {  	[sflag:s28] =	ssyncset.done $0x0  }
0xb9: {  	s19 =	sadd.s32 $0x2A80, s15;
	[sflag:s28] =	ssyncadd.s32 $0xFFFFF800  }
0xba: {  	[spmem:s1] =	stream.indirect.scatter.add.f32 [tilespmem:s21], [sflag:$0x7], $0x10, s19, s20, $0xb8;
	[tilespmem:$0xF420] =	vst v63  }
0xbb: {  	_ =	swait.ge [sflag:s9], $0x800  }
0xbc: {  	[sflag:s9] =	ssyncset.done $0x0  }
0xbd: {  	s19 =	sadd.s32 $0x500, s15;
	[sflag:s9] =	ssyncadd.s32 $0xFFFFF800  }
0xbe: {  	[tilespmem:s31], [sflag:$0x5] =	stream.indirect.gather [spmem:s3], $0x10, s19, s20, $0xb8;
	[tilespmem:$0xF420] =	vst v63  }
0xbf: {  	_ =	swait.ge [sflag:s0], $0x800  }
0xc0: {  	[sflag:s0] =	ssyncset.done $0x0  }
0xc1: {  	s19 =	sadd.s32 $0x2B00, s15;
	[sflag:s0] =	ssyncadd.s32 $0xFFFFF800  }
0xc2: {  	[spmem:s1] =	stream.indirect.scatter.add.f32 [tilespmem:s22], [sflag:$0x8], $0x10, s19, s20, $0xb8;
	[tilespmem:$0xF420] =	vst v63  }
0xc3: {  	_ =	swait.ge [sflag:s11], $0x800  }
0xc4: {  	[sflag:s11] =	ssyncset.done $0x0  }
0xc5: {  	s19 =	sadd.s32 $0x580, s15;
	[sflag:s11] =	ssyncadd.s32 $0xFFFFF800  }
0xc6: {  	[tilespmem:s16], [sflag:$0x6] =	stream.indirect.gather [spmem:s3], $0x10, s19, s20, $0xb8;
	[tilespmem:$0xF420] =	vst v63  }
0xc7: {  	_ =	swait.ge [sflag:s23], $0x800  }
0xc8: {  	[sflag:s23] =	ssyncset.done $0x0  }
0xc9: {  	s19 =	sadd.s32 $0x2B80, s15;
	[sflag:s23] =	ssyncadd.s32 $0xFFFFF800  }
0xca: {  	[spmem:s1] =	stream.indirect.scatter.add.f32 [tilespmem:s24], [sflag:$0x9], $0x10, s19, s20, $0xb8;
	[tilespmem:$0xF420] =	vst v63  }
0xcb: {  	_ =	swait.ge [sflag:s29], $0x800  }
0xcc: {  	p3 =	seq.s32 s18, $0x8400;
	[sflag:s29] =	ssyncset.done $0x0  }
0xcd: {  	s4 =	sshra.s32 @p3 s18, $0x2;
	s19 =	simm.s32 @p3 $0x4;
	[sflag:s29] =	ssyncadd.s32 $0xFFFFF800  }
0xce: {  	s18 =	sshra.s32 @!p3 s18, $0x2;
	s4 =	sadd.s32 @p3 $0x2C00, s4;
	_ =	swait.ge @p3 [sflag:s19], $0x800  }
0xcf: {  	s25 =	simm.s32 @p3 $0x8;
	s5 =	sadd.s32 @!p3 $0x600, s18;
	[sflag:s19] =	ssyncset.done @p3 $0x0  }
0xd0: {  	s6 =	simm.s32 @p3 $0x6700;
	[sflag:s19] =	ssyncadd.s32 @p3 $0xFFFFF800;
	s19 =	simm.s32 @p3 $0x80  }
0xd1: {  	[spmem:s1] =	stream.indirect.scatter.add.f32 @p3 [tilespmem:s6], [sflag:$0xA], $0x10, s4, s19, $0xb8;
	[tilespmem:$0xF420] =	vst v63  }
0xd2: {  	s4 =	sadd.s32 @!p3 $0x2C00, s18;
	s6 =	sadd.s32 @!p3 $0x680, s18;
	_ =	swait.ge @p3 [sflag:s25], $0x800  }
0xd3: {  	s19 =	simm.s32 @!p3 $0x4;
	s18 =	sadd.s32 @!p3 $0x700, s18;
	[sflag:s25] =	ssyncset.done @p3 $0x0  }
0xd4: {  	s10 =	simm.s32 @!p3 $0x4F00;
	[sflag:s25] =	ssyncadd.s32 @p3 $0xFFFFF800;
	s25 =	simm.s32 @!p3 $0x80  }
0xd5: {  	[tilespmem:s10], [sflag:$0x1] =	stream.indirect.gather @!p3 [spmem:s3], $0x10, s5, s25, $0xb8;
	[tilespmem:$0xF420] =	vst v63  }
0xd6: {  	_ =	swait.ge @!p3 [sflag:s19], $0x800  }
0xd7: {  	[sflag:s19] =	ssyncset.done @!p3 $0x0  }
0xd8: {  	s5 =	simm.s32 @!p3 $0x6700;
	s10 =	simm.s32 @!p3 $0x8;
	[sflag:s19] =	ssyncadd.s32 @!p3 $0xFFFFF800  }
0xd9: {  	[spmem:s1] =	stream.indirect.scatter.add.f32 @!p3 [tilespmem:s5], [sflag:$0xA], $0x10, s4, s25, $0xb8;
	[tilespmem:$0xF420] =	vst v63  }
0xda: {  	_ =	swait.ge @!p3 [sflag:s10], $0x800  }
0xdb: {  	[sflag:s10] =	ssyncset.done @!p3 $0x0  }
0xdc: {  	s4 =	simm.s32 @!p3 $0x5700;
	[sflag:s10] =	ssyncadd.s32 @!p3 $0xFFFFF800  }
0xdd: {  	[tilespmem:s4], [sflag:$0x2] =	stream.indirect.gather @!p3 [spmem:s3], $0x10, s6, s25, $0xb8;
	[tilespmem:$0xF420] =	vst v63  }
0xde: {  	_ =	swait.ge [sflag:s2], $0x800  }
0xdf: {  	[sflag:s2] =	ssyncset.done $0x0  }
0xe0: {  	s4 =	sadd.s32 $0x2C80, s15;
	[sflag:s2] =	ssyncadd.s32 $0xFFFFF800  }
0xe1: {  	[spmem:s1] =	stream.indirect.scatter.add.f32 [tilespmem:s31], [sflag:$0xB], $0x10, s4, s20, $0xb8;
	[tilespmem:$0xF420] =	vst v63  }
0xe2: {  	_ =	swait.ge [sflag:s30], $0x800  }
0xe3: {  	[sflag:s30] =	ssyncset.done $0x0  }
.Ltmp1:
0xe4: {  	s4 =	simm.s32 @!p3 $0x5F00;
	[sflag:s30] =	ssyncadd.s32 $0xFFFFF800;
	(pc) =	sbr.rel @p2 .LBB2_4-.Ltmp1, $4  }
0xe5: {  	[tilespmem:s4], [sflag:$0x3] =	stream.indirect.gather @!p3 [spmem:s3], $0x10, s18, s25, $0xb8;
	[tilespmem:$0xF420] =	vst v63  }
0xe6: {  	_ =	swait.ge [sflag:s7], $0x800  }
0xe7: {  	[sflag:s7] =	ssyncset.done $0x0  }
0xe8: {  	s15 =	sadd.s32 $0x2D00, s15;
	[sflag:s7] =	ssyncadd.s32 $0xFFFFF800  }
0xe9: {  	[spmem:s1] =	stream.indirect.scatter.add.f32 [tilespmem:s16], [sflag:$0xC], $0x10, s15, s20, $0xb8;
	[tilespmem:$0xF420] =	vst v63  }
0xea: {  	_ =	swait.ge [sflag:s8], $0x800  }
0xeb: {  	[sflag:s8] =	ssyncset.done $0x0  }
0xec: {  	[sflag:s8] =	ssyncadd.s32 $0xFFFFF800  }
0xed: {  	_ =	swait.ge [sflag:s9], $0x800  }
0xee: {  	[sflag:s9] =	ssyncset.done $0x0  }
0xef: {  	[sflag:s9] =	ssyncadd.s32 $0xFFFFF800  }
0xf0: {  	_ =	swait.ge [sflag:s11], $0x800  }
0xf1: {  	s4 =	simm.s32 @!p1 $0x80;
	[sflag:s11] =	ssyncset.done $0x0  }
0xf2: {  	s5 =	simm.s32 @!p1 $0x2700;
	s6 =	simm.s32 @!p1 $0x4F00;
	[sflag:s11] =	ssyncadd.s32 $0xFFFFF800  }
0xf3: {  	[tilespmem:s6], [sflag:$0x1] =	stream.indirect.gather @!p1 [spmem:s3], $0x10, s5, s4, $0xb8;
	[tilespmem:$0xF420] =	vst v63  }
0xf4: {  	s5 =	simm.s32 @!p1 $0x1  }
0xf5: {  	_ =	swait.ge @!p1 [sflag:s5], $0x800  }
0xf6: {  	[sflag:s5] =	ssyncset.done @!p1 $0x0  }
0xf7: {  	[sflag:s5] =	ssyncadd.s32 @!p1 $0xFFFFF800;
	s5 =	simm.s32 @!p1 $0x4E80  }
0xf8: {  	[spmem:s1] =	stream.indirect.scatter.add.f32 @!p1 [tilespmem:s6], [sflag:$0xD], $0x10, s5, s4, $0xb8;
	[tilespmem:$0xF420] =	vst v63  }
0xf9: {  	s4 =	simm.s32 @!p1 $0xD  }
0xfa: {  	_ =	swait.ge @!p1 [sflag:s4], $0x800  }
0xfb: {  	[sflag:s4] =	ssyncset.done @!p1 $0x0  }
0xfc: {  	[sflag:s4] =	ssyncadd.s32 @!p1 $0xFFFFF800  }
0xfd: {  	[bflag:$0x0] =	sbarrier.arrive $0xFFFF  }
0xfe: {  	s5 =	rddreg [dreg:$0x5]  }
0xff: {  	s19 =	rddreg [dreg:$0xd];
	s18 =	sshrl.u32 s5, $0x3  }
0x100: {  	[hbm:s19], [sflag:s13] =	dma.local [spmem:s18], $0x4E0  }
0x101: {  	_ =	swait.ge [sflag:s17], $0x4E0  }
0x102: {  	[sflag:s17] =	ssyncset.done $0x0;
	s6 =	rddreg [dreg:$0x6]  }
0x103: {  	s10 =	rddreg [dreg:$0xe];
	[sflag:s17] =	ssyncadd.s32 $0xFFFFFB20;
	s4 =	sshrl.u32 @!p0 s6, $0x3  }
0x104: {  	[hbm:s10], [sflag:s13] =	dma.local @!p0 [spmem:s4], $0x20  }
0x105: {  	s4 =	simm.s32 @!p0 $0xD  }
0x106: {  	_ =	swait.ge @!p0 [sflag:s4], $0x20  }
0x107: {  	s12 =	sadd.s32 $0x1, s12;
	s25 =	rddreg [dreg:$0xf]  }
0x108: {  	p2 =	sne.s32 s12, s25  }
.Ltmp2:
0x109: {  	_ = 	snop;
	(pc) =	sbr.rel @p2 .LBB2_1-.Ltmp2, $3  }
0x10a: {  	_ =	sdelay $0x1  }
0x10b: {  	[sflag:s4] =	ssyncset.done @!p0 $0x0  }
0x10c: {  	[sflag:s4] =	ssyncadd.s32 @!p0 $0xFFFFFFE0  }
0x10d: {  	_ =	sfence.sel $0x180000  }
0x10e: {  	[bflag:$0x0] =	sbarrier.arrive $0xFFFF  }
0x10f: {  	_ =	strace $0x9000004A  }
0x110: {  	[bflag:$0x2] =	sbarrier.arrive $0xFFFF  }
0x111: {  	s0 =	rddreg [dreg:$0x4]  }
0x112: {  	s0 =	sadd.s32 @!p0 $0x100000, s0  }
0x113: {  	[sflag:s0] =	ssyncadd.tile.s32 @!p0 $0x1;
	_ =	shalt  }
.Lfunc_end2:
_tile_overlayer_lowered:
.L_overlay_start_2:
0x114: {  	(tag) =	ssettag $0x2  }
0x115: {  	s0 =	rddreg [dreg:$0x0];
	s2 =	stileid.u32  }
0x116: {  	s1 =	rddreg [dreg:$0x1];
	p0 =	sne.s32 s2, $0x0  }
0x117: {  	s3 =	rddreg [dreg:$0x2];
	[bflag:$0x3] =	sbarrier.arrive $0xFFFF;
	s2 =	simm.s32 @!p0 $0x1C0D  }
0x118: {  	[timem:s3], [sflag:s2] =	dma.local @!p0 [hbm:s0], s1  }
0x119: {  	s0 =	simm.s32 @!p0 $0xD  }
0x11a: {  	_ =	swait.ge @!p0 [sflag:s0], s1  }
0x11b: {  	s1 =	ssub.s32 @!p0 $0x0, s1;
	[sflag:s0] =	ssyncset.done @!p0 $0x0  }
0x11c: {  	[sflag:s0] =	ssyncadd.s32 @!p0 s1  }
0x11d: {  	[bflag:$0x3] =	sbarrier.arrive $0xFFFF  }
0x11e: {  	_ =	shalt  }

// kernel: kernel.15.cloned.1.call-start
scs
__scs_entry_jumppad:
0x0: {  	(pc) =	sbr.rel $0x88, $3  }
0x1: {  	(tag) =	ssettag $0x0;
	lr =	simm.s32 $0x1  }
0x2: {  	[smem:$0x3F99] =	sst lr;
	_ =	strace $0xD0000000  }
0x3: {  	_ = 	snop  }
0x4: {  	_ = 	snop  }
0x5: {  	_ = 	snop  }
0x6: {  	_ = 	snop  }
0x7: {  	_ = 	snop  }
__scs_overlays_trampoline_lowered:
0x8: {  	[smem:$0x3FA8] =	sst s0  }
0x9: {  	[smem:$0x3FA9] =	sst s1  }
0xa: {  	[smem:$0x3FAA] =	sst s2  }
0xb: {  	[smem:$0x3FAB] =	sst s3  }
0xc: {  	[smem:$0x3FAC] =	sst s4  }
0xd: {  	[smem:$0x3FAD] =	sst s5  }
0xe: {  	[smem:$0x3FAE] =	sst s6  }
0xf: {  	[smem:$0x3FAF] =	sst s7  }
0x10: {  	[smem:$0x3FB0] =	sst s8  }
0x11: {  	[smem:$0x3FB1] =	sst s9;
	s0 =	simm.s32 @!p0 $0x0  }
0x12: {  	s1 =	sld [smem:$0x3F97];
	s0 =	simm.s32 @p0 $0x1  }
0x13: {  	[smem:$0x3FB2] =	sst s0;
	s0 =	simm.s32 @!p1 $0x0  }
0x14: {  	s2 =	sld [smem:$0x3F96];
	s0 =	simm.s32 @p1 $0x1  }
0x15: {  	[smem:$0x3FB3] =	sst s0;
	s0 =	simm.s32 @!p2 $0x0  }
0x16: {  	s3 =	sld [smem:$0x3FDB];
	s0 =	simm.s32 @p2 $0x1  }
0x17: {  	s4 =	simm.s32 $0x1BF5;
	[smem:$0x3FB5] =	sst s0  }
0x18: {  	s0 =	sld [smem:$0x3F98];
	_ =	swait.ge [sflag:s4], $0x0  }
0x19: {  	s7 =	sld [smem:$0x3F99]  }
0x1a: {  	s8 =	sadd.s32 $0xFFFFE003, lr  }
0x1b: {  	s9 =	sadd.s32 $0xFFFFFEF7, lr;
	s5 =	simm.s32 $0xFFFFFFFF;
	p2 =	slt.u32 s8, $0xFFFFF086  }
0x1c: {  	p1 =	slt.u32 s9, $0xF7A;
	s5 =	simm.s32 @!p2 $0x0  }
0x1d: {  	s5 =	simm.s32 @p1 $0x1;
	p0 =	seq.s32 s7, s2  }
0x1e: {  	s7 =	smul.u32 @!p0 $0xF7A, s2;
	p2 =	seq.s32 @!p0 s5, $0x0  }
0x1f: {  	s9 =	smul.u32 $0xF7A, s1;
	s8 =	simm.s32 @!p0 $0x1BF5;
	p2 =	por !p2, p0  }
0x20: {  	[sflag:s8] =	ssyncset.s32 @!p0 $0xFFFFF086;
	s6 =	sadd.s32 @!p0 s3, s7;
	s7 =	simm.s32 @!p0 $0x108  }
0x21: {  	s3 =	sadd.s32 s3, s9;
	s6 =	sadd.s32 @!p0 $0x88, s6;
	s7 =	simm.s32 @p2 $0x1082  }
0x22: {  	[simem:s7], [sflag:s8] =	dma.local @!p0 [hbm:s6], $0xF7A  }
0x23: {  	s9 =	sor.u32 $0xD0000000, s2;
	s6 =	simm.s32 $0x108;
	_ =	swait.ge @!p0 [sflag:s8], $0x0  }
0x24: {  	s3 =	sadd.s32 $0x88, s3;
	s6 =	simm.s32 @!p1 $0x1082;
	[sflag:s4] =	ssyncset.s32 $0xFFFFF086  }
0x25: {  	[simem:s6], [sflag:s4] =	dma.local [hbm:s3], $0xF7A  }
0x26: {  	[smem:$0x3F99] =	sst s1;
	(tag) =	ssettag s2;
	_ =	strace s9  }
0x27: {  	s1 =	sld [smem:$0x3FA9]  }
0x28: {  	s2 =	sld [smem:$0x3FAA]  }
0x29: {  	s4 =	sld [smem:$0x3FAC]  }
0x2a: {  	p0 =	seq.s32 s5, $0x0;
	s5 =	sld [smem:$0x3FAD]  }
0x2b: {  	s6 =	sld [smem:$0x3FAE]  }
0x2c: {  	s7 =	sld [smem:$0x3FAF]  }
0x2d: {  	s3 =	simm.s32 $0x108;
	s8 =	sld [smem:$0x3FB0]  }
0x2e: {  	s3 =	simm.s32 @!p0 $0x1082;
	s9 =	sld [smem:$0x3FB1]  }
0x2f: {  	lr =	sadd.s32 s0, s3;
	s0 =	sld [smem:$0x3FA8]  }
0x30: {  	s3 =	sld [smem:$0x3FAB]  }
0x31: {  	[smem:$0x3FB4] =	sst s10  }
0x32: {  	s10 =	sld [smem:$0x3FB2];
	_ =	sdelay $0x3  }
0x33: {  	p0 =	seq.s32 s10, $0x1;
	s10 =	sld [smem:$0x3FB4];
	_ =	sdelay $0x3  }
0x34: {  	[smem:$0x3FB4] =	sst s10  }
0x35: {  	s10 =	sld [smem:$0x3FB3];
	_ =	sdelay $0x3  }
0x36: {  	p1 =	seq.s32 s10, $0x1;
	s10 =	sld [smem:$0x3FB4];
	_ =	sdelay $0x3  }
0x37: {  	[smem:$0x3FB4] =	sst s10  }
0x38: {  	s10 =	sld [smem:$0x3FB5]  }
0x39: {  	_ = 	snop;
	(pc) =	sbr.ind lr, $3  }
0x3a: {  	_ = 	snop  }
0x3b: {  	_ = 	snop  }
0x3c: {  	p2 =	seq.s32 s10, $0x1;
	s10 =	sld [smem:$0x3FB4]  }
0x3d: {  	_ =	shalt  }
0x3e: {  	_ =	shalt  }
0x3f: {  	_ =	shalt  }
0x40: {  	_ =	shalt  }
0x41: {  	_ =	shalt  }
0x42: {  	_ =	shalt  }
0x43: {  	_ =	shalt  }
0x44: {  	_ =	shalt  }
0x45: {  	_ =	shalt  }
0x46: {  	_ =	shalt  }
0x47: {  	_ =	shalt  }
0x48: {  	_ =	shalt  }
0x49: {  	_ =	shalt  }
0x4a: {  	_ =	shalt  }
0x4b: {  	_ =	shalt  }
0x4c: {  	_ =	shalt  }
0x4d: {  	_ =	shalt  }
0x4e: {  	_ =	shalt  }
0x4f: {  	_ =	shalt  }
0x50: {  	_ =	shalt  }
0x51: {  	_ =	shalt  }
0x52: {  	_ =	shalt  }
0x53: {  	_ =	shalt  }
0x54: {  	_ =	shalt  }
0x55: {  	_ =	shalt  }
0x56: {  	_ =	shalt  }
0x57: {  	_ =	shalt  }
0x58: {  	_ =	shalt  }
0x59: {  	_ =	shalt  }
0x5a: {  	_ =	shalt  }
0x5b: {  	_ =	shalt  }
0x5c: {  	_ =	shalt  }
0x5d: {  	_ =	shalt  }
0x5e: {  	_ =	shalt  }
0x5f: {  	_ =	shalt  }
0x60: {  	_ =	shalt  }
0x61: {  	_ =	shalt  }
0x62: {  	_ =	shalt  }
0x63: {  	_ =	shalt  }
0x64: {  	_ =	shalt  }
0x65: {  	_ =	shalt  }
0x66: {  	_ =	shalt  }
0x67: {  	_ =	shalt  }
0x68: {  	_ =	shalt  }
0x69: {  	_ =	shalt  }
0x6a: {  	_ =	shalt  }
0x6b: {  	_ =	shalt  }
0x6c: {  	_ =	shalt  }
0x6d: {  	_ =	shalt  }
0x6e: {  	_ =	shalt  }
0x6f: {  	_ =	shalt  }
0x70: {  	_ =	shalt  }
0x71: {  	_ =	shalt  }
0x72: {  	_ =	shalt  }
0x73: {  	_ =	shalt  }
0x74: {  	_ =	shalt  }
0x75: {  	_ =	shalt  }
0x76: {  	_ =	shalt  }
0x77: {  	_ =	shalt  }
0x78: {  	_ =	shalt  }
0x79: {  	_ =	shalt  }
0x7a: {  	_ =	shalt  }
0x7b: {  	_ =	shalt  }
0x7c: {  	_ =	shalt  }
0x7d: {  	_ =	shalt  }
0x7e: {  	_ =	shalt  }
0x7f: {  	_ =	shalt  }
0x80: {  	_ =	shalt  }
0x81: {  	_ =	shalt  }
0x82: {  	_ =	shalt  }
0x83: {  	_ =	shalt  }
0x84: {  	_ =	shalt  }
0x85: {  	_ =	shalt  }
0x86: {  	_ =	shalt  }
0x87: {  	_ =	shalt  }
.Lfunc_end0:
.L_simem_size_0:
called_computation.2_lowered:
.L_overlay_start_0:
0x88: {  	s2 =	sld [smem:$0x3FD9]  }
0x89: {  	s3 =	sld [smem:$0x3FFE];
	_ =	sdelay $0x1  }
0x8a: {  	s1 =	srdreg.scid  }
0x8b: {  	s0 =	sand.u32 $0x1, s1  }
0x8c: {  	s17 =	sshll.u32 s0, $0xA;
	s2 =	sadd.s32 s3, s2  }
0x8d: {  	s2 =	sadd.s32 s2, s17  }
0x8e: {  	[smem:$0x3FC0] =	sst s2  }
0x8f: {  	_ = 	snop  }
0x90: {  	s2 =	sld [smem:$0x3FD0];
	(tm) =	ssettm $0x1  }
0x91: {  	s18 =	sld [smem:$0x3FFB];
	_ =	sdelay $0x3  }
0x92: {  	_ =	strace s18  }
0x93: {  	s3 =	sld [smem:$0x3FFC];
	_ =	sdelay $0x3  }
0x94: {  	_ =	strace s3  }
0x95: {  	s3 =	sld [smem:$0x3FFD];
	_ =	sdelay $0x3  }
0x96: {  	_ =	strace s3  }
0x97: {  	_ =	strace $0x8FFFFFFF  }
0x98: {  	s19 =	sld [smem:$0x3FDB];
	_ =	sdelay $0x1  }
0x99: {  	s4 =	simm.s32 $_scs_section_size  }
0x9a: {  	s5 =	simm.s32 $_size__tile_overlayer_lowered;
	s6 =	simm.s32 $_tile_overlayer_lowered  }
0x9b: {  	s22 =	simm.s32 $0x1BFF;
	s21 =	sshll.u32 s6, $0x1;
	s3 =	sadd.s32 s4, s19  }
0x9c: {  	s7 =	simm.s32 $0x0;
	s20 =	sshll.u32 s5, $0x1;
	s5 =	sadd.s32 s21, s3  }
0x9d: {  	[timem:s7], [sflag:s22] =	dma.local [hbm:s5], s20  }
0x9e: {  	_ =	swait.ge [sflag:s22], s20  }
0x9f: {  	s4 =	ssub.s32 $0x0, s20;
	[sflag:s22] =	ssyncset.done $0x0  }
0xa0: {  	[sflag:s22] =	ssyncadd.s32 s4;
	_ =	sdelay $0x1  }
0xa1: {  	s23 =	simm.s32 $0x1B8B  }
0xa2: {  	_ =	swait.ge [sflag:s23], $0x1  }
0xa3: {  	[sflag:s23] =	ssyncset.done $0x0  }
0xa4: {  	s25 =	simm.s32 $0x1B8E;
	s24 =	sld [smem:$0x3FFE];
	[sflag:s23] =	ssyncadd.s32 $0xFFFFFFFF  }
0xa5: {  	s26 =	simm.s32 $execute0_lowered;
	[smem:$0x3FD2] =	sst s25  }
0xa6: {  	s5 =	sshll.u32 s26, $0x1;
	_ =	strace $0x8000004C;
	[dreg:$0x1] =	wrdreg $0xFFFFFFFF  }
0xa7: {  	s28 =	simm.s32 $_size_execute0_lowered;
	s3 =	sadd.s32 s3, s5;
	[dreg:$0x0] =	wrdreg $0x0  }
0xa8: {  	s5 =	sshll.u32 s28, $0x1;
	[dreg:$0x2] =	wrdreg s3  }
0xa9: {  	[dreg:$0x3] =	wrdreg s5  }
0xaa: {  	[dreg:$0x4] =	wrdreg $0xC0  }
0xab: {  	_ =	task [dreg:s7], $0x5FFFF  }
0xac: {  	[dreg:$0x1] =	wrdreg $0xFFFFFFFF  }
0xad: {  	[dreg:$0x0] =	wrdreg $0x60  }
0xae: {  	[dreg:$0x2] =	wrdreg s24  }
0xaf: {  	[dreg:$0x3] =	wrdreg s2  }
0xb0: {  	[dreg:$0x4] =	wrdreg $0xA6000  }
0xb1: {  	[dreg:$0x5] =	wrdreg $0xCD100  }
0xb2: {  	[dreg:$0x6] =	wrdreg $0x9  }
0xb3: {  	_ =	task.clear_ibuf [dreg:s7], $0x7FFFF;
	_ =	strace $0x9000004C  }
0xb4: {  	s29 =	simm.s32 $0x9;
	_ =	strace $0x8000004E  }
0xb5: {  	_ =	swait.ge [sflag:s29], $0x1  }
0xb6: {  	[sflag:s29] =	ssyncadd.s32 $0xFFFFFFFF  }
0xb7: {  	_ =	strace $0x9000004E  }
0xb8: {  	_ =	sfence  }
0xb9: {  	s30 =	sld [smem:$0x0];
	_ =	sdelay $0x2  }
0xba: {  	s31 =	sshll.u32 s1, $0xD;
	s1 =	sshrl.u32 s1, $0x2  }
0xbb: {  	s3 =	sand.u32 $0x4000, s31;
	s1 =	sadd.s32 s1, s30  }
0xbc: {  	s0 =	sor.u32 s3, s0;
	s1 =	sshll.u32 s1, $0x11  }
0xbd: {  	s0 =	sor.u32 s1, s0  }
0xbe: {  	s0 =	sadd.s32 $0x8F2B, s0  }
0xbf: {  	[sflag:s0] =	ssyncadd.remote.s32 $0x1  }
0xc0: {  	_ =	sfence.sel $0xFFFF  }
0xc1: {  	[dreg:$0x0] =	wrdreg $0xFFFFFFFF;
	(pc) =	sbr.abs _section_cstart, $3  }
0xc2: {  	[dreg:$0x1] =	wrdreg $0xFFFFFFFF  }
0xc3: {  	_ =	task.clear_ibuf [dreg:s7], $0x2FFFF;
	_ =	strace $0x9FFFFFFF  }
0xc4: {  	(tm) =	ssettm $0x7FFFFFFF  }
0xc5: {  	_ =	shalt  }
tec
execute0_lowered:
.L_overlay_start_1:
0x0: {  	(tag) =	ssettag $0x1  }
0x1: {  	s0 =	rddreg [dreg:$0x0]  }
0x2: {  	s2 =	rddreg [dreg:$0x1]  }
0x3: {  	s1 =	rddreg [dreg:$0x2];
	s16 =	stileid.u32  }
0x4: {  	s3 =	rddreg [dreg:$0x3];
	s5 =	simm.s32 $0x0;
	s6 =	srdreg.scid  }
0x5: {  	s28 =	simm.s32 $0x1;
	s31 =	simm.s32 $0x6F00;
	s29 =	simm.s32 $0x7  }
0x6: {  	s30 =	simm.s32 $0x9;
	s4 =	smul.u32 $0x2700, s16;
	[smem:$0x7FF] =	sst s5  }
0x7: {  	s8 =	sand.u32 $0x1, s6;
	s9 =	sadd.s32 $0x2600, s0;
	s11 =	sadd.s32 $0xC400, s0  }
0x8: {  	p0 =	sne.s32 s16, $0x0;
	_ =	strace $0x8000004D;
	s18 =	ssub.s32 $0x2, s8  }
0x9: {  	s6 =	sshll.u32 s8, $0x4;
	s8 =	smul.u32 $0x28000, s8;
	s17 =	sshrl.u32 s4, $0x3  }
0xa: {  	s10 =	sshrl.u32 s18, $0x1;
	s12 =	sor.u32 s16, s6;
	s5 =	sadd.s32 s4, s1  }
0xb: {  	s6 =	sadd.s32 $0x27000, s1;
	s14 =	sadd.s32 s4, s3;
	s16 =	simm.s32 $0x7700  }
0xc: {  	s7 =	sadd.s32 s17, s0;
	s13 =	ssub.s32 s18, s10;
	s19 =	smul.u32 $0x4E, s12  }
0xd: {  	s15 =	smin.u32 s12, $0x4;
	s0 =	sadd.s32 $0x1B000, s0;
	s4 =	sadd.s32 s4, s8  }
0xe: {  	s8 =	sshrl.u32 s8, $0x3;
	s17 =	simm.s32 $0xD;
	[dreg:$0x5] =	wrdreg s5  }
0xf: {  	s26 =	sshrl.u32 s14, $0x3;
	p1 =	sgt.u32 s12, $0x3;
	[dreg:$0x6] =	wrdreg s6  }
0x10: {  	s12 =	simm.s32 $0x0;
	s7 =	sadd.s32 $0x16200, s7;
	[dreg:$0x8] =	wrdreg s0  }
0x11: {  	s22 =	sshrl.u32 s4, $0x3;
	s23 =	sadd.s32 s2, s8;
	s25 =	smax.u32 s13, $0x1  }
0x12: {  	[dreg:$0x10] =	wrdreg s26;
	s26 =	simm.s32 $0x6700;
	s8 =	simm.s32 $0xA  }
0x13: {  	[dreg:$0x7] =	wrdreg s7;
	s7 =	sadd.s32 $0x27000, s3;
	s10 =	sadd.s32 s15, s19  }
0x14: {  	s24 =	sadd.s32 $0x4E00, s23;
	[dreg:$0xf] =	wrdreg s25;
	s20 =	sshll.u32 s10, $0x4  }
0x15: {  	s23 =	simm.s32 $0x3;
	[dreg:$0xe] =	wrdreg s24;
	s10 =	sadd.s32 s9, s20  }
0x16: {  	s21 =	sadd.s32 s11, s20;
	s0 =	sadd.s32 $0x4E0, s20;
	[dreg:$0x9] =	wrdreg s10  }
0x17: {  	s24 =	simm.s32 $0x5F00;
	[dreg:$0xa] =	wrdreg s21;
	s9 =	sadd.s32 s9, s0  }
0x18: {  	s20 =	simm.s32 $0x80;
	s0 =	sadd.s32 s11, s0;
	[dreg:$0xb] =	wrdreg s9  }
0x19: {  	s21 =	simm.s32 $0x4F00;
	s11 =	simm.s32 $0xC;
	[dreg:$0xc] =	wrdreg s0  }
0x1a: {  	s0 =	sadd.s32 s2, s22;
	s22 =	simm.s32 $0x5700;
	s2 =	simm.s32 $0x5  }
0x1b: {  	s9 =	simm.s32 $0xB;
	[dreg:$0xd] =	wrdreg s0;
	s0 =	sshrl.u32 @!p0 s7, $0x3  }
0x1c: {  	v0 =	vimm.f32 $0.0e+00;
	s7 =	simm.s32 $0x6;
	[dreg:$0x11] =	wrdreg s0;
	s0 =	simm.s32 $0x2  }
.LBB2_1:
0x1d: {  	s13 =	simm.s32 $0x40;
	s14 =	simm.s32 $0x0  }
.LBB2_2:
0x1e: {  	p2 =	sne.s32 s13, $0x9BC0;
	[tilespmem:s14+$0x7F00] =	vst v0;
	s14 =	smov.u32 s13;
	s13 =	sadd.s32 $0x40, s13  }
.Ltmp0:
0x1f: {  	(pc) =	sbr.rel @p2 .LBB2_2-.Ltmp0, $2  }
0x20: {  	_ =	sdelay $0x2  }
0x21: {  	s14 =	sshra.s32 s14, $0x2  }
0x22: {  	[tilespmem:s14+$0x7F00] =	vst v0;
	s4 =	simm.s32 $0x7F00  }
0x23: {  	[spmem:s5] =	stream.linear.scatter [tilespmem:s4], [sflag:$0xD], $0x2700, $0x38;
	[tilespmem:$0xF420] =	vst v63  }
0x24: {  	_ =	swait.ge [sflag:s17], $0x2700  }
0x25: {  	[sflag:s17] =	ssyncset.done $0x0  }
0x26: {  	s13 =	simm.s32 @!p0 $0x7F00;
	s14 =	simm.s32 @!p0 $0xD;
	[sflag:s17] =	ssyncadd.s32 $0xFFFFD900  }
0x27: {  	[spmem:s6] =	stream.linear.scatter @!p0 [tilespmem:s13], [sflag:$0xD], $0x100, $0x38;
	[tilespmem:$0xF420] =	vst v63  }
0x28: {  	s6 =	stileid.u32;
	_ =	swait.ge @!p0 [sflag:s14], $0x100  }
0x29: {  	s10 =	sshll.u32 s6, $0x6;
	[sflag:s14] =	ssyncset.done @!p0 $0x0;
	s15 =	rddreg [dreg:$0x7]  }
0x2a: {  	s13 =	sor.u32 $0x1C0D, s10;
	s18 =	rddreg [dreg:$0x10];
	[sflag:s14] =	ssyncadd.s32 @!p0 $0xFFFFFF00  }
0x2b: {  	[spmem:s18], [sflag:s13] =	dma.local [hbm:s15], $0x4E0  }
0x2c: {  	_ =	swait.ge [sflag:s17], $0x4E0  }
0x2d: {  	[sflag:s17] =	ssyncset.done $0x0;
	s4 =	rddreg [dreg:$0x8]  }
0x2e: {  	s5 =	rddreg [dreg:$0x11];
	[sflag:s17] =	ssyncadd.s32 $0xFFFFFB20  }
0x2f: {  	[spmem:s5], [sflag:s13] =	dma.local @!p0 [hbm:s4], $0x20  }
0x30: {  	_ =	swait.ge @!p0 [sflag:s14], $0x20  }
0x31: {  	[sflag:s14] =	ssyncset.done @!p0 $0x0  }
0x32: {  	s19 =	simm.s32 $0x0;
	s25 =	rddreg [dreg:$0x9];
	[sflag:s14] =	ssyncadd.s32 @!p0 $0xFFFFFFE0  }
0x33: {  	[tilespmem:s19], [sflag:$0xD] =	stream.linear.gather [hbm4b:s25+s19], $0x2700, $0x38;
	[tilespmem:$0xF420] =	vst v63  }
0x34: {  	_ =	swait.ge [sflag:s17], $0x2700  }
0x35: {  	s15 =	simm.s32 @p1 $0x2780;
	[sflag:s17] =	ssyncset.done $0x0  }
0x36: {  	s14 =	simm.s32 @p1 $0x0;
	s4 =	rddreg [dreg:$0xa];
	[sflag:s17] =	ssyncadd.s32 $0xFFFFD900  }
0x37: {  	[tilespmem:s15], [sflag:$0xD] =	stream.linear.gather @p1 [hbm4b:s4+s14], $0x2700, $0x38;
	[tilespmem:$0xF420] =	vst v63  }
0x38: {  	s14 =	simm.s32 @p1 $0xD  }
0x39: {  	_ =	swait.ge @p1 [sflag:s14], $0x2700  }
0x3a: {  	s15 =	simm.s32 @!p1 $0x2700;
	[sflag:s14] =	ssyncset.done @p1 $0x0  }
0x3b: {  	s5 =	rddreg [dreg:$0xb];
	[sflag:s14] =	ssyncadd.s32 @p1 $0xFFFFD900;
	s14 =	simm.s32 @!p1 $0x0  }
0x3c: {  	[tilespmem:s15], [sflag:$0xD] =	stream.linear.gather @!p1 [hbm4b:s5+s14], $0x80, $0x38;
	[tilespmem:$0xF420] =	vst v63  }
0x3d: {  	s15 =	simm.s32 @!p1 $0xD  }
0x3e: {  	_ =	swait.ge @!p1 [sflag:s15], $0x80  }
0x3f: {  	[sflag:s15] =	ssyncset.done @!p1 $0x0  }
0x40: {  	s18 =	simm.s32 @!p1 $0x2780;
	[sflag:s15] =	ssyncadd.s32 @!p1 $0xFFFFFF80  }
0x41: {  	[tilespmem:s18], [sflag:$0xD] =	stream.linear.gather @!p1 [hbm4b:s4+s14], $0x2700, $0x38;
	[tilespmem:$0xF420] =	vst v63  }
0x42: {  	_ =	swait.ge @!p1 [sflag:s15], $0x2700  }
0x43: {  	[sflag:s15] =	ssyncset.done @!p1 $0x0  }
0x44: {  	s18 =	simm.s32 @!p1 $0x4E80;
	s4 =	rddreg [dreg:$0xc];
	[sflag:s15] =	ssyncadd.s32 @!p1 $0xFFFFD900  }
0x45: {  	[tilespmem:s18], [sflag:$0xD] =	stream.linear.gather @!p1 [hbm4b:s4+s14], $0x80, $0x38;
	[tilespmem:$0xF420] =	vst v63  }
0x46: {  	_ =	swait.ge @!p1 [sflag:s15], $0x80  }
0x47: {  	[sflag:s15] =	ssyncset.done @!p1 $0x0  }
0x48: {  	[sflag:s15] =	ssyncadd.s32 @!p1 $0xFFFFFF80  }
0x49: {  	s5 =	simm.s32 $0x0;
	[bflag:$0x0] =	sbarrier.arrive $0xFFFF  }
0x4a: {  	[tilespmem:s21], [sflag:$0x1] =	stream.indirect.gather [spmem:s3], $0x10, s5, s20, $0xb8;
	[tilespmem:$0xF420] =	vst v63  }
0x4b: {  	_ = 	snop  }
0x4c: {  	[tilespmem:s22], [sflag:$0x2] =	stream.indirect.gather [spmem:s3], $0x10, s20, s20, $0xb8;
	[tilespmem:$0xF420] =	vst v63  }
0x4d: {  	s6 =	simm.s32 $0x100  }
0x4e: {  	[tilespmem:s24], [sflag:$0x3] =	stream.indirect.gather [spmem:s3], $0x10, s6, s20, $0xb8;
	[tilespmem:$0xF420] =	vst v63  }
0x4f: {  	s10 =	simm.s32 $0x180  }
0x50: {  	[tilespmem:s26], [sflag:$0x4] =	stream.indirect.gather [spmem:s3], $0x10, s10, s20, $0xb8;
	[tilespmem:$0xF420] =	vst v63  }
0x51: {  	_ =	swait.ge [sflag:s28], $0x800  }
0x52: {  	[sflag:s28] =	ssyncset.done $0x0  }
0x53: {  	s14 =	simm.s32 $0x2780;
	[sflag:s28] =	ssyncadd.s32 $0xFFFFF800  }
0x54: {  	[spmem:s1] =	stream.indirect.scatter.add.f32 [tilespmem:s21], [sflag:$0x7], $0x10, s14, s20, $0xb8;
	[tilespmem:$0xF420] =	vst v63  }
0x55: {  	s15 =	simm.s32 $0x200  }
0x56: {  	[tilespmem:s31], [sflag:$0x5] =	stream.indirect.gather [spmem:s3], $0x10, s15, s20, $0xb8;
	[tilespmem:$0xF420] =	vst v63  }
0x57: {  	_ =	swait.ge [sflag:s0], $0x800  }
0x58: {  	[sflag:s0] =	ssyncset.done $0x0  }
0x59: {  	s18 =	simm.s32 $0x2800;
	[sflag:s0] =	ssyncadd.s32 $0xFFFFF800  }
0x5a: {  	[spmem:s1] =	stream.indirect.scatter.add.f32 [tilespmem:s22], [sflag:$0x8], $0x10, s18, s20, $0xb8;
	[tilespmem:$0xF420] =	vst v63  }
0x5b: {  	s19 =	simm.s32 $0x280  }
0x5c: {  	[tilespmem:s16], [sflag:$0x6] =	stream.indirect.gather [spmem:s3], $0x10, s19, s20, $0xb8;
	[tilespmem:$0xF420] =	vst v63  }
0x5d: {  	_ =	swait.ge [sflag:s23], $0x800  }
0x5e: {  	[sflag:s23] =	ssyncset.done $0x0  }
0x5f: {  	s25 =	simm.s32 $0x2880;
	[sflag:s23] =	ssyncadd.s32 $0xFFFFF800  }
0x60: {  	[spmem:s1] =	stream.indirect.scatter.add.f32 [tilespmem:s24], [sflag:$0x9], $0x10, s25, s20, $0xb8;
	[tilespmem:$0xF420] =	vst v63  }
0x61: {  	_ =	swait.ge [sflag:s29], $0x800  }
0x62: {  	[sflag:s29] =	ssyncset.done $0x0  }
0x63: {  	s5 =	simm.s32 $0x300;
	s6 =	simm.s32 $0x4;
	[sflag:s29] =	ssyncadd.s32 $0xFFFFF800  }
0x64: {  	[tilespmem:s21], [sflag:$0x1] =	stream.indirect.gather [spmem:s3], $0x10, s5, s20, $0xb8;
	[tilespmem:$0xF420] =	vst v63  }
0x65: {  	_ =	swait.ge [sflag:s6], $0x800  }
0x66: {  	[sflag:s6] =	ssyncset.done $0x0  }
0x67: {  	s10 =	simm.s32 $0x2900;
	s14 =	simm.s32 $0x8;
	[sflag:s6] =	ssyncadd.s32 $0xFFFFF800  }
0x68: {  	[spmem:s1] =	stream.indirect.scatter.add.f32 [tilespmem:s26], [sflag:$0xA], $0x10, s10, s20, $0xb8;
	[tilespmem:$0xF420] =	vst v63  }
0x69: {  	_ =	swait.ge [sflag:s14], $0x800  }
0x6a: {  	[sflag:s14] =	ssyncset.done $0x0  }
0x6b: {  	s15 =	simm.s32 $0x380;
	[sflag:s14] =	ssyncadd.s32 $0xFFFFF800  }
0x6c: {  	[tilespmem:s22], [sflag:$0x2] =	stream.indirect.gather [spmem:s3], $0x10, s15, s20, $0xb8;
	[tilespmem:$0xF420] =	vst v63  }
0x6d: {  	_ =	swait.ge [sflag:s2], $0x800  }
0x6e: {  	[sflag:s2] =	ssyncset.done $0x0  }
0x6f: {  	s18 =	simm.s32 $0x2980;
	[sflag:s2] =	ssyncadd.s32 $0xFFFFF800  }
0x70: {  	[spmem:s1] =	stream.indirect.scatter.add.f32 [tilespmem:s31], [sflag:$0xB], $0x10, s18, s20, $0xb8;
	[tilespmem:$0xF420] =	vst v63  }
0x71: {  	_ =	swait.ge [sflag:s30], $0x800  }
0x72: {  	[sflag:s30] =	ssyncset.done $0x0  }
0x73: {  	s19 =	simm.s32 $0x400;
	[sflag:s30] =	ssyncadd.s32 $0xFFFFF800  }
0x74: {  	[tilespmem:s24], [sflag:$0x3] =	stream.indirect.gather [spmem:s3], $0x10, s19, s20, $0xb8;
	[tilespmem:$0xF420] =	vst v63  }
0x75: {  	_ =	swait.ge [sflag:s7], $0x800  }
0x76: {  	[sflag:s7] =	ssyncset.done $0x0  }
0x77: {  	s25 =	simm.s32 $0x2A00;
	[sflag:s7] =	ssyncadd.s32 $0xFFFFF800  }
0x78: {  	[spmem:s1] =	stream.indirect.scatter.add.f32 [tilespmem:s16], [sflag:$0xC], $0x10, s25, s20, $0xb8;
	[tilespmem:$0xF420] =	vst v63  }
0x79: {  	_ =	swait.ge [sflag:s8], $0x800  }
0x7a: {  	[sflag:s8] =	ssyncset.done $0x0  }
0x7b: {  	s5 =	simm.s32 $0x480;
	[sflag:s8] =	ssyncadd.s32 $0xFFFFF800  }
0x7c: {  	[tilespmem:s26], [sflag:$0x4] =	stream.indirect.gather [spmem:s3], $0x10, s5, s20, $0xb8;
	[tilespmem:$0xF420] =	vst v63  }
0x7d: {  	_ =	swait.ge [sflag:s28], $0x800  }
0x7e: {  	[sflag:s28] =	ssyncset.done $0x0  }
0x7f: {  	s6 =	simm.s32 $0x2A80;
	[sflag:s28] =	ssyncadd.s32 $0xFFFFF800  }
0x80: {  	[spmem:s1] =	stream.indirect.scatter.add.f32 [tilespmem:s21], [sflag:$0x7], $0x10, s6, s20, $0xb8;
	[tilespmem:$0xF420] =	vst v63  }
0x81: {  	_ =	swait.ge [sflag:s9], $0x800  }
0x82: {  	[sflag:s9] =	ssyncset.done $0x0  }
0x83: {  	s10 =	simm.s32 $0x500;
	[sflag:s9] =	ssyncadd.s32 $0xFFFFF800  }
0x84: {  	[tilespmem:s31], [sflag:$0x5] =	stream.indirect.gather [spmem:s3], $0x10, s10, s20, $0xb8;
	[tilespmem:$0xF420] =	vst v63  }
0x85: {  	_ =	swait.ge [sflag:s0], $0x800  }
0x86: {  	[sflag:s0] =	ssyncset.done $0x0  }
0x87: {  	s15 =	simm.s32 $0x2B00;
	[sflag:s0] =	ssyncadd.s32 $0xFFFFF800  }
0x88: {  	[spmem:s1] =	stream.indirect.scatter.add.f32 [tilespmem:s22], [sflag:$0x8], $0x10, s15, s20, $0xb8;
	[tilespmem:$0xF420] =	vst v63  }
0x89: {  	_ =	swait.ge [sflag:s11], $0x800  }
0x8a: {  	[sflag:s11] =	ssyncset.done $0x0  }
0x8b: {  	s18 =	simm.s32 $0x580;
	[sflag:s11] =	ssyncadd.s32 $0xFFFFF800  }
0x8c: {  	[tilespmem:s16], [sflag:$0x6] =	stream.indirect.gather [spmem:s3], $0x10, s18, s20, $0xb8;
	[tilespmem:$0xF420] =	vst v63  }
0x8d: {  	_ =	swait.ge [sflag:s23], $0x800  }
0x8e: {  	[sflag:s23] =	ssyncset.done $0x0  }
0x8f: {  	s19 =	simm.s32 $0x2B80;
	[sflag:s23] =	ssyncadd.s32 $0xFFFFF800  }
0x90: {  	[spmem:s1] =	stream.indirect.scatter.add.f32 [tilespmem:s24], [sflag:$0x9], $0x10, s19, s20, $0xb8;
	[tilespmem:$0xF420] =	vst v63  }
0x91: {  	_ =	swait.ge [sflag:s29], $0x800  }
0x92: {  	p2 =	por $0x0, $0x0;
	[sflag:s29] =	ssyncset.done $0x0  }
0x93: {  	s14 =	simm.s32 @p2 $0x4;
	[sflag:s29] =	ssyncadd.s32 $0xFFFFF800  }
0x94: {  	_ =	swait.ge @p2 [sflag:s14], $0x800  }
0x95: {  	s15 =	simm.s32 @p2 $0x2C00;
	[sflag:s14] =	ssyncset.done @p2 $0x0  }
0x96: {  	s18 =	simm.s32 @p2 $0x6700;
	[sflag:s14] =	ssyncadd.s32 @p2 $0xFFFFF800;
	s14 =	simm.s32 @p2 $0x80  }
0x97: {  	[spmem:s1] =	stream.indirect.scatter.add.f32 @p2 [tilespmem:s18], [sflag:$0xA], $0x10, s15, s14, $0xb8;
	[tilespmem:$0xF420] =	vst v63  }
0x98: {  	s14 =	simm.s32 @p2 $0x8  }
0x99: {  	_ =	swait.ge @p2 [sflag:s14], $0x800  }
0x9a: {  	s15 =	simm.s32 @!p2 $0x600;
	[sflag:s14] =	ssyncset.done @p2 $0x0  }
0x9b: {  	s18 =	simm.s32 @!p2 $0x4F00;
	[sflag:s14] =	ssyncadd.s32 @p2 $0xFFFFF800;
	s14 =	simm.s32 @!p2 $0x80  }
0x9c: {  	[tilespmem:s18], [sflag:$0x1] =	stream.indirect.gather @!p2 [spmem:s3], $0x10, s15, s14, $0xb8;
	[tilespmem:$0xF420] =	vst v63  }
0x9d: {  	s15 =	simm.s32 @!p2 $0x4  }
0x9e: {  	_ =	swait.ge @!p2 [sflag:s15], $0x800  }
0x9f: {  	[sflag:s15] =	ssyncset.done @!p2 $0x0  }
0xa0: {  	s18 =	simm.s32 @!p2 $0x2C00;
	[sflag:s15] =	ssyncadd.s32 @!p2 $0xFFFFF800;
	s15 =	simm.s32 @!p2 $0x6700  }
0xa1: {  	[spmem:s1] =	stream.indirect.scatter.add.f32 @!p2 [tilespmem:s15], [sflag:$0xA], $0x10, s18, s14, $0xb8;
	[tilespmem:$0xF420] =	vst v63  }
0xa2: {  	s15 =	simm.s32 @!p2 $0x8  }
0xa3: {  	_ =	swait.ge @!p2 [sflag:s15], $0x800  }
0xa4: {  	[sflag:s15] =	ssyncset.done @!p2 $0x0  }
0xa5: {  	s18 =	simm.s32 @!p2 $0x680;
	[sflag:s15] =	ssyncadd.s32 @!p2 $0xFFFFF800;
	s15 =	simm.s32 @!p2 $0x5700  }
0xa6: {  	[tilespmem:s15], [sflag:$0x2] =	stream.indirect.gather @!p2 [spmem:s3], $0x10, s18, s14, $0xb8;
	[tilespmem:$0xF420] =	vst v63  }
0xa7: {  	_ =	swait.ge [sflag:s2], $0x800  }
0xa8: {  	[sflag:s2] =	ssyncset.done $0x0  }
0xa9: {  	s25 =	simm.s32 $0x2C80;
	[sflag:s2] =	ssyncadd.s32 $0xFFFFF800  }
0xaa: {  	[spmem:s1] =	stream.indirect.scatter.add.f32 [tilespmem:s31], [sflag:$0xB], $0x10, s25, s20, $0xb8;
	[tilespmem:$0xF420] =	vst v63  }
0xab: {  	_ =	swait.ge [sflag:s30], $0x800  }
0xac: {  	[sflag:s30] =	ssyncset.done $0x0  }
0xad: {  	s15 =	simm.s32 @!p2 $0x700;
	s18 =	simm.s32 @!p2 $0x5F00;
	[sflag:s30] =	ssyncadd.s32 $0xFFFFF800  }
0xae: {  	[tilespmem:s18], [sflag:$0x3] =	stream.indirect.gather @!p2 [spmem:s3], $0x10, s15, s14, $0xb8;
	[tilespmem:$0xF420] =	vst v63  }
0xaf: {  	_ =	swait.ge [sflag:s7], $0x800  }
0xb0: {  	[sflag:s7] =	ssyncset.done $0x0  }
0xb1: {  	s14 =	simm.s32 $0xC00;
	s15 =	simm.s32 $0x2D00;
	[sflag:s7] =	ssyncadd.s32 $0xFFFFF800  }
.LBB2_4:
0xb2: {  	[spmem:s1] =	stream.indirect.scatter.add.f32 [tilespmem:s16], [sflag:$0xC], $0x10, s15, s20, $0xb8;
	[tilespmem:$0xF420] =	vst v63  }
0xb3: {  	s18 =	smov.u32 s14;
	s14 =	sadd.s32 $0xC00, s14;
	_ =	swait.ge [sflag:s8], $0x800  }
0xb4: {  	s15 =	sshra.s32 s18, $0x2;
	p2 =	sne.s32 s14, $0x9000;
	[sflag:s8] =	ssyncset.done $0x0  }
0xb5: {  	s19 =	sadd.s32 $0x480, s15;
	[sflag:s8] =	ssyncadd.s32 $0xFFFFF800  }
0xb6: {  	[tilespmem:s26], [sflag:$0x4] =	stream.indirect.gather [spmem:s3], $0x10, s19, s20, $0xb8;
	[tilespmem:$0xF420] =	vst v63  }
0xb7: {  	_ =	swait.ge [sflag:s28], $0x800  }
0xb8: {  	[sflag:s28] =	ssyncset.done $0x0  }
0xb9: {  	s19 =	sadd.s32 $0x2A80, s15;
	[sflag:s28] =	ssyncadd.s32 $0xFFFFF800  }
0xba: {  	[spmem:s1] =	stream.indirect.scatter.add.f32 [tilespmem:s21], [sflag:$0x7], $0x10, s19, s20, $0xb8;
	[tilespmem:$0xF420] =	vst v63  }
0xbb: {  	_ =	swait.ge [sflag:s9], $0x800  }
0xbc: {  	[sflag:s9] =	ssyncset.done $0x0  }
0xbd: {  	s19 =	sadd.s32 $0x500, s15;
	[sflag:s9] =	ssyncadd.s32 $0xFFFFF800  }
0xbe: {  	[tilespmem:s31], [sflag:$0x5] =	stream.indirect.gather [spmem:s3], $0x10, s19, s20, $0xb8;
	[tilespmem:$0xF420] =	vst v63  }
0xbf: {  	_ =	swait.ge [sflag:s0], $0x800  }
0xc0: {  	[sflag:s0] =	ssyncset.done $0x0  }
0xc1: {  	s19 =	sadd.s32 $0x2B00, s15;
	[sflag:s0] =	ssyncadd.s32 $0xFFFFF800  }
0xc2: {  	[spmem:s1] =	stream.indirect.scatter.add.f32 [tilespmem:s22], [sflag:$0x8], $0x10, s19, s20, $0xb8;
	[tilespmem:$0xF420] =	vst v63  }
0xc3: {  	_ =	swait.ge [sflag:s11], $0x800  }
0xc4: {  	[sflag:s11] =	ssyncset.done $0x0  }
0xc5: {  	s19 =	sadd.s32 $0x580, s15;
	[sflag:s11] =	ssyncadd.s32 $0xFFFFF800  }
0xc6: {  	[tilespmem:s16], [sflag:$0x6] =	stream.indirect.gather [spmem:s3], $0x10, s19, s20, $0xb8;
	[tilespmem:$0xF420] =	vst v63  }
0xc7: {  	_ =	swait.ge [sflag:s23], $0x800  }
0xc8: {  	[sflag:s23] =	ssyncset.done $0x0  }
0xc9: {  	s19 =	sadd.s32 $0x2B80, s15;
	[sflag:s23] =	ssyncadd.s32 $0xFFFFF800  }
0xca: {  	[spmem:s1] =	stream.indirect.scatter.add.f32 [tilespmem:s24], [sflag:$0x9], $0x10, s19, s20, $0xb8;
	[tilespmem:$0xF420] =	vst v63  }
0xcb: {  	_ =	swait.ge [sflag:s29], $0x800  }
0xcc: {  	p3 =	seq.s32 s18, $0x8400;
	[sflag:s29] =	ssyncset.done $0x0  }
0xcd: {  	s4 =	sshra.s32 @p3 s18, $0x2;
	s19 =	simm.s32 @p3 $0x4;
	[sflag:s29] =	ssyncadd.s32 $0xFFFFF800  }
0xce: {  	s18 =	sshra.s32 @!p3 s18, $0x2;
	s4 =	sadd.s32 @p3 $0x2C00, s4;
	_ =	swait.ge @p3 [sflag:s19], $0x800  }
0xcf: {  	s25 =	simm.s32 @p3 $0x8;
	s5 =	sadd.s32 @!p3 $0x600, s18;
	[sflag:s19] =	ssyncset.done @p3 $0x0  }
0xd0: {  	s6 =	simm.s32 @p3 $0x6700;
	[sflag:s19] =	ssyncadd.s32 @p3 $0xFFFFF800;
	s19 =	simm.s32 @p3 $0x80  }
0xd1: {  	[spmem:s1] =	stream.indirect.scatter.add.f32 @p3 [tilespmem:s6], [sflag:$0xA], $0x10, s4, s19, $0xb8;
	[tilespmem:$0xF420] =	vst v63  }
0xd2: {  	s4 =	sadd.s32 @!p3 $0x2C00, s18;
	s6 =	sadd.s32 @!p3 $0x680, s18;
	_ =	swait.ge @p3 [sflag:s25], $0x800  }
0xd3: {  	s19 =	simm.s32 @!p3 $0x4;
	s18 =	sadd.s32 @!p3 $0x700, s18;
	[sflag:s25] =	ssyncset.done @p3 $0x0  }
0xd4: {  	s10 =	simm.s32 @!p3 $0x4F00;
	[sflag:s25] =	ssyncadd.s32 @p3 $0xFFFFF800;
	s25 =	simm.s32 @!p3 $0x80  }
0xd5: {  	[tilespmem:s10], [sflag:$0x1] =	stream.indirect.gather @!p3 [spmem:s3], $0x10, s5, s25, $0xb8;
	[tilespmem:$0xF420] =	vst v63  }
0xd6: {  	_ =	swait.ge @!p3 [sflag:s19], $0x800  }
0xd7: {  	[sflag:s19] =	ssyncset.done @!p3 $0x0  }
0xd8: {  	s5 =	simm.s32 @!p3 $0x6700;
	s10 =	simm.s32 @!p3 $0x8;
	[sflag:s19] =	ssyncadd.s32 @!p3 $0xFFFFF800  }
0xd9: {  	[spmem:s1] =	stream.indirect.scatter.add.f32 @!p3 [tilespmem:s5], [sflag:$0xA], $0x10, s4, s25, $0xb8;
	[tilespmem:$0xF420] =	vst v63  }
0xda: {  	_ =	swait.ge @!p3 [sflag:s10], $0x800  }
0xdb: {  	[sflag:s10] =	ssyncset.done @!p3 $0x0  }
0xdc: {  	s4 =	simm.s32 @!p3 $0x5700;
	[sflag:s10] =	ssyncadd.s32 @!p3 $0xFFFFF800  }
0xdd: {  	[tilespmem:s4], [sflag:$0x2] =	stream.indirect.gather @!p3 [spmem:s3], $0x10, s6, s25, $0xb8;
	[tilespmem:$0xF420] =	vst v63  }
0xde: {  	_ =	swait.ge [sflag:s2], $0x800  }
0xdf: {  	[sflag:s2] =	ssyncset.done $0x0  }
0xe0: {  	s4 =	sadd.s32 $0x2C80, s15;
	[sflag:s2] =	ssyncadd.s32 $0xFFFFF800  }
0xe1: {  	[spmem:s1] =	stream.indirect.scatter.add.f32 [tilespmem:s31], [sflag:$0xB], $0x10, s4, s20, $0xb8;
	[tilespmem:$0xF420] =	vst v63  }
0xe2: {  	_ =	swait.ge [sflag:s30], $0x800  }
0xe3: {  	[sflag:s30] =	ssyncset.done $0x0  }
.Ltmp1:
0xe4: {  	s4 =	simm.s32 @!p3 $0x5F00;
	[sflag:s30] =	ssyncadd.s32 $0xFFFFF800;
	(pc) =	sbr.rel @p2 .LBB2_4-.Ltmp1, $4  }
0xe5: {  	[tilespmem:s4], [sflag:$0x3] =	stream.indirect.gather @!p3 [spmem:s3], $0x10, s18, s25, $0xb8;
	[tilespmem:$0xF420] =	vst v63  }
0xe6: {  	_ =	swait.ge [sflag:s7], $0x800  }
0xe7: {  	[sflag:s7] =	ssyncset.done $0x0  }
0xe8: {  	s15 =	sadd.s32 $0x2D00, s15;
	[sflag:s7] =	ssyncadd.s32 $0xFFFFF800  }
0xe9: {  	[spmem:s1] =	stream.indirect.scatter.add.f32 [tilespmem:s16], [sflag:$0xC], $0x10, s15, s20, $0xb8;
	[tilespmem:$0xF420] =	vst v63  }
0xea: {  	_ =	swait.ge [sflag:s8], $0x800  }
0xeb: {  	[sflag:s8] =	ssyncset.done $0x0  }
0xec: {  	[sflag:s8] =	ssyncadd.s32 $0xFFFFF800  }
0xed: {  	_ =	swait.ge [sflag:s9], $0x800  }
0xee: {  	[sflag:s9] =	ssyncset.done $0x0  }
0xef: {  	[sflag:s9] =	ssyncadd.s32 $0xFFFFF800  }
0xf0: {  	_ =	swait.ge [sflag:s11], $0x800  }
0xf1: {  	s4 =	simm.s32 @!p1 $0x80;
	[sflag:s11] =	ssyncset.done $0x0  }
0xf2: {  	s5 =	simm.s32 @!p1 $0x2700;
	s6 =	simm.s32 @!p1 $0x4F00;
	[sflag:s11] =	ssyncadd.s32 $0xFFFFF800  }
0xf3: {  	[tilespmem:s6], [sflag:$0x1] =	stream.indirect.gather @!p1 [spmem:s3], $0x10, s5, s4, $0xb8;
	[tilespmem:$0xF420] =	vst v63  }
0xf4: {  	s5 =	simm.s32 @!p1 $0x1  }
0xf5: {  	_ =	swait.ge @!p1 [sflag:s5], $0x800  }
0xf6: {  	[sflag:s5] =	ssyncset.done @!p1 $0x0  }
0xf7: {  	[sflag:s5] =	ssyncadd.s32 @!p1 $0xFFFFF800;
	s5 =	simm.s32 @!p1 $0x4E80  }
0xf8: {  	[spmem:s1] =	stream.indirect.scatter.add.f32 @!p1 [tilespmem:s6], [sflag:$0xD], $0x10, s5, s4, $0xb8;
	[tilespmem:$0xF420] =	vst v63  }
0xf9: {  	s4 =	simm.s32 @!p1 $0xD  }
0xfa: {  	_ =	swait.ge @!p1 [sflag:s4], $0x800  }
0xfb: {  	[sflag:s4] =	ssyncset.done @!p1 $0x0  }
0xfc: {  	[sflag:s4] =	ssyncadd.s32 @!p1 $0xFFFFF800  }
0xfd: {  	[bflag:$0x0] =	sbarrier.arrive $0xFFFF  }
0xfe: {  	s5 =	rddreg [dreg:$0x5]  }
0xff: {  	s19 =	rddreg [dreg:$0xd];
	s18 =	sshrl.u32 s5, $0x3  }
0x100: {  	[hbm:s19], [sflag:s13] =	dma.local [spmem:s18], $0x4E0  }
0x101: {  	_ =	swait.ge [sflag:s17], $0x4E0  }
0x102: {  	[sflag:s17] =	ssyncset.done $0x0;
	s6 =	rddreg [dreg:$0x6]  }
0x103: {  	s10 =	rddreg [dreg:$0xe];
	[sflag:s17] =	ssyncadd.s32 $0xFFFFFB20;
	s4 =	sshrl.u32 @!p0 s6, $0x3  }
0x104: {  	[hbm:s10], [sflag:s13] =	dma.local @!p0 [spmem:s4], $0x20  }
0x105: {  	s4 =	simm.s32 @!p0 $0xD  }
0x106: {  	_ =	swait.ge @!p0 [sflag:s4], $0x20  }
0x107: {  	s12 =	sadd.s32 $0x1, s12;
	s25 =	rddreg [dreg:$0xf]  }
0x108: {  	p2 =	sne.s32 s12, s25  }
.Ltmp2:
0x109: {  	_ = 	snop;
	(pc) =	sbr.rel @p2 .LBB2_1-.Ltmp2, $3  }
0x10a: {  	_ =	sdelay $0x1  }
0x10b: {  	[sflag:s4] =	ssyncset.done @!p0 $0x0  }
0x10c: {  	[sflag:s4] =	ssyncadd.s32 @!p0 $0xFFFFFFE0  }
0x10d: {  	_ =	sfence.sel $0x180000  }
0x10e: {  	[bflag:$0x0] =	sbarrier.arrive $0xFFFF  }
0x10f: {  	_ =	strace $0x9000004D  }
0x110: {  	[bflag:$0x2] =	sbarrier.arrive $0xFFFF  }
0x111: {  	s0 =	rddreg [dreg:$0x4]  }
0x112: {  	s0 =	sadd.s32 @!p0 $0x100000, s0  }
0x113: {  	[sflag:s0] =	ssyncadd.tile.s32 @!p0 $0x1;
	_ =	shalt  }
.Lfunc_end2:
_tile_overlayer_lowered:
.L_overlay_start_2:
0x114: {  	(tag) =	ssettag $0x2  }
0x115: {  	s0 =	rddreg [dreg:$0x0];
	s2 =	stileid.u32  }
0x116: {  	s1 =	rddreg [dreg:$0x1];
	p0 =	sne.s32 s2, $0x0  }
0x117: {  	s3 =	rddreg [dreg:$0x2];
	[bflag:$0x3] =	sbarrier.arrive $0xFFFF;
	s2 =	simm.s32 @!p0 $0x1C0D  }
0x118: {  	[timem:s3], [sflag:s2] =	dma.local @!p0 [hbm:s0], s1  }
0x119: {  	s0 =	simm.s32 @!p0 $0xD  }
0x11a: {  	_ =	swait.ge @!p0 [sflag:s0], s1  }
0x11b: {  	s1 =	ssub.s32 @!p0 $0x0, s1;
	[sflag:s0] =	ssyncset.done @!p0 $0x0  }
0x11c: {  	[sflag:s0] =	ssyncadd.s32 @!p0 s1  }
0x11d: {  	[bflag:$0x3] =	sbarrier.arrive $0xFFFF  }
0x11e: {  	_ =	shalt  }

// kernel: kernel.9.cloned.1.call-start
scs
__scs_entry_jumppad:
0x0: {  	(pc) =	sbr.rel $0x88, $3  }
0x1: {  	(tag) =	ssettag $0x0;
	lr =	simm.s32 $0x1  }
0x2: {  	[smem:$0x3F99] =	sst lr;
	_ =	strace $0xD0000000  }
0x3: {  	_ = 	snop  }
0x4: {  	_ = 	snop  }
0x5: {  	_ = 	snop  }
0x6: {  	_ = 	snop  }
0x7: {  	_ = 	snop  }
__scs_overlays_trampoline_lowered:
0x8: {  	[smem:$0x3FA8] =	sst s0  }
0x9: {  	[smem:$0x3FA9] =	sst s1  }
0xa: {  	[smem:$0x3FAA] =	sst s2  }
0xb: {  	[smem:$0x3FAB] =	sst s3  }
0xc: {  	[smem:$0x3FAC] =	sst s4  }
0xd: {  	[smem:$0x3FAD] =	sst s5  }
0xe: {  	[smem:$0x3FAE] =	sst s6  }
0xf: {  	[smem:$0x3FAF] =	sst s7  }
0x10: {  	[smem:$0x3FB0] =	sst s8  }
0x11: {  	[smem:$0x3FB1] =	sst s9;
	s0 =	simm.s32 @!p0 $0x0  }
0x12: {  	s1 =	sld [smem:$0x3F97];
	s0 =	simm.s32 @p0 $0x1  }
0x13: {  	[smem:$0x3FB2] =	sst s0;
	s0 =	simm.s32 @!p1 $0x0  }
0x14: {  	s2 =	sld [smem:$0x3F96];
	s0 =	simm.s32 @p1 $0x1  }
0x15: {  	[smem:$0x3FB3] =	sst s0;
	s0 =	simm.s32 @!p2 $0x0  }
0x16: {  	s3 =	sld [smem:$0x3FDB];
	s0 =	simm.s32 @p2 $0x1  }
0x17: {  	s4 =	simm.s32 $0x1BF5;
	[smem:$0x3FB5] =	sst s0  }
0x18: {  	s0 =	sld [smem:$0x3F98];
	_ =	swait.ge [sflag:s4], $0x0  }
0x19: {  	s7 =	sld [smem:$0x3F99]  }
0x1a: {  	s8 =	sadd.s32 $0xFFFFE003, lr  }
0x1b: {  	s9 =	sadd.s32 $0xFFFFFEF7, lr;
	s5 =	simm.s32 $0xFFFFFFFF;
	p2 =	slt.u32 s8, $0xFFFFF086  }
0x1c: {  	p1 =	slt.u32 s9, $0xF7A;
	s5 =	simm.s32 @!p2 $0x0  }
0x1d: {  	s5 =	simm.s32 @p1 $0x1;
	p0 =	seq.s32 s7, s2  }
0x1e: {  	s7 =	smul.u32 @!p0 $0xF7A, s2;
	p2 =	seq.s32 @!p0 s5, $0x0  }
0x1f: {  	s9 =	smul.u32 $0xF7A, s1;
	s8 =	simm.s32 @!p0 $0x1BF5;
	p2 =	por !p2, p0  }
0x20: {  	[sflag:s8] =	ssyncset.s32 @!p0 $0xFFFFF086;
	s6 =	sadd.s32 @!p0 s3, s7;
	s7 =	simm.s32 @!p0 $0x108  }
0x21: {  	s3 =	sadd.s32 s3, s9;
	s6 =	sadd.s32 @!p0 $0x88, s6;
	s7 =	simm.s32 @p2 $0x1082  }
0x22: {  	[simem:s7], [sflag:s8] =	dma.local @!p0 [hbm:s6], $0xF7A  }
0x23: {  	s9 =	sor.u32 $0xD0000000, s2;
	s6 =	simm.s32 $0x108;
	_ =	swait.ge @!p0 [sflag:s8], $0x0  }
0x24: {  	s3 =	sadd.s32 $0x88, s3;
	s6 =	simm.s32 @!p1 $0x1082;
	[sflag:s4] =	ssyncset.s32 $0xFFFFF086  }
0x25: {  	[simem:s6], [sflag:s4] =	dma.local [hbm:s3], $0xF7A  }
0x26: {  	[smem:$0x3F99] =	sst s1;
	(tag) =	ssettag s2;
	_ =	strace s9  }
0x27: {  	s1 =	sld [smem:$0x3FA9]  }
0x28: {  	s2 =	sld [smem:$0x3FAA]  }
0x29: {  	s4 =	sld [smem:$0x3FAC]  }
0x2a: {  	p0 =	seq.s32 s5, $0x0;
	s5 =	sld [smem:$0x3FAD]  }
0x2b: {  	s6 =	sld [smem:$0x3FAE]  }
0x2c: {  	s7 =	sld [smem:$0x3FAF]  }
0x2d: {  	s3 =	simm.s32 $0x108;
	s8 =	sld [smem:$0x3FB0]  }
0x2e: {  	s3 =	simm.s32 @!p0 $0x1082;
	s9 =	sld [smem:$0x3FB1]  }
0x2f: {  	lr =	sadd.s32 s0, s3;
	s0 =	sld [smem:$0x3FA8]  }
0x30: {  	s3 =	sld [smem:$0x3FAB]  }
0x31: {  	[smem:$0x3FB4] =	sst s10  }
0x32: {  	s10 =	sld [smem:$0x3FB2];
	_ =	sdelay $0x3  }
0x33: {  	p0 =	seq.s32 s10, $0x1;
	s10 =	sld [smem:$0x3FB4];
	_ =	sdelay $0x3  }
0x34: {  	[smem:$0x3FB4] =	sst s10  }
0x35: {  	s10 =	sld [smem:$0x3FB3];
	_ =	sdelay $0x3  }
0x36: {  	p1 =	seq.s32 s10, $0x1;
	s10 =	sld [smem:$0x3FB4];
	_ =	sdelay $0x3  }
0x37: {  	[smem:$0x3FB4] =	sst s10  }
0x38: {  	s10 =	sld [smem:$0x3FB5]  }
0x39: {  	_ = 	snop;
	(pc) =	sbr.ind lr, $3  }
0x3a: {  	_ = 	snop  }
0x3b: {  	_ = 	snop  }
0x3c: {  	p2 =	seq.s32 s10, $0x1;
	s10 =	sld [smem:$0x3FB4]  }
0x3d: {  	_ =	shalt  }
0x3e: {  	_ =	shalt  }
0x3f: {  	_ =	shalt  }
0x40: {  	_ =	shalt  }
0x41: {  	_ =	shalt  }
0x42: {  	_ =	shalt  }
0x43: {  	_ =	shalt  }
0x44: {  	_ =	shalt  }
0x45: {  	_ =	shalt  }
0x46: {  	_ =	shalt  }
0x47: {  	_ =	shalt  }
0x48: {  	_ =	shalt  }
0x49: {  	_ =	shalt  }
0x4a: {  	_ =	shalt  }
0x4b: {  	_ =	shalt  }
0x4c: {  	_ =	shalt  }
0x4d: {  	_ =	shalt  }
0x4e: {  	_ =	shalt  }
0x4f: {  	_ =	shalt  }
0x50: {  	_ =	shalt  }
0x51: {  	_ =	shalt  }
0x52: {  	_ =	shalt  }
0x53: {  	_ =	shalt  }
0x54: {  	_ =	shalt  }
0x55: {  	_ =	shalt  }
0x56: {  	_ =	shalt  }
0x57: {  	_ =	shalt  }
0x58: {  	_ =	shalt  }
0x59: {  	_ =	shalt  }
0x5a: {  	_ =	shalt  }
0x5b: {  	_ =	shalt  }
0x5c: {  	_ =	shalt  }
0x5d: {  	_ =	shalt  }
0x5e: {  	_ =	shalt  }
0x5f: {  	_ =	shalt  }
0x60: {  	_ =	shalt  }
0x61: {  	_ =	shalt  }
0x62: {  	_ =	shalt  }
0x63: {  	_ =	shalt  }
0x64: {  	_ =	shalt  }
0x65: {  	_ =	shalt  }
0x66: {  	_ =	shalt  }
0x67: {  	_ =	shalt  }
0x68: {  	_ =	shalt  }
0x69: {  	_ =	shalt  }
0x6a: {  	_ =	shalt  }
0x6b: {  	_ =	shalt  }
0x6c: {  	_ =	shalt  }
0x6d: {  	_ =	shalt  }
0x6e: {  	_ =	shalt  }
0x6f: {  	_ =	shalt  }
0x70: {  	_ =	shalt  }
0x71: {  	_ =	shalt  }
0x72: {  	_ =	shalt  }
0x73: {  	_ =	shalt  }
0x74: {  	_ =	shalt  }
0x75: {  	_ =	shalt  }
0x76: {  	_ =	shalt  }
0x77: {  	_ =	shalt  }
0x78: {  	_ =	shalt  }
0x79: {  	_ =	shalt  }
0x7a: {  	_ =	shalt  }
0x7b: {  	_ =	shalt  }
0x7c: {  	_ =	shalt  }
0x7d: {  	_ =	shalt  }
0x7e: {  	_ =	shalt  }
0x7f: {  	_ =	shalt  }
0x80: {  	_ =	shalt  }
0x81: {  	_ =	shalt  }
0x82: {  	_ =	shalt  }
0x83: {  	_ =	shalt  }
0x84: {  	_ =	shalt  }
0x85: {  	_ =	shalt  }
0x86: {  	_ =	shalt  }
0x87: {  	_ =	shalt  }
.Lfunc_end0:
.L_simem_size_0:
called_computation_lowered:
.L_overlay_start_0:
0x88: {  	s2 =	sld [smem:$0x3FD9]  }
0x89: {  	s3 =	sld [smem:$0x3FFE];
	_ =	sdelay $0x1  }
0x8a: {  	s1 =	srdreg.scid  }
0x8b: {  	s0 =	sand.u32 $0x1, s1  }
0x8c: {  	s17 =	sshll.u32 s0, $0xA;
	s2 =	sadd.s32 s3, s2  }
0x8d: {  	s2 =	sadd.s32 s2, s17  }
0x8e: {  	[smem:$0x3FC0] =	sst s2  }
0x8f: {  	_ = 	snop  }
0x90: {  	s2 =	sld [smem:$0x3FD0];
	(tm) =	ssettm $0x1  }
0x91: {  	s18 =	sld [smem:$0x3FFB];
	_ =	sdelay $0x3  }
0x92: {  	_ =	strace s18  }
0x93: {  	s3 =	sld [smem:$0x3FFC];
	_ =	sdelay $0x3  }
0x94: {  	_ =	strace s3  }
0x95: {  	s3 =	sld [smem:$0x3FFD];
	_ =	sdelay $0x3  }
0x96: {  	_ =	strace s3  }
0x97: {  	_ =	strace $0x8FFFFFFF  }
0x98: {  	s19 =	sld [smem:$0x3FDB];
	_ =	sdelay $0x1  }
0x99: {  	s4 =	simm.s32 $_scs_section_size  }
0x9a: {  	s5 =	simm.s32 $_size__tile_overlayer_lowered;
	s6 =	simm.s32 $_tile_overlayer_lowered  }
0x9b: {  	s22 =	simm.s32 $0x1BFF;
	s21 =	sshll.u32 s6, $0x1;
	s3 =	sadd.s32 s4, s19  }
0x9c: {  	s7 =	simm.s32 $0x0;
	s20 =	sshll.u32 s5, $0x1;
	s5 =	sadd.s32 s21, s3  }
0x9d: {  	[timem:s7], [sflag:s22] =	dma.local [hbm:s5], s20  }
0x9e: {  	_ =	swait.ge [sflag:s22], s20  }
0x9f: {  	s4 =	ssub.s32 $0x0, s20;
	[sflag:s22] =	ssyncset.done $0x0  }
0xa0: {  	[sflag:s22] =	ssyncadd.s32 s4;
	_ =	sdelay $0x1  }
0xa1: {  	s23 =	simm.s32 $0x1B8B  }
0xa2: {  	_ =	swait.ge [sflag:s23], $0x1  }
0xa3: {  	[sflag:s23] =	ssyncset.done $0x0  }
0xa4: {  	s25 =	simm.s32 $0x1B8E;
	s24 =	sld [smem:$0x3FFE];
	[sflag:s23] =	ssyncadd.s32 $0xFFFFFFFF  }
0xa5: {  	s26 =	simm.s32 $execute0_lowered;
	[smem:$0x3FD2] =	sst s25  }
0xa6: {  	s5 =	sshll.u32 s26, $0x1;
	_ =	strace $0x80000046;
	[dreg:$0x1] =	wrdreg $0xFFFFFFFF  }
0xa7: {  	s28 =	simm.s32 $_size_execute0_lowered;
	s3 =	sadd.s32 s3, s5;
	[dreg:$0x0] =	wrdreg $0x0  }
0xa8: {  	s5 =	sshll.u32 s28, $0x1;
	[dreg:$0x2] =	wrdreg s3  }
0xa9: {  	[dreg:$0x3] =	wrdreg s5  }
0xaa: {  	[dreg:$0x4] =	wrdreg $0xC0  }
0xab: {  	_ =	task [dreg:s7], $0x5FFFF  }
0xac: {  	[dreg:$0x1] =	wrdreg $0xFFFFFFFF  }
0xad: {  	[dreg:$0x0] =	wrdreg $0x60  }
0xae: {  	[dreg:$0x2] =	wrdreg s24  }
0xaf: {  	[dreg:$0x3] =	wrdreg s2  }
0xb0: {  	[dreg:$0x4] =	wrdreg $0x56800  }
0xb1: {  	[dreg:$0x5] =	wrdreg $0x9  }
0xb2: {  	_ =	task.clear_ibuf [dreg:s7], $0x6FFFF;
	_ =	strace $0x90000046  }
0xb3: {  	s29 =	simm.s32 $0x9;
	_ =	strace $0x80000048  }
0xb4: {  	_ =	swait.ge [sflag:s29], $0x1  }
0xb5: {  	[sflag:s29] =	ssyncadd.s32 $0xFFFFFFFF  }
0xb6: {  	_ =	strace $0x90000048  }
0xb7: {  	_ =	sfence  }
0xb8: {  	s30 =	sld [smem:$0x0];
	_ =	sdelay $0x2  }
0xb9: {  	s31 =	sshll.u32 s1, $0xD;
	s1 =	sshrl.u32 s1, $0x2  }
0xba: {  	s3 =	sand.u32 $0x4000, s31;
	s1 =	sadd.s32 s1, s30  }
0xbb: {  	s0 =	sor.u32 s3, s0;
	s1 =	sshll.u32 s1, $0x11  }
0xbc: {  	s0 =	sor.u32 s1, s0  }
0xbd: {  	s0 =	sadd.s32 $0x8F2B, s0  }
0xbe: {  	[sflag:s0] =	ssyncadd.remote.s32 $0x1  }
0xbf: {  	_ =	sfence.sel $0xFFFF  }
0xc0: {  	[dreg:$0x0] =	wrdreg $0xFFFFFFFF;
	(pc) =	sbr.abs _section_cstart, $3  }
0xc1: {  	[dreg:$0x1] =	wrdreg $0xFFFFFFFF  }
0xc2: {  	_ =	task.clear_ibuf [dreg:s7], $0x2FFFF;
	_ =	strace $0x9FFFFFFF  }
0xc3: {  	(tm) =	ssettm $0x7FFFFFFF  }
tec
execute0_lowered:
.L_overlay_start_1:
0x0: {  	(tag) =	ssettag $0x1  }
0x1: {  	s4 =	rddreg [dreg:$0x0]  }
0x2: {  	s0 =	srdreg.scid;
	s8 =	rddreg [dreg:$0x1]  }
0x3: {  	s1 =	rddreg [dreg:$0x2];
	s2 =	stileid.u32  }
0x4: {  	s3 =	simm.s32 $0x0;
	s14 =	simm.s32 $0x2780;
	s15 =	simm.s32 $0x1  }
0x5: {  	s16 =	simm.s32 $0x0;
	s5 =	sand.u32 $0x1, s0;
	s0 =	rddreg [dreg:$0x3]  }
0x6: {  	[smem:$0x7FF] =	sst s3;
	s9 =	smul.u32 $0x2700, s2;
	p0 =	sne.s32 s2, $0x0  }
0x7: {  	s6 =	sshll.u32 s5, $0x4;
	_ =	strace $0x80000047;
	s28 =	ssub.s32 $0x2, s5  }
0x8: {  	s11 =	smul.u32 $0x28000, s5;
	s5 =	sadd.s32 $0x27000, s1;
	s13 =	sor.u32 s2, s6  }
0x9: {  	s10 =	sshrl.u32 s28, $0x1;
	s6 =	smul.u32 $0x4E, s13;
	s7 =	smin.u32 s13, $0x4  }
0xa: {  	s10 =	ssub.s32 s28, s10;
	s29 =	sadd.s32 s9, s11;
	s30 =	sshrl.u32 s11, $0x3  }
0xb: {  	s11 =	simm.s32 $0x2F80;
	p1 =	sgt.u32 s13, $0x3;
	s6 =	sadd.s32 s7, s6  }
0xc: {  	s13 =	simm.s32 $0x80;
	s31 =	sshrl.u32 s29, $0x3;
	s6 =	sshll.u32 s6, $0x4  }
0xd: {  	s10 =	smax.u32 s10, $0x1;
	s12 =	sadd.s32 s6, s4;
	s4 =	sadd.s32 s9, s1  }
0xe: {  	s9 =	sadd.s32 s8, s30;
	s8 =	sadd.s32 s8, s31;
	s6 =	sadd.s32 $0xC400, s12  }
0xf: {  	v0 =	vimm.f32 $1.000000000e+00;
	v1 =	vimm.f32 $0.0e+00;
	s7 =	sadd.s32 $0xC8E0, s12;
	s9 =	sadd.s32 $0x4E00, s9;
	s12 =	simm.s32 $0x2  }
.LBB2_1:
0x10: {  	s17 =	simm.s32 $0x0  }
.LBB2_2:
0x11: {  	p2 =	sne.s32 s17, $0x1FC0  }
.Ltmp0:
0x12: {  	_ = 	snop;
	(pc) =	sbr.rel @p2 .LBB2_2-.Ltmp0, $3  }
0x13: {  	_ =	sdelay $0x1  }
0x14: {  	s18 =	sshra.s32 s17, $0x2  }
0x15: {  	s17 =	sadd.s32 $0x40, s17;
	[tilespmem:s18+$0x2780] =	vst v0  }
0x16: {  	s17 =	simm.s32 $0x40;
	s18 =	simm.s32 $0x0  }
.LBB2_4:
0x17: {  	p2 =	sne.s32 s17, $0x9BC0;
	[tilespmem:s18+$0x2F80] =	vst v1;
	s18 =	smov.u32 s17;
	s17 =	sadd.s32 $0x40, s17  }
.Ltmp1:
0x18: {  	(pc) =	sbr.rel @p2 .LBB2_4-.Ltmp1, $2  }
0x19: {  	_ =	sdelay $0x2  }
0x1a: {  	s18 =	sshra.s32 s18, $0x2  }
0x1b: {  	[tilespmem:s18+$0x2F80] =	vst v1  }
0x1c: {  	[spmem:s4] =	stream.linear.scatter [tilespmem:s11], [sflag:$0x2], $0x2700, $0x38;
	[tilespmem:$0x7D90] =	vst v63  }
0x1d: {  	_ =	swait.ge [sflag:s12], $0x2700  }
0x1e: {  	[sflag:s12] =	ssyncset.done $0x0  }
0x1f: {  	s17 =	simm.s32 @!p0 $0x2F80;
	[sflag:s12] =	ssyncadd.s32 $0xFFFFD900  }
0x20: {  	[spmem:s5] =	stream.linear.scatter @!p0 [tilespmem:s17], [sflag:$0x2], $0x100, $0x38;
	[tilespmem:$0x7D90] =	vst v63  }
0x21: {  	s17 =	simm.s32 @!p0 $0x2  }
0x22: {  	_ =	swait.ge @!p0 [sflag:s17], $0x100  }
0x23: {  	[sflag:s17] =	ssyncset.done @!p0 $0x0  }
0x24: {  	[sflag:s17] =	ssyncadd.s32 @!p0 $0xFFFFFF00  }
0x25: {  	[tilespmem:s3], [sflag:$0x2] =	stream.linear.gather [hbm4b:s6+s3], $0x2700, $0x38;
	[tilespmem:$0x7D90] =	vst v63  }
0x26: {  	_ =	swait.ge [sflag:s12], $0x2700  }
0x27: {  	[sflag:s12] =	ssyncset.done $0x0  }
0x28: {  	s18 =	simm.s32 @!p1 $0x2700;
	s17 =	simm.s32 @!p1 $0x0;
	[sflag:s12] =	ssyncadd.s32 $0xFFFFD900  }
0x29: {  	[tilespmem:s18], [sflag:$0x2] =	stream.linear.gather @!p1 [hbm4b:s7+s17], $0x80, $0x38;
	[tilespmem:$0x7D90] =	vst v63  }
0x2a: {  	s17 =	simm.s32 @!p1 $0x2  }
0x2b: {  	_ =	swait.ge @!p1 [sflag:s17], $0x80  }
0x2c: {  	[sflag:s17] =	ssyncset.done @!p1 $0x0  }
0x2d: {  	p2 =	por $0x1, $0x1;
	[sflag:s17] =	ssyncadd.s32 @!p1 $0xFFFFFF80  }
0x2e: {  	s19 =	simm.s32 @!p2 $0x1;
	s17 =	simm.s32 $0x0;
	[bflag:$0x0] =	sbarrier.arrive $0xFFFF  }
0x2f: {  	[spmem:s1] =	stream.indirect.scatter.add.f32 [tilespmem:s14], [sflag:$0x1], $0x10, s17, s13, $0xb8;
	[tilespmem:$0x7D90] =	vst v63  }
0x30: {  	_ =	swait.ge @!p2 [sflag:s19], $0x800  }
0x31: {  	s18 =	simm.s32 $0x1;
	[sflag:s19] =	ssyncset.done @!p2 $0x0  }
.LBB2_6:
0x32: {  	[sflag:s19] =	ssyncadd.s32 @!p2 $0xFFFFF800  }
0x33: {  	s17 =	sadd.s32 $0x80, s17;
	s19 =	smov.u32 s18;
	s18 =	sadd.s32 $0x1, s18  }
0x34: {  	p3 =	sne.s32 s18, $0x4E  }
0x35: {  	[spmem:s1] =	stream.indirect.scatter.add.f32 [tilespmem:s14], [sflag:$0x1], $0x10, s17, s13, $0xb8;
	[tilespmem:$0x7D90] =	vst v63  }
.Ltmp2:
0x36: {  	_ = 	snop;
	(pc) =	sbr.rel @p3 .LBB2_6-.Ltmp2, $4  }
0x37: {  	p2 =	slt.u32 s19, $0x10  }
0x38: {  	s19 =	simm.s32 @!p2 $0x1  }
0x39: {  	_ =	swait.ge @!p2 [sflag:s19], $0x800  }
0x3a: {  	[sflag:s19] =	ssyncset.done @!p2 $0x0  }
0x3b: {  	[sflag:s19] =	ssyncadd.s32 @!p2 $0xFFFFF800  }
0x3c: {  	_ =	swait.ge [sflag:s15], $0x800  }
0x3d: {  	[sflag:s15] =	ssyncset.done $0x0  }
0x3e: {  	[sflag:s15] =	ssyncadd.s32 $0xFFFFF800  }
0x3f: {  	_ =	swait.ge [sflag:s15], $0x800  }
0x40: {  	[sflag:s15] =	ssyncset.done $0x0  }
0x41: {  	[sflag:s15] =	ssyncadd.s32 $0xFFFFF800  }
0x42: {  	_ =	swait.ge [sflag:s15], $0x800  }
0x43: {  	[sflag:s15] =	ssyncset.done $0x0  }
0x44: {  	[sflag:s15] =	ssyncadd.s32 $0xFFFFF800  }
0x45: {  	_ =	swait.ge [sflag:s15], $0x800  }
0x46: {  	[sflag:s15] =	ssyncset.done $0x0  }
0x47: {  	[sflag:s15] =	ssyncadd.s32 $0xFFFFF800  }
0x48: {  	_ =	swait.ge [sflag:s15], $0x800  }
0x49: {  	[sflag:s15] =	ssyncset.done $0x0  }
0x4a: {  	[sflag:s15] =	ssyncadd.s32 $0xFFFFF800  }
0x4b: {  	_ =	swait.ge [sflag:s15], $0x800  }
0x4c: {  	[sflag:s15] =	ssyncset.done $0x0  }
0x4d: {  	[sflag:s15] =	ssyncadd.s32 $0xFFFFF800  }
0x4e: {  	_ =	swait.ge [sflag:s15], $0x800  }
0x4f: {  	[sflag:s15] =	ssyncset.done $0x0  }
0x50: {  	[sflag:s15] =	ssyncadd.s32 $0xFFFFF800  }
0x51: {  	_ =	swait.ge [sflag:s15], $0x800  }
0x52: {  	[sflag:s15] =	ssyncset.done $0x0  }
0x53: {  	[sflag:s15] =	ssyncadd.s32 $0xFFFFF800  }
0x54: {  	_ =	swait.ge [sflag:s15], $0x800  }
0x55: {  	[sflag:s15] =	ssyncset.done $0x0  }
0x56: {  	[sflag:s15] =	ssyncadd.s32 $0xFFFFF800  }
0x57: {  	_ =	swait.ge [sflag:s15], $0x800  }
0x58: {  	[sflag:s15] =	ssyncset.done $0x0  }
0x59: {  	[sflag:s15] =	ssyncadd.s32 $0xFFFFF800  }
0x5a: {  	_ =	swait.ge [sflag:s15], $0x800  }
0x5b: {  	[sflag:s15] =	ssyncset.done $0x0  }
0x5c: {  	[sflag:s15] =	ssyncadd.s32 $0xFFFFF800  }
0x5d: {  	_ =	swait.ge [sflag:s15], $0x800  }
0x5e: {  	[sflag:s15] =	ssyncset.done $0x0  }
0x5f: {  	[sflag:s15] =	ssyncadd.s32 $0xFFFFF800  }
0x60: {  	_ =	swait.ge [sflag:s15], $0x800  }
0x61: {  	[sflag:s15] =	ssyncset.done $0x0  }
0x62: {  	[sflag:s15] =	ssyncadd.s32 $0xFFFFF800  }
0x63: {  	_ =	swait.ge [sflag:s15], $0x800  }
0x64: {  	[sflag:s15] =	ssyncset.done $0x0  }
0x65: {  	[sflag:s15] =	ssyncadd.s32 $0xFFFFF800  }
0x66: {  	_ =	swait.ge [sflag:s15], $0x800  }
0x67: {  	[sflag:s15] =	ssyncset.done $0x0  }
0x68: {  	[sflag:s15] =	ssyncadd.s32 $0xFFFFF800  }
0x69: {  	_ =	swait.ge [sflag:s15], $0x800  }
0x6a: {  	s17 =	simm.s32 @!p1 $0x80;
	[sflag:s15] =	ssyncset.done $0x0  }
0x6b: {  	s18 =	simm.s32 @!p1 $0x2700;
	s19 =	simm.s32 @!p1 $0x2780;
	[sflag:s15] =	ssyncadd.s32 $0xFFFFF800  }
0x6c: {  	[spmem:s1] =	stream.indirect.scatter.add.f32 @!p1 [tilespmem:s19], [sflag:$0x2], $0x10, s18, s17, $0xb8;
	[tilespmem:$0x7D90] =	vst v63  }
0x6d: {  	s17 =	simm.s32 @!p1 $0x2  }
0x6e: {  	_ =	swait.ge @!p1 [sflag:s17], $0x800  }
0x6f: {  	[sflag:s17] =	ssyncset.done @!p1 $0x0  }
0x70: {  	s30 =	sshll.u32 s2, $0x6;
	[sflag:s17] =	ssyncadd.s32 @!p1 $0xFFFFF800  }
0x71: {  	s31 =	sshrl.u32 s4, $0x3;
	s17 =	sor.u32 $0x1C02, s30;
	[bflag:$0x0] =	sbarrier.arrive $0xFFFF  }
0x72: {  	[hbm:s8], [sflag:s17] =	dma.local [spmem:s31], $0x4E0  }
0x73: {  	_ =	swait.ge [sflag:s12], $0x4E0  }
0x74: {  	s16 =	sadd.s32 $0x1, s16;
	[sflag:s12] =	ssyncset.done $0x0  }
0x75: {  	p2 =	sne.s32 s16, s10;
	s18 =	sshrl.u32 @!p0 s5, $0x3;
	[sflag:s12] =	ssyncadd.s32 $0xFFFFFB20  }
0x76: {  	[hbm:s9], [sflag:s17] =	dma.local @!p0 [spmem:s18], $0x20  }
.Ltmp3:
0x77: {  	_ = 	snop;
	(pc) =	sbr.rel @p2 .LBB2_1-.Ltmp3, $4  }
0x78: {  	s17 =	simm.s32 @!p0 $0x2  }
0x79: {  	_ =	swait.ge @!p0 [sflag:s17], $0x20  }
0x7a: {  	[sflag:s17] =	ssyncset.done @!p0 $0x0  }
0x7b: {  	[sflag:s17] =	ssyncadd.s32 @!p0 $0xFFFFFFE0  }
0x7c: {  	_ =	sfence.sel $0x180000  }
0x7d: {  	[bflag:$0x0] =	sbarrier.arrive $0xFFFF  }
0x7e: {  	_ =	strace $0x90000047  }
0x7f: {  	s0 =	sadd.s32 @!p0 $0x100000, s0;
	[bflag:$0x2] =	sbarrier.arrive $0xFFFF  }
0x80: {  	[sflag:s0] =	ssyncadd.tile.s32 @!p0 $0x1;
	_ =	shalt  }
.Lfunc_end2:
_tile_overlayer_lowered:
.L_overlay_start_2:
0x81: {  	(tag) =	ssettag $0x2  }
0x82: {  	s0 =	rddreg [dreg:$0x0];
	s2 =	stileid.u32  }
0x83: {  	s1 =	rddreg [dreg:$0x1];
	p0 =	sne.s32 s2, $0x0  }
0x84: {  	s3 =	rddreg [dreg:$0x2];
	[bflag:$0x3] =	sbarrier.arrive $0xFFFF;
	s2 =	simm.s32 @!p0 $0x1C02  }
0x85: {  	[timem:s3], [sflag:s2] =	dma.local @!p0 [hbm:s0], s1  }
0x86: {  	s0 =	simm.s32 @!p0 $0x2  }
0x87: {  	_ =	swait.ge @!p0 [sflag:s0], s1  }
0x88: {  	s1 =	ssub.s32 @!p0 $0x0, s1;
	[sflag:s0] =	ssyncset.done @!p0 $0x0  }
0x89: {  	[sflag:s0] =	ssyncadd.s32 @!p0 s1  }
0x8a: {  	[bflag:$0x3] =	sbarrier.arrive $0xFFFF  }
0x8b: {  	_ =	shalt  }

</sc_bundles>
